<compile_context>
chip_gen: v7x
topology: tpu7x:2x2x1
jax: 0.10.2.dev20260603
libtpu: 0.0.44.dev20260713+nightly
codegen_flags: <defaults>
</compile_context>

<pallas_src>
import jax
import jax.numpy as jnp
from jax import lax
from jax.experimental import pallas as pl
from jax.experimental.pallas import tpu as pltpu
from jax.experimental.pallas import tpu_sc as plsc

_INFO = plsc.get_sparse_core_info()
_NC, _NS, _L = _INFO.num_cores, _INFO.num_subcores, _INFO.num_lanes
_NW = _NC * _NS

_B, _C, _T_IN = 8, 128, 48000
_STRIDE = 3
_T_OUT = _T_IN // _STRIDE
_SUB = 8
_LANES = 128
_TILE = _SUB * _LANES
_CB = _C // _SUB
_JI = _T_IN // _LANES
_JO = _T_OUT // _LANES

_IN_TOTAL = _B * _C * _T_IN
_OUT_TOTAL = _IN_TOTAL // _STRIDE
_IN_PER_W = _IN_TOTAL // _NW
_OUT_PER_W = _OUT_TOTAL // _NW

_WO = 5
_WI = _WO * _STRIDE
_CHUNK_IN = _WI * _TILE
_CHUNK_OUT = _WO * _TILE
_STEPS = _IN_PER_W // _CHUNK_IN
_GROUPS = _LANES // _L


def _compact_chunk(in_buf, out_buf, idx_by_g):

  @plsc.parallel_loop(0, _WO * _SUB, unroll=4)
  def _(i):
    ot = i >> 3
    off_in = (i << 7) + (ot << 11)
    off_out = i * _LANES
    for g in range(_GROUPS):
      vals = plsc.load_gather(in_buf, [idx_by_g[g] + off_in])
      out_buf[pl.ds(off_out + g * _L, _L)] = vals


def _sc_body(x_hbm, out_hbm, in_buf0, in_buf1, in_buf2, in_buf3,
             out_buf0, out_buf1, in_sems, out_sems):
  wid = lax.axis_index("s") * _NC + lax.axis_index("c")
  in_base = wid * _IN_PER_W
  out_base = wid * _OUT_PER_W
  in_bufs = (in_buf0, in_buf1, in_buf2, in_buf3)
  out_bufs = (out_buf0, out_buf1)

  lane = lax.iota(jnp.int32, _L)
  idx_by_g = []
  for g in range(_GROUPS):
    t3 = _STRIDE * lane + (_STRIDE * _L) * g
    idx_by_g.append(_TILE * (t3 >> 7) + (t3 & 127))

  def start_in(g, slot):
    return pltpu.async_copy(
        x_hbm.at[pl.ds(in_base + g * _CHUNK_IN, _CHUNK_IN)],
        in_bufs[slot],
        in_sems.at[slot],
    )

  def start_out(g, slot):
    return pltpu.async_copy(
        out_bufs[slot],
        out_hbm.at[pl.ds(out_base + g * _CHUNK_OUT, _CHUNK_OUT)],
        out_sems.at[slot],
    )

  def wait_in(slot):
    pltpu.make_async_copy(
        x_hbm.at[pl.ds(in_base, _CHUNK_IN)], in_bufs[slot],
        in_sems.at[slot]).wait()

  def wait_out(slot):
    pltpu.make_async_copy(
        out_bufs[slot], out_hbm.at[pl.ds(out_base, _CHUNK_OUT)],
        out_sems.at[slot]).wait()

  def chunk_body(g, islot, oslot, first_out_use, start_next):
    wait_in(islot)
    if not first_out_use:
      wait_out(oslot)
    if start_next:
      start_in(g + 3, (islot + 3) % 4)
    _compact_chunk(in_bufs[islot], out_bufs[oslot], idx_by_g)
    start_out(g, oslot)

  for g in range(3):
    start_in(g, g)
  for g in (0, 1):
    chunk_body(g, g % 4, g % 2, True, True)

  steady_hi = _STEPS - 6
  def ring_body(h, _):
    g0 = 4 * h + 2
    for j in range(4):
      chunk_body(g0 + j, (2 + j) % 4, j % 2, False, True)
    return 0

  lax.fori_loop(0, (steady_hi - 2) // 4, ring_body, 0, unroll=False)

  for g in range(steady_hi, _STEPS):
    chunk_body(g, g % 4, g % 2, False, g + 3 < _STEPS)
  wait_out(0)
  wait_out(1)


@jax.jit
def kernel(x):
  x_tiles = x.reshape(_B, _CB, _SUB, _JI, _LANES).transpose(0, 1, 3, 2, 4)
  x_flat = x_tiles.reshape(-1)
  mesh = plsc.VectorSubcoreMesh(core_axis_name="c", subcore_axis_name="s")
  out_flat = pl.kernel(
      _sc_body,
      out_type=jax.ShapeDtypeStruct((_OUT_TOTAL,), jnp.float32),
      mesh=mesh,
      scratch_types=[
          pltpu.VMEM((_CHUNK_IN,), jnp.float32),
          pltpu.VMEM((_CHUNK_IN,), jnp.float32),
          pltpu.VMEM((_CHUNK_IN,), jnp.float32),
          pltpu.VMEM((_CHUNK_IN,), jnp.float32),
          pltpu.VMEM((_CHUNK_OUT,), jnp.float32),
          pltpu.VMEM((_CHUNK_OUT,), jnp.float32),
          pltpu.SemaphoreType.DMA((4,)),
          pltpu.SemaphoreType.DMA((2,)),
      ],
      compiler_params=pltpu.CompilerParams(needs_layout_passes=False),
      name="resample_nearest_sc",
  )(x_flat)
  out_tiles = out_flat.reshape(_B, _CB, _JO, _SUB, _LANES)
  return out_tiles.transpose(0, 1, 3, 2, 4).reshape(_B, _C, _T_OUT)

# --- scband reference (transcript-rebuilt; emitter-appended) ---
"""Pipeline reference for scband-resample-nearest-freqs-28398323761740 (READ-ONLY COPY).

The authoritative reference and input builder live on the scoring server;
editing this copy changes nothing except your own understanding.
"""

import jax, jax.numpy as jnp
import numpy as np

ORIG_FREQ = 48000
NEW_FREQ = 16000


def setup_inputs(seed: int = 0) -> dict:
    key = jax.random.key(seed)
    x = jax.random.normal(key, (8, 128, 48000), dtype=jnp.float32)
    return {"x": x}


def reference(x):
    # resample_nearest_freqs with rate = new_freq / orig_freq along dim -1.
    # step = 1 / rate = orig_freq / new_freq; indexes = round_fn(arange(0, length, step))
    step = ORIG_FREQ / NEW_FREQ
    length = x.shape[-1]
    idx = jnp.floor(jnp.arange(0.0, length, step)).astype(jnp.int32)
    idx = jnp.clip(idx, 0, length - 1)
    # nearest-neighbor resample: gather along the last dim
    return jnp.take(x, idx, axis=-1)

if __name__ == "__main__":
    import jax
    _d = setup_inputs()
    print(jax.jit(kernel)(*tuple(_d.values())))

</pallas_src>

<mosaic_0001>
#map = affine_map<(d0, d1) -> (0)>
module attributes {stable_mosaic.version = 14 : i64} {
  func.func @resample_nearest_sc(%arg0: i32, %arg1: i32, %arg2: memref<49152000xf32, #tpu.memory_space<hbm>>, %arg3: memref<16384000xf32, #tpu.memory_space<hbm>>, %arg4: memref<15360xf32, #tpu.memory_space<vmem>>, %arg5: memref<15360xf32, #tpu.memory_space<vmem>>, %arg6: memref<15360xf32, #tpu.memory_space<vmem>>, %arg7: memref<15360xf32, #tpu.memory_space<vmem>>, %arg8: memref<5120xf32, #tpu.memory_space<vmem>>, %arg9: memref<5120xf32, #tpu.memory_space<vmem>>, %arg10: memref<4x!tpu.dma_semaphore, #tpu.memory_space<semaphore_mem>>, %arg11: memref<2x!tpu.dma_semaphore, #tpu.memory_space<semaphore_mem>>) attributes {dimension_semantics = [#tpu.dimension_semantics<core_parallel>, #tpu.dimension_semantics<subcore_parallel>], iteration_bounds = array<i64: 2, 16>, scalar_prefetch = 0 : i64, scratch_operands = 8 : i64, tpu.core_type = #tpu.core_type<sc_vector_subcore>, window_params = [{transform_indices = #map}, {transform_indices = #map}]} {
    %mul3A = arith.constant 2 : i32
    %mul3A_0 = arith.muli %arg1, %mul3A : i32
    %add3A = arith.addi %mul3A_0, %arg0 : i32
    %mul3A_1 = arith.constant 1536000 : i32
    %mul3A_2 = arith.muli %add3A, %mul3A_1 : i32
    %mul3A_3 = arith.constant 512000 : i32
    %mul3A_4 = arith.muli %add3A, %mul3A_3 : i32
    %iota3A = tpu.iota {dimensions = array<i32: 0>} : vector<16xi32>
    %mul3A_5 = arith.constant 3 : i32
    %mul3A_6 = vector.broadcast %mul3A_5 : i32 to vector<16xi32>
    %mul3A_7 = arith.muli %mul3A_6, %iota3A : vector<16xi32>
    %add3A_8 = arith.constant 0 : i32
    %add3A_9 = vector.broadcast %add3A_8 : i32 to vector<16xi32>
    %add3A_10 = arith.addi %mul3A_7, %add3A_9 : vector<16xi32>
    %shift_right_arithmetic3A = arith.constant 7 : i32
    %shift_right_arithmetic3A_11 = vector.broadcast %shift_right_arithmetic3A : i32 to vector<16xi32>
    %shift_right_arithmetic3A_12 = arith.shrsi %add3A_10, %shift_right_arithmetic3A_11 : vector<16xi32>
    %mul3A_13 = arith.constant 1024 : i32
    %mul3A_14 = vector.broadcast %mul3A_13 : i32 to vector<16xi32>
    %mul3A_15 = arith.muli %mul3A_14, %shift_right_arithmetic3A_12 : vector<16xi32>
    %and3A = arith.constant 127 : i32
    %and3A_16 = vector.broadcast %and3A : i32 to vector<16xi32>
    %and3A_17 = arith.andi %add3A_10, %and3A_16 : vector<16xi32>
    %add3A_18 = arith.addi %mul3A_15, %and3A_17 : vector<16xi32>
    %mul3A_19 = arith.constant 3 : i32
    %mul3A_20 = vector.broadcast %mul3A_19 : i32 to vector<16xi32>
    %mul3A_21 = arith.muli %mul3A_20, %iota3A : vector<16xi32>
    %add3A_22 = arith.constant 48 : i32
    %add3A_23 = vector.broadcast %add3A_22 : i32 to vector<16xi32>
    %add3A_24 = arith.addi %mul3A_21, %add3A_23 : vector<16xi32>
    %shift_right_arithmetic3A_25 = arith.constant 7 : i32
    %shift_right_arithmetic3A_26 = vector.broadcast %shift_right_arithmetic3A_25 : i32 to vector<16xi32>
    %shift_right_arithmetic3A_27 = arith.shrsi %add3A_24, %shift_right_arithmetic3A_26 : vector<16xi32>
    %mul3A_28 = arith.constant 1024 : i32
    %mul3A_29 = vector.broadcast %mul3A_28 : i32 to vector<16xi32>
    %mul3A_30 = arith.muli %mul3A_29, %shift_right_arithmetic3A_27 : vector<16xi32>
    %and3A_31 = arith.constant 127 : i32
    %and3A_32 = vector.broadcast %and3A_31 : i32 to vector<16xi32>
    %and3A_33 = arith.andi %add3A_24, %and3A_32 : vector<16xi32>
    %add3A_34 = arith.addi %mul3A_30, %and3A_33 : vector<16xi32>
    %mul3A_35 = arith.constant 3 : i32
    %mul3A_36 = vector.broadcast %mul3A_35 : i32 to vector<16xi32>
    %mul3A_37 = arith.muli %mul3A_36, %iota3A : vector<16xi32>
    %add3A_38 = arith.constant 96 : i32
    %add3A_39 = vector.broadcast %add3A_38 : i32 to vector<16xi32>
    %add3A_40 = arith.addi %mul3A_37, %add3A_39 : vector<16xi32>
    %shift_right_arithmetic3A_41 = arith.constant 7 : i32
    %shift_right_arithmetic3A_42 = vector.broadcast %shift_right_arithmetic3A_41 : i32 to vector<16xi32>
    %shift_right_arithmetic3A_43 = arith.shrsi %add3A_40, %shift_right_arithmetic3A_42 : vector<16xi32>
    %mul3A_44 = arith.constant 1024 : i32
    %mul3A_45 = vector.broadcast %mul3A_44 : i32 to vector<16xi32>
    %mul3A_46 = arith.muli %mul3A_45, %shift_right_arithmetic3A_43 : vector<16xi32>
    %and3A_47 = arith.constant 127 : i32
    %and3A_48 = vector.broadcast %and3A_47 : i32 to vector<16xi32>
    %and3A_49 = arith.andi %add3A_40, %and3A_48 : vector<16xi32>
    %add3A_50 = arith.addi %mul3A_46, %and3A_49 : vector<16xi32>
    %mul3A_51 = arith.constant 3 : i32
    %mul3A_52 = vector.broadcast %mul3A_51 : i32 to vector<16xi32>
    %mul3A_53 = arith.muli %mul3A_52, %iota3A : vector<16xi32>
    %add3A_54 = arith.constant 144 : i32
    %add3A_55 = vector.broadcast %add3A_54 : i32 to vector<16xi32>
    %add3A_56 = arith.addi %mul3A_53, %add3A_55 : vector<16xi32>
    %shift_right_arithmetic3A_57 = arith.constant 7 : i32
    %shift_right_arithmetic3A_58 = vector.broadcast %shift_right_arithmetic3A_57 : i32 to vector<16xi32>
    %shift_right_arithmetic3A_59 = arith.shrsi %add3A_56, %shift_right_arithmetic3A_58 : vector<16xi32>
    %mul3A_60 = arith.constant 1024 : i32
    %mul3A_61 = vector.broadcast %mul3A_60 : i32 to vector<16xi32>
    %mul3A_62 = arith.muli %mul3A_61, %shift_right_arithmetic3A_59 : vector<16xi32>
    %and3A_63 = arith.constant 127 : i32
    %and3A_64 = vector.broadcast %and3A_63 : i32 to vector<16xi32>
    %and3A_65 = arith.andi %add3A_56, %and3A_64 : vector<16xi32>
    %add3A_66 = arith.addi %mul3A_62, %and3A_65 : vector<16xi32>
    %mul3A_67 = arith.constant 3 : i32
    %mul3A_68 = vector.broadcast %mul3A_67 : i32 to vector<16xi32>
    %mul3A_69 = arith.muli %mul3A_68, %iota3A : vector<16xi32>
    %add3A_70 = arith.constant 192 : i32
    %add3A_71 = vector.broadcast %add3A_70 : i32 to vector<16xi32>
    %add3A_72 = arith.addi %mul3A_69, %add3A_71 : vector<16xi32>
    %shift_right_arithmetic3A_73 = arith.constant 7 : i32
    %shift_right_arithmetic3A_74 = vector.broadcast %shift_right_arithmetic3A_73 : i32 to vector<16xi32>
    %shift_right_arithmetic3A_75 = arith.shrsi %add3A_72, %shift_right_arithmetic3A_74 : vector<16xi32>
    %mul3A_76 = arith.constant 1024 : i32
    %mul3A_77 = vector.broadcast %mul3A_76 : i32 to vector<16xi32>
    %mul3A_78 = arith.muli %mul3A_77, %shift_right_arithmetic3A_75 : vector<16xi32>
    %and3A_79 = arith.constant 127 : i32
    %and3A_80 = vector.broadcast %and3A_79 : i32 to vector<16xi32>
    %and3A_81 = arith.andi %add3A_72, %and3A_80 : vector<16xi32>
    %add3A_82 = arith.addi %mul3A_78, %and3A_81 : vector<16xi32>
    %mul3A_83 = arith.constant 3 : i32
    %mul3A_84 = vector.broadcast %mul3A_83 : i32 to vector<16xi32>
    %mul3A_85 = arith.muli %mul3A_84, %iota3A : vector<16xi32>
    %add3A_86 = arith.constant 240 : i32
    %add3A_87 = vector.broadcast %add3A_86 : i32 to vector<16xi32>
    %add3A_88 = arith.addi %mul3A_85, %add3A_87 : vector<16xi32>
    %shift_right_arithmetic3A_89 = arith.constant 7 : i32
    %shift_right_arithmetic3A_90 = vector.broadcast %shift_right_arithmetic3A_89 : i32 to vector<16xi32>
    %shift_right_arithmetic3A_91 = arith.shrsi %add3A_88, %shift_right_arithmetic3A_90 : vector<16xi32>
    %mul3A_92 = arith.constant 1024 : i32
    %mul3A_93 = vector.broadcast %mul3A_92 : i32 to vector<16xi32>
    %mul3A_94 = arith.muli %mul3A_93, %shift_right_arithmetic3A_91 : vector<16xi32>
    %and3A_95 = arith.constant 127 : i32
    %and3A_96 = vector.broadcast %and3A_95 : i32 to vector<16xi32>
    %and3A_97 = arith.andi %add3A_88, %and3A_96 : vector<16xi32>
    %add3A_98 = arith.addi %mul3A_94, %and3A_97 : vector<16xi32>
    %mul3A_99 = arith.constant 3 : i32
    %mul3A_100 = vector.broadcast %mul3A_99 : i32 to vector<16xi32>
    %mul3A_101 = arith.muli %mul3A_100, %iota3A : vector<16xi32>
    %add3A_102 = arith.constant 288 : i32
    %add3A_103 = vector.broadcast %add3A_102 : i32 to vector<16xi32>
    %add3A_104 = arith.addi %mul3A_101, %add3A_103 : vector<16xi32>
    %shift_right_arithmetic3A_105 = arith.constant 7 : i32
    %shift_right_arithmetic3A_106 = vector.broadcast %shift_right_arithmetic3A_105 : i32 to vector<16xi32>
    %shift_right_arithmetic3A_107 = arith.shrsi %add3A_104, %shift_right_arithmetic3A_106 : vector<16xi32>
    %mul3A_108 = arith.constant 1024 : i32
    %mul3A_109 = vector.broadcast %mul3A_108 : i32 to vector<16xi32>
    %mul3A_110 = arith.muli %mul3A_109, %shift_right_arithmetic3A_107 : vector<16xi32>
    %and3A_111 = arith.constant 127 : i32
    %and3A_112 = vector.broadcast %and3A_111 : i32 to vector<16xi32>
    %and3A_113 = arith.andi %add3A_104, %and3A_112 : vector<16xi32>
    %add3A_114 = arith.addi %mul3A_110, %and3A_113 : vector<16xi32>
    %mul3A_115 = arith.constant 3 : i32
    %mul3A_116 = vector.broadcast %mul3A_115 : i32 to vector<16xi32>
    %mul3A_117 = arith.muli %mul3A_116, %iota3A : vector<16xi32>
    %add3A_118 = arith.constant 336 : i32
    %add3A_119 = vector.broadcast %add3A_118 : i32 to vector<16xi32>
    %add3A_120 = arith.addi %mul3A_117, %add3A_119 : vector<16xi32>
    %shift_right_arithmetic3A_121 = arith.constant 7 : i32
    %shift_right_arithmetic3A_122 = vector.broadcast %shift_right_arithmetic3A_121 : i32 to vector<16xi32>
    %shift_right_arithmetic3A_123 = arith.shrsi %add3A_120, %shift_right_arithmetic3A_122 : vector<16xi32>
    %mul3A_124 = arith.constant 1024 : i32
    %mul3A_125 = vector.broadcast %mul3A_124 : i32 to vector<16xi32>
    %mul3A_126 = arith.muli %mul3A_125, %shift_right_arithmetic3A_123 : vector<16xi32>
    %and3A_127 = arith.constant 127 : i32
    %and3A_128 = vector.broadcast %and3A_127 : i32 to vector<16xi32>
    %and3A_129 = arith.andi %add3A_120, %and3A_128 : vector<16xi32>
    %add3A_130 = arith.addi %mul3A_126, %and3A_129 : vector<16xi32>
    %add3A_131 = arith.constant 0 : i32
    %add3A_132 = arith.addi %mul3A_2, %add3A_131 : i32
    %dma_start3A = arith.constant 0 : i32
    %dma_start3A_133 = tpu.memref_slice %arg2[%add3A_132] : memref<49152000xf32, #tpu.memory_space<hbm>> -> memref<15360xf32, #tpu.memory_space<hbm>>
    %dma_start3A_134 = tpu.memref_slice %arg10[%dma_start3A] : memref<4x!tpu.dma_semaphore, #tpu.memory_space<semaphore_mem>> -> memref<1x!tpu.dma_semaphore, #tpu.memory_space<semaphore_mem>>
    %dma_start3A_135 = tpu.memref_squeeze %dma_start3A_134 : memref<1x!tpu.dma_semaphore, #tpu.memory_space<semaphore_mem>> -> memref<!tpu.dma_semaphore, #tpu.memory_space<semaphore_mem>>
    %dma_start3A_136 = tpu.memref_slice %arg2[%add3A_132] : memref<49152000xf32, #tpu.memory_space<hbm>> -> memref<15360xf32, #tpu.memory_space<hbm>>
    tpu.enqueue_dma source(%dma_start3A_136 : memref<15360xf32, #tpu.memory_space<hbm>>) target(%arg4 : memref<15360xf32, #tpu.memory_space<vmem>>) target_semaphore(%dma_start3A_135 : memref<!tpu.dma_semaphore, #tpu.memory_space<semaphore_mem>>)
    %add3A_137 = arith.constant 15360 : i32
    %add3A_138 = arith.addi %mul3A_2, %add3A_137 : i32
    %dma_start3A_139 = arith.constant 1 : i32
    %dma_start3A_140 = tpu.memref_slice %arg2[%add3A_138] : memref<49152000xf32, #tpu.memory_space<hbm>> -> memref<15360xf32, #tpu.memory_space<hbm>>
    %dma_start3A_141 = tpu.memref_slice %arg10[%dma_start3A_139] : memref<4x!tpu.dma_semaphore, #tpu.memory_space<semaphore_mem>> -> memref<1x!tpu.dma_semaphore, #tpu.memory_space<semaphore_mem>>
    %dma_start3A_142 = tpu.memref_squeeze %dma_start3A_141 : memref<1x!tpu.dma_semaphore, #tpu.memory_space<semaphore_mem>> -> memref<!tpu.dma_semaphore, #tpu.memory_space<semaphore_mem>>
    %dma_start3A_143 = tpu.memref_slice %arg2[%add3A_138] : memref<49152000xf32, #tpu.memory_space<hbm>> -> memref<15360xf32, #tpu.memory_space<hbm>>
    tpu.enqueue_dma source(%dma_start3A_143 : memref<15360xf32, #tpu.memory_space<hbm>>) target(%arg5 : memref<15360xf32, #tpu.memory_space<vmem>>) target_semaphore(%dma_start3A_142 : memref<!tpu.dma_semaphore, #tpu.memory_space<semaphore_mem>>)
    %add3A_144 = arith.constant 30720 : i32
    %add3A_145 = arith.addi %mul3A_2, %add3A_144 : i32
    %dma_start3A_146 = arith.constant 2 : i32
    %dma_start3A_147 = tpu.memref_slice %arg2[%add3A_145] : memref<49152000xf32, #tpu.memory_space<hbm>> -> memref<15360xf32, #tpu.memory_space<hbm>>
    %dma_start3A_148 = tpu.memref_slice %arg10[%dma_start3A_146] : memref<4x!tpu.dma_semaphore, #tpu.memory_space<semaphore_mem>> -> memref<1x!tpu.dma_semaphore, #tpu.memory_space<semaphore_mem>>
    %dma_start3A_149 = tpu.memref_squeeze %dma_start3A_148 : memref<1x!tpu.dma_semaphore, #tpu.memory_space<semaphore_mem>> -> memref<!tpu.dma_semaphore, #tpu.memory_space<semaphore_mem>>
    %dma_start3A_150 = tpu.memref_slice %arg2[%add3A_145] : memref<49152000xf32, #tpu.memory_space<hbm>> -> memref<15360xf32, #tpu.memory_space<hbm>>
    tpu.enqueue_dma source(%dma_start3A_150 : memref<15360xf32, #tpu.memory_space<hbm>>) target(%arg6 : memref<15360xf32, #tpu.memory_space<vmem>>) target_semaphore(%dma_start3A_149 : memref<!tpu.dma_semaphore, #tpu.memory_space<semaphore_mem>>)
    %dma_wait3A = arith.constant 0 : i32
    %dma_wait3A_151 = tpu.memref_slice %arg2[%mul3A_2] : memref<49152000xf32, #tpu.memory_space<hbm>> -> memref<15360xf32, #tpu.memory_space<hbm>>
    %dma_wait3A_152 = tpu.memref_slice %arg10[%dma_wait3A] : memref<4x!tpu.dma_semaphore, #tpu.memory_space<semaphore_mem>> -> memref<1x!tpu.dma_semaphore, #tpu.memory_space<semaphore_mem>>
    %dma_wait3A_153 = tpu.memref_squeeze %dma_wait3A_152 : memref<1x!tpu.dma_semaphore, #tpu.memory_space<semaphore_mem>> -> memref<!tpu.dma_semaphore, #tpu.memory_space<semaphore_mem>>
    %dma_wait3A_154 = tpu.memref_slice %arg2[%mul3A_2] : memref<49152000xf32, #tpu.memory_space<hbm>> -> memref<15360xf32, #tpu.memory_space<hbm>>
    tpu.wait_dma2 semaphore(%dma_wait3A_153 : memref<!tpu.dma_semaphore, #tpu.memory_space<semaphore_mem>>) src(%dma_wait3A_154 : memref<15360xf32, #tpu.memory_space<hbm>>) dst(%arg4 : memref<15360xf32, #tpu.memory_space<vmem>>)
    %add3A_155 = arith.constant 46080 : i32
    %add3A_156 = arith.addi %mul3A_2, %add3A_155 : i32
    %dma_start3A_157 = arith.constant 3 : i32
    %dma_start3A_158 = tpu.memref_slice %arg2[%add3A_156] : memref<49152000xf32, #tpu.memory_space<hbm>> -> memref<15360xf32, #tpu.memory_space<hbm>>
    %dma_start3A_159 = tpu.memref_slice %arg10[%dma_start3A_157] : memref<4x!tpu.dma_semaphore, #tpu.memory_space<semaphore_mem>> -> memref<1x!tpu.dma_semaphore, #tpu.memory_space<semaphore_mem>>
    %dma_start3A_160 = tpu.memref_squeeze %dma_start3A_159 : memref<1x!tpu.dma_semaphore, #tpu.memory_space<semaphore_mem>> -> memref<!tpu.dma_semaphore, #tpu.memory_space<semaphore_mem>>
    %dma_start3A_161 = tpu.memref_slice %arg2[%add3A_156] : memref<49152000xf32, #tpu.memory_space<hbm>> -> memref<15360xf32, #tpu.memory_space<hbm>>
    tpu.enqueue_dma source(%dma_start3A_161 : memref<15360xf32, #tpu.memory_space<hbm>>) target(%arg7 : memref<15360xf32, #tpu.memory_space<vmem>>) target_semaphore(%dma_start3A_160 : memref<!tpu.dma_semaphore, #tpu.memory_space<semaphore_mem>>)
    %parallel_loop3A = arith.constant 0 : i32
    %parallel_loop3A_162 = arith.constant 40 : i32
    %parallel_loop3A_163 = arith.constant 1 : i32
    scf.for %parallel_loop3A_350 = %parallel_loop3A to %parallel_loop3A_162 step %parallel_loop3A_163  : i32 {
      %parallel_loop3A_351 = arith.constant 3 : i32
      %parallel_loop3A_352 = arith.shrsi %parallel_loop3A_350, %parallel_loop3A_351 : i32
      %parallel_loop3A_353 = arith.constant 7 : i32
      %parallel_loop3A_354 = arith.shli %parallel_loop3A_350, %parallel_loop3A_353 : i32
      %parallel_loop3A_355 = arith.constant 11 : i32
      %parallel_loop3A_356 = arith.shli %parallel_loop3A_352, %parallel_loop3A_355 : i32
      %parallel_loop3A_357 = arith.addi %parallel_loop3A_354, %parallel_loop3A_356 : i32
      %parallel_loop3A_358 = arith.constant 128 : i32
      %parallel_loop3A_359 = arith.muli %parallel_loop3A_350, %parallel_loop3A_358 : i32
      %parallel_loop3A_360 = vector.broadcast %parallel_loop3A_357 : i32 to vector<16xi32>
      %parallel_loop3A_361 = arith.addi %add3A_18, %parallel_loop3A_360 : vector<16xi32>
      %parallel_loop3A_362 = tpu.vector_load_idx %arg4[%parallel_loop3A_361] : memref<15360xf32, #tpu.memory_space<vmem>>[vector<16xi32>], vector<16xf32>,
      %parallel_loop3A_363 = arith.constant 0 : i32
      %parallel_loop3A_364 = arith.addi %parallel_loop3A_359, %parallel_loop3A_363 : i32
      %parallel_loop3A_365 = arith.index_cast %parallel_loop3A_364 : i32 to index
      %parallel_loop3A_366 = tpu.vector_load %arg8[%parallel_loop3A_365] {strides = array<i32>} : memref<5120xf32, #tpu.memory_space<vmem>>, vector<16xf32>,
      tpu.vector_store %arg8[%parallel_loop3A_365], %parallel_loop3A_362 {strides = array<i32>} : memref<5120xf32, #tpu.memory_space<vmem>>, vector<16xf32>,
      %parallel_loop3A_367 = vector.broadcast %parallel_loop3A_357 : i32 to vector<16xi32>
      %parallel_loop3A_368 = arith.addi %add3A_34, %parallel_loop3A_367 : vector<16xi32>
      %parallel_loop3A_369 = tpu.vector_load_idx %arg4[%parallel_loop3A_368] : memref<15360xf32, #tpu.memory_space<vmem>>[vector<16xi32>], vector<16xf32>,
      %parallel_loop3A_370 = arith.constant 16 : i32
      %parallel_loop3A_371 = arith.addi %parallel_loop3A_359, %parallel_loop3A_370 : i32
      %parallel_loop3A_372 = arith.index_cast %parallel_loop3A_371 : i32 to index
      %parallel_loop3A_373 = tpu.vector_load %arg8[%parallel_loop3A_372] {strides = array<i32>} : memref<5120xf32, #tpu.memory_space<vmem>>, vector<16xf32>,
      tpu.vector_store %arg8[%parallel_loop3A_372], %parallel_loop3A_369 {strides = array<i32>} : memref<5120xf32, #tpu.memory_space<vmem>>, vector<16xf32>,
      %parallel_loop3A_374 = vector.broadcast %parallel_loop3A_357 : i32 to vector<16xi32>
      %parallel_loop3A_375 = arith.addi %add3A_50, %parallel_loop3A_374 : vector<16xi32>
      %parallel_loop3A_376 = tpu.vector_load_idx %arg4[%parallel_loop3A_375] : memref<15360xf32, #tpu.memory_space<vmem>>[vector<16xi32>], vector<16xf32>,
      %parallel_loop3A_377 = arith.constant 32 : i32
      %parallel_loop3A_378 = arith.addi %parallel_loop3A_359, %parallel_loop3A_377 : i32
      %parallel_loop3A_379 = arith.index_cast %parallel_loop3A_378 : i32 to index
      %parallel_loop3A_380 = tpu.vector_load %arg8[%parallel_loop3A_379] {strides = array<i32>} : memref<5120xf32, #tpu.memory_space<vmem>>, vector<16xf32>,
      tpu.vector_store %arg8[%parallel_loop3A_379], %parallel_loop3A_376 {strides = array<i32>} : memref<5120xf32, #tpu.memory_space<vmem>>, vector<16xf32>,
      %parallel_loop3A_381 = vector.broadcast %parallel_loop3A_357 : i32 to vector<16xi32>
      %parallel_loop3A_382 = arith.addi %add3A_66, %parallel_loop3A_381 : vector<16xi32>
      %parallel_loop3A_383 = tpu.vector_load_idx %arg4[%parallel_loop3A_382] : memref<15360xf32, #tpu.memory_space<vmem>>[vector<16xi32>], vector<16xf32>,
      %parallel_loop3A_384 = arith.constant 48 : i32
      %parallel_loop3A_385 = arith.addi %parallel_loop3A_359, %parallel_loop3A_384 : i32
      %parallel_loop3A_386 = arith.index_cast %parallel_loop3A_385 : i32 to index
      %parallel_loop3A_387 = tpu.vector_load %arg8[%parallel_loop3A_386] {strides = array<i32>} : memref<5120xf32, #tpu.memory_space<vmem>>, vector<16xf32>,
      tpu.vector_store %arg8[%parallel_loop3A_386], %parallel_loop3A_383 {strides = array<i32>} : memref<5120xf32, #tpu.memory_space<vmem>>, vector<16xf32>,
      %parallel_loop3A_388 = vector.broadcast %parallel_loop3A_357 : i32 to vector<16xi32>
      %parallel_loop3A_389 = arith.addi %add3A_82, %parallel_loop3A_388 : vector<16xi32>
      %parallel_loop3A_390 = tpu.vector_load_idx %arg4[%parallel_loop3A_389] : memref<15360xf32, #tpu.memory_space<vmem>>[vector<16xi32>], vector<16xf32>,
      %parallel_loop3A_391 = arith.constant 64 : i32
      %parallel_loop3A_392 = arith.addi %parallel_loop3A_359, %parallel_loop3A_391 : i32
      %parallel_loop3A_393 = arith.index_cast %parallel_loop3A_392 : i32 to index
      %parallel_loop3A_394 = tpu.vector_load %arg8[%parallel_loop3A_393] {strides = array<i32>} : memref<5120xf32, #tpu.memory_space<vmem>>, vector<16xf32>,
      tpu.vector_store %arg8[%parallel_loop3A_393], %parallel_loop3A_390 {strides = array<i32>} : memref<5120xf32, #tpu.memory_space<vmem>>, vector<16xf32>,
      %parallel_loop3A_395 = vector.broadcast %parallel_loop3A_357 : i32 to vector<16xi32>
      %parallel_loop3A_396 = arith.addi %add3A_98, %parallel_loop3A_395 : vector<16xi32>
      %parallel_loop3A_397 = tpu.vector_load_idx %arg4[%parallel_loop3A_396] : memref<15360xf32, #tpu.memory_space<vmem>>[vector<16xi32>], vector<16xf32>,
      %parallel_loop3A_398 = arith.constant 80 : i32
      %parallel_loop3A_399 = arith.addi %parallel_loop3A_359, %parallel_loop3A_398 : i32
      %parallel_loop3A_400 = arith.index_cast %parallel_loop3A_399 : i32 to index
      %parallel_loop3A_401 = tpu.vector_load %arg8[%parallel_loop3A_400] {strides = array<i32>} : memref<5120xf32, #tpu.memory_space<vmem>>, vector<16xf32>,
      tpu.vector_store %arg8[%parallel_loop3A_400], %parallel_loop3A_397 {strides = array<i32>} : memref<5120xf32, #tpu.memory_space<vmem>>, vector<16xf32>,
      %parallel_loop3A_402 = vector.broadcast %parallel_loop3A_357 : i32 to vector<16xi32>
      %parallel_loop3A_403 = arith.addi %add3A_114, %parallel_loop3A_402 : vector<16xi32>
      %parallel_loop3A_404 = tpu.vector_load_idx %arg4[%parallel_loop3A_403] : memref<15360xf32, #tpu.memory_space<vmem>>[vector<16xi32>], vector<16xf32>,
      %parallel_loop3A_405 = arith.constant 96 : i32
      %parallel_loop3A_406 = arith.addi %parallel_loop3A_359, %parallel_loop3A_405 : i32
      %parallel_loop3A_407 = arith.index_cast %parallel_loop3A_406 : i32 to index
      %parallel_loop3A_408 = tpu.vector_load %arg8[%parallel_loop3A_407] {strides = array<i32>} : memref<5120xf32, #tpu.memory_space<vmem>>, vector<16xf32>,
      tpu.vector_store %arg8[%parallel_loop3A_407], %parallel_loop3A_404 {strides = array<i32>} : memref<5120xf32, #tpu.memory_space<vmem>>, vector<16xf32>,
      %parallel_loop3A_409 = vector.broadcast %parallel_loop3A_357 : i32 to vector<16xi32>
      %parallel_loop3A_410 = arith.addi %add3A_130, %parallel_loop3A_409 : vector<16xi32>
      %parallel_loop3A_411 = tpu.vector_load_idx %arg4[%parallel_loop3A_410] : memref<15360xf32, #tpu.memory_space<vmem>>[vector<16xi32>], vector<16xf32>,
      %parallel_loop3A_412 = arith.constant 112 : i32
      %parallel_loop3A_413 = arith.addi %parallel_loop3A_359, %parallel_loop3A_412 : i32
      %parallel_loop3A_414 = arith.index_cast %parallel_loop3A_413 : i32 to index
      %parallel_loop3A_415 = tpu.vector_load %arg8[%parallel_loop3A_414] {strides = array<i32>} : memref<5120xf32, #tpu.memory_space<vmem>>, vector<16xf32>,
      tpu.vector_store %arg8[%parallel_loop3A_414], %parallel_loop3A_411 {strides = array<i32>} : memref<5120xf32, #tpu.memory_space<vmem>>, vector<16xf32>,
    } {sc.loop_unroll_factor = 4 : i64, sc.parallel_access}
    %add3A_164 = arith.constant 0 : i32
    %add3A_165 = arith.addi %mul3A_4, %add3A_164 : i32
    %dma_start3A_166 = arith.constant 0 : i32
    %dma_start3A_167 = tpu.memref_slice %arg3[%add3A_165] : memref<16384000xf32, #tpu.memory_space<hbm>> -> memref<5120xf32, #tpu.memory_space<hbm>>
    %dma_start3A_168 = tpu.memref_slice %arg11[%dma_start3A_166] : memref<2x!tpu.dma_semaphore, #tpu.memory_space<semaphore_mem>> -> memref<1x!tpu.dma_semaphore, #tpu.memory_space<semaphore_mem>>
    %dma_start3A_169 = tpu.memref_squeeze %dma_start3A_168 : memref<1x!tpu.dma_semaphore, #tpu.memory_space<semaphore_mem>> -> memref<!tpu.dma_semaphore, #tpu.memory_space<semaphore_mem>>
    %dma_start3A_170 = tpu.memref_slice %arg3[%add3A_165] : memref<16384000xf32, #tpu.memory_space<hbm>> -> memref<5120xf32, #tpu.memory_space<hbm>>
    tpu.enqueue_dma source(%arg8 : memref<5120xf32, #tpu.memory_space<vmem>>) target(%dma_start3A_170 : memref<5120xf32, #tpu.memory_space<hbm>>) target_semaphore(%dma_start3A_169 : memref<!tpu.dma_semaphore, #tpu.memory_space<semaphore_mem>>)
    %dma_wait3A_171 = arith.constant 1 : i32
    %dma_wait3A_172 = tpu.memref_slice %arg2[%mul3A_2] : memref<49152000xf32, #tpu.memory_space<hbm>> -> memref<15360xf32, #tpu.memory_space<hbm>>
    %dma_wait3A_173 = tpu.memref_slice %arg10[%dma_wait3A_171] : memref<4x!tpu.dma_semaphore, #tpu.memory_space<semaphore_mem>> -> memref<1x!tpu.dma_semaphore, #tpu.memory_space<semaphore_mem>>
    %dma_wait3A_174 = tpu.memref_squeeze %dma_wait3A_173 : memref<1x!tpu.dma_semaphore, #tpu.memory_space<semaphore_mem>> -> memref<!tpu.dma_semaphore, #tpu.memory_space<semaphore_mem>>
    %dma_wait3A_175 = tpu.memref_slice %arg2[%mul3A_2] : memref<49152000xf32, #tpu.memory_space<hbm>> -> memref<15360xf32, #tpu.memory_space<hbm>>
    tpu.wait_dma2 semaphore(%dma_wait3A_174 : memref<!tpu.dma_semaphore, #tpu.memory_space<semaphore_mem>>) src(%dma_wait3A_175 : memref<15360xf32, #tpu.memory_space<hbm>>) dst(%arg5 : memref<15360xf32, #tpu.memory_space<vmem>>)
    %add3A_176 = arith.constant 61440 : i32
    %add3A_177 = arith.addi %mul3A_2, %add3A_176 : i32
    %dma_start3A_178 = arith.constant 0 : i32
    %dma_start3A_179 = tpu.memref_slice %arg2[%add3A_177] : memref<49152000xf32, #tpu.memory_space<hbm>> -> memref<15360xf32, #tpu.memory_space<hbm>>
    %dma_start3A_180 = tpu.memref_slice %arg10[%dma_start3A_178] : memref<4x!tpu.dma_semaphore, #tpu.memory_space<semaphore_mem>> -> memref<1x!tpu.dma_semaphore, #tpu.memory_space<semaphore_mem>>
    %dma_start3A_181 = tpu.memref_squeeze %dma_start3A_180 : memref<1x!tpu.dma_semaphore, #tpu.memory_space<semaphore_mem>> -> memref<!tpu.dma_semaphore, #tpu.memory_space<semaphore_mem>>
    %dma_start3A_182 = tpu.memref_slice %arg2[%add3A_177] : memref<49152000xf32, #tpu.memory_space<hbm>> -> memref<15360xf32, #tpu.memory_space<hbm>>
    tpu.enqueue_dma source(%dma_start3A_182 : memref<15360xf32, #tpu.memory_space<hbm>>) target(%arg4 : memref<15360xf32, #tpu.memory_space<vmem>>) target_semaphore(%dma_start3A_181 : memref<!tpu.dma_semaphore, #tpu.memory_space<semaphore_mem>>)
    %parallel_loop3A_183 = arith.constant 0 : i32
    %parallel_loop3A_184 = arith.constant 40 : i32
    %parallel_loop3A_185 = arith.constant 1 : i32
    scf.for %parallel_loop3A_350 = %parallel_loop3A_183 to %parallel_loop3A_184 step %parallel_loop3A_185  : i32 {
      %parallel_loop3A_351 = arith.constant 3 : i32
      %parallel_loop3A_352 = arith.shrsi %parallel_loop3A_350, %parallel_loop3A_351 : i32
      %parallel_loop3A_353 = arith.constant 7 : i32
      %parallel_loop3A_354 = arith.shli %parallel_loop3A_350, %parallel_loop3A_353 : i32
      %parallel_loop3A_355 = arith.constant 11 : i32
      %parallel_loop3A_356 = arith.shli %parallel_loop3A_352, %parallel_loop3A_355 : i32
      %parallel_loop3A_357 = arith.addi %parallel_loop3A_354, %parallel_loop3A_356 : i32
      %parallel_loop3A_358 = arith.constant 128 : i32
      %parallel_loop3A_359 = arith.muli %parallel_loop3A_350, %parallel_loop3A_358 : i32
      %parallel_loop3A_360 = vector.broadcast %parallel_loop3A_357 : i32 to vector<16xi32>
      %parallel_loop3A_361 = arith.addi %add3A_18, %parallel_loop3A_360 : vector<16xi32>
      %parallel_loop3A_362 = tpu.vector_load_idx %arg5[%parallel_loop3A_361] : memref<15360xf32, #tpu.memory_space<vmem>>[vector<16xi32>], vector<16xf32>,
      %parallel_loop3A_363 = arith.constant 0 : i32
      %parallel_loop3A_364 = arith.addi %parallel_loop3A_359, %parallel_loop3A_363 : i32
      %parallel_loop3A_365 = arith.index_cast %parallel_loop3A_364 : i32 to index
      %parallel_loop3A_366 = tpu.vector_load %arg9[%parallel_loop3A_365] {strides = array<i32>} : memref<5120xf32, #tpu.memory_space<vmem>>, vector<16xf32>,
      tpu.vector_store %arg9[%parallel_loop3A_365], %parallel_loop3A_362 {strides = array<i32>} : memref<5120xf32, #tpu.memory_space<vmem>>, vector<16xf32>,
      %parallel_loop3A_367 = vector.broadcast %parallel_loop3A_357 : i32 to vector<16xi32>
      %parallel_loop3A_368 = arith.addi %add3A_34, %parallel_loop3A_367 : vector<16xi32>
      %parallel_loop3A_369 = tpu.vector_load_idx %arg5[%parallel_loop3A_368] : memref<15360xf32, #tpu.memory_space<vmem>>[vector<16xi32>], vector<16xf32>,
      %parallel_loop3A_370 = arith.constant 16 : i32
      %parallel_loop3A_371 = arith.addi %parallel_loop3A_359, %parallel_loop3A_370 : i32
      %parallel_loop3A_372 = arith.index_cast %parallel_loop3A_371 : i32 to index
      %parallel_loop3A_373 = tpu.vector_load %arg9[%parallel_loop3A_372] {strides = array<i32>} : memref<5120xf32, #tpu.memory_space<vmem>>, vector<16xf32>,
      tpu.vector_store %arg9[%parallel_loop3A_372], %parallel_loop3A_369 {strides = array<i32>} : memref<5120xf32, #tpu.memory_space<vmem>>, vector<16xf32>,
      %parallel_loop3A_374 = vector.broadcast %parallel_loop3A_357 : i32 to vector<16xi32>
      %parallel_loop3A_375 = arith.addi %add3A_50, %parallel_loop3A_374 : vector<16xi32>
      %parallel_loop3A_376 = tpu.vector_load_idx %arg5[%parallel_loop3A_375] : memref<15360xf32, #tpu.memory_space<vmem>>[vector<16xi32>], vector<16xf32>,
      %parallel_loop3A_377 = arith.constant 32 : i32
      %parallel_loop3A_378 = arith.addi %parallel_loop3A_359, %parallel_loop3A_377 : i32
      %parallel_loop3A_379 = arith.index_cast %parallel_loop3A_378 : i32 to index
      %parallel_loop3A_380 = tpu.vector_load %arg9[%parallel_loop3A_379] {strides = array<i32>} : memref<5120xf32, #tpu.memory_space<vmem>>, vector<16xf32>,
      tpu.vector_store %arg9[%parallel_loop3A_379], %parallel_loop3A_376 {strides = array<i32>} : memref<5120xf32, #tpu.memory_space<vmem>>, vector<16xf32>,
      %parallel_loop3A_381 = vector.broadcast %parallel_loop3A_357 : i32 to vector<16xi32>
      %parallel_loop3A_382 = arith.addi %add3A_66, %parallel_loop3A_381 : vector<16xi32>
      %parallel_loop3A_383 = tpu.vector_load_idx %arg5[%parallel_loop3A_382] : memref<15360xf32, #tpu.memory_space<vmem>>[vector<16xi32>], vector<16xf32>,
      %parallel_loop3A_384 = arith.constant 48 : i32
      %parallel_loop3A_385 = arith.addi %parallel_loop3A_359, %parallel_loop3A_384 : i32
      %parallel_loop3A_386 = arith.index_cast %parallel_loop3A_385 : i32 to index
      %parallel_loop3A_387 = tpu.vector_load %arg9[%parallel_loop3A_386] {strides = array<i32>} : memref<5120xf32, #tpu.memory_space<vmem>>, vector<16xf32>,
      tpu.vector_store %arg9[%parallel_loop3A_386], %parallel_loop3A_383 {strides = array<i32>} : memref<5120xf32, #tpu.memory_space<vmem>>, vector<16xf32>,
      %parallel_loop3A_388 = vector.broadcast %parallel_loop3A_357 : i32 to vector<16xi32>
      %parallel_loop3A_389 = arith.addi %add3A_82, %parallel_loop3A_388 : vector<16xi32>
      %parallel_loop3A_390 = tpu.vector_load_idx %arg5[%parallel_loop3A_389] : memref<15360xf32, #tpu.memory_space<vmem>>[vector<16xi32>], vector<16xf32>,
      %parallel_loop3A_391 = arith.constant 64 : i32
      %parallel_loop3A_392 = arith.addi %parallel_loop3A_359, %parallel_loop3A_391 : i32
      %parallel_loop3A_393 = arith.index_cast %parallel_loop3A_392 : i32 to index
      %parallel_loop3A_394 = tpu.vector_load %arg9[%parallel_loop3A_393] {strides = array<i32>} : memref<5120xf32, #tpu.memory_space<vmem>>, vector<16xf32>,
      tpu.vector_store %arg9[%parallel_loop3A_393], %parallel_loop3A_390 {strides = array<i32>} : memref<5120xf32, #tpu.memory_space<vmem>>, vector<16xf32>,
      %parallel_loop3A_395 = vector.broadcast %parallel_loop3A_357 : i32 to vector<16xi32>
      %parallel_loop3A_396 = arith.addi %add3A_98, %parallel_loop3A_395 : vector<16xi32>
      %parallel_loop3A_397 = tpu.vector_load_idx %arg5[%parallel_loop3A_396] : memref<15360xf32, #tpu.memory_space<vmem>>[vector<16xi32>], vector<16xf32>,
      %parallel_loop3A_398 = arith.constant 80 : i32
      %parallel_loop3A_399 = arith.addi %parallel_loop3A_359, %parallel_loop3A_398 : i32
      %parallel_loop3A_400 = arith.index_cast %parallel_loop3A_399 : i32 to index
      %parallel_loop3A_401 = tpu.vector_load %arg9[%parallel_loop3A_400] {strides = array<i32>} : memref<5120xf32, #tpu.memory_space<vmem>>, vector<16xf32>,
      tpu.vector_store %arg9[%parallel_loop3A_400], %parallel_loop3A_397 {strides = array<i32>} : memref<5120xf32, #tpu.memory_space<vmem>>, vector<16xf32>,
      %parallel_loop3A_402 = vector.broadcast %parallel_loop3A_357 : i32 to vector<16xi32>
      %parallel_loop3A_403 = arith.addi %add3A_114, %parallel_loop3A_402 : vector<16xi32>
      %parallel_loop3A_404 = tpu.vector_load_idx %arg5[%parallel_loop3A_403] : memref<15360xf32, #tpu.memory_space<vmem>>[vector<16xi32>], vector<16xf32>,
      %parallel_loop3A_405 = arith.constant 96 : i32
      %parallel_loop3A_406 = arith.addi %parallel_loop3A_359, %parallel_loop3A_405 : i32
      %parallel_loop3A_407 = arith.index_cast %parallel_loop3A_406 : i32 to index
      %parallel_loop3A_408 = tpu.vector_load %arg9[%parallel_loop3A_407] {strides = array<i32>} : memref<5120xf32, #tpu.memory_space<vmem>>, vector<16xf32>,
      tpu.vector_store %arg9[%parallel_loop3A_407], %parallel_loop3A_404 {strides = array<i32>} : memref<5120xf32, #tpu.memory_space<vmem>>, vector<16xf32>,
      %parallel_loop3A_409 = vector.broadcast %parallel_loop3A_357 : i32 to vector<16xi32>
      %parallel_loop3A_410 = arith.addi %add3A_130, %parallel_loop3A_409 : vector<16xi32>
      %parallel_loop3A_411 = tpu.vector_load_idx %arg5[%parallel_loop3A_410] : memref<15360xf32, #tpu.memory_space<vmem>>[vector<16xi32>], vector<16xf32>,
      %parallel_loop3A_412 = arith.constant 112 : i32
      %parallel_loop3A_413 = arith.addi %parallel_loop3A_359, %parallel_loop3A_412 : i32
      %parallel_loop3A_414 = arith.index_cast %parallel_loop3A_413 : i32 to index
      %parallel_loop3A_415 = tpu.vector_load %arg9[%parallel_loop3A_414] {strides = array<i32>} : memref<5120xf32, #tpu.memory_space<vmem>>, vector<16xf32>,
      tpu.vector_store %arg9[%parallel_loop3A_414], %parallel_loop3A_411 {strides = array<i32>} : memref<5120xf32, #tpu.memory_space<vmem>>, vector<16xf32>,
    } {sc.loop_unroll_factor = 4 : i64, sc.parallel_access}
    %add3A_186 = arith.constant 5120 : i32
    %add3A_187 = arith.addi %mul3A_4, %add3A_186 : i32
    %dma_start3A_188 = arith.constant 1 : i32
    %dma_start3A_189 = tpu.memref_slice %arg3[%add3A_187] : memref<16384000xf32, #tpu.memory_space<hbm>> -> memref<5120xf32, #tpu.memory_space<hbm>>
    %dma_start3A_190 = tpu.memref_slice %arg11[%dma_start3A_188] : memref<2x!tpu.dma_semaphore, #tpu.memory_space<semaphore_mem>> -> memref<1x!tpu.dma_semaphore, #tpu.memory_space<semaphore_mem>>
    %dma_start3A_191 = tpu.memref_squeeze %dma_start3A_190 : memref<1x!tpu.dma_semaphore, #tpu.memory_space<semaphore_mem>> -> memref<!tpu.dma_semaphore, #tpu.memory_space<semaphore_mem>>
    %dma_start3A_192 = tpu.memref_slice %arg3[%add3A_187] : memref<16384000xf32, #tpu.memory_space<hbm>> -> memref<5120xf32, #tpu.memory_space<hbm>>
    tpu.enqueue_dma source(%arg9 : memref<5120xf32, #tpu.memory_space<vmem>>) target(%dma_start3A_192 : memref<5120xf32, #tpu.memory_space<hbm>>) target_semaphore(%dma_start3A_191 : memref<!tpu.dma_semaphore, #tpu.memory_space<semaphore_mem>>)
    %scan3A = arith.constant 0 : i32
    %scan3A_193 = arith.constant 0 : i32
    %scan3A_194 = arith.constant 23 : i32
    %scan3A_195 = arith.addi %scan3A_193, %scan3A_194 : i32
    %scan3A_196 = arith.constant 1 : i32
    %scan3A_197 = scf.for %scan3A_350 = %scan3A_193 to %scan3A_195 step %scan3A_196 iter_args(%scan3A_351 = %scan3A) -> (i32)  : i32 {
      %mul3A_352 = arith.constant 4 : i32
      %mul3A_353 = arith.muli %mul3A_352, %scan3A_350 : i32
      %add3A_354 = arith.constant 2 : i32
      %add3A_355 = arith.addi %mul3A_353, %add3A_354 : i32
      %add3A_356 = arith.constant 0 : i32
      %add3A_357 = arith.addi %add3A_355, %add3A_356 : i32
      %dma_wait3A_358 = arith.constant 2 : i32
      %dma_wait3A_359 = tpu.memref_slice %arg2[%mul3A_2] : memref<49152000xf32, #tpu.memory_space<hbm>> -> memref<15360xf32, #tpu.memory_space<hbm>>
      %dma_wait3A_360 = tpu.memref_slice %arg10[%dma_wait3A_358] : memref<4x!tpu.dma_semaphore, #tpu.memory_space<semaphore_mem>> -> memref<1x!tpu.dma_semaphore, #tpu.memory_space<semaphore_mem>>
      %dma_wait3A_361 = tpu.memref_squeeze %dma_wait3A_360 : memref<1x!tpu.dma_semaphore, #tpu.memory_space<semaphore_mem>> -> memref<!tpu.dma_semaphore, #tpu.memory_space<semaphore_mem>>
      %dma_wait3A_362 = tpu.memref_slice %arg2[%mul3A_2] : memref<49152000xf32, #tpu.memory_space<hbm>> -> memref<15360xf32, #tpu.memory_space<hbm>>
      tpu.wait_dma2 semaphore(%dma_wait3A_361 : memref<!tpu.dma_semaphore, #tpu.memory_space<semaphore_mem>>) src(%dma_wait3A_362 : memref<15360xf32, #tpu.memory_space<hbm>>) dst(%arg6 : memref<15360xf32, #tpu.memory_space<vmem>>)
      %dma_wait3A_363 = arith.constant 0 : i32
      %dma_wait3A_364 = tpu.memref_slice %arg3[%mul3A_4] : memref<16384000xf32, #tpu.memory_space<hbm>> -> memref<5120xf32, #tpu.memory_space<hbm>>
      %dma_wait3A_365 = tpu.memref_slice %arg11[%dma_wait3A_363] : memref<2x!tpu.dma_semaphore, #tpu.memory_space<semaphore_mem>> -> memref<1x!tpu.dma_semaphore, #tpu.memory_space<semaphore_mem>>
      %dma_wait3A_366 = tpu.memref_squeeze %dma_wait3A_365 : memref<1x!tpu.dma_semaphore, #tpu.memory_space<semaphore_mem>> -> memref<!tpu.dma_semaphore, #tpu.memory_space<semaphore_mem>>
      %dma_wait3A_367 = tpu.memref_slice %arg3[%mul3A_4] : memref<16384000xf32, #tpu.memory_space<hbm>> -> memref<5120xf32, #tpu.memory_space<hbm>>
      tpu.wait_dma2 semaphore(%dma_wait3A_366 : memref<!tpu.dma_semaphore, #tpu.memory_space<semaphore_mem>>) src(%arg8 : memref<5120xf32, #tpu.memory_space<vmem>>) dst(%dma_wait3A_367 : memref<5120xf32, #tpu.memory_space<hbm>>)
      %add3A_368 = arith.constant 3 : i32
      %add3A_369 = arith.addi %add3A_357, %add3A_368 : i32
      %mul3A_370 = arith.constant 15360 : i32
      %mul3A_371 = arith.muli %add3A_369, %mul3A_370 : i32
      %add3A_372 = arith.addi %mul3A_2, %mul3A_371 : i32
      %dma_start3A_373 = arith.constant 1 : i32
      %dma_start3A_374 = tpu.memref_slice %arg2[%add3A_372] : memref<49152000xf32, #tpu.memory_space<hbm>> -> memref<15360xf32, #tpu.memory_space<hbm>>
      %dma_start3A_375 = tpu.memref_slice %arg10[%dma_start3A_373] : memref<4x!tpu.dma_semaphore, #tpu.memory_space<semaphore_mem>> -> memref<1x!tpu.dma_semaphore, #tpu.memory_space<semaphore_mem>>
      %dma_start3A_376 = tpu.memref_squeeze %dma_start3A_375 : memref<1x!tpu.dma_semaphore, #tpu.memory_space<semaphore_mem>> -> memref<!tpu.dma_semaphore, #tpu.memory_space<semaphore_mem>>
      %dma_start3A_377 = tpu.memref_slice %arg2[%add3A_372] : memref<49152000xf32, #tpu.memory_space<hbm>> -> memref<15360xf32, #tpu.memory_space<hbm>>
      tpu.enqueue_dma source(%dma_start3A_377 : memref<15360xf32, #tpu.memory_space<hbm>>) target(%arg5 : memref<15360xf32, #tpu.memory_space<vmem>>) target_semaphore(%dma_start3A_376 : memref<!tpu.dma_semaphore, #tpu.memory_space<semaphore_mem>>)
      %parallel_loop3A_378 = arith.constant 0 : i32
      %parallel_loop3A_379 = arith.constant 40 : i32
      %parallel_loop3A_380 = arith.constant 1 : i32
      scf.for %parallel_loop3A_489 = %parallel_loop3A_378 to %parallel_loop3A_379 step %parallel_loop3A_380  : i32 {
        %parallel_loop3A_490 = arith.constant 3 : i32
        %parallel_loop3A_491 = arith.shrsi %parallel_loop3A_489, %parallel_loop3A_490 : i32
        %parallel_loop3A_492 = arith.constant 7 : i32
        %parallel_loop3A_493 = arith.shli %parallel_loop3A_489, %parallel_loop3A_492 : i32
        %parallel_loop3A_494 = arith.constant 11 : i32
        %parallel_loop3A_495 = arith.shli %parallel_loop3A_491, %parallel_loop3A_494 : i32
        %parallel_loop3A_496 = arith.addi %parallel_loop3A_493, %parallel_loop3A_495 : i32
        %parallel_loop3A_497 = arith.constant 128 : i32
        %parallel_loop3A_498 = arith.muli %parallel_loop3A_489, %parallel_loop3A_497 : i32
        %parallel_loop3A_499 = vector.broadcast %parallel_loop3A_496 : i32 to vector<16xi32>
        %parallel_loop3A_500 = arith.addi %add3A_18, %parallel_loop3A_499 : vector<16xi32>
        %parallel_loop3A_501 = tpu.vector_load_idx %arg6[%parallel_loop3A_500] : memref<15360xf32, #tpu.memory_space<vmem>>[vector<16xi32>], vector<16xf32>,
        %parallel_loop3A_502 = arith.constant 0 : i32
        %parallel_loop3A_503 = arith.addi %parallel_loop3A_498, %parallel_loop3A_502 : i32
        %parallel_loop3A_504 = arith.index_cast %parallel_loop3A_503 : i32 to index
        %parallel_loop3A_505 = tpu.vector_load %arg8[%parallel_loop3A_504] {strides = array<i32>} : memref<5120xf32, #tpu.memory_space<vmem>>, vector<16xf32>,
        tpu.vector_store %arg8[%parallel_loop3A_504], %parallel_loop3A_501 {strides = array<i32>} : memref<5120xf32, #tpu.memory_space<vmem>>, vector<16xf32>,
        %parallel_loop3A_506 = vector.broadcast %parallel_loop3A_496 : i32 to vector<16xi32>
        %parallel_loop3A_507 = arith.addi %add3A_34, %parallel_loop3A_506 : vector<16xi32>
        %parallel_loop3A_508 = tpu.vector_load_idx %arg6[%parallel_loop3A_507] : memref<15360xf32, #tpu.memory_space<vmem>>[vector<16xi32>], vector<16xf32>,
        %parallel_loop3A_509 = arith.constant 16 : i32
        %parallel_loop3A_510 = arith.addi %parallel_loop3A_498, %parallel_loop3A_509 : i32
        %parallel_loop3A_511 = arith.index_cast %parallel_loop3A_510 : i32 to index
        %parallel_loop3A_512 = tpu.vector_load %arg8[%parallel_loop3A_511] {strides = array<i32>} : memref<5120xf32, #tpu.memory_space<vmem>>, vector<16xf32>,
        tpu.vector_store %arg8[%parallel_loop3A_511], %parallel_loop3A_508 {strides = array<i32>} : memref<5120xf32, #tpu.memory_space<vmem>>, vector<16xf32>,
        %parallel_loop3A_513 = vector.broadcast %parallel_loop3A_496 : i32 to vector<16xi32>
        %parallel_loop3A_514 = arith.addi %add3A_50, %parallel_loop3A_513 : vector<16xi32>
        %parallel_loop3A_515 = tpu.vector_load_idx %arg6[%parallel_loop3A_514] : memref<15360xf32, #tpu.memory_space<vmem>>[vector<16xi32>], vector<16xf32>,
        %parallel_loop3A_516 = arith.constant 32 : i32
        %parallel_loop3A_517 = arith.addi %parallel_loop3A_498, %parallel_loop3A_516 : i32
        %parallel_loop3A_518 = arith.index_cast %parallel_loop3A_517 : i32 to index
        %parallel_loop3A_519 = tpu.vector_load %arg8[%parallel_loop3A_518] {strides = array<i32>} : memref<5120xf32, #tpu.memory_space<vmem>>, vector<16xf32>,
        tpu.vector_store %arg8[%parallel_loop3A_518], %parallel_loop3A_515 {strides = array<i32>} : memref<5120xf32, #tpu.memory_space<vmem>>, vector<16xf32>,
        %parallel_loop3A_520 = vector.broadcast %parallel_loop3A_496 : i32 to vector<16xi32>
        %parallel_loop3A_521 = arith.addi %add3A_66, %parallel_loop3A_520 : vector<16xi32>
        %parallel_loop3A_522 = tpu.vector_load_idx %arg6[%parallel_loop3A_521] : memref<15360xf32, #tpu.memory_space<vmem>>[vector<16xi32>], vector<16xf32>,
        %parallel_loop3A_523 = arith.constant 48 : i32
        %parallel_loop3A_524 = arith.addi %parallel_loop3A_498, %parallel_loop3A_523 : i32
        %parallel_loop3A_525 = arith.index_cast %parallel_loop3A_524 : i32 to index
        %parallel_loop3A_526 = tpu.vector_load %arg8[%parallel_loop3A_525] {strides = array<i32>} : memref<5120xf32, #tpu.memory_space<vmem>>, vector<16xf32>,
        tpu.vector_store %arg8[%parallel_loop3A_525], %parallel_loop3A_522 {strides = array<i32>} : memref<5120xf32, #tpu.memory_space<vmem>>, vector<16xf32>,
        %parallel_loop3A_527 = vector.broadcast %parallel_loop3A_496 : i32 to vector<16xi32>
        %parallel_loop3A_528 = arith.addi %add3A_82, %parallel_loop3A_527 : vector<16xi32>
        %parallel_loop3A_529 = tpu.vector_load_idx %arg6[%parallel_loop3A_528] : memref<15360xf32, #tpu.memory_space<vmem>>[vector<16xi32>], vector<16xf32>,
        %parallel_loop3A_530 = arith.constant 64 : i32
        %parallel_loop3A_531 = arith.addi %parallel_loop3A_498, %parallel_loop3A_530 : i32
        %parallel_loop3A_532 = arith.index_cast %parallel_loop3A_531 : i32 to index
        %parallel_loop3A_533 = tpu.vector_load %arg8[%parallel_loop3A_532] {strides = array<i32>} : memref<5120xf32, #tpu.memory_space<vmem>>, vector<16xf32>,
        tpu.vector_store %arg8[%parallel_loop3A_532], %parallel_loop3A_529 {strides = array<i32>} : memref<5120xf32, #tpu.memory_space<vmem>>, vector<16xf32>,
        %parallel_loop3A_534 = vector.broadcast %parallel_loop3A_496 : i32 to vector<16xi32>
        %parallel_loop3A_535 = arith.addi %add3A_98, %parallel_loop3A_534 : vector<16xi32>
        %parallel_loop3A_536 = tpu.vector_load_idx %arg6[%parallel_loop3A_535] : memref<15360xf32, #tpu.memory_space<vmem>>[vector<16xi32>], vector<16xf32>,
        %parallel_loop3A_537 = arith.constant 80 : i32
        %parallel_loop3A_538 = arith.addi %parallel_loop3A_498, %parallel_loop3A_537 : i32
        %parallel_loop3A_539 = arith.index_cast %parallel_loop3A_538 : i32 to index
        %parallel_loop3A_540 = tpu.vector_load %arg8[%parallel_loop3A_539] {strides = array<i32>} : memref<5120xf32, #tpu.memory_space<vmem>>, vector<16xf32>,
        tpu.vector_store %arg8[%parallel_loop3A_539], %parallel_loop3A_536 {strides = array<i32>} : memref<5120xf32, #tpu.memory_space<vmem>>, vector<16xf32>,
        %parallel_loop3A_541 = vector.broadcast %parallel_loop3A_496 : i32 to vector<16xi32>
        %parallel_loop3A_542 = arith.addi %add3A_114, %parallel_loop3A_541 : vector<16xi32>
        %parallel_loop3A_543 = tpu.vector_load_idx %arg6[%parallel_loop3A_542] : memref<15360xf32, #tpu.memory_space<vmem>>[vector<16xi32>], vector<16xf32>,
        %parallel_loop3A_544 = arith.constant 96 : i32
        %parallel_loop3A_545 = arith.addi %parallel_loop3A_498, %parallel_loop3A_544 : i32
        %parallel_loop3A_546 = arith.index_cast %parallel_loop3A_545 : i32 to index
        %parallel_loop3A_547 = tpu.vector_load %arg8[%parallel_loop3A_546] {strides = array<i32>} : memref<5120xf32, #tpu.memory_space<vmem>>, vector<16xf32>,
        tpu.vector_store %arg8[%parallel_loop3A_546], %parallel_loop3A_543 {strides = array<i32>} : memref<5120xf32, #tpu.memory_space<vmem>>, vector<16xf32>,
        %parallel_loop3A_548 = vector.broadcast %parallel_loop3A_496 : i32 to vector<16xi32>
        %parallel_loop3A_549 = arith.addi %add3A_130, %parallel_loop3A_548 : vector<16xi32>
        %parallel_loop3A_550 = tpu.vector_load_idx %arg6[%parallel_loop3A_549] : memref<15360xf32, #tpu.memory_space<vmem>>[vector<16xi32>], vector<16xf32>,
        %parallel_loop3A_551 = arith.constant 112 : i32
        %parallel_loop3A_552 = arith.addi %parallel_loop3A_498, %parallel_loop3A_551 : i32
        %parallel_loop3A_553 = arith.index_cast %parallel_loop3A_552 : i32 to index
        %parallel_loop3A_554 = tpu.vector_load %arg8[%parallel_loop3A_553] {strides = array<i32>} : memref<5120xf32, #tpu.memory_space<vmem>>, vector<16xf32>,
        tpu.vector_store %arg8[%parallel_loop3A_553], %parallel_loop3A_550 {strides = array<i32>} : memref<5120xf32, #tpu.memory_space<vmem>>, vector<16xf32>,
      } {sc.loop_unroll_factor = 4 : i64, sc.parallel_access}
      %mul3A_381 = arith.constant 5120 : i32
      %mul3A_382 = arith.muli %add3A_357, %mul3A_381 : i32
      %add3A_383 = arith.addi %mul3A_4, %mul3A_382 : i32
      %dma_start3A_384 = arith.constant 0 : i32
      %dma_start3A_385 = tpu.memref_slice %arg3[%add3A_383] : memref<16384000xf32, #tpu.memory_space<hbm>> -> memref<5120xf32, #tpu.memory_space<hbm>>
      %dma_start3A_386 = tpu.memref_slice %arg11[%dma_start3A_384] : memref<2x!tpu.dma_semaphore, #tpu.memory_space<semaphore_mem>> -> memref<1x!tpu.dma_semaphore, #tpu.memory_space<semaphore_mem>>
      %dma_start3A_387 = tpu.memref_squeeze %dma_start3A_386 : memref<1x!tpu.dma_semaphore, #tpu.memory_space<semaphore_mem>> -> memref<!tpu.dma_semaphore, #tpu.memory_space<semaphore_mem>>
      %dma_start3A_388 = tpu.memref_slice %arg3[%add3A_383] : memref<16384000xf32, #tpu.memory_space<hbm>> -> memref<5120xf32, #tpu.memory_space<hbm>>
      tpu.enqueue_dma source(%arg8 : memref<5120xf32, #tpu.memory_space<vmem>>) target(%dma_start3A_388 : memref<5120xf32, #tpu.memory_space<hbm>>) target_semaphore(%dma_start3A_387 : memref<!tpu.dma_semaphore, #tpu.memory_space<semaphore_mem>>)
      %add3A_389 = arith.constant 1 : i32
      %add3A_390 = arith.addi %add3A_355, %add3A_389 : i32
      %dma_wait3A_391 = arith.constant 3 : i32
      %dma_wait3A_392 = tpu.memref_slice %arg2[%mul3A_2] : memref<49152000xf32, #tpu.memory_space<hbm>> -> memref<15360xf32, #tpu.memory_space<hbm>>
      %dma_wait3A_393 = tpu.memref_slice %arg10[%dma_wait3A_391] : memref<4x!tpu.dma_semaphore, #tpu.memory_space<semaphore_mem>> -> memref<1x!tpu.dma_semaphore, #tpu.memory_space<semaphore_mem>>
      %dma_wait3A_394 = tpu.memref_squeeze %dma_wait3A_393 : memref<1x!tpu.dma_semaphore, #tpu.memory_space<semaphore_mem>> -> memref<!tpu.dma_semaphore, #tpu.memory_space<semaphore_mem>>
      %dma_wait3A_395 = tpu.memref_slice %arg2[%mul3A_2] : memref<49152000xf32, #tpu.memory_space<hbm>> -> memref<15360xf32, #tpu.memory_space<hbm>>
      tpu.wait_dma2 semaphore(%dma_wait3A_394 : memref<!tpu.dma_semaphore, #tpu.memory_space<semaphore_mem>>) src(%dma_wait3A_395 : memref<15360xf32, #tpu.memory_space<hbm>>) dst(%arg7 : memref<15360xf32, #tpu.memory_space<vmem>>)
      %dma_wait3A_396 = arith.constant 1 : i32
      %dma_wait3A_397 = tpu.memref_slice %arg3[%mul3A_4] : memref<16384000xf32, #tpu.memory_space<hbm>> -> memref<5120xf32, #tpu.memory_space<hbm>>
      %dma_wait3A_398 = tpu.memref_slice %arg11[%dma_wait3A_396] : memref<2x!tpu.dma_semaphore, #tpu.memory_space<semaphore_mem>> -> memref<1x!tpu.dma_semaphore, #tpu.memory_space<semaphore_mem>>
      %dma_wait3A_399 = tpu.memref_squeeze %dma_wait3A_398 : memref<1x!tpu.dma_semaphore, #tpu.memory_space<semaphore_mem>> -> memref<!tpu.dma_semaphore, #tpu.memory_space<semaphore_mem>>
      %dma_wait3A_400 = tpu.memref_slice %arg3[%mul3A_4] : memref<16384000xf32, #tpu.memory_space<hbm>> -> memref<5120xf32, #tpu.memory_space<hbm>>
      tpu.wait_dma2 semaphore(%dma_wait3A_399 : memref<!tpu.dma_semaphore, #tpu.memory_space<semaphore_mem>>) src(%arg9 : memref<5120xf32, #tpu.memory_space<vmem>>) dst(%dma_wait3A_400 : memref<5120xf32, #tpu.memory_space<hbm>>)
      %add3A_401 = arith.constant 3 : i32
      %add3A_402 = arith.addi %add3A_390, %add3A_401 : i32
      %mul3A_403 = arith.constant 15360 : i32
      %mul3A_404 = arith.muli %add3A_402, %mul3A_403 : i32
      %add3A_405 = arith.addi %mul3A_2, %mul3A_404 : i32
      %dma_start3A_406 = arith.constant 2 : i32
      %dma_start3A_407 = tpu.memref_slice %arg2[%add3A_405] : memref<49152000xf32, #tpu.memory_space<hbm>> -> memref<15360xf32, #tpu.memory_space<hbm>>
      %dma_start3A_408 = tpu.memref_slice %arg10[%dma_start3A_406] : memref<4x!tpu.dma_semaphore, #tpu.memory_space<semaphore_mem>> -> memref<1x!tpu.dma_semaphore, #tpu.memory_space<semaphore_mem>>
      %dma_start3A_409 = tpu.memref_squeeze %dma_start3A_408 : memref<1x!tpu.dma_semaphore, #tpu.memory_space<semaphore_mem>> -> memref<!tpu.dma_semaphore, #tpu.memory_space<semaphore_mem>>
      %dma_start3A_410 = tpu.memref_slice %arg2[%add3A_405] : memref<49152000xf32, #tpu.memory_space<hbm>> -> memref<15360xf32, #tpu.memory_space<hbm>>
      tpu.enqueue_dma source(%dma_start3A_410 : memref<15360xf32, #tpu.memory_space<hbm>>) target(%arg6 : memref<15360xf32, #tpu.memory_space<vmem>>) target_semaphore(%dma_start3A_409 : memref<!tpu.dma_semaphore, #tpu.memory_space<semaphore_mem>>)
      %parallel_loop3A_411 = arith.constant 0 : i32
      %parallel_loop3A_412 = arith.constant 40 : i32
      %parallel_loop3A_413 = arith.constant 1 : i32
      scf.for %parallel_loop3A_489 = %parallel_loop3A_411 to %parallel_loop3A_412 step %parallel_loop3A_413  : i32 {
        %parallel_loop3A_490 = arith.constant 3 : i32
        %parallel_loop3A_491 = arith.shrsi %parallel_loop3A_489, %parallel_loop3A_490 : i32
        %parallel_loop3A_492 = arith.constant 7 : i32
        %parallel_loop3A_493 = arith.shli %parallel_loop3A_489, %parallel_loop3A_492 : i32
        %parallel_loop3A_494 = arith.constant 11 : i32
        %parallel_loop3A_495 = arith.shli %parallel_loop3A_491, %parallel_loop3A_494 : i32
        %parallel_loop3A_496 = arith.addi %parallel_loop3A_493, %parallel_loop3A_495 : i32
        %parallel_loop3A_497 = arith.constant 128 : i32
        %parallel_loop3A_498 = arith.muli %parallel_loop3A_489, %parallel_loop3A_497 : i32
        %parallel_loop3A_499 = vector.broadcast %parallel_loop3A_496 : i32 to vector<16xi32>
        %parallel_loop3A_500 = arith.addi %add3A_18, %parallel_loop3A_499 : vector<16xi32>
        %parallel_loop3A_501 = tpu.vector_load_idx %arg7[%parallel_loop3A_500] : memref<15360xf32, #tpu.memory_space<vmem>>[vector<16xi32>], vector<16xf32>,
        %parallel_loop3A_502 = arith.constant 0 : i32
        %parallel_loop3A_503 = arith.addi %parallel_loop3A_498, %parallel_loop3A_502 : i32
        %parallel_loop3A_504 = arith.index_cast %parallel_loop3A_503 : i32 to index
        %parallel_loop3A_505 = tpu.vector_load %arg9[%parallel_loop3A_504] {strides = array<i32>} : memref<5120xf32, #tpu.memory_space<vmem>>, vector<16xf32>,
        tpu.vector_store %arg9[%parallel_loop3A_504], %parallel_loop3A_501 {strides = array<i32>} : memref<5120xf32, #tpu.memory_space<vmem>>, vector<16xf32>,
        %parallel_loop3A_506 = vector.broadcast %parallel_loop3A_496 : i32 to vector<16xi32>
        %parallel_loop3A_507 = arith.addi %add3A_34, %parallel_loop3A_506 : vector<16xi32>
        %parallel_loop3A_508 = tpu.vector_load_idx %arg7[%parallel_loop3A_507] : memref<15360xf32, #tpu.memory_space<vmem>>[vector<16xi32>], vector<16xf32>,
        %parallel_loop3A_509 = arith.constant 16 : i32
        %parallel_loop3A_510 = arith.addi %parallel_loop3A_498, %parallel_loop3A_509 : i32
        %parallel_loop3A_511 = arith.index_cast %parallel_loop3A_510 : i32 to index
        %parallel_loop3A_512 = tpu.vector_load %arg9[%parallel_loop3A_511] {strides = array<i32>} : memref<5120xf32, #tpu.memory_space<vmem>>, vector<16xf32>,
        tpu.vector_store %arg9[%parallel_loop3A_511], %parallel_loop3A_508 {strides = array<i32>} : memref<5120xf32, #tpu.memory_space<vmem>>, vector<16xf32>,
        %parallel_loop3A_513 = vector.broadcast %parallel_loop3A_496 : i32 to vector<16xi32>
        %parallel_loop3A_514 = arith.addi %add3A_50, %parallel_loop3A_513 : vector<16xi32>
        %parallel_loop3A_515 = tpu.vector_load_idx %arg7[%parallel_loop3A_514] : memref<15360xf32, #tpu.memory_space<vmem>>[vector<16xi32>], vector<16xf32>,
        %parallel_loop3A_516 = arith.constant 32 : i32
        %parallel_loop3A_517 = arith.addi %parallel_loop3A_498, %parallel_loop3A_516 : i32
        %parallel_loop3A_518 = arith.index_cast %parallel_loop3A_517 : i32 to index
        %parallel_loop3A_519 = tpu.vector_load %arg9[%parallel_loop3A_518] {strides = array<i32>} : memref<5120xf32, #tpu.memory_space<vmem>>, vector<16xf32>,
        tpu.vector_store %arg9[%parallel_loop3A_518], %parallel_loop3A_515 {strides = array<i32>} : memref<5120xf32, #tpu.memory_space<vmem>>, vector<16xf32>,
        %parallel_loop3A_520 = vector.broadcast %parallel_loop3A_496 : i32 to vector<16xi32>
        %parallel_loop3A_521 = arith.addi %add3A_66, %parallel_loop3A_520 : vector<16xi32>
        %parallel_loop3A_522 = tpu.vector_load_idx %arg7[%parallel_loop3A_521] : memref<15360xf32, #tpu.memory_space<vmem>>[vector<16xi32>], vector<16xf32>,
        %parallel_loop3A_523 = arith.constant 48 : i32
        %parallel_loop3A_524 = arith.addi %parallel_loop3A_498, %parallel_loop3A_523 : i32
        %parallel_loop3A_525 = arith.index_cast %parallel_loop3A_524 : i32 to index
        %parallel_loop3A_526 = tpu.vector_load %arg9[%parallel_loop3A_525] {strides = array<i32>} : memref<5120xf32, #tpu.memory_space<vmem>>, vector<16xf32>,
        tpu.vector_store %arg9[%parallel_loop3A_525], %parallel_loop3A_522 {strides = array<i32>} : memref<5120xf32, #tpu.memory_space<vmem>>, vector<16xf32>,
        %parallel_loop3A_527 = vector.broadcast %parallel_loop3A_496 : i32 to vector<16xi32>
        %parallel_loop3A_528 = arith.addi %add3A_82, %parallel_loop3A_527 : vector<16xi32>
        %parallel_loop3A_529 = tpu.vector_load_idx %arg7[%parallel_loop3A_528] : memref<15360xf32, #tpu.memory_space<vmem>>[vector<16xi32>], vector<16xf32>,
        %parallel_loop3A_530 = arith.constant 64 : i32
        %parallel_loop3A_531 = arith.addi %parallel_loop3A_498, %parallel_loop3A_530 : i32
        %parallel_loop3A_532 = arith.index_cast %parallel_loop3A_531 : i32 to index
        %parallel_loop3A_533 = tpu.vector_load %arg9[%parallel_loop3A_532] {strides = array<i32>} : memref<5120xf32, #tpu.memory_space<vmem>>, vector<16xf32>,
        tpu.vector_store %arg9[%parallel_loop3A_532], %parallel_loop3A_529 {strides = array<i32>} : memref<5120xf32, #tpu.memory_space<vmem>>, vector<16xf32>,
        %parallel_loop3A_534 = vector.broadcast %parallel_loop3A_496 : i32 to vector<16xi32>
        %parallel_loop3A_535 = arith.addi %add3A_98, %parallel_loop3A_534 : vector<16xi32>
        %parallel_loop3A_536 = tpu.vector_load_idx %arg7[%parallel_loop3A_535] : memref<15360xf32, #tpu.memory_space<vmem>>[vector<16xi32>], vector<16xf32>,
        %parallel_loop3A_537 = arith.constant 80 : i32
        %parallel_loop3A_538 = arith.addi %parallel_loop3A_498, %parallel_loop3A_537 : i32
        %parallel_loop3A_539 = arith.index_cast %parallel_loop3A_538 : i32 to index
        %parallel_loop3A_540 = tpu.vector_load %arg9[%parallel_loop3A_539] {strides = array<i32>} : memref<5120xf32, #tpu.memory_space<vmem>>, vector<16xf32>,
        tpu.vector_store %arg9[%parallel_loop3A_539], %parallel_loop3A_536 {strides = array<i32>} : memref<5120xf32, #tpu.memory_space<vmem>>, vector<16xf32>,
        %parallel_loop3A_541 = vector.broadcast %parallel_loop3A_496 : i32 to vector<16xi32>
        %parallel_loop3A_542 = arith.addi %add3A_114, %parallel_loop3A_541 : vector<16xi32>
        %parallel_loop3A_543 = tpu.vector_load_idx %arg7[%parallel_loop3A_542] : memref<15360xf32, #tpu.memory_space<vmem>>[vector<16xi32>], vector<16xf32>,
        %parallel_loop3A_544 = arith.constant 96 : i32
        %parallel_loop3A_545 = arith.addi %parallel_loop3A_498, %parallel_loop3A_544 : i32
        %parallel_loop3A_546 = arith.index_cast %parallel_loop3A_545 : i32 to index
        %parallel_loop3A_547 = tpu.vector_load %arg9[%parallel_loop3A_546] {strides = array<i32>} : memref<5120xf32, #tpu.memory_space<vmem>>, vector<16xf32>,
        tpu.vector_store %arg9[%parallel_loop3A_546], %parallel_loop3A_543 {strides = array<i32>} : memref<5120xf32, #tpu.memory_space<vmem>>, vector<16xf32>,
        %parallel_loop3A_548 = vector.broadcast %parallel_loop3A_496 : i32 to vector<16xi32>
        %parallel_loop3A_549 = arith.addi %add3A_130, %parallel_loop3A_548 : vector<16xi32>
        %parallel_loop3A_550 = tpu.vector_load_idx %arg7[%parallel_loop3A_549] : memref<15360xf32, #tpu.memory_space<vmem>>[vector<16xi32>], vector<16xf32>,
        %parallel_loop3A_551 = arith.constant 112 : i32
        %parallel_loop3A_552 = arith.addi %parallel_loop3A_498, %parallel_loop3A_551 : i32
        %parallel_loop3A_553 = arith.index_cast %parallel_loop3A_552 : i32 to index
        %parallel_loop3A_554 = tpu.vector_load %arg9[%parallel_loop3A_553] {strides = array<i32>} : memref<5120xf32, #tpu.memory_space<vmem>>, vector<16xf32>,
        tpu.vector_store %arg9[%parallel_loop3A_553], %parallel_loop3A_550 {strides = array<i32>} : memref<5120xf32, #tpu.memory_space<vmem>>, vector<16xf32>,
      } {sc.loop_unroll_factor = 4 : i64, sc.parallel_access}
      %mul3A_414 = arith.constant 5120 : i32
      %mul3A_415 = arith.muli %add3A_390, %mul3A_414 : i32
      %add3A_416 = arith.addi %mul3A_4, %mul3A_415 : i32
      %dma_start3A_417 = arith.constant 1 : i32
      %dma_start3A_418 = tpu.memref_slice %arg3[%add3A_416] : memref<16384000xf32, #tpu.memory_space<hbm>> -> memref<5120xf32, #tpu.memory_space<hbm>>
      %dma_start3A_419 = tpu.memref_slice %arg11[%dma_start3A_417] : memref<2x!tpu.dma_semaphore, #tpu.memory_space<semaphore_mem>> -> memref<1x!tpu.dma_semaphore, #tpu.memory_space<semaphore_mem>>
      %dma_start3A_420 = tpu.memref_squeeze %dma_start3A_419 : memref<1x!tpu.dma_semaphore, #tpu.memory_space<semaphore_mem>> -> memref<!tpu.dma_semaphore, #tpu.memory_space<semaphore_mem>>
      %dma_start3A_421 = tpu.memref_slice %arg3[%add3A_416] : memref<16384000xf32, #tpu.memory_space<hbm>> -> memref<5120xf32, #tpu.memory_space<hbm>>
      tpu.enqueue_dma source(%arg9 : memref<5120xf32, #tpu.memory_space<vmem>>) target(%dma_start3A_421 : memref<5120xf32, #tpu.memory_space<hbm>>) target_semaphore(%dma_start3A_420 : memref<!tpu.dma_semaphore, #tpu.memory_space<semaphore_mem>>)
      %add3A_422 = arith.constant 2 : i32
      %add3A_423 = arith.addi %add3A_355, %add3A_422 : i32
      %dma_wait3A_424 = arith.constant 0 : i32
      %dma_wait3A_425 = tpu.memref_slice %arg2[%mul3A_2] : memref<49152000xf32, #tpu.memory_space<hbm>> -> memref<15360xf32, #tpu.memory_space<hbm>>
      %dma_wait3A_426 = tpu.memref_slice %arg10[%dma_wait3A_424] : memref<4x!tpu.dma_semaphore, #tpu.memory_space<semaphore_mem>> -> memref<1x!tpu.dma_semaphore, #tpu.memory_space<semaphore_mem>>
      %dma_wait3A_427 = tpu.memref_squeeze %dma_wait3A_426 : memref<1x!tpu.dma_semaphore, #tpu.memory_space<semaphore_mem>> -> memref<!tpu.dma_semaphore, #tpu.memory_space<semaphore_mem>>
      %dma_wait3A_428 = tpu.memref_slice %arg2[%mul3A_2] : memref<49152000xf32, #tpu.memory_space<hbm>> -> memref<15360xf32, #tpu.memory_space<hbm>>
      tpu.wait_dma2 semaphore(%dma_wait3A_427 : memref<!tpu.dma_semaphore, #tpu.memory_space<semaphore_mem>>) src(%dma_wait3A_428 : memref<15360xf32, #tpu.memory_space<hbm>>) dst(%arg4 : memref<15360xf32, #tpu.memory_space<vmem>>)
      %dma_wait3A_429 = arith.constant 0 : i32
      %dma_wait3A_430 = tpu.memref_slice %arg3[%mul3A_4] : memref<16384000xf32, #tpu.memory_space<hbm>> -> memref<5120xf32, #tpu.memory_space<hbm>>
      %dma_wait3A_431 = tpu.memref_slice %arg11[%dma_wait3A_429] : memref<2x!tpu.dma_semaphore, #tpu.memory_space<semaphore_mem>> -> memref<1x!tpu.dma_semaphore, #tpu.memory_space<semaphore_mem>>
      %dma_wait3A_432 = tpu.memref_squeeze %dma_wait3A_431 : memref<1x!tpu.dma_semaphore, #tpu.memory_space<semaphore_mem>> -> memref<!tpu.dma_semaphore, #tpu.memory_space<semaphore_mem>>
      %dma_wait3A_433 = tpu.memref_slice %arg3[%mul3A_4] : memref<16384000xf32, #tpu.memory_space<hbm>> -> memref<5120xf32, #tpu.memory_space<hbm>>
      tpu.wait_dma2 semaphore(%dma_wait3A_432 : memref<!tpu.dma_semaphore, #tpu.memory_space<semaphore_mem>>) src(%arg8 : memref<5120xf32, #tpu.memory_space<vmem>>) dst(%dma_wait3A_433 : memref<5120xf32, #tpu.memory_space<hbm>>)
      %add3A_434 = arith.constant 3 : i32
      %add3A_435 = arith.addi %add3A_423, %add3A_434 : i32
      %mul3A_436 = arith.constant 15360 : i32
      %mul3A_437 = arith.muli %add3A_435, %mul3A_436 : i32
      %add3A_438 = arith.addi %mul3A_2, %mul3A_437 : i32
      %dma_start3A_439 = arith.constant 3 : i32
      %dma_start3A_440 = tpu.memref_slice %arg2[%add3A_438] : memref<49152000xf32, #tpu.memory_space<hbm>> -> memref<15360xf32, #tpu.memory_space<hbm>>
      %dma_start3A_441 = tpu.memref_slice %arg10[%dma_start3A_439] : memref<4x!tpu.dma_semaphore, #tpu.memory_space<semaphore_mem>> -> memref<1x!tpu.dma_semaphore, #tpu.memory_space<semaphore_mem>>
      %dma_start3A_442 = tpu.memref_squeeze %dma_start3A_441 : memref<1x!tpu.dma_semaphore, #tpu.memory_space<semaphore_mem>> -> memref<!tpu.dma_semaphore, #tpu.memory_space<semaphore_mem>>
      %dma_start3A_443 = tpu.memref_slice %arg2[%add3A_438] : memref<49152000xf32, #tpu.memory_space<hbm>> -> memref<15360xf32, #tpu.memory_space<hbm>>
      tpu.enqueue_dma source(%dma_start3A_443 : memref<15360xf32, #tpu.memory_space<hbm>>) target(%arg7 : memref<15360xf32, #tpu.memory_space<vmem>>) target_semaphore(%dma_start3A_442 : memref<!tpu.dma_semaphore, #tpu.memory_space<semaphore_mem>>)
      %parallel_loop3A_444 = arith.constant 0 : i32
      %parallel_loop3A_445 = arith.constant 40 : i32
      %parallel_loop3A_446 = arith.constant 1 : i32
      scf.for %parallel_loop3A_489 = %parallel_loop3A_444 to %parallel_loop3A_445 step %parallel_loop3A_446  : i32 {
        %parallel_loop3A_490 = arith.constant 3 : i32
        %parallel_loop3A_491 = arith.shrsi %parallel_loop3A_489, %parallel_loop3A_490 : i32
        %parallel_loop3A_492 = arith.constant 7 : i32
        %parallel_loop3A_493 = arith.shli %parallel_loop3A_489, %parallel_loop3A_492 : i32
        %parallel_loop3A_494 = arith.constant 11 : i32
        %parallel_loop3A_495 = arith.shli %parallel_loop3A_491, %parallel_loop3A_494 : i32
        %parallel_loop3A_496 = arith.addi %parallel_loop3A_493, %parallel_loop3A_495 : i32
        %parallel_loop3A_497 = arith.constant 128 : i32
        %parallel_loop3A_498 = arith.muli %parallel_loop3A_489, %parallel_loop3A_497 : i32
        %parallel_loop3A_499 = vector.broadcast %parallel_loop3A_496 : i32 to vector<16xi32>
        %parallel_loop3A_500 = arith.addi %add3A_18, %parallel_loop3A_499 : vector<16xi32>
        %parallel_loop3A_501 = tpu.vector_load_idx %arg4[%parallel_loop3A_500] : memref<15360xf32, #tpu.memory_space<vmem>>[vector<16xi32>], vector<16xf32>,
        %parallel_loop3A_502 = arith.constant 0 : i32
        %parallel_loop3A_503 = arith.addi %parallel_loop3A_498, %parallel_loop3A_502 : i32
        %parallel_loop3A_504 = arith.index_cast %parallel_loop3A_503 : i32 to index
        %parallel_loop3A_505 = tpu.vector_load %arg8[%parallel_loop3A_504] {strides = array<i32>} : memref<5120xf32, #tpu.memory_space<vmem>>, vector<16xf32>,
        tpu.vector_store %arg8[%parallel_loop3A_504], %parallel_loop3A_501 {strides = array<i32>} : memref<5120xf32, #tpu.memory_space<vmem>>, vector<16xf32>,
        %parallel_loop3A_506 = vector.broadcast %parallel_loop3A_496 : i32 to vector<16xi32>
        %parallel_loop3A_507 = arith.addi %add3A_34, %parallel_loop3A_506 : vector<16xi32>
        %parallel_loop3A_508 = tpu.vector_load_idx %arg4[%parallel_loop3A_507] : memref<15360xf32, #tpu.memory_space<vmem>>[vector<16xi32>], vector<16xf32>,
        %parallel_loop3A_509 = arith.constant 16 : i32
        %parallel_loop3A_510 = arith.addi %parallel_loop3A_498, %parallel_loop3A_509 : i32
        %parallel_loop3A_511 = arith.index_cast %parallel_loop3A_510 : i32 to index
        %parallel_loop3A_512 = tpu.vector_load %arg8[%parallel_loop3A_511] {strides = array<i32>} : memref<5120xf32, #tpu.memory_space<vmem>>, vector<16xf32>,
        tpu.vector_store %arg8[%parallel_loop3A_511], %parallel_loop3A_508 {strides = array<i32>} : memref<5120xf32, #tpu.memory_space<vmem>>, vector<16xf32>,
        %parallel_loop3A_513 = vector.broadcast %parallel_loop3A_496 : i32 to vector<16xi32>
        %parallel_loop3A_514 = arith.addi %add3A_50, %parallel_loop3A_513 : vector<16xi32>
        %parallel_loop3A_515 = tpu.vector_load_idx %arg4[%parallel_loop3A_514] : memref<15360xf32, #tpu.memory_space<vmem>>[vector<16xi32>], vector<16xf32>,
        %parallel_loop3A_516 = arith.constant 32 : i32
        %parallel_loop3A_517 = arith.addi %parallel_loop3A_498, %parallel_loop3A_516 : i32
        %parallel_loop3A_518 = arith.index_cast %parallel_loop3A_517 : i32 to index
        %parallel_loop3A_519 = tpu.vector_load %arg8[%parallel_loop3A_518] {strides = array<i32>} : memref<5120xf32, #tpu.memory_space<vmem>>, vector<16xf32>,
        tpu.vector_store %arg8[%parallel_loop3A_518], %parallel_loop3A_515 {strides = array<i32>} : memref<5120xf32, #tpu.memory_space<vmem>>, vector<16xf32>,
        %parallel_loop3A_520 = vector.broadcast %parallel_loop3A_496 : i32 to vector<16xi32>
        %parallel_loop3A_521 = arith.addi %add3A_66, %parallel_loop3A_520 : vector<16xi32>
        %parallel_loop3A_522 = tpu.vector_load_idx %arg4[%parallel_loop3A_521] : memref<15360xf32, #tpu.memory_space<vmem>>[vector<16xi32>], vector<16xf32>,
        %parallel_loop3A_523 = arith.constant 48 : i32
        %parallel_loop3A_524 = arith.addi %parallel_loop3A_498, %parallel_loop3A_523 : i32
        %parallel_loop3A_525 = arith.index_cast %parallel_loop3A_524 : i32 to index
        %parallel_loop3A_526 = tpu.vector_load %arg8[%parallel_loop3A_525] {strides = array<i32>} : memref<5120xf32, #tpu.memory_space<vmem>>, vector<16xf32>,
        tpu.vector_store %arg8[%parallel_loop3A_525], %parallel_loop3A_522 {strides = array<i32>} : memref<5120xf32, #tpu.memory_space<vmem>>, vector<16xf32>,
        %parallel_loop3A_527 = vector.broadcast %parallel_loop3A_496 : i32 to vector<16xi32>
        %parallel_loop3A_528 = arith.addi %add3A_82, %parallel_loop3A_527 : vector<16xi32>
        %parallel_loop3A_529 = tpu.vector_load_idx %arg4[%parallel_loop3A_528] : memref<15360xf32, #tpu.memory_space<vmem>>[vector<16xi32>], vector<16xf32>,
        %parallel_loop3A_530 = arith.constant 64 : i32
        %parallel_loop3A_531 = arith.addi %parallel_loop3A_498, %parallel_loop3A_530 : i32
        %parallel_loop3A_532 = arith.index_cast %parallel_loop3A_531 : i32 to index
        %parallel_loop3A_533 = tpu.vector_load %arg8[%parallel_loop3A_532] {strides = array<i32>} : memref<5120xf32, #tpu.memory_space<vmem>>, vector<16xf32>,
        tpu.vector_store %arg8[%parallel_loop3A_532], %parallel_loop3A_529 {strides = array<i32>} : memref<5120xf32, #tpu.memory_space<vmem>>, vector<16xf32>,
        %parallel_loop3A_534 = vector.broadcast %parallel_loop3A_496 : i32 to vector<16xi32>
        %parallel_loop3A_535 = arith.addi %add3A_98, %parallel_loop3A_534 : vector<16xi32>
        %parallel_loop3A_536 = tpu.vector_load_idx %arg4[%parallel_loop3A_535] : memref<15360xf32, #tpu.memory_space<vmem>>[vector<16xi32>], vector<16xf32>,
        %parallel_loop3A_537 = arith.constant 80 : i32
        %parallel_loop3A_538 = arith.addi %parallel_loop3A_498, %parallel_loop3A_537 : i32
        %parallel_loop3A_539 = arith.index_cast %parallel_loop3A_538 : i32 to index
        %parallel_loop3A_540 = tpu.vector_load %arg8[%parallel_loop3A_539] {strides = array<i32>} : memref<5120xf32, #tpu.memory_space<vmem>>, vector<16xf32>,
        tpu.vector_store %arg8[%parallel_loop3A_539], %parallel_loop3A_536 {strides = array<i32>} : memref<5120xf32, #tpu.memory_space<vmem>>, vector<16xf32>,
        %parallel_loop3A_541 = vector.broadcast %parallel_loop3A_496 : i32 to vector<16xi32>
        %parallel_loop3A_542 = arith.addi %add3A_114, %parallel_loop3A_541 : vector<16xi32>
        %parallel_loop3A_543 = tpu.vector_load_idx %arg4[%parallel_loop3A_542] : memref<15360xf32, #tpu.memory_space<vmem>>[vector<16xi32>], vector<16xf32>,
        %parallel_loop3A_544 = arith.constant 96 : i32
        %parallel_loop3A_545 = arith.addi %parallel_loop3A_498, %parallel_loop3A_544 : i32
        %parallel_loop3A_546 = arith.index_cast %parallel_loop3A_545 : i32 to index
        %parallel_loop3A_547 = tpu.vector_load %arg8[%parallel_loop3A_546] {strides = array<i32>} : memref<5120xf32, #tpu.memory_space<vmem>>, vector<16xf32>,
        tpu.vector_store %arg8[%parallel_loop3A_546], %parallel_loop3A_543 {strides = array<i32>} : memref<5120xf32, #tpu.memory_space<vmem>>, vector<16xf32>,
        %parallel_loop3A_548 = vector.broadcast %parallel_loop3A_496 : i32 to vector<16xi32>
        %parallel_loop3A_549 = arith.addi %add3A_130, %parallel_loop3A_548 : vector<16xi32>
        %parallel_loop3A_550 = tpu.vector_load_idx %arg4[%parallel_loop3A_549] : memref<15360xf32, #tpu.memory_space<vmem>>[vector<16xi32>], vector<16xf32>,
        %parallel_loop3A_551 = arith.constant 112 : i32
        %parallel_loop3A_552 = arith.addi %parallel_loop3A_498, %parallel_loop3A_551 : i32
        %parallel_loop3A_553 = arith.index_cast %parallel_loop3A_552 : i32 to index
        %parallel_loop3A_554 = tpu.vector_load %arg8[%parallel_loop3A_553] {strides = array<i32>} : memref<5120xf32, #tpu.memory_space<vmem>>, vector<16xf32>,
        tpu.vector_store %arg8[%parallel_loop3A_553], %parallel_loop3A_550 {strides = array<i32>} : memref<5120xf32, #tpu.memory_space<vmem>>, vector<16xf32>,
      } {sc.loop_unroll_factor = 4 : i64, sc.parallel_access}
      %mul3A_447 = arith.constant 5120 : i32
      %mul3A_448 = arith.muli %add3A_423, %mul3A_447 : i32
      %add3A_449 = arith.addi %mul3A_4, %mul3A_448 : i32
      %dma_start3A_450 = arith.constant 0 : i32
      %dma_start3A_451 = tpu.memref_slice %arg3[%add3A_449] : memref<16384000xf32, #tpu.memory_space<hbm>> -> memref<5120xf32, #tpu.memory_space<hbm>>
      %dma_start3A_452 = tpu.memref_slice %arg11[%dma_start3A_450] : memref<2x!tpu.dma_semaphore, #tpu.memory_space<semaphore_mem>> -> memref<1x!tpu.dma_semaphore, #tpu.memory_space<semaphore_mem>>
      %dma_start3A_453 = tpu.memref_squeeze %dma_start3A_452 : memref<1x!tpu.dma_semaphore, #tpu.memory_space<semaphore_mem>> -> memref<!tpu.dma_semaphore, #tpu.memory_space<semaphore_mem>>
      %dma_start3A_454 = tpu.memref_slice %arg3[%add3A_449] : memref<16384000xf32, #tpu.memory_space<hbm>> -> memref<5120xf32, #tpu.memory_space<hbm>>
      tpu.enqueue_dma source(%arg8 : memref<5120xf32, #tpu.memory_space<vmem>>) target(%dma_start3A_454 : memref<5120xf32, #tpu.memory_space<hbm>>) target_semaphore(%dma_start3A_453 : memref<!tpu.dma_semaphore, #tpu.memory_space<semaphore_mem>>)
      %add3A_455 = arith.constant 3 : i32
      %add3A_456 = arith.addi %add3A_355, %add3A_455 : i32
      %dma_wait3A_457 = arith.constant 1 : i32
      %dma_wait3A_458 = tpu.memref_slice %arg2[%mul3A_2] : memref<49152000xf32, #tpu.memory_space<hbm>> -> memref<15360xf32, #tpu.memory_space<hbm>>
      %dma_wait3A_459 = tpu.memref_slice %arg10[%dma_wait3A_457] : memref<4x!tpu.dma_semaphore, #tpu.memory_space<semaphore_mem>> -> memref<1x!tpu.dma_semaphore, #tpu.memory_space<semaphore_mem>>
      %dma_wait3A_460 = tpu.memref_squeeze %dma_wait3A_459 : memref<1x!tpu.dma_semaphore, #tpu.memory_space<semaphore_mem>> -> memref<!tpu.dma_semaphore, #tpu.memory_space<semaphore_mem>>
      %dma_wait3A_461 = tpu.memref_slice %arg2[%mul3A_2] : memref<49152000xf32, #tpu.memory_space<hbm>> -> memref<15360xf32, #tpu.memory_space<hbm>>
      tpu.wait_dma2 semaphore(%dma_wait3A_460 : memref<!tpu.dma_semaphore, #tpu.memory_space<semaphore_mem>>) src(%dma_wait3A_461 : memref<15360xf32, #tpu.memory_space<hbm>>) dst(%arg5 : memref<15360xf32, #tpu.memory_space<vmem>>)
      %dma_wait3A_462 = arith.constant 1 : i32
      %dma_wait3A_463 = tpu.memref_slice %arg3[%mul3A_4] : memref<16384000xf32, #tpu.memory_space<hbm>> -> memref<5120xf32, #tpu.memory_space<hbm>>
      %dma_wait3A_464 = tpu.memref_slice %arg11[%dma_wait3A_462] : memref<2x!tpu.dma_semaphore, #tpu.memory_space<semaphore_mem>> -> memref<1x!tpu.dma_semaphore, #tpu.memory_space<semaphore_mem>>
      %dma_wait3A_465 = tpu.memref_squeeze %dma_wait3A_464 : memref<1x!tpu.dma_semaphore, #tpu.memory_space<semaphore_mem>> -> memref<!tpu.dma_semaphore, #tpu.memory_space<semaphore_mem>>
      %dma_wait3A_466 = tpu.memref_slice %arg3[%mul3A_4] : memref<16384000xf32, #tpu.memory_space<hbm>> -> memref<5120xf32, #tpu.memory_space<hbm>>
      tpu.wait_dma2 semaphore(%dma_wait3A_465 : memref<!tpu.dma_semaphore, #tpu.memory_space<semaphore_mem>>) src(%arg9 : memref<5120xf32, #tpu.memory_space<vmem>>) dst(%dma_wait3A_466 : memref<5120xf32, #tpu.memory_space<hbm>>)
      %add3A_467 = arith.constant 3 : i32
      %add3A_468 = arith.addi %add3A_456, %add3A_467 : i32
      %mul3A_469 = arith.constant 15360 : i32
      %mul3A_470 = arith.muli %add3A_468, %mul3A_469 : i32
      %add3A_471 = arith.addi %mul3A_2, %mul3A_470 : i32
      %dma_start3A_472 = arith.constant 0 : i32
      %dma_start3A_473 = tpu.memref_slice %arg2[%add3A_471] : memref<49152000xf32, #tpu.memory_space<hbm>> -> memref<15360xf32, #tpu.memory_space<hbm>>
      %dma_start3A_474 = tpu.memref_slice %arg10[%dma_start3A_472] : memref<4x!tpu.dma_semaphore, #tpu.memory_space<semaphore_mem>> -> memref<1x!tpu.dma_semaphore, #tpu.memory_space<semaphore_mem>>
      %dma_start3A_475 = tpu.memref_squeeze %dma_start3A_474 : memref<1x!tpu.dma_semaphore, #tpu.memory_space<semaphore_mem>> -> memref<!tpu.dma_semaphore, #tpu.memory_space<semaphore_mem>>
      %dma_start3A_476 = tpu.memref_slice %arg2[%add3A_471] : memref<49152000xf32, #tpu.memory_space<hbm>> -> memref<15360xf32, #tpu.memory_space<hbm>>
      tpu.enqueue_dma source(%dma_start3A_476 : memref<15360xf32, #tpu.memory_space<hbm>>) target(%arg4 : memref<15360xf32, #tpu.memory_space<vmem>>) target_semaphore(%dma_start3A_475 : memref<!tpu.dma_semaphore, #tpu.memory_space<semaphore_mem>>)
      %parallel_loop3A_477 = arith.constant 0 : i32
      %parallel_loop3A_478 = arith.constant 40 : i32
      %parallel_loop3A_479 = arith.constant 1 : i32
      scf.for %parallel_loop3A_489 = %parallel_loop3A_477 to %parallel_loop3A_478 step %parallel_loop3A_479  : i32 {
        %parallel_loop3A_490 = arith.constant 3 : i32
        %parallel_loop3A_491 = arith.shrsi %parallel_loop3A_489, %parallel_loop3A_490 : i32
        %parallel_loop3A_492 = arith.constant 7 : i32
        %parallel_loop3A_493 = arith.shli %parallel_loop3A_489, %parallel_loop3A_492 : i32
        %parallel_loop3A_494 = arith.constant 11 : i32
        %parallel_loop3A_495 = arith.shli %parallel_loop3A_491, %parallel_loop3A_494 : i32
        %parallel_loop3A_496 = arith.addi %parallel_loop3A_493, %parallel_loop3A_495 : i32
        %parallel_loop3A_497 = arith.constant 128 : i32
        %parallel_loop3A_498 = arith.muli %parallel_loop3A_489, %parallel_loop3A_497 : i32
        %parallel_loop3A_499 = vector.broadcast %parallel_loop3A_496 : i32 to vector<16xi32>
        %parallel_loop3A_500 = arith.addi %add3A_18, %parallel_loop3A_499 : vector<16xi32>
        %parallel_loop3A_501 = tpu.vector_load_idx %arg5[%parallel_loop3A_500] : memref<15360xf32, #tpu.memory_space<vmem>>[vector<16xi32>], vector<16xf32>,
        %parallel_loop3A_502 = arith.constant 0 : i32
        %parallel_loop3A_503 = arith.addi %parallel_loop3A_498, %parallel_loop3A_502 : i32
        %parallel_loop3A_504 = arith.index_cast %parallel_loop3A_503 : i32 to index
        %parallel_loop3A_505 = tpu.vector_load %arg9[%parallel_loop3A_504] {strides = array<i32>} : memref<5120xf32, #tpu.memory_space<vmem>>, vector<16xf32>,
        tpu.vector_store %arg9[%parallel_loop3A_504], %parallel_loop3A_501 {strides = array<i32>} : memref<5120xf32, #tpu.memory_space<vmem>>, vector<16xf32>,
        %parallel_loop3A_506 = vector.broadcast %parallel_loop3A_496 : i32 to vector<16xi32>
        %parallel_loop3A_507 = arith.addi %add3A_34, %parallel_loop3A_506 : vector<16xi32>
        %parallel_loop3A_508 = tpu.vector_load_idx %arg5[%parallel_loop3A_507] : memref<15360xf32, #tpu.memory_space<vmem>>[vector<16xi32>], vector<16xf32>,
        %parallel_loop3A_509 = arith.constant 16 : i32
        %parallel_loop3A_510 = arith.addi %parallel_loop3A_498, %parallel_loop3A_509 : i32
        %parallel_loop3A_511 = arith.index_cast %parallel_loop3A_510 : i32 to index
        %parallel_loop3A_512 = tpu.vector_load %arg9[%parallel_loop3A_511] {strides = array<i32>} : memref<5120xf32, #tpu.memory_space<vmem>>, vector<16xf32>,
        tpu.vector_store %arg9[%parallel_loop3A_511], %parallel_loop3A_508 {strides = array<i32>} : memref<5120xf32, #tpu.memory_space<vmem>>, vector<16xf32>,
        %parallel_loop3A_513 = vector.broadcast %parallel_loop3A_496 : i32 to vector<16xi32>
        %parallel_loop3A_514 = arith.addi %add3A_50, %parallel_loop3A_513 : vector<16xi32>
        %parallel_loop3A_515 = tpu.vector_load_idx %arg5[%parallel_loop3A_514] : memref<15360xf32, #tpu.memory_space<vmem>>[vector<16xi32>], vector<16xf32>,
        %parallel_loop3A_516 = arith.constant 32 : i32
        %parallel_loop3A_517 = arith.addi %parallel_loop3A_498, %parallel_loop3A_516 : i32
        %parallel_loop3A_518 = arith.index_cast %parallel_loop3A_517 : i32 to index
        %parallel_loop3A_519 = tpu.vector_load %arg9[%parallel_loop3A_518] {strides = array<i32>} : memref<5120xf32, #tpu.memory_space<vmem>>, vector<16xf32>,
        tpu.vector_store %arg9[%parallel_loop3A_518], %parallel_loop3A_515 {strides = array<i32>} : memref<5120xf32, #tpu.memory_space<vmem>>, vector<16xf32>,
        %parallel_loop3A_520 = vector.broadcast %parallel_loop3A_496 : i32 to vector<16xi32>
        %parallel_loop3A_521 = arith.addi %add3A_66, %parallel_loop3A_520 : vector<16xi32>
        %parallel_loop3A_522 = tpu.vector_load_idx %arg5[%parallel_loop3A_521] : memref<15360xf32, #tpu.memory_space<vmem>>[vector<16xi32>], vector<16xf32>,
        %parallel_loop3A_523 = arith.constant 48 : i32
        %parallel_loop3A_524 = arith.addi %parallel_loop3A_498, %parallel_loop3A_523 : i32
        %parallel_loop3A_525 = arith.index_cast %parallel_loop3A_524 : i32 to index
        %parallel_loop3A_526 = tpu.vector_load %arg9[%parallel_loop3A_525] {strides = array<i32>} : memref<5120xf32, #tpu.memory_space<vmem>>, vector<16xf32>,
        tpu.vector_store %arg9[%parallel_loop3A_525], %parallel_loop3A_522 {strides = array<i32>} : memref<5120xf32, #tpu.memory_space<vmem>>, vector<16xf32>,
        %parallel_loop3A_527 = vector.broadcast %parallel_loop3A_496 : i32 to vector<16xi32>
        %parallel_loop3A_528 = arith.addi %add3A_82, %parallel_loop3A_527 : vector<16xi32>
        %parallel_loop3A_529 = tpu.vector_load_idx %arg5[%parallel_loop3A_528] : memref<15360xf32, #tpu.memory_space<vmem>>[vector<16xi32>], vector<16xf32>,
        %parallel_loop3A_530 = arith.constant 64 : i32
        %parallel_loop3A_531 = arith.addi %parallel_loop3A_498, %parallel_loop3A_530 : i32
        %parallel_loop3A_532 = arith.index_cast %parallel_loop3A_531 : i32 to index
        %parallel_loop3A_533 = tpu.vector_load %arg9[%parallel_loop3A_532] {strides = array<i32>} : memref<5120xf32, #tpu.memory_space<vmem>>, vector<16xf32>,
        tpu.vector_store %arg9[%parallel_loop3A_532], %parallel_loop3A_529 {strides = array<i32>} : memref<5120xf32, #tpu.memory_space<vmem>>, vector<16xf32>,
        %parallel_loop3A_534 = vector.broadcast %parallel_loop3A_496 : i32 to vector<16xi32>
        %parallel_loop3A_535 = arith.addi %add3A_98, %parallel_loop3A_534 : vector<16xi32>
        %parallel_loop3A_536 = tpu.vector_load_idx %arg5[%parallel_loop3A_535] : memref<15360xf32, #tpu.memory_space<vmem>>[vector<16xi32>], vector<16xf32>,
        %parallel_loop3A_537 = arith.constant 80 : i32
        %parallel_loop3A_538 = arith.addi %parallel_loop3A_498, %parallel_loop3A_537 : i32
        %parallel_loop3A_539 = arith.index_cast %parallel_loop3A_538 : i32 to index
        %parallel_loop3A_540 = tpu.vector_load %arg9[%parallel_loop3A_539] {strides = array<i32>} : memref<5120xf32, #tpu.memory_space<vmem>>, vector<16xf32>,
        tpu.vector_store %arg9[%parallel_loop3A_539], %parallel_loop3A_536 {strides = array<i32>} : memref<5120xf32, #tpu.memory_space<vmem>>, vector<16xf32>,
        %parallel_loop3A_541 = vector.broadcast %parallel_loop3A_496 : i32 to vector<16xi32>
        %parallel_loop3A_542 = arith.addi %add3A_114, %parallel_loop3A_541 : vector<16xi32>
        %parallel_loop3A_543 = tpu.vector_load_idx %arg5[%parallel_loop3A_542] : memref<15360xf32, #tpu.memory_space<vmem>>[vector<16xi32>], vector<16xf32>,
        %parallel_loop3A_544 = arith.constant 96 : i32
        %parallel_loop3A_545 = arith.addi %parallel_loop3A_498, %parallel_loop3A_544 : i32
        %parallel_loop3A_546 = arith.index_cast %parallel_loop3A_545 : i32 to index
        %parallel_loop3A_547 = tpu.vector_load %arg9[%parallel_loop3A_546] {strides = array<i32>} : memref<5120xf32, #tpu.memory_space<vmem>>, vector<16xf32>,
        tpu.vector_store %arg9[%parallel_loop3A_546], %parallel_loop3A_543 {strides = array<i32>} : memref<5120xf32, #tpu.memory_space<vmem>>, vector<16xf32>,
        %parallel_loop3A_548 = vector.broadcast %parallel_loop3A_496 : i32 to vector<16xi32>
        %parallel_loop3A_549 = arith.addi %add3A_130, %parallel_loop3A_548 : vector<16xi32>
        %parallel_loop3A_550 = tpu.vector_load_idx %arg5[%parallel_loop3A_549] : memref<15360xf32, #tpu.memory_space<vmem>>[vector<16xi32>], vector<16xf32>,
        %parallel_loop3A_551 = arith.constant 112 : i32
        %parallel_loop3A_552 = arith.addi %parallel_loop3A_498, %parallel_loop3A_551 : i32
        %parallel_loop3A_553 = arith.index_cast %parallel_loop3A_552 : i32 to index
        %parallel_loop3A_554 = tpu.vector_load %arg9[%parallel_loop3A_553] {strides = array<i32>} : memref<5120xf32, #tpu.memory_space<vmem>>, vector<16xf32>,
        tpu.vector_store %arg9[%parallel_loop3A_553], %parallel_loop3A_550 {strides = array<i32>} : memref<5120xf32, #tpu.memory_space<vmem>>, vector<16xf32>,
      } {sc.loop_unroll_factor = 4 : i64, sc.parallel_access}
      %mul3A_480 = arith.constant 5120 : i32
      %mul3A_481 = arith.muli %add3A_456, %mul3A_480 : i32
      %add3A_482 = arith.addi %mul3A_4, %mul3A_481 : i32
      %dma_start3A_483 = arith.constant 1 : i32
      %dma_start3A_484 = tpu.memref_slice %arg3[%add3A_482] : memref<16384000xf32, #tpu.memory_space<hbm>> -> memref<5120xf32, #tpu.memory_space<hbm>>
      %dma_start3A_485 = tpu.memref_slice %arg11[%dma_start3A_483] : memref<2x!tpu.dma_semaphore, #tpu.memory_space<semaphore_mem>> -> memref<1x!tpu.dma_semaphore, #tpu.memory_space<semaphore_mem>>
      %dma_start3A_486 = tpu.memref_squeeze %dma_start3A_485 : memref<1x!tpu.dma_semaphore, #tpu.memory_space<semaphore_mem>> -> memref<!tpu.dma_semaphore, #tpu.memory_space<semaphore_mem>>
      %dma_start3A_487 = tpu.memref_slice %arg3[%add3A_482] : memref<16384000xf32, #tpu.memory_space<hbm>> -> memref<5120xf32, #tpu.memory_space<hbm>>
      tpu.enqueue_dma source(%arg9 : memref<5120xf32, #tpu.memory_space<vmem>>) target(%dma_start3A_487 : memref<5120xf32, #tpu.memory_space<hbm>>) target_semaphore(%dma_start3A_486 : memref<!tpu.dma_semaphore, #tpu.memory_space<semaphore_mem>>)
      %scan3A_488 = arith.constant 0 : i32
      scf.yield %scan3A_488 : i32
    }
    %scan3A_198 = arith.constant 23 : i32
    %dma_wait3A_199 = arith.constant 2 : i32
    %dma_wait3A_200 = tpu.memref_slice %arg2[%mul3A_2] : memref<49152000xf32, #tpu.memory_space<hbm>> -> memref<15360xf32, #tpu.memory_space<hbm>>
    %dma_wait3A_201 = tpu.memref_slice %arg10[%dma_wait3A_199] : memref<4x!tpu.dma_semaphore, #tpu.memory_space<semaphore_mem>> -> memref<1x!tpu.dma_semaphore, #tpu.memory_space<semaphore_mem>>
    %dma_wait3A_202 = tpu.memref_squeeze %dma_wait3A_201 : memref<1x!tpu.dma_semaphore, #tpu.memory_space<semaphore_mem>> -> memref<!tpu.dma_semaphore, #tpu.memory_space<semaphore_mem>>
    %dma_wait3A_203 = tpu.memref_slice %arg2[%mul3A_2] : memref<49152000xf32, #tpu.memory_space<hbm>> -> memref<15360xf32, #tpu.memory_space<hbm>>
    tpu.wait_dma2 semaphore(%dma_wait3A_202 : memref<!tpu.dma_semaphore, #tpu.memory_space<semaphore_mem>>) src(%dma_wait3A_203 : memref<15360xf32, #tpu.memory_space<hbm>>) dst(%arg6 : memref<15360xf32, #tpu.memory_space<vmem>>)
    %dma_wait3A_204 = arith.constant 0 : i32
    %dma_wait3A_205 = tpu.memref_slice %arg3[%mul3A_4] : memref<16384000xf32, #tpu.memory_space<hbm>> -> memref<5120xf32, #tpu.memory_space<hbm>>
    %dma_wait3A_206 = tpu.memref_slice %arg11[%dma_wait3A_204] : memref<2x!tpu.dma_semaphore, #tpu.memory_space<semaphore_mem>> -> memref<1x!tpu.dma_semaphore, #tpu.memory_space<semaphore_mem>>
    %dma_wait3A_207 = tpu.memref_squeeze %dma_wait3A_206 : memref<1x!tpu.dma_semaphore, #tpu.memory_space<semaphore_mem>> -> memref<!tpu.dma_semaphore, #tpu.memory_space<semaphore_mem>>
    %dma_wait3A_208 = tpu.memref_slice %arg3[%mul3A_4] : memref<16384000xf32, #tpu.memory_space<hbm>> -> memref<5120xf32, #tpu.memory_space<hbm>>
    tpu.wait_dma2 semaphore(%dma_wait3A_207 : memref<!tpu.dma_semaphore, #tpu.memory_space<semaphore_mem>>) src(%arg8 : memref<5120xf32, #tpu.memory_space<vmem>>) dst(%dma_wait3A_208 : memref<5120xf32, #tpu.memory_space<hbm>>)
    %add3A_209 = arith.constant 1489920 : i32
    %add3A_210 = arith.addi %mul3A_2, %add3A_209 : i32
    %dma_start3A_211 = arith.constant 1 : i32
    %dma_start3A_212 = tpu.memref_slice %arg2[%add3A_210] : memref<49152000xf32, #tpu.memory_space<hbm>> -> memref<15360xf32, #tpu.memory_space<hbm>>
    %dma_start3A_213 = tpu.memref_slice %arg10[%dma_start3A_211] : memref<4x!tpu.dma_semaphore, #tpu.memory_space<semaphore_mem>> -> memref<1x!tpu.dma_semaphore, #tpu.memory_space<semaphore_mem>>
    %dma_start3A_214 = tpu.memref_squeeze %dma_start3A_213 : memref<1x!tpu.dma_semaphore, #tpu.memory_space<semaphore_mem>> -> memref<!tpu.dma_semaphore, #tpu.memory_space<semaphore_mem>>
    %dma_start3A_215 = tpu.memref_slice %arg2[%add3A_210] : memref<49152000xf32, #tpu.memory_space<hbm>> -> memref<15360xf32, #tpu.memory_space<hbm>>
    tpu.enqueue_dma source(%dma_start3A_215 : memref<15360xf32, #tpu.memory_space<hbm>>) target(%arg5 : memref<15360xf32, #tpu.memory_space<vmem>>) target_semaphore(%dma_start3A_214 : memref<!tpu.dma_semaphore, #tpu.memory_space<semaphore_mem>>)
    %parallel_loop3A_216 = arith.constant 0 : i32
    %parallel_loop3A_217 = arith.constant 40 : i32
    %parallel_loop3A_218 = arith.constant 1 : i32
    scf.for %parallel_loop3A_350 = %parallel_loop3A_216 to %parallel_loop3A_217 step %parallel_loop3A_218  : i32 {
      %parallel_loop3A_351 = arith.constant 3 : i32
      %parallel_loop3A_352 = arith.shrsi %parallel_loop3A_350, %parallel_loop3A_351 : i32
      %parallel_loop3A_353 = arith.constant 7 : i32
      %parallel_loop3A_354 = arith.shli %parallel_loop3A_350, %parallel_loop3A_353 : i32
      %parallel_loop3A_355 = arith.constant 11 : i32
      %parallel_loop3A_356 = arith.shli %parallel_loop3A_352, %parallel_loop3A_355 : i32
      %parallel_loop3A_357 = arith.addi %parallel_loop3A_354, %parallel_loop3A_356 : i32
      %parallel_loop3A_358 = arith.constant 128 : i32
      %parallel_loop3A_359 = arith.muli %parallel_loop3A_350, %parallel_loop3A_358 : i32
      %parallel_loop3A_360 = vector.broadcast %parallel_loop3A_357 : i32 to vector<16xi32>
      %parallel_loop3A_361 = arith.addi %add3A_18, %parallel_loop3A_360 : vector<16xi32>
      %parallel_loop3A_362 = tpu.vector_load_idx %arg6[%parallel_loop3A_361] : memref<15360xf32, #tpu.memory_space<vmem>>[vector<16xi32>], vector<16xf32>,
      %parallel_loop3A_363 = arith.constant 0 : i32
      %parallel_loop3A_364 = arith.addi %parallel_loop3A_359, %parallel_loop3A_363 : i32
      %parallel_loop3A_365 = arith.index_cast %parallel_loop3A_364 : i32 to index
      %parallel_loop3A_366 = tpu.vector_load %arg8[%parallel_loop3A_365] {strides = array<i32>} : memref<5120xf32, #tpu.memory_space<vmem>>, vector<16xf32>,
      tpu.vector_store %arg8[%parallel_loop3A_365], %parallel_loop3A_362 {strides = array<i32>} : memref<5120xf32, #tpu.memory_space<vmem>>, vector<16xf32>,
      %parallel_loop3A_367 = vector.broadcast %parallel_loop3A_357 : i32 to vector<16xi32>
      %parallel_loop3A_368 = arith.addi %add3A_34, %parallel_loop3A_367 : vector<16xi32>
      %parallel_loop3A_369 = tpu.vector_load_idx %arg6[%parallel_loop3A_368] : memref<15360xf32, #tpu.memory_space<vmem>>[vector<16xi32>], vector<16xf32>,
      %parallel_loop3A_370 = arith.constant 16 : i32
      %parallel_loop3A_371 = arith.addi %parallel_loop3A_359, %parallel_loop3A_370 : i32
      %parallel_loop3A_372 = arith.index_cast %parallel_loop3A_371 : i32 to index
      %parallel_loop3A_373 = tpu.vector_load %arg8[%parallel_loop3A_372] {strides = array<i32>} : memref<5120xf32, #tpu.memory_space<vmem>>, vector<16xf32>,
      tpu.vector_store %arg8[%parallel_loop3A_372], %parallel_loop3A_369 {strides = array<i32>} : memref<5120xf32, #tpu.memory_space<vmem>>, vector<16xf32>,
      %parallel_loop3A_374 = vector.broadcast %parallel_loop3A_357 : i32 to vector<16xi32>
      %parallel_loop3A_375 = arith.addi %add3A_50, %parallel_loop3A_374 : vector<16xi32>
      %parallel_loop3A_376 = tpu.vector_load_idx %arg6[%parallel_loop3A_375] : memref<15360xf32, #tpu.memory_space<vmem>>[vector<16xi32>], vector<16xf32>,
      %parallel_loop3A_377 = arith.constant 32 : i32
      %parallel_loop3A_378 = arith.addi %parallel_loop3A_359, %parallel_loop3A_377 : i32
      %parallel_loop3A_379 = arith.index_cast %parallel_loop3A_378 : i32 to index
      %parallel_loop3A_380 = tpu.vector_load %arg8[%parallel_loop3A_379] {strides = array<i32>} : memref<5120xf32, #tpu.memory_space<vmem>>, vector<16xf32>,
      tpu.vector_store %arg8[%parallel_loop3A_379], %parallel_loop3A_376 {strides = array<i32>} : memref<5120xf32, #tpu.memory_space<vmem>>, vector<16xf32>,
      %parallel_loop3A_381 = vector.broadcast %parallel_loop3A_357 : i32 to vector<16xi32>
      %parallel_loop3A_382 = arith.addi %add3A_66, %parallel_loop3A_381 : vector<16xi32>
      %parallel_loop3A_383 = tpu.vector_load_idx %arg6[%parallel_loop3A_382] : memref<15360xf32, #tpu.memory_space<vmem>>[vector<16xi32>], vector<16xf32>,
      %parallel_loop3A_384 = arith.constant 48 : i32
      %parallel_loop3A_385 = arith.addi %parallel_loop3A_359, %parallel_loop3A_384 : i32
      %parallel_loop3A_386 = arith.index_cast %parallel_loop3A_385 : i32 to index
      %parallel_loop3A_387 = tpu.vector_load %arg8[%parallel_loop3A_386] {strides = array<i32>} : memref<5120xf32, #tpu.memory_space<vmem>>, vector<16xf32>,
      tpu.vector_store %arg8[%parallel_loop3A_386], %parallel_loop3A_383 {strides = array<i32>} : memref<5120xf32, #tpu.memory_space<vmem>>, vector<16xf32>,
      %parallel_loop3A_388 = vector.broadcast %parallel_loop3A_357 : i32 to vector<16xi32>
      %parallel_loop3A_389 = arith.addi %add3A_82, %parallel_loop3A_388 : vector<16xi32>
      %parallel_loop3A_390 = tpu.vector_load_idx %arg6[%parallel_loop3A_389] : memref<15360xf32, #tpu.memory_space<vmem>>[vector<16xi32>], vector<16xf32>,
      %parallel_loop3A_391 = arith.constant 64 : i32
      %parallel_loop3A_392 = arith.addi %parallel_loop3A_359, %parallel_loop3A_391 : i32
      %parallel_loop3A_393 = arith.index_cast %parallel_loop3A_392 : i32 to index
      %parallel_loop3A_394 = tpu.vector_load %arg8[%parallel_loop3A_393] {strides = array<i32>} : memref<5120xf32, #tpu.memory_space<vmem>>, vector<16xf32>,
      tpu.vector_store %arg8[%parallel_loop3A_393], %parallel_loop3A_390 {strides = array<i32>} : memref<5120xf32, #tpu.memory_space<vmem>>, vector<16xf32>,
      %parallel_loop3A_395 = vector.broadcast %parallel_loop3A_357 : i32 to vector<16xi32>
      %parallel_loop3A_396 = arith.addi %add3A_98, %parallel_loop3A_395 : vector<16xi32>
      %parallel_loop3A_397 = tpu.vector_load_idx %arg6[%parallel_loop3A_396] : memref<15360xf32, #tpu.memory_space<vmem>>[vector<16xi32>], vector<16xf32>,
      %parallel_loop3A_398 = arith.constant 80 : i32
      %parallel_loop3A_399 = arith.addi %parallel_loop3A_359, %parallel_loop3A_398 : i32
      %parallel_loop3A_400 = arith.index_cast %parallel_loop3A_399 : i32 to index
      %parallel_loop3A_401 = tpu.vector_load %arg8[%parallel_loop3A_400] {strides = array<i32>} : memref<5120xf32, #tpu.memory_space<vmem>>, vector<16xf32>,
      tpu.vector_store %arg8[%parallel_loop3A_400], %parallel_loop3A_397 {strides = array<i32>} : memref<5120xf32, #tpu.memory_space<vmem>>, vector<16xf32>,
      %parallel_loop3A_402 = vector.broadcast %parallel_loop3A_357 : i32 to vector<16xi32>
      %parallel_loop3A_403 = arith.addi %add3A_114, %parallel_loop3A_402 : vector<16xi32>
      %parallel_loop3A_404 = tpu.vector_load_idx %arg6[%parallel_loop3A_403] : memref<15360xf32, #tpu.memory_space<vmem>>[vector<16xi32>], vector<16xf32>,
      %parallel_loop3A_405 = arith.constant 96 : i32
      %parallel_loop3A_406 = arith.addi %parallel_loop3A_359, %parallel_loop3A_405 : i32
      %parallel_loop3A_407 = arith.index_cast %parallel_loop3A_406 : i32 to index
      %parallel_loop3A_408 = tpu.vector_load %arg8[%parallel_loop3A_407] {strides = array<i32>} : memref<5120xf32, #tpu.memory_space<vmem>>, vector<16xf32>,
      tpu.vector_store %arg8[%parallel_loop3A_407], %parallel_loop3A_404 {strides = array<i32>} : memref<5120xf32, #tpu.memory_space<vmem>>, vector<16xf32>,
      %parallel_loop3A_409 = vector.broadcast %parallel_loop3A_357 : i32 to vector<16xi32>
      %parallel_loop3A_410 = arith.addi %add3A_130, %parallel_loop3A_409 : vector<16xi32>
      %parallel_loop3A_411 = tpu.vector_load_idx %arg6[%parallel_loop3A_410] : memref<15360xf32, #tpu.memory_space<vmem>>[vector<16xi32>], vector<16xf32>,
      %parallel_loop3A_412 = arith.constant 112 : i32
      %parallel_loop3A_413 = arith.addi %parallel_loop3A_359, %parallel_loop3A_412 : i32
      %parallel_loop3A_414 = arith.index_cast %parallel_loop3A_413 : i32 to index
      %parallel_loop3A_415 = tpu.vector_load %arg8[%parallel_loop3A_414] {strides = array<i32>} : memref<5120xf32, #tpu.memory_space<vmem>>, vector<16xf32>,
      tpu.vector_store %arg8[%parallel_loop3A_414], %parallel_loop3A_411 {strides = array<i32>} : memref<5120xf32, #tpu.memory_space<vmem>>, vector<16xf32>,
    } {sc.loop_unroll_factor = 4 : i64, sc.parallel_access}
    %add3A_219 = arith.constant 481280 : i32
    %add3A_220 = arith.addi %mul3A_4, %add3A_219 : i32
    %dma_start3A_221 = arith.constant 0 : i32
    %dma_start3A_222 = tpu.memref_slice %arg3[%add3A_220] : memref<16384000xf32, #tpu.memory_space<hbm>> -> memref<5120xf32, #tpu.memory_space<hbm>>
    %dma_start3A_223 = tpu.memref_slice %arg11[%dma_start3A_221] : memref<2x!tpu.dma_semaphore, #tpu.memory_space<semaphore_mem>> -> memref<1x!tpu.dma_semaphore, #tpu.memory_space<semaphore_mem>>
    %dma_start3A_224 = tpu.memref_squeeze %dma_start3A_223 : memref<1x!tpu.dma_semaphore, #tpu.memory_space<semaphore_mem>> -> memref<!tpu.dma_semaphore, #tpu.memory_space<semaphore_mem>>
    %dma_start3A_225 = tpu.memref_slice %arg3[%add3A_220] : memref<16384000xf32, #tpu.memory_space<hbm>> -> memref<5120xf32, #tpu.memory_space<hbm>>
    tpu.enqueue_dma source(%arg8 : memref<5120xf32, #tpu.memory_space<vmem>>) target(%dma_start3A_225 : memref<5120xf32, #tpu.memory_space<hbm>>) target_semaphore(%dma_start3A_224 : memref<!tpu.dma_semaphore, #tpu.memory_space<semaphore_mem>>)
    %dma_wait3A_226 = arith.constant 3 : i32
    %dma_wait3A_227 = tpu.memref_slice %arg2[%mul3A_2] : memref<49152000xf32, #tpu.memory_space<hbm>> -> memref<15360xf32, #tpu.memory_space<hbm>>
    %dma_wait3A_228 = tpu.memref_slice %arg10[%dma_wait3A_226] : memref<4x!tpu.dma_semaphore, #tpu.memory_space<semaphore_mem>> -> memref<1x!tpu.dma_semaphore, #tpu.memory_space<semaphore_mem>>
    %dma_wait3A_229 = tpu.memref_squeeze %dma_wait3A_228 : memref<1x!tpu.dma_semaphore, #tpu.memory_space<semaphore_mem>> -> memref<!tpu.dma_semaphore, #tpu.memory_space<semaphore_mem>>
    %dma_wait3A_230 = tpu.memref_slice %arg2[%mul3A_2] : memref<49152000xf32, #tpu.memory_space<hbm>> -> memref<15360xf32, #tpu.memory_space<hbm>>
    tpu.wait_dma2 semaphore(%dma_wait3A_229 : memref<!tpu.dma_semaphore, #tpu.memory_space<semaphore_mem>>) src(%dma_wait3A_230 : memref<15360xf32, #tpu.memory_space<hbm>>) dst(%arg7 : memref<15360xf32, #tpu.memory_space<vmem>>)
    %dma_wait3A_231 = arith.constant 1 : i32
    %dma_wait3A_232 = tpu.memref_slice %arg3[%mul3A_4] : memref<16384000xf32, #tpu.memory_space<hbm>> -> memref<5120xf32, #tpu.memory_space<hbm>>
    %dma_wait3A_233 = tpu.memref_slice %arg11[%dma_wait3A_231] : memref<2x!tpu.dma_semaphore, #tpu.memory_space<semaphore_mem>> -> memref<1x!tpu.dma_semaphore, #tpu.memory_space<semaphore_mem>>
    %dma_wait3A_234 = tpu.memref_squeeze %dma_wait3A_233 : memref<1x!tpu.dma_semaphore, #tpu.memory_space<semaphore_mem>> -> memref<!tpu.dma_semaphore, #tpu.memory_space<semaphore_mem>>
    %dma_wait3A_235 = tpu.memref_slice %arg3[%mul3A_4] : memref<16384000xf32, #tpu.memory_space<hbm>> -> memref<5120xf32, #tpu.memory_space<hbm>>
    tpu.wait_dma2 semaphore(%dma_wait3A_234 : memref<!tpu.dma_semaphore, #tpu.memory_space<semaphore_mem>>) src(%arg9 : memref<5120xf32, #tpu.memory_space<vmem>>) dst(%dma_wait3A_235 : memref<5120xf32, #tpu.memory_space<hbm>>)
    %add3A_236 = arith.constant 1505280 : i32
    %add3A_237 = arith.addi %mul3A_2, %add3A_236 : i32
    %dma_start3A_238 = arith.constant 2 : i32
    %dma_start3A_239 = tpu.memref_slice %arg2[%add3A_237] : memref<49152000xf32, #tpu.memory_space<hbm>> -> memref<15360xf32, #tpu.memory_space<hbm>>
    %dma_start3A_240 = tpu.memref_slice %arg10[%dma_start3A_238] : memref<4x!tpu.dma_semaphore, #tpu.memory_space<semaphore_mem>> -> memref<1x!tpu.dma_semaphore, #tpu.memory_space<semaphore_mem>>
    %dma_start3A_241 = tpu.memref_squeeze %dma_start3A_240 : memref<1x!tpu.dma_semaphore, #tpu.memory_space<semaphore_mem>> -> memref<!tpu.dma_semaphore, #tpu.memory_space<semaphore_mem>>
    %dma_start3A_242 = tpu.memref_slice %arg2[%add3A_237] : memref<49152000xf32, #tpu.memory_space<hbm>> -> memref<15360xf32, #tpu.memory_space<hbm>>
    tpu.enqueue_dma source(%dma_start3A_242 : memref<15360xf32, #tpu.memory_space<hbm>>) target(%arg6 : memref<15360xf32, #tpu.memory_space<vmem>>) target_semaphore(%dma_start3A_241 : memref<!tpu.dma_semaphore, #tpu.memory_space<semaphore_mem>>)
    %parallel_loop3A_243 = arith.constant 0 : i32
    %parallel_loop3A_244 = arith.constant 40 : i32
    %parallel_loop3A_245 = arith.constant 1 : i32
    scf.for %parallel_loop3A_350 = %parallel_loop3A_243 to %parallel_loop3A_244 step %parallel_loop3A_245  : i32 {
      %parallel_loop3A_351 = arith.constant 3 : i32
      %parallel_loop3A_352 = arith.shrsi %parallel_loop3A_350, %parallel_loop3A_351 : i32
      %parallel_loop3A_353 = arith.constant 7 : i32
      %parallel_loop3A_354 = arith.shli %parallel_loop3A_350, %parallel_loop3A_353 : i32
      %parallel_loop3A_355 = arith.constant 11 : i32
      %parallel_loop3A_356 = arith.shli %parallel_loop3A_352, %parallel_loop3A_355 : i32
      %parallel_loop3A_357 = arith.addi %parallel_loop3A_354, %parallel_loop3A_356 : i32
      %parallel_loop3A_358 = arith.constant 128 : i32
      %parallel_loop3A_359 = arith.muli %parallel_loop3A_350, %parallel_loop3A_358 : i32
      %parallel_loop3A_360 = vector.broadcast %parallel_loop3A_357 : i32 to vector<16xi32>
      %parallel_loop3A_361 = arith.addi %add3A_18, %parallel_loop3A_360 : vector<16xi32>
      %parallel_loop3A_362 = tpu.vector_load_idx %arg7[%parallel_loop3A_361] : memref<15360xf32, #tpu.memory_space<vmem>>[vector<16xi32>], vector<16xf32>,
      %parallel_loop3A_363 = arith.constant 0 : i32
      %parallel_loop3A_364 = arith.addi %parallel_loop3A_359, %parallel_loop3A_363 : i32
      %parallel_loop3A_365 = arith.index_cast %parallel_loop3A_364 : i32 to index
      %parallel_loop3A_366 = tpu.vector_load %arg9[%parallel_loop3A_365] {strides = array<i32>} : memref<5120xf32, #tpu.memory_space<vmem>>, vector<16xf32>,
      tpu.vector_store %arg9[%parallel_loop3A_365], %parallel_loop3A_362 {strides = array<i32>} : memref<5120xf32, #tpu.memory_space<vmem>>, vector<16xf32>,
      %parallel_loop3A_367 = vector.broadcast %parallel_loop3A_357 : i32 to vector<16xi32>
      %parallel_loop3A_368 = arith.addi %add3A_34, %parallel_loop3A_367 : vector<16xi32>
      %parallel_loop3A_369 = tpu.vector_load_idx %arg7[%parallel_loop3A_368] : memref<15360xf32, #tpu.memory_space<vmem>>[vector<16xi32>], vector<16xf32>,
      %parallel_loop3A_370 = arith.constant 16 : i32
      %parallel_loop3A_371 = arith.addi %parallel_loop3A_359, %parallel_loop3A_370 : i32
      %parallel_loop3A_372 = arith.index_cast %parallel_loop3A_371 : i32 to index
      %parallel_loop3A_373 = tpu.vector_load %arg9[%parallel_loop3A_372] {strides = array<i32>} : memref<5120xf32, #tpu.memory_space<vmem>>, vector<16xf32>,
      tpu.vector_store %arg9[%parallel_loop3A_372], %parallel_loop3A_369 {strides = array<i32>} : memref<5120xf32, #tpu.memory_space<vmem>>, vector<16xf32>,
      %parallel_loop3A_374 = vector.broadcast %parallel_loop3A_357 : i32 to vector<16xi32>
      %parallel_loop3A_375 = arith.addi %add3A_50, %parallel_loop3A_374 : vector<16xi32>
      %parallel_loop3A_376 = tpu.vector_load_idx %arg7[%parallel_loop3A_375] : memref<15360xf32, #tpu.memory_space<vmem>>[vector<16xi32>], vector<16xf32>,
      %parallel_loop3A_377 = arith.constant 32 : i32
      %parallel_loop3A_378 = arith.addi %parallel_loop3A_359, %parallel_loop3A_377 : i32
      %parallel_loop3A_379 = arith.index_cast %parallel_loop3A_378 : i32 to index
      %parallel_loop3A_380 = tpu.vector_load %arg9[%parallel_loop3A_379] {strides = array<i32>} : memref<5120xf32, #tpu.memory_space<vmem>>, vector<16xf32>,
      tpu.vector_store %arg9[%parallel_loop3A_379], %parallel_loop3A_376 {strides = array<i32>} : memref<5120xf32, #tpu.memory_space<vmem>>, vector<16xf32>,
      %parallel_loop3A_381 = vector.broadcast %parallel_loop3A_357 : i32 to vector<16xi32>
      %parallel_loop3A_382 = arith.addi %add3A_66, %parallel_loop3A_381 : vector<16xi32>
      %parallel_loop3A_383 = tpu.vector_load_idx %arg7[%parallel_loop3A_382] : memref<15360xf32, #tpu.memory_space<vmem>>[vector<16xi32>], vector<16xf32>,
      %parallel_loop3A_384 = arith.constant 48 : i32
      %parallel_loop3A_385 = arith.addi %parallel_loop3A_359, %parallel_loop3A_384 : i32
      %parallel_loop3A_386 = arith.index_cast %parallel_loop3A_385 : i32 to index
      %parallel_loop3A_387 = tpu.vector_load %arg9[%parallel_loop3A_386] {strides = array<i32>} : memref<5120xf32, #tpu.memory_space<vmem>>, vector<16xf32>,
      tpu.vector_store %arg9[%parallel_loop3A_386], %parallel_loop3A_383 {strides = array<i32>} : memref<5120xf32, #tpu.memory_space<vmem>>, vector<16xf32>,
      %parallel_loop3A_388 = vector.broadcast %parallel_loop3A_357 : i32 to vector<16xi32>
      %parallel_loop3A_389 = arith.addi %add3A_82, %parallel_loop3A_388 : vector<16xi32>
      %parallel_loop3A_390 = tpu.vector_load_idx %arg7[%parallel_loop3A_389] : memref<15360xf32, #tpu.memory_space<vmem>>[vector<16xi32>], vector<16xf32>,
      %parallel_loop3A_391 = arith.constant 64 : i32
      %parallel_loop3A_392 = arith.addi %parallel_loop3A_359, %parallel_loop3A_391 : i32
      %parallel_loop3A_393 = arith.index_cast %parallel_loop3A_392 : i32 to index
      %parallel_loop3A_394 = tpu.vector_load %arg9[%parallel_loop3A_393] {strides = array<i32>} : memref<5120xf32, #tpu.memory_space<vmem>>, vector<16xf32>,
      tpu.vector_store %arg9[%parallel_loop3A_393], %parallel_loop3A_390 {strides = array<i32>} : memref<5120xf32, #tpu.memory_space<vmem>>, vector<16xf32>,
      %parallel_loop3A_395 = vector.broadcast %parallel_loop3A_357 : i32 to vector<16xi32>
      %parallel_loop3A_396 = arith.addi %add3A_98, %parallel_loop3A_395 : vector<16xi32>
      %parallel_loop3A_397 = tpu.vector_load_idx %arg7[%parallel_loop3A_396] : memref<15360xf32, #tpu.memory_space<vmem>>[vector<16xi32>], vector<16xf32>,
      %parallel_loop3A_398 = arith.constant 80 : i32
      %parallel_loop3A_399 = arith.addi %parallel_loop3A_359, %parallel_loop3A_398 : i32
      %parallel_loop3A_400 = arith.index_cast %parallel_loop3A_399 : i32 to index
      %parallel_loop3A_401 = tpu.vector_load %arg9[%parallel_loop3A_400] {strides = array<i32>} : memref<5120xf32, #tpu.memory_space<vmem>>, vector<16xf32>,
      tpu.vector_store %arg9[%parallel_loop3A_400], %parallel_loop3A_397 {strides = array<i32>} : memref<5120xf32, #tpu.memory_space<vmem>>, vector<16xf32>,
      %parallel_loop3A_402 = vector.broadcast %parallel_loop3A_357 : i32 to vector<16xi32>
      %parallel_loop3A_403 = arith.addi %add3A_114, %parallel_loop3A_402 : vector<16xi32>
      %parallel_loop3A_404 = tpu.vector_load_idx %arg7[%parallel_loop3A_403] : memref<15360xf32, #tpu.memory_space<vmem>>[vector<16xi32>], vector<16xf32>,
      %parallel_loop3A_405 = arith.constant 96 : i32
      %parallel_loop3A_406 = arith.addi %parallel_loop3A_359, %parallel_loop3A_405 : i32
      %parallel_loop3A_407 = arith.index_cast %parallel_loop3A_406 : i32 to index
      %parallel_loop3A_408 = tpu.vector_load %arg9[%parallel_loop3A_407] {strides = array<i32>} : memref<5120xf32, #tpu.memory_space<vmem>>, vector<16xf32>,
      tpu.vector_store %arg9[%parallel_loop3A_407], %parallel_loop3A_404 {strides = array<i32>} : memref<5120xf32, #tpu.memory_space<vmem>>, vector<16xf32>,
      %parallel_loop3A_409 = vector.broadcast %parallel_loop3A_357 : i32 to vector<16xi32>
      %parallel_loop3A_410 = arith.addi %add3A_130, %parallel_loop3A_409 : vector<16xi32>
      %parallel_loop3A_411 = tpu.vector_load_idx %arg7[%parallel_loop3A_410] : memref<15360xf32, #tpu.memory_space<vmem>>[vector<16xi32>], vector<16xf32>,
      %parallel_loop3A_412 = arith.constant 112 : i32
      %parallel_loop3A_413 = arith.addi %parallel_loop3A_359, %parallel_loop3A_412 : i32
      %parallel_loop3A_414 = arith.index_cast %parallel_loop3A_413 : i32 to index
      %parallel_loop3A_415 = tpu.vector_load %arg9[%parallel_loop3A_414] {strides = array<i32>} : memref<5120xf32, #tpu.memory_space<vmem>>, vector<16xf32>,
      tpu.vector_store %arg9[%parallel_loop3A_414], %parallel_loop3A_411 {strides = array<i32>} : memref<5120xf32, #tpu.memory_space<vmem>>, vector<16xf32>,
    } {sc.loop_unroll_factor = 4 : i64, sc.parallel_access}
    %add3A_246 = arith.constant 486400 : i32
    %add3A_247 = arith.addi %mul3A_4, %add3A_246 : i32
    %dma_start3A_248 = arith.constant 1 : i32
    %dma_start3A_249 = tpu.memref_slice %arg3[%add3A_247] : memref<16384000xf32, #tpu.memory_space<hbm>> -> memref<5120xf32, #tpu.memory_space<hbm>>
    %dma_start3A_250 = tpu.memref_slice %arg11[%dma_start3A_248] : memref<2x!tpu.dma_semaphore, #tpu.memory_space<semaphore_mem>> -> memref<1x!tpu.dma_semaphore, #tpu.memory_space<semaphore_mem>>
    %dma_start3A_251 = tpu.memref_squeeze %dma_start3A_250 : memref<1x!tpu.dma_semaphore, #tpu.memory_space<semaphore_mem>> -> memref<!tpu.dma_semaphore, #tpu.memory_space<semaphore_mem>>
    %dma_start3A_252 = tpu.memref_slice %arg3[%add3A_247] : memref<16384000xf32, #tpu.memory_space<hbm>> -> memref<5120xf32, #tpu.memory_space<hbm>>
    tpu.enqueue_dma source(%arg9 : memref<5120xf32, #tpu.memory_space<vmem>>) target(%dma_start3A_252 : memref<5120xf32, #tpu.memory_space<hbm>>) target_semaphore(%dma_start3A_251 : memref<!tpu.dma_semaphore, #tpu.memory_space<semaphore_mem>>)
    %dma_wait3A_253 = arith.constant 0 : i32
    %dma_wait3A_254 = tpu.memref_slice %arg2[%mul3A_2] : memref<49152000xf32, #tpu.memory_space<hbm>> -> memref<15360xf32, #tpu.memory_space<hbm>>
    %dma_wait3A_255 = tpu.memref_slice %arg10[%dma_wait3A_253] : memref<4x!tpu.dma_semaphore, #tpu.memory_space<semaphore_mem>> -> memref<1x!tpu.dma_semaphore, #tpu.memory_space<semaphore_mem>>
    %dma_wait3A_256 = tpu.memref_squeeze %dma_wait3A_255 : memref<1x!tpu.dma_semaphore, #tpu.memory_space<semaphore_mem>> -> memref<!tpu.dma_semaphore, #tpu.memory_space<semaphore_mem>>
    %dma_wait3A_257 = tpu.memref_slice %arg2[%mul3A_2] : memref<49152000xf32, #tpu.memory_space<hbm>> -> memref<15360xf32, #tpu.memory_space<hbm>>
    tpu.wait_dma2 semaphore(%dma_wait3A_256 : memref<!tpu.dma_semaphore, #tpu.memory_space<semaphore_mem>>) src(%dma_wait3A_257 : memref<15360xf32, #tpu.memory_space<hbm>>) dst(%arg4 : memref<15360xf32, #tpu.memory_space<vmem>>)
    %dma_wait3A_258 = arith.constant 0 : i32
    %dma_wait3A_259 = tpu.memref_slice %arg3[%mul3A_4] : memref<16384000xf32, #tpu.memory_space<hbm>> -> memref<5120xf32, #tpu.memory_space<hbm>>
    %dma_wait3A_260 = tpu.memref_slice %arg11[%dma_wait3A_258] : memref<2x!tpu.dma_semaphore, #tpu.memory_space<semaphore_mem>> -> memref<1x!tpu.dma_semaphore, #tpu.memory_space<semaphore_mem>>
    %dma_wait3A_261 = tpu.memref_squeeze %dma_wait3A_260 : memref<1x!tpu.dma_semaphore, #tpu.memory_space<semaphore_mem>> -> memref<!tpu.dma_semaphore, #tpu.memory_space<semaphore_mem>>
    %dma_wait3A_262 = tpu.memref_slice %arg3[%mul3A_4] : memref<16384000xf32, #tpu.memory_space<hbm>> -> memref<5120xf32, #tpu.memory_space<hbm>>
    tpu.wait_dma2 semaphore(%dma_wait3A_261 : memref<!tpu.dma_semaphore, #tpu.memory_space<semaphore_mem>>) src(%arg8 : memref<5120xf32, #tpu.memory_space<vmem>>) dst(%dma_wait3A_262 : memref<5120xf32, #tpu.memory_space<hbm>>)
    %add3A_263 = arith.constant 1520640 : i32
    %add3A_264 = arith.addi %mul3A_2, %add3A_263 : i32
    %dma_start3A_265 = arith.constant 3 : i32
    %dma_start3A_266 = tpu.memref_slice %arg2[%add3A_264] : memref<49152000xf32, #tpu.memory_space<hbm>> -> memref<15360xf32, #tpu.memory_space<hbm>>
    %dma_start3A_267 = tpu.memref_slice %arg10[%dma_start3A_265] : memref<4x!tpu.dma_semaphore, #tpu.memory_space<semaphore_mem>> -> memref<1x!tpu.dma_semaphore, #tpu.memory_space<semaphore_mem>>
    %dma_start3A_268 = tpu.memref_squeeze %dma_start3A_267 : memref<1x!tpu.dma_semaphore, #tpu.memory_space<semaphore_mem>> -> memref<!tpu.dma_semaphore, #tpu.memory_space<semaphore_mem>>
    %dma_start3A_269 = tpu.memref_slice %arg2[%add3A_264] : memref<49152000xf32, #tpu.memory_space<hbm>> -> memref<15360xf32, #tpu.memory_space<hbm>>
    tpu.enqueue_dma source(%dma_start3A_269 : memref<15360xf32, #tpu.memory_space<hbm>>) target(%arg7 : memref<15360xf32, #tpu.memory_space<vmem>>) target_semaphore(%dma_start3A_268 : memref<!tpu.dma_semaphore, #tpu.memory_space<semaphore_mem>>)
    %parallel_loop3A_270 = arith.constant 0 : i32
    %parallel_loop3A_271 = arith.constant 40 : i32
    %parallel_loop3A_272 = arith.constant 1 : i32
    scf.for %parallel_loop3A_350 = %parallel_loop3A_270 to %parallel_loop3A_271 step %parallel_loop3A_272  : i32 {
      %parallel_loop3A_351 = arith.constant 3 : i32
      %parallel_loop3A_352 = arith.shrsi %parallel_loop3A_350, %parallel_loop3A_351 : i32
      %parallel_loop3A_353 = arith.constant 7 : i32
      %parallel_loop3A_354 = arith.shli %parallel_loop3A_350, %parallel_loop3A_353 : i32
      %parallel_loop3A_355 = arith.constant 11 : i32
      %parallel_loop3A_356 = arith.shli %parallel_loop3A_352, %parallel_loop3A_355 : i32
      %parallel_loop3A_357 = arith.addi %parallel_loop3A_354, %parallel_loop3A_356 : i32
      %parallel_loop3A_358 = arith.constant 128 : i32
      %parallel_loop3A_359 = arith.muli %parallel_loop3A_350, %parallel_loop3A_358 : i32
      %parallel_loop3A_360 = vector.broadcast %parallel_loop3A_357 : i32 to vector<16xi32>
      %parallel_loop3A_361 = arith.addi %add3A_18, %parallel_loop3A_360 : vector<16xi32>
      %parallel_loop3A_362 = tpu.vector_load_idx %arg4[%parallel_loop3A_361] : memref<15360xf32, #tpu.memory_space<vmem>>[vector<16xi32>], vector<16xf32>,
      %parallel_loop3A_363 = arith.constant 0 : i32
      %parallel_loop3A_364 = arith.addi %parallel_loop3A_359, %parallel_loop3A_363 : i32
      %parallel_loop3A_365 = arith.index_cast %parallel_loop3A_364 : i32 to index
      %parallel_loop3A_366 = tpu.vector_load %arg8[%parallel_loop3A_365] {strides = array<i32>} : memref<5120xf32, #tpu.memory_space<vmem>>, vector<16xf32>,
      tpu.vector_store %arg8[%parallel_loop3A_365], %parallel_loop3A_362 {strides = array<i32>} : memref<5120xf32, #tpu.memory_space<vmem>>, vector<16xf32>,
      %parallel_loop3A_367 = vector.broadcast %parallel_loop3A_357 : i32 to vector<16xi32>
      %parallel_loop3A_368 = arith.addi %add3A_34, %parallel_loop3A_367 : vector<16xi32>
      %parallel_loop3A_369 = tpu.vector_load_idx %arg4[%parallel_loop3A_368] : memref<15360xf32, #tpu.memory_space<vmem>>[vector<16xi32>], vector<16xf32>,
      %parallel_loop3A_370 = arith.constant 16 : i32
      %parallel_loop3A_371 = arith.addi %parallel_loop3A_359, %parallel_loop3A_370 : i32
      %parallel_loop3A_372 = arith.index_cast %parallel_loop3A_371 : i32 to index
      %parallel_loop3A_373 = tpu.vector_load %arg8[%parallel_loop3A_372] {strides = array<i32>} : memref<5120xf32, #tpu.memory_space<vmem>>, vector<16xf32>,
      tpu.vector_store %arg8[%parallel_loop3A_372], %parallel_loop3A_369 {strides = array<i32>} : memref<5120xf32, #tpu.memory_space<vmem>>, vector<16xf32>,
      %parallel_loop3A_374 = vector.broadcast %parallel_loop3A_357 : i32 to vector<16xi32>
      %parallel_loop3A_375 = arith.addi %add3A_50, %parallel_loop3A_374 : vector<16xi32>
      %parallel_loop3A_376 = tpu.vector_load_idx %arg4[%parallel_loop3A_375] : memref<15360xf32, #tpu.memory_space<vmem>>[vector<16xi32>], vector<16xf32>,
      %parallel_loop3A_377 = arith.constant 32 : i32
      %parallel_loop3A_378 = arith.addi %parallel_loop3A_359, %parallel_loop3A_377 : i32
      %parallel_loop3A_379 = arith.index_cast %parallel_loop3A_378 : i32 to index
      %parallel_loop3A_380 = tpu.vector_load %arg8[%parallel_loop3A_379] {strides = array<i32>} : memref<5120xf32, #tpu.memory_space<vmem>>, vector<16xf32>,
      tpu.vector_store %arg8[%parallel_loop3A_379], %parallel_loop3A_376 {strides = array<i32>} : memref<5120xf32, #tpu.memory_space<vmem>>, vector<16xf32>,
      %parallel_loop3A_381 = vector.broadcast %parallel_loop3A_357 : i32 to vector<16xi32>
      %parallel_loop3A_382 = arith.addi %add3A_66, %parallel_loop3A_381 : vector<16xi32>
      %parallel_loop3A_383 = tpu.vector_load_idx %arg4[%parallel_loop3A_382] : memref<15360xf32, #tpu.memory_space<vmem>>[vector<16xi32>], vector<16xf32>,
      %parallel_loop3A_384 = arith.constant 48 : i32
      %parallel_loop3A_385 = arith.addi %parallel_loop3A_359, %parallel_loop3A_384 : i32
      %parallel_loop3A_386 = arith.index_cast %parallel_loop3A_385 : i32 to index
      %parallel_loop3A_387 = tpu.vector_load %arg8[%parallel_loop3A_386] {strides = array<i32>} : memref<5120xf32, #tpu.memory_space<vmem>>, vector<16xf32>,
      tpu.vector_store %arg8[%parallel_loop3A_386], %parallel_loop3A_383 {strides = array<i32>} : memref<5120xf32, #tpu.memory_space<vmem>>, vector<16xf32>,
      %parallel_loop3A_388 = vector.broadcast %parallel_loop3A_357 : i32 to vector<16xi32>
      %parallel_loop3A_389 = arith.addi %add3A_82, %parallel_loop3A_388 : vector<16xi32>
      %parallel_loop3A_390 = tpu.vector_load_idx %arg4[%parallel_loop3A_389] : memref<15360xf32, #tpu.memory_space<vmem>>[vector<16xi32>], vector<16xf32>,
      %parallel_loop3A_391 = arith.constant 64 : i32
      %parallel_loop3A_392 = arith.addi %parallel_loop3A_359, %parallel_loop3A_391 : i32
      %parallel_loop3A_393 = arith.index_cast %parallel_loop3A_392 : i32 to index
      %parallel_loop3A_394 = tpu.vector_load %arg8[%parallel_loop3A_393] {strides = array<i32>} : memref<5120xf32, #tpu.memory_space<vmem>>, vector<16xf32>,
      tpu.vector_store %arg8[%parallel_loop3A_393], %parallel_loop3A_390 {strides = array<i32>} : memref<5120xf32, #tpu.memory_space<vmem>>, vector<16xf32>,
      %parallel_loop3A_395 = vector.broadcast %parallel_loop3A_357 : i32 to vector<16xi32>
      %parallel_loop3A_396 = arith.addi %add3A_98, %parallel_loop3A_395 : vector<16xi32>
      %parallel_loop3A_397 = tpu.vector_load_idx %arg4[%parallel_loop3A_396] : memref<15360xf32, #tpu.memory_space<vmem>>[vector<16xi32>], vector<16xf32>,
      %parallel_loop3A_398 = arith.constant 80 : i32
      %parallel_loop3A_399 = arith.addi %parallel_loop3A_359, %parallel_loop3A_398 : i32
      %parallel_loop3A_400 = arith.index_cast %parallel_loop3A_399 : i32 to index
      %parallel_loop3A_401 = tpu.vector_load %arg8[%parallel_loop3A_400] {strides = array<i32>} : memref<5120xf32, #tpu.memory_space<vmem>>, vector<16xf32>,
      tpu.vector_store %arg8[%parallel_loop3A_400], %parallel_loop3A_397 {strides = array<i32>} : memref<5120xf32, #tpu.memory_space<vmem>>, vector<16xf32>,
      %parallel_loop3A_402 = vector.broadcast %parallel_loop3A_357 : i32 to vector<16xi32>
      %parallel_loop3A_403 = arith.addi %add3A_114, %parallel_loop3A_402 : vector<16xi32>
      %parallel_loop3A_404 = tpu.vector_load_idx %arg4[%parallel_loop3A_403] : memref<15360xf32, #tpu.memory_space<vmem>>[vector<16xi32>], vector<16xf32>,
      %parallel_loop3A_405 = arith.constant 96 : i32
      %parallel_loop3A_406 = arith.addi %parallel_loop3A_359, %parallel_loop3A_405 : i32
      %parallel_loop3A_407 = arith.index_cast %parallel_loop3A_406 : i32 to index
      %parallel_loop3A_408 = tpu.vector_load %arg8[%parallel_loop3A_407] {strides = array<i32>} : memref<5120xf32, #tpu.memory_space<vmem>>, vector<16xf32>,
      tpu.vector_store %arg8[%parallel_loop3A_407], %parallel_loop3A_404 {strides = array<i32>} : memref<5120xf32, #tpu.memory_space<vmem>>, vector<16xf32>,
      %parallel_loop3A_409 = vector.broadcast %parallel_loop3A_357 : i32 to vector<16xi32>
      %parallel_loop3A_410 = arith.addi %add3A_130, %parallel_loop3A_409 : vector<16xi32>
      %parallel_loop3A_411 = tpu.vector_load_idx %arg4[%parallel_loop3A_410] : memref<15360xf32, #tpu.memory_space<vmem>>[vector<16xi32>], vector<16xf32>,
      %parallel_loop3A_412 = arith.constant 112 : i32
      %parallel_loop3A_413 = arith.addi %parallel_loop3A_359, %parallel_loop3A_412 : i32
      %parallel_loop3A_414 = arith.index_cast %parallel_loop3A_413 : i32 to index
      %parallel_loop3A_415 = tpu.vector_load %arg8[%parallel_loop3A_414] {strides = array<i32>} : memref<5120xf32, #tpu.memory_space<vmem>>, vector<16xf32>,
      tpu.vector_store %arg8[%parallel_loop3A_414], %parallel_loop3A_411 {strides = array<i32>} : memref<5120xf32, #tpu.memory_space<vmem>>, vector<16xf32>,
    } {sc.loop_unroll_factor = 4 : i64, sc.parallel_access}
    %add3A_273 = arith.constant 491520 : i32
    %add3A_274 = arith.addi %mul3A_4, %add3A_273 : i32
    %dma_start3A_275 = arith.constant 0 : i32
    %dma_start3A_276 = tpu.memref_slice %arg3[%add3A_274] : memref<16384000xf32, #tpu.memory_space<hbm>> -> memref<5120xf32, #tpu.memory_space<hbm>>
    %dma_start3A_277 = tpu.memref_slice %arg11[%dma_start3A_275] : memref<2x!tpu.dma_semaphore, #tpu.memory_space<semaphore_mem>> -> memref<1x!tpu.dma_semaphore, #tpu.memory_space<semaphore_mem>>
    %dma_start3A_278 = tpu.memref_squeeze %dma_start3A_277 : memref<1x!tpu.dma_semaphore, #tpu.memory_space<semaphore_mem>> -> memref<!tpu.dma_semaphore, #tpu.memory_space<semaphore_mem>>
    %dma_start3A_279 = tpu.memref_slice %arg3[%add3A_274] : memref<16384000xf32, #tpu.memory_space<hbm>> -> memref<5120xf32, #tpu.memory_space<hbm>>
    tpu.enqueue_dma source(%arg8 : memref<5120xf32, #tpu.memory_space<vmem>>) target(%dma_start3A_279 : memref<5120xf32, #tpu.memory_space<hbm>>) target_semaphore(%dma_start3A_278 : memref<!tpu.dma_semaphore, #tpu.memory_space<semaphore_mem>>)
    %dma_wait3A_280 = arith.constant 1 : i32
    %dma_wait3A_281 = tpu.memref_slice %arg2[%mul3A_2] : memref<49152000xf32, #tpu.memory_space<hbm>> -> memref<15360xf32, #tpu.memory_space<hbm>>
    %dma_wait3A_282 = tpu.memref_slice %arg10[%dma_wait3A_280] : memref<4x!tpu.dma_semaphore, #tpu.memory_space<semaphore_mem>> -> memref<1x!tpu.dma_semaphore, #tpu.memory_space<semaphore_mem>>
    %dma_wait3A_283 = tpu.memref_squeeze %dma_wait3A_282 : memref<1x!tpu.dma_semaphore, #tpu.memory_space<semaphore_mem>> -> memref<!tpu.dma_semaphore, #tpu.memory_space<semaphore_mem>>
    %dma_wait3A_284 = tpu.memref_slice %arg2[%mul3A_2] : memref<49152000xf32, #tpu.memory_space<hbm>> -> memref<15360xf32, #tpu.memory_space<hbm>>
    tpu.wait_dma2 semaphore(%dma_wait3A_283 : memref<!tpu.dma_semaphore, #tpu.memory_space<semaphore_mem>>) src(%dma_wait3A_284 : memref<15360xf32, #tpu.memory_space<hbm>>) dst(%arg5 : memref<15360xf32, #tpu.memory_space<vmem>>)
    %dma_wait3A_285 = arith.constant 1 : i32
    %dma_wait3A_286 = tpu.memref_slice %arg3[%mul3A_4] : memref<16384000xf32, #tpu.memory_space<hbm>> -> memref<5120xf32, #tpu.memory_space<hbm>>
    %dma_wait3A_287 = tpu.memref_slice %arg11[%dma_wait3A_285] : memref<2x!tpu.dma_semaphore, #tpu.memory_space<semaphore_mem>> -> memref<1x!tpu.dma_semaphore, #tpu.memory_space<semaphore_mem>>
    %dma_wait3A_288 = tpu.memref_squeeze %dma_wait3A_287 : memref<1x!tpu.dma_semaphore, #tpu.memory_space<semaphore_mem>> -> memref<!tpu.dma_semaphore, #tpu.memory_space<semaphore_mem>>
    %dma_wait3A_289 = tpu.memref_slice %arg3[%mul3A_4] : memref<16384000xf32, #tpu.memory_space<hbm>> -> memref<5120xf32, #tpu.memory_space<hbm>>
    tpu.wait_dma2 semaphore(%dma_wait3A_288 : memref<!tpu.dma_semaphore, #tpu.memory_space<semaphore_mem>>) src(%arg9 : memref<5120xf32, #tpu.memory_space<vmem>>) dst(%dma_wait3A_289 : memref<5120xf32, #tpu.memory_space<hbm>>)
    %parallel_loop3A_290 = arith.constant 0 : i32
    %parallel_loop3A_291 = arith.constant 40 : i32
    %parallel_loop3A_292 = arith.constant 1 : i32
    scf.for %parallel_loop3A_350 = %parallel_loop3A_290 to %parallel_loop3A_291 step %parallel_loop3A_292  : i32 {
      %parallel_loop3A_351 = arith.constant 3 : i32
      %parallel_loop3A_352 = arith.shrsi %parallel_loop3A_350, %parallel_loop3A_351 : i32
      %parallel_loop3A_353 = arith.constant 7 : i32
      %parallel_loop3A_354 = arith.shli %parallel_loop3A_350, %parallel_loop3A_353 : i32
      %parallel_loop3A_355 = arith.constant 11 : i32
      %parallel_loop3A_356 = arith.shli %parallel_loop3A_352, %parallel_loop3A_355 : i32
      %parallel_loop3A_357 = arith.addi %parallel_loop3A_354, %parallel_loop3A_356 : i32
      %parallel_loop3A_358 = arith.constant 128 : i32
      %parallel_loop3A_359 = arith.muli %parallel_loop3A_350, %parallel_loop3A_358 : i32
      %parallel_loop3A_360 = vector.broadcast %parallel_loop3A_357 : i32 to vector<16xi32>
      %parallel_loop3A_361 = arith.addi %add3A_18, %parallel_loop3A_360 : vector<16xi32>
      %parallel_loop3A_362 = tpu.vector_load_idx %arg5[%parallel_loop3A_361] : memref<15360xf32, #tpu.memory_space<vmem>>[vector<16xi32>], vector<16xf32>,
      %parallel_loop3A_363 = arith.constant 0 : i32
      %parallel_loop3A_364 = arith.addi %parallel_loop3A_359, %parallel_loop3A_363 : i32
      %parallel_loop3A_365 = arith.index_cast %parallel_loop3A_364 : i32 to index
      %parallel_loop3A_366 = tpu.vector_load %arg9[%parallel_loop3A_365] {strides = array<i32>} : memref<5120xf32, #tpu.memory_space<vmem>>, vector<16xf32>,
      tpu.vector_store %arg9[%parallel_loop3A_365], %parallel_loop3A_362 {strides = array<i32>} : memref<5120xf32, #tpu.memory_space<vmem>>, vector<16xf32>,
      %parallel_loop3A_367 = vector.broadcast %parallel_loop3A_357 : i32 to vector<16xi32>
      %parallel_loop3A_368 = arith.addi %add3A_34, %parallel_loop3A_367 : vector<16xi32>
      %parallel_loop3A_369 = tpu.vector_load_idx %arg5[%parallel_loop3A_368] : memref<15360xf32, #tpu.memory_space<vmem>>[vector<16xi32>], vector<16xf32>,
      %parallel_loop3A_370 = arith.constant 16 : i32
      %parallel_loop3A_371 = arith.addi %parallel_loop3A_359, %parallel_loop3A_370 : i32
      %parallel_loop3A_372 = arith.index_cast %parallel_loop3A_371 : i32 to index
      %parallel_loop3A_373 = tpu.vector_load %arg9[%parallel_loop3A_372] {strides = array<i32>} : memref<5120xf32, #tpu.memory_space<vmem>>, vector<16xf32>,
      tpu.vector_store %arg9[%parallel_loop3A_372], %parallel_loop3A_369 {strides = array<i32>} : memref<5120xf32, #tpu.memory_space<vmem>>, vector<16xf32>,
      %parallel_loop3A_374 = vector.broadcast %parallel_loop3A_357 : i32 to vector<16xi32>
      %parallel_loop3A_375 = arith.addi %add3A_50, %parallel_loop3A_374 : vector<16xi32>
      %parallel_loop3A_376 = tpu.vector_load_idx %arg5[%parallel_loop3A_375] : memref<15360xf32, #tpu.memory_space<vmem>>[vector<16xi32>], vector<16xf32>,
      %parallel_loop3A_377 = arith.constant 32 : i32
      %parallel_loop3A_378 = arith.addi %parallel_loop3A_359, %parallel_loop3A_377 : i32
      %parallel_loop3A_379 = arith.index_cast %parallel_loop3A_378 : i32 to index
      %parallel_loop3A_380 = tpu.vector_load %arg9[%parallel_loop3A_379] {strides = array<i32>} : memref<5120xf32, #tpu.memory_space<vmem>>, vector<16xf32>,
      tpu.vector_store %arg9[%parallel_loop3A_379], %parallel_loop3A_376 {strides = array<i32>} : memref<5120xf32, #tpu.memory_space<vmem>>, vector<16xf32>,
      %parallel_loop3A_381 = vector.broadcast %parallel_loop3A_357 : i32 to vector<16xi32>
      %parallel_loop3A_382 = arith.addi %add3A_66, %parallel_loop3A_381 : vector<16xi32>
      %parallel_loop3A_383 = tpu.vector_load_idx %arg5[%parallel_loop3A_382] : memref<15360xf32, #tpu.memory_space<vmem>>[vector<16xi32>], vector<16xf32>,
      %parallel_loop3A_384 = arith.constant 48 : i32
      %parallel_loop3A_385 = arith.addi %parallel_loop3A_359, %parallel_loop3A_384 : i32
      %parallel_loop3A_386 = arith.index_cast %parallel_loop3A_385 : i32 to index
      %parallel_loop3A_387 = tpu.vector_load %arg9[%parallel_loop3A_386] {strides = array<i32>} : memref<5120xf32, #tpu.memory_space<vmem>>, vector<16xf32>,
      tpu.vector_store %arg9[%parallel_loop3A_386], %parallel_loop3A_383 {strides = array<i32>} : memref<5120xf32, #tpu.memory_space<vmem>>, vector<16xf32>,
      %parallel_loop3A_388 = vector.broadcast %parallel_loop3A_357 : i32 to vector<16xi32>
      %parallel_loop3A_389 = arith.addi %add3A_82, %parallel_loop3A_388 : vector<16xi32>
      %parallel_loop3A_390 = tpu.vector_load_idx %arg5[%parallel_loop3A_389] : memref<15360xf32, #tpu.memory_space<vmem>>[vector<16xi32>], vector<16xf32>,
      %parallel_loop3A_391 = arith.constant 64 : i32
      %parallel_loop3A_392 = arith.addi %parallel_loop3A_359, %parallel_loop3A_391 : i32
      %parallel_loop3A_393 = arith.index_cast %parallel_loop3A_392 : i32 to index
      %parallel_loop3A_394 = tpu.vector_load %arg9[%parallel_loop3A_393] {strides = array<i32>} : memref<5120xf32, #tpu.memory_space<vmem>>, vector<16xf32>,
      tpu.vector_store %arg9[%parallel_loop3A_393], %parallel_loop3A_390 {strides = array<i32>} : memref<5120xf32, #tpu.memory_space<vmem>>, vector<16xf32>,
      %parallel_loop3A_395 = vector.broadcast %parallel_loop3A_357 : i32 to vector<16xi32>
      %parallel_loop3A_396 = arith.addi %add3A_98, %parallel_loop3A_395 : vector<16xi32>
      %parallel_loop3A_397 = tpu.vector_load_idx %arg5[%parallel_loop3A_396] : memref<15360xf32, #tpu.memory_space<vmem>>[vector<16xi32>], vector<16xf32>,
      %parallel_loop3A_398 = arith.constant 80 : i32
      %parallel_loop3A_399 = arith.addi %parallel_loop3A_359, %parallel_loop3A_398 : i32
      %parallel_loop3A_400 = arith.index_cast %parallel_loop3A_399 : i32 to index
      %parallel_loop3A_401 = tpu.vector_load %arg9[%parallel_loop3A_400] {strides = array<i32>} : memref<5120xf32, #tpu.memory_space<vmem>>, vector<16xf32>,
      tpu.vector_store %arg9[%parallel_loop3A_400], %parallel_loop3A_397 {strides = array<i32>} : memref<5120xf32, #tpu.memory_space<vmem>>, vector<16xf32>,
      %parallel_loop3A_402 = vector.broadcast %parallel_loop3A_357 : i32 to vector<16xi32>
      %parallel_loop3A_403 = arith.addi %add3A_114, %parallel_loop3A_402 : vector<16xi32>
      %parallel_loop3A_404 = tpu.vector_load_idx %arg5[%parallel_loop3A_403] : memref<15360xf32, #tpu.memory_space<vmem>>[vector<16xi32>], vector<16xf32>,
      %parallel_loop3A_405 = arith.constant 96 : i32
      %parallel_loop3A_406 = arith.addi %parallel_loop3A_359, %parallel_loop3A_405 : i32
      %parallel_loop3A_407 = arith.index_cast %parallel_loop3A_406 : i32 to index
      %parallel_loop3A_408 = tpu.vector_load %arg9[%parallel_loop3A_407] {strides = array<i32>} : memref<5120xf32, #tpu.memory_space<vmem>>, vector<16xf32>,
      tpu.vector_store %arg9[%parallel_loop3A_407], %parallel_loop3A_404 {strides = array<i32>} : memref<5120xf32, #tpu.memory_space<vmem>>, vector<16xf32>,
      %parallel_loop3A_409 = vector.broadcast %parallel_loop3A_357 : i32 to vector<16xi32>
      %parallel_loop3A_410 = arith.addi %add3A_130, %parallel_loop3A_409 : vector<16xi32>
      %parallel_loop3A_411 = tpu.vector_load_idx %arg5[%parallel_loop3A_410] : memref<15360xf32, #tpu.memory_space<vmem>>[vector<16xi32>], vector<16xf32>,
      %parallel_loop3A_412 = arith.constant 112 : i32
      %parallel_loop3A_413 = arith.addi %parallel_loop3A_359, %parallel_loop3A_412 : i32
      %parallel_loop3A_414 = arith.index_cast %parallel_loop3A_413 : i32 to index
      %parallel_loop3A_415 = tpu.vector_load %arg9[%parallel_loop3A_414] {strides = array<i32>} : memref<5120xf32, #tpu.memory_space<vmem>>, vector<16xf32>,
      tpu.vector_store %arg9[%parallel_loop3A_414], %parallel_loop3A_411 {strides = array<i32>} : memref<5120xf32, #tpu.memory_space<vmem>>, vector<16xf32>,
    } {sc.loop_unroll_factor = 4 : i64, sc.parallel_access}
    %add3A_293 = arith.constant 496640 : i32
    %add3A_294 = arith.addi %mul3A_4, %add3A_293 : i32
    %dma_start3A_295 = arith.constant 1 : i32
    %dma_start3A_296 = tpu.memref_slice %arg3[%add3A_294] : memref<16384000xf32, #tpu.memory_space<hbm>> -> memref<5120xf32, #tpu.memory_space<hbm>>
    %dma_start3A_297 = tpu.memref_slice %arg11[%dma_start3A_295] : memref<2x!tpu.dma_semaphore, #tpu.memory_space<semaphore_mem>> -> memref<1x!tpu.dma_semaphore, #tpu.memory_space<semaphore_mem>>
    %dma_start3A_298 = tpu.memref_squeeze %dma_start3A_297 : memref<1x!tpu.dma_semaphore, #tpu.memory_space<semaphore_mem>> -> memref<!tpu.dma_semaphore, #tpu.memory_space<semaphore_mem>>
    %dma_start3A_299 = tpu.memref_slice %arg3[%add3A_294] : memref<16384000xf32, #tpu.memory_space<hbm>> -> memref<5120xf32, #tpu.memory_space<hbm>>
    tpu.enqueue_dma source(%arg9 : memref<5120xf32, #tpu.memory_space<vmem>>) target(%dma_start3A_299 : memref<5120xf32, #tpu.memory_space<hbm>>) target_semaphore(%dma_start3A_298 : memref<!tpu.dma_semaphore, #tpu.memory_space<semaphore_mem>>)
    %dma_wait3A_300 = arith.constant 2 : i32
    %dma_wait3A_301 = tpu.memref_slice %arg2[%mul3A_2] : memref<49152000xf32, #tpu.memory_space<hbm>> -> memref<15360xf32, #tpu.memory_space<hbm>>
    %dma_wait3A_302 = tpu.memref_slice %arg10[%dma_wait3A_300] : memref<4x!tpu.dma_semaphore, #tpu.memory_space<semaphore_mem>> -> memref<1x!tpu.dma_semaphore, #tpu.memory_space<semaphore_mem>>
    %dma_wait3A_303 = tpu.memref_squeeze %dma_wait3A_302 : memref<1x!tpu.dma_semaphore, #tpu.memory_space<semaphore_mem>> -> memref<!tpu.dma_semaphore, #tpu.memory_space<semaphore_mem>>
    %dma_wait3A_304 = tpu.memref_slice %arg2[%mul3A_2] : memref<49152000xf32, #tpu.memory_space<hbm>> -> memref<15360xf32, #tpu.memory_space<hbm>>
    tpu.wait_dma2 semaphore(%dma_wait3A_303 : memref<!tpu.dma_semaphore, #tpu.memory_space<semaphore_mem>>) src(%dma_wait3A_304 : memref<15360xf32, #tpu.memory_space<hbm>>) dst(%arg6 : memref<15360xf32, #tpu.memory_space<vmem>>)
    %dma_wait3A_305 = arith.constant 0 : i32
    %dma_wait3A_306 = tpu.memref_slice %arg3[%mul3A_4] : memref<16384000xf32, #tpu.memory_space<hbm>> -> memref<5120xf32, #tpu.memory_space<hbm>>
    %dma_wait3A_307 = tpu.memref_slice %arg11[%dma_wait3A_305] : memref<2x!tpu.dma_semaphore, #tpu.memory_space<semaphore_mem>> -> memref<1x!tpu.dma_semaphore, #tpu.memory_space<semaphore_mem>>
    %dma_wait3A_308 = tpu.memref_squeeze %dma_wait3A_307 : memref<1x!tpu.dma_semaphore, #tpu.memory_space<semaphore_mem>> -> memref<!tpu.dma_semaphore, #tpu.memory_space<semaphore_mem>>
    %dma_wait3A_309 = tpu.memref_slice %arg3[%mul3A_4] : memref<16384000xf32, #tpu.memory_space<hbm>> -> memref<5120xf32, #tpu.memory_space<hbm>>
    tpu.wait_dma2 semaphore(%dma_wait3A_308 : memref<!tpu.dma_semaphore, #tpu.memory_space<semaphore_mem>>) src(%arg8 : memref<5120xf32, #tpu.memory_space<vmem>>) dst(%dma_wait3A_309 : memref<5120xf32, #tpu.memory_space<hbm>>)
    %parallel_loop3A_310 = arith.constant 0 : i32
    %parallel_loop3A_311 = arith.constant 40 : i32
    %parallel_loop3A_312 = arith.constant 1 : i32
    scf.for %parallel_loop3A_350 = %parallel_loop3A_310 to %parallel_loop3A_311 step %parallel_loop3A_312  : i32 {
      %parallel_loop3A_351 = arith.constant 3 : i32
      %parallel_loop3A_352 = arith.shrsi %parallel_loop3A_350, %parallel_loop3A_351 : i32
      %parallel_loop3A_353 = arith.constant 7 : i32
      %parallel_loop3A_354 = arith.shli %parallel_loop3A_350, %parallel_loop3A_353 : i32
      %parallel_loop3A_355 = arith.constant 11 : i32
      %parallel_loop3A_356 = arith.shli %parallel_loop3A_352, %parallel_loop3A_355 : i32
      %parallel_loop3A_357 = arith.addi %parallel_loop3A_354, %parallel_loop3A_356 : i32
      %parallel_loop3A_358 = arith.constant 128 : i32
      %parallel_loop3A_359 = arith.muli %parallel_loop3A_350, %parallel_loop3A_358 : i32
      %parallel_loop3A_360 = vector.broadcast %parallel_loop3A_357 : i32 to vector<16xi32>
      %parallel_loop3A_361 = arith.addi %add3A_18, %parallel_loop3A_360 : vector<16xi32>
      %parallel_loop3A_362 = tpu.vector_load_idx %arg6[%parallel_loop3A_361] : memref<15360xf32, #tpu.memory_space<vmem>>[vector<16xi32>], vector<16xf32>,
      %parallel_loop3A_363 = arith.constant 0 : i32
      %parallel_loop3A_364 = arith.addi %parallel_loop3A_359, %parallel_loop3A_363 : i32
      %parallel_loop3A_365 = arith.index_cast %parallel_loop3A_364 : i32 to index
      %parallel_loop3A_366 = tpu.vector_load %arg8[%parallel_loop3A_365] {strides = array<i32>} : memref<5120xf32, #tpu.memory_space<vmem>>, vector<16xf32>,
      tpu.vector_store %arg8[%parallel_loop3A_365], %parallel_loop3A_362 {strides = array<i32>} : memref<5120xf32, #tpu.memory_space<vmem>>, vector<16xf32>,
      %parallel_loop3A_367 = vector.broadcast %parallel_loop3A_357 : i32 to vector<16xi32>
      %parallel_loop3A_368 = arith.addi %add3A_34, %parallel_loop3A_367 : vector<16xi32>
      %parallel_loop3A_369 = tpu.vector_load_idx %arg6[%parallel_loop3A_368] : memref<15360xf32, #tpu.memory_space<vmem>>[vector<16xi32>], vector<16xf32>,
      %parallel_loop3A_370 = arith.constant 16 : i32
      %parallel_loop3A_371 = arith.addi %parallel_loop3A_359, %parallel_loop3A_370 : i32
      %parallel_loop3A_372 = arith.index_cast %parallel_loop3A_371 : i32 to index
      %parallel_loop3A_373 = tpu.vector_load %arg8[%parallel_loop3A_372] {strides = array<i32>} : memref<5120xf32, #tpu.memory_space<vmem>>, vector<16xf32>,
      tpu.vector_store %arg8[%parallel_loop3A_372], %parallel_loop3A_369 {strides = array<i32>} : memref<5120xf32, #tpu.memory_space<vmem>>, vector<16xf32>,
      %parallel_loop3A_374 = vector.broadcast %parallel_loop3A_357 : i32 to vector<16xi32>
      %parallel_loop3A_375 = arith.addi %add3A_50, %parallel_loop3A_374 : vector<16xi32>
      %parallel_loop3A_376 = tpu.vector_load_idx %arg6[%parallel_loop3A_375] : memref<15360xf32, #tpu.memory_space<vmem>>[vector<16xi32>], vector<16xf32>,
      %parallel_loop3A_377 = arith.constant 32 : i32
      %parallel_loop3A_378 = arith.addi %parallel_loop3A_359, %parallel_loop3A_377 : i32
      %parallel_loop3A_379 = arith.index_cast %parallel_loop3A_378 : i32 to index
      %parallel_loop3A_380 = tpu.vector_load %arg8[%parallel_loop3A_379] {strides = array<i32>} : memref<5120xf32, #tpu.memory_space<vmem>>, vector<16xf32>,
      tpu.vector_store %arg8[%parallel_loop3A_379], %parallel_loop3A_376 {strides = array<i32>} : memref<5120xf32, #tpu.memory_space<vmem>>, vector<16xf32>,
      %parallel_loop3A_381 = vector.broadcast %parallel_loop3A_357 : i32 to vector<16xi32>
      %parallel_loop3A_382 = arith.addi %add3A_66, %parallel_loop3A_381 : vector<16xi32>
      %parallel_loop3A_383 = tpu.vector_load_idx %arg6[%parallel_loop3A_382] : memref<15360xf32, #tpu.memory_space<vmem>>[vector<16xi32>], vector<16xf32>,
      %parallel_loop3A_384 = arith.constant 48 : i32
      %parallel_loop3A_385 = arith.addi %parallel_loop3A_359, %parallel_loop3A_384 : i32
      %parallel_loop3A_386 = arith.index_cast %parallel_loop3A_385 : i32 to index
      %parallel_loop3A_387 = tpu.vector_load %arg8[%parallel_loop3A_386] {strides = array<i32>} : memref<5120xf32, #tpu.memory_space<vmem>>, vector<16xf32>,
      tpu.vector_store %arg8[%parallel_loop3A_386], %parallel_loop3A_383 {strides = array<i32>} : memref<5120xf32, #tpu.memory_space<vmem>>, vector<16xf32>,
      %parallel_loop3A_388 = vector.broadcast %parallel_loop3A_357 : i32 to vector<16xi32>
      %parallel_loop3A_389 = arith.addi %add3A_82, %parallel_loop3A_388 : vector<16xi32>
      %parallel_loop3A_390 = tpu.vector_load_idx %arg6[%parallel_loop3A_389] : memref<15360xf32, #tpu.memory_space<vmem>>[vector<16xi32>], vector<16xf32>,
      %parallel_loop3A_391 = arith.constant 64 : i32
      %parallel_loop3A_392 = arith.addi %parallel_loop3A_359, %parallel_loop3A_391 : i32
      %parallel_loop3A_393 = arith.index_cast %parallel_loop3A_392 : i32 to index
      %parallel_loop3A_394 = tpu.vector_load %arg8[%parallel_loop3A_393] {strides = array<i32>} : memref<5120xf32, #tpu.memory_space<vmem>>, vector<16xf32>,
      tpu.vector_store %arg8[%parallel_loop3A_393], %parallel_loop3A_390 {strides = array<i32>} : memref<5120xf32, #tpu.memory_space<vmem>>, vector<16xf32>,
      %parallel_loop3A_395 = vector.broadcast %parallel_loop3A_357 : i32 to vector<16xi32>
      %parallel_loop3A_396 = arith.addi %add3A_98, %parallel_loop3A_395 : vector<16xi32>
      %parallel_loop3A_397 = tpu.vector_load_idx %arg6[%parallel_loop3A_396] : memref<15360xf32, #tpu.memory_space<vmem>>[vector<16xi32>], vector<16xf32>,
      %parallel_loop3A_398 = arith.constant 80 : i32
      %parallel_loop3A_399 = arith.addi %parallel_loop3A_359, %parallel_loop3A_398 : i32
      %parallel_loop3A_400 = arith.index_cast %parallel_loop3A_399 : i32 to index
      %parallel_loop3A_401 = tpu.vector_load %arg8[%parallel_loop3A_400] {strides = array<i32>} : memref<5120xf32, #tpu.memory_space<vmem>>, vector<16xf32>,
      tpu.vector_store %arg8[%parallel_loop3A_400], %parallel_loop3A_397 {strides = array<i32>} : memref<5120xf32, #tpu.memory_space<vmem>>, vector<16xf32>,
      %parallel_loop3A_402 = vector.broadcast %parallel_loop3A_357 : i32 to vector<16xi32>
      %parallel_loop3A_403 = arith.addi %add3A_114, %parallel_loop3A_402 : vector<16xi32>
      %parallel_loop3A_404 = tpu.vector_load_idx %arg6[%parallel_loop3A_403] : memref<15360xf32, #tpu.memory_space<vmem>>[vector<16xi32>], vector<16xf32>,
      %parallel_loop3A_405 = arith.constant 96 : i32
      %parallel_loop3A_406 = arith.addi %parallel_loop3A_359, %parallel_loop3A_405 : i32
      %parallel_loop3A_407 = arith.index_cast %parallel_loop3A_406 : i32 to index
      %parallel_loop3A_408 = tpu.vector_load %arg8[%parallel_loop3A_407] {strides = array<i32>} : memref<5120xf32, #tpu.memory_space<vmem>>, vector<16xf32>,
      tpu.vector_store %arg8[%parallel_loop3A_407], %parallel_loop3A_404 {strides = array<i32>} : memref<5120xf32, #tpu.memory_space<vmem>>, vector<16xf32>,
      %parallel_loop3A_409 = vector.broadcast %parallel_loop3A_357 : i32 to vector<16xi32>
      %parallel_loop3A_410 = arith.addi %add3A_130, %parallel_loop3A_409 : vector<16xi32>
      %parallel_loop3A_411 = tpu.vector_load_idx %arg6[%parallel_loop3A_410] : memref<15360xf32, #tpu.memory_space<vmem>>[vector<16xi32>], vector<16xf32>,
      %parallel_loop3A_412 = arith.constant 112 : i32
      %parallel_loop3A_413 = arith.addi %parallel_loop3A_359, %parallel_loop3A_412 : i32
      %parallel_loop3A_414 = arith.index_cast %parallel_loop3A_413 : i32 to index
      %parallel_loop3A_415 = tpu.vector_load %arg8[%parallel_loop3A_414] {strides = array<i32>} : memref<5120xf32, #tpu.memory_space<vmem>>, vector<16xf32>,
      tpu.vector_store %arg8[%parallel_loop3A_414], %parallel_loop3A_411 {strides = array<i32>} : memref<5120xf32, #tpu.memory_space<vmem>>, vector<16xf32>,
    } {sc.loop_unroll_factor = 4 : i64, sc.parallel_access}
    %add3A_313 = arith.constant 501760 : i32
    %add3A_314 = arith.addi %mul3A_4, %add3A_313 : i32
    %dma_start3A_315 = arith.constant 0 : i32
    %dma_start3A_316 = tpu.memref_slice %arg3[%add3A_314] : memref<16384000xf32, #tpu.memory_space<hbm>> -> memref<5120xf32, #tpu.memory_space<hbm>>
    %dma_start3A_317 = tpu.memref_slice %arg11[%dma_start3A_315] : memref<2x!tpu.dma_semaphore, #tpu.memory_space<semaphore_mem>> -> memref<1x!tpu.dma_semaphore, #tpu.memory_space<semaphore_mem>>
    %dma_start3A_318 = tpu.memref_squeeze %dma_start3A_317 : memref<1x!tpu.dma_semaphore, #tpu.memory_space<semaphore_mem>> -> memref<!tpu.dma_semaphore, #tpu.memory_space<semaphore_mem>>
    %dma_start3A_319 = tpu.memref_slice %arg3[%add3A_314] : memref<16384000xf32, #tpu.memory_space<hbm>> -> memref<5120xf32, #tpu.memory_space<hbm>>
    tpu.enqueue_dma source(%arg8 : memref<5120xf32, #tpu.memory_space<vmem>>) target(%dma_start3A_319 : memref<5120xf32, #tpu.memory_space<hbm>>) target_semaphore(%dma_start3A_318 : memref<!tpu.dma_semaphore, #tpu.memory_space<semaphore_mem>>)
    %dma_wait3A_320 = arith.constant 3 : i32
    %dma_wait3A_321 = tpu.memref_slice %arg2[%mul3A_2] : memref<49152000xf32, #tpu.memory_space<hbm>> -> memref<15360xf32, #tpu.memory_space<hbm>>
    %dma_wait3A_322 = tpu.memref_slice %arg10[%dma_wait3A_320] : memref<4x!tpu.dma_semaphore, #tpu.memory_space<semaphore_mem>> -> memref<1x!tpu.dma_semaphore, #tpu.memory_space<semaphore_mem>>
    %dma_wait3A_323 = tpu.memref_squeeze %dma_wait3A_322 : memref<1x!tpu.dma_semaphore, #tpu.memory_space<semaphore_mem>> -> memref<!tpu.dma_semaphore, #tpu.memory_space<semaphore_mem>>
    %dma_wait3A_324 = tpu.memref_slice %arg2[%mul3A_2] : memref<49152000xf32, #tpu.memory_space<hbm>> -> memref<15360xf32, #tpu.memory_space<hbm>>
    tpu.wait_dma2 semaphore(%dma_wait3A_323 : memref<!tpu.dma_semaphore, #tpu.memory_space<semaphore_mem>>) src(%dma_wait3A_324 : memref<15360xf32, #tpu.memory_space<hbm>>) dst(%arg7 : memref<15360xf32, #tpu.memory_space<vmem>>)
    %dma_wait3A_325 = arith.constant 1 : i32
    %dma_wait3A_326 = tpu.memref_slice %arg3[%mul3A_4] : memref<16384000xf32, #tpu.memory_space<hbm>> -> memref<5120xf32, #tpu.memory_space<hbm>>
    %dma_wait3A_327 = tpu.memref_slice %arg11[%dma_wait3A_325] : memref<2x!tpu.dma_semaphore, #tpu.memory_space<semaphore_mem>> -> memref<1x!tpu.dma_semaphore, #tpu.memory_space<semaphore_mem>>
    %dma_wait3A_328 = tpu.memref_squeeze %dma_wait3A_327 : memref<1x!tpu.dma_semaphore, #tpu.memory_space<semaphore_mem>> -> memref<!tpu.dma_semaphore, #tpu.memory_space<semaphore_mem>>
    %dma_wait3A_329 = tpu.memref_slice %arg3[%mul3A_4] : memref<16384000xf32, #tpu.memory_space<hbm>> -> memref<5120xf32, #tpu.memory_space<hbm>>
    tpu.wait_dma2 semaphore(%dma_wait3A_328 : memref<!tpu.dma_semaphore, #tpu.memory_space<semaphore_mem>>) src(%arg9 : memref<5120xf32, #tpu.memory_space<vmem>>) dst(%dma_wait3A_329 : memref<5120xf32, #tpu.memory_space<hbm>>)
    %parallel_loop3A_330 = arith.constant 0 : i32
    %parallel_loop3A_331 = arith.constant 40 : i32
    %parallel_loop3A_332 = arith.constant 1 : i32
    scf.for %parallel_loop3A_350 = %parallel_loop3A_330 to %parallel_loop3A_331 step %parallel_loop3A_332  : i32 {
      %parallel_loop3A_351 = arith.constant 3 : i32
      %parallel_loop3A_352 = arith.shrsi %parallel_loop3A_350, %parallel_loop3A_351 : i32
      %parallel_loop3A_353 = arith.constant 7 : i32
      %parallel_loop3A_354 = arith.shli %parallel_loop3A_350, %parallel_loop3A_353 : i32
      %parallel_loop3A_355 = arith.constant 11 : i32
      %parallel_loop3A_356 = arith.shli %parallel_loop3A_352, %parallel_loop3A_355 : i32
      %parallel_loop3A_357 = arith.addi %parallel_loop3A_354, %parallel_loop3A_356 : i32
      %parallel_loop3A_358 = arith.constant 128 : i32
      %parallel_loop3A_359 = arith.muli %parallel_loop3A_350, %parallel_loop3A_358 : i32
      %parallel_loop3A_360 = vector.broadcast %parallel_loop3A_357 : i32 to vector<16xi32>
      %parallel_loop3A_361 = arith.addi %add3A_18, %parallel_loop3A_360 : vector<16xi32>
      %parallel_loop3A_362 = tpu.vector_load_idx %arg7[%parallel_loop3A_361] : memref<15360xf32, #tpu.memory_space<vmem>>[vector<16xi32>], vector<16xf32>,
      %parallel_loop3A_363 = arith.constant 0 : i32
      %parallel_loop3A_364 = arith.addi %parallel_loop3A_359, %parallel_loop3A_363 : i32
      %parallel_loop3A_365 = arith.index_cast %parallel_loop3A_364 : i32 to index
      %parallel_loop3A_366 = tpu.vector_load %arg9[%parallel_loop3A_365] {strides = array<i32>} : memref<5120xf32, #tpu.memory_space<vmem>>, vector<16xf32>,
      tpu.vector_store %arg9[%parallel_loop3A_365], %parallel_loop3A_362 {strides = array<i32>} : memref<5120xf32, #tpu.memory_space<vmem>>, vector<16xf32>,
      %parallel_loop3A_367 = vector.broadcast %parallel_loop3A_357 : i32 to vector<16xi32>
      %parallel_loop3A_368 = arith.addi %add3A_34, %parallel_loop3A_367 : vector<16xi32>
      %parallel_loop3A_369 = tpu.vector_load_idx %arg7[%parallel_loop3A_368] : memref<15360xf32, #tpu.memory_space<vmem>>[vector<16xi32>], vector<16xf32>,
      %parallel_loop3A_370 = arith.constant 16 : i32
      %parallel_loop3A_371 = arith.addi %parallel_loop3A_359, %parallel_loop3A_370 : i32
      %parallel_loop3A_372 = arith.index_cast %parallel_loop3A_371 : i32 to index
      %parallel_loop3A_373 = tpu.vector_load %arg9[%parallel_loop3A_372] {strides = array<i32>} : memref<5120xf32, #tpu.memory_space<vmem>>, vector<16xf32>,
      tpu.vector_store %arg9[%parallel_loop3A_372], %parallel_loop3A_369 {strides = array<i32>} : memref<5120xf32, #tpu.memory_space<vmem>>, vector<16xf32>,
      %parallel_loop3A_374 = vector.broadcast %parallel_loop3A_357 : i32 to vector<16xi32>
      %parallel_loop3A_375 = arith.addi %add3A_50, %parallel_loop3A_374 : vector<16xi32>
      %parallel_loop3A_376 = tpu.vector_load_idx %arg7[%parallel_loop3A_375] : memref<15360xf32, #tpu.memory_space<vmem>>[vector<16xi32>], vector<16xf32>,
      %parallel_loop3A_377 = arith.constant 32 : i32
      %parallel_loop3A_378 = arith.addi %parallel_loop3A_359, %parallel_loop3A_377 : i32
      %parallel_loop3A_379 = arith.index_cast %parallel_loop3A_378 : i32 to index
      %parallel_loop3A_380 = tpu.vector_load %arg9[%parallel_loop3A_379] {strides = array<i32>} : memref<5120xf32, #tpu.memory_space<vmem>>, vector<16xf32>,
      tpu.vector_store %arg9[%parallel_loop3A_379], %parallel_loop3A_376 {strides = array<i32>} : memref<5120xf32, #tpu.memory_space<vmem>>, vector<16xf32>,
      %parallel_loop3A_381 = vector.broadcast %parallel_loop3A_357 : i32 to vector<16xi32>
      %parallel_loop3A_382 = arith.addi %add3A_66, %parallel_loop3A_381 : vector<16xi32>
      %parallel_loop3A_383 = tpu.vector_load_idx %arg7[%parallel_loop3A_382] : memref<15360xf32, #tpu.memory_space<vmem>>[vector<16xi32>], vector<16xf32>,
      %parallel_loop3A_384 = arith.constant 48 : i32
      %parallel_loop3A_385 = arith.addi %parallel_loop3A_359, %parallel_loop3A_384 : i32
      %parallel_loop3A_386 = arith.index_cast %parallel_loop3A_385 : i32 to index
      %parallel_loop3A_387 = tpu.vector_load %arg9[%parallel_loop3A_386] {strides = array<i32>} : memref<5120xf32, #tpu.memory_space<vmem>>, vector<16xf32>,
      tpu.vector_store %arg9[%parallel_loop3A_386], %parallel_loop3A_383 {strides = array<i32>} : memref<5120xf32, #tpu.memory_space<vmem>>, vector<16xf32>,
      %parallel_loop3A_388 = vector.broadcast %parallel_loop3A_357 : i32 to vector<16xi32>
      %parallel_loop3A_389 = arith.addi %add3A_82, %parallel_loop3A_388 : vector<16xi32>
      %parallel_loop3A_390 = tpu.vector_load_idx %arg7[%parallel_loop3A_389] : memref<15360xf32, #tpu.memory_space<vmem>>[vector<16xi32>], vector<16xf32>,
      %parallel_loop3A_391 = arith.constant 64 : i32
      %parallel_loop3A_392 = arith.addi %parallel_loop3A_359, %parallel_loop3A_391 : i32
      %parallel_loop3A_393 = arith.index_cast %parallel_loop3A_392 : i32 to index
      %parallel_loop3A_394 = tpu.vector_load %arg9[%parallel_loop3A_393] {strides = array<i32>} : memref<5120xf32, #tpu.memory_space<vmem>>, vector<16xf32>,
      tpu.vector_store %arg9[%parallel_loop3A_393], %parallel_loop3A_390 {strides = array<i32>} : memref<5120xf32, #tpu.memory_space<vmem>>, vector<16xf32>,
      %parallel_loop3A_395 = vector.broadcast %parallel_loop3A_357 : i32 to vector<16xi32>
      %parallel_loop3A_396 = arith.addi %add3A_98, %parallel_loop3A_395 : vector<16xi32>
      %parallel_loop3A_397 = tpu.vector_load_idx %arg7[%parallel_loop3A_396] : memref<15360xf32, #tpu.memory_space<vmem>>[vector<16xi32>], vector<16xf32>,
      %parallel_loop3A_398 = arith.constant 80 : i32
      %parallel_loop3A_399 = arith.addi %parallel_loop3A_359, %parallel_loop3A_398 : i32
      %parallel_loop3A_400 = arith.index_cast %parallel_loop3A_399 : i32 to index
      %parallel_loop3A_401 = tpu.vector_load %arg9[%parallel_loop3A_400] {strides = array<i32>} : memref<5120xf32, #tpu.memory_space<vmem>>, vector<16xf32>,
      tpu.vector_store %arg9[%parallel_loop3A_400], %parallel_loop3A_397 {strides = array<i32>} : memref<5120xf32, #tpu.memory_space<vmem>>, vector<16xf32>,
      %parallel_loop3A_402 = vector.broadcast %parallel_loop3A_357 : i32 to vector<16xi32>
      %parallel_loop3A_403 = arith.addi %add3A_114, %parallel_loop3A_402 : vector<16xi32>
      %parallel_loop3A_404 = tpu.vector_load_idx %arg7[%parallel_loop3A_403] : memref<15360xf32, #tpu.memory_space<vmem>>[vector<16xi32>], vector<16xf32>,
      %parallel_loop3A_405 = arith.constant 96 : i32
      %parallel_loop3A_406 = arith.addi %parallel_loop3A_359, %parallel_loop3A_405 : i32
      %parallel_loop3A_407 = arith.index_cast %parallel_loop3A_406 : i32 to index
      %parallel_loop3A_408 = tpu.vector_load %arg9[%parallel_loop3A_407] {strides = array<i32>} : memref<5120xf32, #tpu.memory_space<vmem>>, vector<16xf32>,
      tpu.vector_store %arg9[%parallel_loop3A_407], %parallel_loop3A_404 {strides = array<i32>} : memref<5120xf32, #tpu.memory_space<vmem>>, vector<16xf32>,
      %parallel_loop3A_409 = vector.broadcast %parallel_loop3A_357 : i32 to vector<16xi32>
      %parallel_loop3A_410 = arith.addi %add3A_130, %parallel_loop3A_409 : vector<16xi32>
      %parallel_loop3A_411 = tpu.vector_load_idx %arg7[%parallel_loop3A_410] : memref<15360xf32, #tpu.memory_space<vmem>>[vector<16xi32>], vector<16xf32>,
      %parallel_loop3A_412 = arith.constant 112 : i32
      %parallel_loop3A_413 = arith.addi %parallel_loop3A_359, %parallel_loop3A_412 : i32
      %parallel_loop3A_414 = arith.index_cast %parallel_loop3A_413 : i32 to index
      %parallel_loop3A_415 = tpu.vector_load %arg9[%parallel_loop3A_414] {strides = array<i32>} : memref<5120xf32, #tpu.memory_space<vmem>>, vector<16xf32>,
      tpu.vector_store %arg9[%parallel_loop3A_414], %parallel_loop3A_411 {strides = array<i32>} : memref<5120xf32, #tpu.memory_space<vmem>>, vector<16xf32>,
    } {sc.loop_unroll_factor = 4 : i64, sc.parallel_access}
    %add3A_333 = arith.constant 506880 : i32
    %add3A_334 = arith.addi %mul3A_4, %add3A_333 : i32
    %dma_start3A_335 = arith.constant 1 : i32
    %dma_start3A_336 = tpu.memref_slice %arg3[%add3A_334] : memref<16384000xf32, #tpu.memory_space<hbm>> -> memref<5120xf32, #tpu.memory_space<hbm>>
    %dma_start3A_337 = tpu.memref_slice %arg11[%dma_start3A_335] : memref<2x!tpu.dma_semaphore, #tpu.memory_space<semaphore_mem>> -> memref<1x!tpu.dma_semaphore, #tpu.memory_space<semaphore_mem>>
    %dma_start3A_338 = tpu.memref_squeeze %dma_start3A_337 : memref<1x!tpu.dma_semaphore, #tpu.memory_space<semaphore_mem>> -> memref<!tpu.dma_semaphore, #tpu.memory_space<semaphore_mem>>
    %dma_start3A_339 = tpu.memref_slice %arg3[%add3A_334] : memref<16384000xf32, #tpu.memory_space<hbm>> -> memref<5120xf32, #tpu.memory_space<hbm>>
    tpu.enqueue_dma source(%arg9 : memref<5120xf32, #tpu.memory_space<vmem>>) target(%dma_start3A_339 : memref<5120xf32, #tpu.memory_space<hbm>>) target_semaphore(%dma_start3A_338 : memref<!tpu.dma_semaphore, #tpu.memory_space<semaphore_mem>>)
    %dma_wait3A_340 = arith.constant 0 : i32
    %dma_wait3A_341 = tpu.memref_slice %arg3[%mul3A_4] : memref<16384000xf32, #tpu.memory_space<hbm>> -> memref<5120xf32, #tpu.memory_space<hbm>>
    %dma_wait3A_342 = tpu.memref_slice %arg11[%dma_wait3A_340] : memref<2x!tpu.dma_semaphore, #tpu.memory_space<semaphore_mem>> -> memref<1x!tpu.dma_semaphore, #tpu.memory_space<semaphore_mem>>
    %dma_wait3A_343 = tpu.memref_squeeze %dma_wait3A_342 : memref<1x!tpu.dma_semaphore, #tpu.memory_space<semaphore_mem>> -> memref<!tpu.dma_semaphore, #tpu.memory_space<semaphore_mem>>
    %dma_wait3A_344 = tpu.memref_slice %arg3[%mul3A_4] : memref<16384000xf32, #tpu.memory_space<hbm>> -> memref<5120xf32, #tpu.memory_space<hbm>>
    tpu.wait_dma2 semaphore(%dma_wait3A_343 : memref<!tpu.dma_semaphore, #tpu.memory_space<semaphore_mem>>) src(%arg8 : memref<5120xf32, #tpu.memory_space<vmem>>) dst(%dma_wait3A_344 : memref<5120xf32, #tpu.memory_space<hbm>>)
    %dma_wait3A_345 = arith.constant 1 : i32
    %dma_wait3A_346 = tpu.memref_slice %arg3[%mul3A_4] : memref<16384000xf32, #tpu.memory_space<hbm>> -> memref<5120xf32, #tpu.memory_space<hbm>>
    %dma_wait3A_347 = tpu.memref_slice %arg11[%dma_wait3A_345] : memref<2x!tpu.dma_semaphore, #tpu.memory_space<semaphore_mem>> -> memref<1x!tpu.dma_semaphore, #tpu.memory_space<semaphore_mem>>
    %dma_wait3A_348 = tpu.memref_squeeze %dma_wait3A_347 : memref<1x!tpu.dma_semaphore, #tpu.memory_space<semaphore_mem>> -> memref<!tpu.dma_semaphore, #tpu.memory_space<semaphore_mem>>
    %dma_wait3A_349 = tpu.memref_slice %arg3[%mul3A_4] : memref<16384000xf32, #tpu.memory_space<hbm>> -> memref<5120xf32, #tpu.memory_space<hbm>>
    tpu.wait_dma2 semaphore(%dma_wait3A_348 : memref<!tpu.dma_semaphore, #tpu.memory_space<semaphore_mem>>) src(%arg9 : memref<5120xf32, #tpu.memory_space<vmem>>) dst(%dma_wait3A_349 : memref<5120xf32, #tpu.memory_space<hbm>>)
    return
  }
}

</mosaic_0001>

<sc_bundles>
// kernel: resample_nearest_sc.3.cloned.1.call-start
scs
__scs_entry_jumppad:
0x0: {  	(pc) =	sbr.rel $0x88, $3  }
0x1: {  	(tag) =	ssettag $0x0;
	lr =	simm.s32 $0x1  }
0x2: {  	[smem:$0x3FA0] =	sst lr;
	_ =	strace $0xD0000000  }
0x3: {  	_ = 	snop  }
0x4: {  	_ = 	snop  }
0x5: {  	_ = 	snop  }
0x6: {  	_ = 	snop  }
0x7: {  	_ = 	snop  }
__scs_overlays_trampoline_lowered:
0x8: {  	[smem:$0x3FAF] =	sst s0  }
0x9: {  	[smem:$0x3FB0] =	sst s1  }
0xa: {  	[smem:$0x3FB1] =	sst s2  }
0xb: {  	[smem:$0x3FB2] =	sst s3  }
0xc: {  	[smem:$0x3FB3] =	sst s4  }
0xd: {  	[smem:$0x3FB4] =	sst s5  }
0xe: {  	[smem:$0x3FB5] =	sst s6  }
0xf: {  	[smem:$0x3FB6] =	sst s7  }
0x10: {  	[smem:$0x3FB7] =	sst s8  }
0x11: {  	[smem:$0x3FB8] =	sst s9;
	s0 =	simm.s32 @!p0 $0x0  }
0x12: {  	s1 =	sld [smem:$0x3F9E];
	s0 =	simm.s32 @p0 $0x1  }
0x13: {  	[smem:$0x3FB9] =	sst s0;
	s0 =	simm.s32 @!p1 $0x0  }
0x14: {  	s2 =	sld [smem:$0x3F9D];
	s0 =	simm.s32 @p1 $0x1  }
0x15: {  	[smem:$0x3FBA] =	sst s0;
	s0 =	simm.s32 @!p2 $0x0  }
0x16: {  	s3 =	sld [smem:$0x3FDB];
	s0 =	simm.s32 @p2 $0x1  }
0x17: {  	s4 =	simm.s32 $0x1BF5;
	[smem:$0x3FBC] =	sst s0  }
0x18: {  	s0 =	sld [smem:$0x3F9F];
	_ =	swait.ge [sflag:s4], $0x0  }
0x19: {  	s7 =	sld [smem:$0x3FA0]  }
0x1a: {  	s8 =	sadd.s32 $0xFFFFE003, lr  }
0x1b: {  	s9 =	sadd.s32 $0xFFFFFEF7, lr;
	s5 =	simm.s32 $0xFFFFFFFF;
	p2 =	slt.u32 s8, $0xFFFFF086  }
0x1c: {  	p1 =	slt.u32 s9, $0xF7A;
	s5 =	simm.s32 @!p2 $0x0  }
0x1d: {  	s5 =	simm.s32 @p1 $0x1;
	p0 =	seq.s32 s7, s2  }
0x1e: {  	s7 =	smul.u32 @!p0 $0xF7A, s2;
	p2 =	seq.s32 @!p0 s5, $0x0  }
0x1f: {  	s9 =	smul.u32 $0xF7A, s1;
	s8 =	simm.s32 @!p0 $0x1BF5;
	p2 =	por !p2, p0  }
0x20: {  	[sflag:s8] =	ssyncset.s32 @!p0 $0xFFFFF086;
	s6 =	sadd.s32 @!p0 s3, s7;
	s7 =	simm.s32 @!p0 $0x108  }
0x21: {  	s3 =	sadd.s32 s3, s9;
	s6 =	sadd.s32 @!p0 $0x88, s6;
	s7 =	simm.s32 @p2 $0x1082  }
0x22: {  	[simem:s7], [sflag:s8] =	dma.local @!p0 [hbm:s6], $0xF7A  }
0x23: {  	s9 =	sor.u32 $0xD0000000, s2;
	s6 =	simm.s32 $0x108;
	_ =	swait.ge @!p0 [sflag:s8], $0x0  }
0x24: {  	s3 =	sadd.s32 $0x88, s3;
	s6 =	simm.s32 @!p1 $0x1082;
	[sflag:s4] =	ssyncset.s32 $0xFFFFF086  }
0x25: {  	[simem:s6], [sflag:s4] =	dma.local [hbm:s3], $0xF7A  }
0x26: {  	[smem:$0x3FA0] =	sst s1;
	(tag) =	ssettag s2;
	_ =	strace s9  }
0x27: {  	s1 =	sld [smem:$0x3FB0]  }
0x28: {  	s2 =	sld [smem:$0x3FB1]  }
0x29: {  	s4 =	sld [smem:$0x3FB3]  }
0x2a: {  	p0 =	seq.s32 s5, $0x0;
	s5 =	sld [smem:$0x3FB4]  }
0x2b: {  	s6 =	sld [smem:$0x3FB5]  }
0x2c: {  	s7 =	sld [smem:$0x3FB6]  }
0x2d: {  	s3 =	simm.s32 $0x108;
	s8 =	sld [smem:$0x3FB7]  }
0x2e: {  	s3 =	simm.s32 @!p0 $0x1082;
	s9 =	sld [smem:$0x3FB8]  }
0x2f: {  	lr =	sadd.s32 s0, s3;
	s0 =	sld [smem:$0x3FAF]  }
0x30: {  	s3 =	sld [smem:$0x3FB2]  }
0x31: {  	[smem:$0x3FBB] =	sst s10  }
0x32: {  	s10 =	sld [smem:$0x3FB9];
	_ =	sdelay $0x3  }
0x33: {  	p0 =	seq.s32 s10, $0x1;
	s10 =	sld [smem:$0x3FBB];
	_ =	sdelay $0x3  }
0x34: {  	[smem:$0x3FBB] =	sst s10  }
0x35: {  	s10 =	sld [smem:$0x3FBA];
	_ =	sdelay $0x3  }
0x36: {  	p1 =	seq.s32 s10, $0x1;
	s10 =	sld [smem:$0x3FBB];
	_ =	sdelay $0x3  }
0x37: {  	[smem:$0x3FBB] =	sst s10  }
0x38: {  	s10 =	sld [smem:$0x3FBC]  }
0x39: {  	_ = 	snop;
	(pc) =	sbr.ind lr, $3  }
0x3a: {  	_ = 	snop  }
0x3b: {  	_ = 	snop  }
0x3c: {  	p2 =	seq.s32 s10, $0x1;
	s10 =	sld [smem:$0x3FBB]  }
0x3d: {  	_ =	shalt  }
0x3e: {  	_ =	shalt  }
0x3f: {  	_ =	shalt  }
0x40: {  	_ =	shalt  }
0x41: {  	_ =	shalt  }
0x42: {  	_ =	shalt  }
0x43: {  	_ =	shalt  }
0x44: {  	_ =	shalt  }
0x45: {  	_ =	shalt  }
0x46: {  	_ =	shalt  }
0x47: {  	_ =	shalt  }
0x48: {  	_ =	shalt  }
0x49: {  	_ =	shalt  }
0x4a: {  	_ =	shalt  }
0x4b: {  	_ =	shalt  }
0x4c: {  	_ =	shalt  }
0x4d: {  	_ =	shalt  }
0x4e: {  	_ =	shalt  }
0x4f: {  	_ =	shalt  }
0x50: {  	_ =	shalt  }
0x51: {  	_ =	shalt  }
0x52: {  	_ =	shalt  }
0x53: {  	_ =	shalt  }
0x54: {  	_ =	shalt  }
0x55: {  	_ =	shalt  }
0x56: {  	_ =	shalt  }
0x57: {  	_ =	shalt  }
0x58: {  	_ =	shalt  }
0x59: {  	_ =	shalt  }
0x5a: {  	_ =	shalt  }
0x5b: {  	_ =	shalt  }
0x5c: {  	_ =	shalt  }
0x5d: {  	_ =	shalt  }
0x5e: {  	_ =	shalt  }
0x5f: {  	_ =	shalt  }
0x60: {  	_ =	shalt  }
0x61: {  	_ =	shalt  }
0x62: {  	_ =	shalt  }
0x63: {  	_ =	shalt  }
0x64: {  	_ =	shalt  }
0x65: {  	_ =	shalt  }
0x66: {  	_ =	shalt  }
0x67: {  	_ =	shalt  }
0x68: {  	_ =	shalt  }
0x69: {  	_ =	shalt  }
0x6a: {  	_ =	shalt  }
0x6b: {  	_ =	shalt  }
0x6c: {  	_ =	shalt  }
0x6d: {  	_ =	shalt  }
0x6e: {  	_ =	shalt  }
0x6f: {  	_ =	shalt  }
0x70: {  	_ =	shalt  }
0x71: {  	_ =	shalt  }
0x72: {  	_ =	shalt  }
0x73: {  	_ =	shalt  }
0x74: {  	_ =	shalt  }
0x75: {  	_ =	shalt  }
0x76: {  	_ =	shalt  }
0x77: {  	_ =	shalt  }
0x78: {  	_ =	shalt  }
0x79: {  	_ =	shalt  }
0x7a: {  	_ =	shalt  }
0x7b: {  	_ =	shalt  }
0x7c: {  	_ =	shalt  }
0x7d: {  	_ =	shalt  }
0x7e: {  	_ =	shalt  }
0x7f: {  	_ =	shalt  }
0x80: {  	_ =	shalt  }
0x81: {  	_ =	shalt  }
0x82: {  	_ =	shalt  }
0x83: {  	_ =	shalt  }
0x84: {  	_ =	shalt  }
0x85: {  	_ =	shalt  }
0x86: {  	_ =	shalt  }
0x87: {  	_ =	shalt  }
.Lfunc_end0:
.L_simem_size_0:
called_computation_lowered:
.L_overlay_start_0:
0x88: {  	s2 =	sld [smem:$0x3FD9]  }
0x89: {  	s3 =	sld [smem:$0x3FFE];
	_ =	sdelay $0x1  }
0x8a: {  	s1 =	srdreg.scid  }
0x8b: {  	s0 =	sand.u32 $0x1, s1  }
0x8c: {  	s18 =	sshll.u32 s0, $0xA;
	s2 =	sadd.s32 s3, s2  }
0x8d: {  	s2 =	sadd.s32 s2, s18  }
0x8e: {  	[smem:$0x3FC7] =	sst s2  }
0x8f: {  	_ = 	snop  }
0x90: {  	s2 =	sld [smem:$0x3FC9]  }
0x91: {  	s19 =	sld [smem:$0x3FD0];
	(tm) =	ssettm $0x1  }
0x92: {  	s4 =	sld [smem:$0x3FFB];
	_ =	sdelay $0x3  }
0x93: {  	_ =	strace s4  }
0x94: {  	s4 =	sld [smem:$0x3FFC];
	_ =	sdelay $0x3  }
0x95: {  	_ =	strace s4  }
0x96: {  	s4 =	sld [smem:$0x3FFD];
	_ =	sdelay $0x3  }
0x97: {  	_ =	strace s4  }
0x98: {  	_ =	strace $0x8FFFFFFF  }
0x99: {  	s20 =	sld [smem:$0x3FDB];
	_ =	sdelay $0x1  }
0x9a: {  	s5 =	simm.s32 $_scs_section_size  }
0x9b: {  	s6 =	simm.s32 $_size__tile_overlayer_lowered;
	s7 =	simm.s32 $_tile_overlayer_lowered  }
0x9c: {  	s23 =	simm.s32 $0x1BFF;
	s22 =	sshll.u32 s7, $0x1;
	s4 =	sadd.s32 s5, s20  }
0x9d: {  	s8 =	simm.s32 $0x0;
	s21 =	sshll.u32 s6, $0x1;
	s6 =	sadd.s32 s22, s4  }
0x9e: {  	[timem:s8], [sflag:s23] =	dma.local [hbm:s6], s21  }
0x9f: {  	_ =	swait.ge [sflag:s23], s21  }
0xa0: {  	s5 =	ssub.s32 $0x0, s21;
	[sflag:s23] =	ssyncset.done $0x0  }
0xa1: {  	[sflag:s23] =	ssyncadd.s32 s5;
	_ =	sdelay $0x1  }
0xa2: {  	s24 =	simm.s32 $0x1B8B  }
0xa3: {  	_ =	swait.ge [sflag:s24], $0x1  }
0xa4: {  	[sflag:s24] =	ssyncset.done $0x0  }
0xa5: {  	s25 =	simm.s32 $0x1B8E;
	[sflag:s24] =	ssyncadd.s32 $0xFFFFFFFF  }
0xa6: {  	s26 =	simm.s32 $execute0_lowered;
	[smem:$0x3FD2] =	sst s25  }
0xa7: {  	s5 =	sshll.u32 s26, $0x1;
	_ =	strace $0x80000046;
	[dreg:$0x1] =	wrdreg $0xFFFFFFFF  }
0xa8: {  	s28 =	simm.s32 $_size_execute0_lowered;
	s4 =	sadd.s32 s4, s5;
	[dreg:$0x0] =	wrdreg $0x0  }
0xa9: {  	s5 =	sshll.u32 s28, $0x1;
	[dreg:$0x2] =	wrdreg s4  }
0xaa: {  	[dreg:$0x3] =	wrdreg s5  }
0xab: {  	[dreg:$0x4] =	wrdreg $0xC0  }
0xac: {  	_ =	task [dreg:s8], $0x5FFFF  }
0xad: {  	[dreg:$0x1] =	wrdreg $0xFFFFFFFF  }
0xae: {  	[dreg:$0x0] =	wrdreg $0x60  }
0xaf: {  	[dreg:$0x2] =	wrdreg s2  }
0xb0: {  	[dreg:$0x3] =	wrdreg s19  }
0xb1: {  	[dreg:$0x4] =	wrdreg $0x9  }
0xb2: {  	_ =	task.clear_ibuf [dreg:s8], $0x5FFFF;
	_ =	strace $0x90000046  }
0xb3: {  	s29 =	simm.s32 $0x9;
	_ =	strace $0x80000048  }
0xb4: {  	_ =	swait.ge [sflag:s29], $0x1  }
0xb5: {  	[sflag:s29] =	ssyncadd.s32 $0xFFFFFFFF  }
0xb6: {  	_ =	strace $0x90000048  }
0xb7: {  	_ =	sfence  }
0xb8: {  	s30 =	sld [smem:$0x0];
	_ =	sdelay $0x2  }
0xb9: {  	s31 =	sshll.u32 s1, $0xD;
	s1 =	sshrl.u32 s1, $0x2  }
0xba: {  	s3 =	sand.u32 $0x4000, s31;
	s1 =	sadd.s32 s1, s30  }
0xbb: {  	s0 =	sor.u32 s3, s0;
	s1 =	sshll.u32 s1, $0x11  }
0xbc: {  	s0 =	sor.u32 s1, s0  }
0xbd: {  	s0 =	sadd.s32 $0x8F2B, s0  }
0xbe: {  	[sflag:s0] =	ssyncadd.remote.s32 $0x1  }
0xbf: {  	_ =	sfence.sel $0xFFFF  }
0xc0: {  	[dreg:$0x0] =	wrdreg $0xFFFFFFFF;
	(pc) =	sbr.abs _section_cstart, $3  }
0xc1: {  	[dreg:$0x1] =	wrdreg $0xFFFFFFFF  }
0xc2: {  	_ =	task.clear_ibuf [dreg:s8], $0x2FFFF;
	_ =	strace $0x9FFFFFFF  }
0xc3: {  	(tm) =	ssettm $0x7FFFFFFF  }
tec
execute0_lowered:
.L_overlay_start_1:
0x0: {  	(tag) =	ssettag $0x1  }
0x1: {  	s0 =	srdreg.scid;
	s2 =	stileid.u32  }
0x2: {  	s0 =	sand.u32 $0x1, s0;
	s2 =	sshll.u32 s2, $0x1  }
0x3: {  	s1 =	rddreg [dreg:$0x0];
	s2 =	sor.u32 s0, s2  }
0x4: {  	s3 =	rddreg [dreg:$0x1];
	s4 =	simm.s32 $0x0;
	s7 =	smul.u32 $0x7D000, s2  }
0x5: {  	v1 =	vimm.s32 $0x69666360;
	[smem:$0x7FF] =	sst s4;
	s6 =	smul.u32 $0x177000, s2  }
0x6: {  	v0 =	vlaneseq.u32;
	vm0 =	vcmask $0xF00;
	vm1 =	vcmask $0x2B20;
	_ =	strace $0x80000047;
	s0 =	ssub.s32 $0x2, s0;
	s17 =	sadd.s32 $0x2800, s7  }
0x7: {  	vm3 =	vcmask $0x2F2C;
	vm15 =	vcmask $0x300;
	vm4 =	vcmask $0x3330;
	s5 =	sshrl.u32 s0, $0x1;
	s18 =	sadd.s32 $0x16800, s6;
	[dreg:$0xa] =	wrdreg s17  }
0x8: {  	vm7 =	vcmask $0x704;
	v3 =	vunpack.c.0.s8.s32 v1;
	v1 =	vimm.s32 $0x75726F6C;
	s0 =	ssub.s32 s0, s5;
	s19 =	sadd.s32 $0x3C00, s7;
	[dreg:$0xb] =	wrdreg s18  }
0x9: {  	vm2 =	vcmask $0xB08;
	v4 =	vunpack.c.0.s8.s32 v1;
	v1 =	vimm.s32 $0x7E7B78;
	s11 =	sshrl.u32 s6, $0x3;
	s20 =	sadd.s32 $0x1A400, s6;
	[dreg:$0xc] =	wrdreg s19  }
0xa: {  	v2 =	vnsel vm0, $0x40D, v3;
	vm0 =	vcmask $0x1F10;
	v5 =	vunpack.c.0.s8.s32 v1;
	s12 =	sshrl.u32 s7, $0x3;
	s0 =	smax.u32 s0, $0x1;
	[dreg:$0xd] =	wrdreg s20  }
0xb: {  	vm8 =	vcmask $0xF0C;
	vm5 =	vcmask $0x1310;
	v2 =	vsel vm0, v4, v2;
	s19 =	smov.u32 s7;
	s7 =	sadd.s32 $0x5000, s7;
	[dreg:$0x15] =	wrdreg s0  }
0xc: {  	vm9 =	vcmask $0x3B38;
	v2 =	vsel vm1, v5, v2;
	v5 =	vimm.s32 $0x81D;
	s18 =	smov.u32 s6;
	s6 =	sadd.s32 $0x1E000, s6;
	[dreg:$0xe] =	wrdreg s7  }
0xd: {  	vm10 =	vcmask $0x1714;
	v6 =	vimm.s32 $0x17E7B78;
	v5 =	vsel vm15, $0x470, v5;
	s8 =	sadd.s32 s1, s11;
	[dreg:$0xf] =	wrdreg s6  }
0xe: {  	vm11 =	vcmask $0x1B18;
	vm12 =	vcmask $0x1F1C;
	s2 =	sadd.s32 s3, s12;
	v5 =	vsel vm7, $0x473, v5;
	[dreg:$0x3] =	wrdreg s8  }
0xf: {  	v7 =	vimm.s32 $0xD0A0704;
	vm13 =	vcmask $0x2320;
	s9 =	sadd.s32 $0x780, s8;
	[dreg:$0x6] =	wrdreg s2;
	v5 =	vsel vm2, $0x476, v5  }
0x10: {  	vm14 =	vcmask $0x2724;
	v9 =	vimm.s32 $0x5027F7C;
	s13 =	sadd.s32 $0xF00, s8;
	[dreg:$0x4] =	wrdreg s9;
	v5 =	vsel vm8, $0x479, v5  }
0x11: {  	v0 =	vmul.u32 $0x3, v0;
	v6 =	vunpack.c.0.s8.s32 v6;
	s14 =	sadd.s32 $0x1680, s8;
	[dreg:$0x5] =	wrdreg s13;
	v5 =	vsel vm5, $0x47C, v5  }
0x12: {  	v7 =	vunpack.c.0.s8.s32 v7;
	v9 =	vunpack.c.0.s8.s32 v9;
	s15 =	sadd.s32 $0x1E00, s8;
	[dreg:$0x7] =	wrdreg s14;
	v5 =	vsel vm10, $0x47F, v5  }
0x13: {  	v1 =	vadd.s32 $0x30, v0;
	v13 =	vadd.s32 $0x50, v0;
	s16 =	sadd.s32 $0x280, s2;
	[dreg:$0x8] =	wrdreg s15;
	v5 =	vsel vm11, $0x802, v5  }
0x14: {  	v6 =	vsel vm0, v7, v6;
	v3 =	vsel vm0, v4, v3;
	s21 =	sadd.s32 $0x2D780, s8;
	[dreg:$0x9] =	wrdreg s16;
	v5 =	vsel vm12, $0x805, v5  }
0x15: {  	v4 =	vadd.s32 $0x410, v0;
	vm1 =	vcmask $0x3734;
	s22 =	sadd.s32 $0xEB00, s2;
	[dreg:$0x10] =	wrdreg s21;
	v5 =	vsel vm13, $0x808, v5  }
0x16: {  	s31 =	simm.s32 $0x3C00;
	v3 =	vcombine.low v3, v6;
	vm15 =	vcmask $0x2B28;
	s23 =	sadd.s32 $0x2DF00, s8;
	[dreg:$0x11] =	wrdreg s22;
	v5 =	vsel vm14, $0x80B, v5  }
0x17: {  	v6 =	vimm.s32 $0x1D1A1714;
	v2 =	vsel vm3, $0x401, v2;
	s0 =	simm.s32 $0x1;
	s24 =	sadd.s32 $0xED80, s2;
	[dreg:$0x12] =	wrdreg s23;
	v5 =	vsel vm15, $0x80E, v5  }
0x18: {  	v10 =	vunpack.c.0.s8.s32 v6;
	v6 =	vor.u32 $0x440, v0;
	s11 =	simm.s32 $0x2;
	s25 =	sadd.s32 $0x2E680, s8;
	[dreg:$0x13] =	wrdreg s24;
	v5 =	vsel vm3, $0x811, v5  }
0x19: {  	s12 =	simm.s32 $0x10400;
	v2 =	vsel vm4, $0x404, v2;
	s26 =	sadd.s32 $0xF000, s2;
	[dreg:$0x14] =	wrdreg s25;
	v7 =	vsel vm4, $0x814, v5;
	v5 =	vimm.s32 $0x110E0B08  }
0x1a: {  	s20 =	simm.s32 $0x5;
	s28 =	sadd.s32 $0xF280, s2;
	v2 =	vsel vm1, $0x407, v2;
	[dreg:$0x16] =	wrdreg s26;
	v8 =	vunpack.c.0.s8.s32 v5;
	v5 =	vimm.s32 $0x79767370  }
0x1b: {  	s29 =	sadd.s32 $0xF500, s2;
	s30 =	sadd.s32 $0xF780, s2;
	[dreg:$0x17] =	wrdreg s28;
	v2 =	vsel vm9, $0x40A, v2;
	v12 =	vsel vm1, $0x817, v7;
	v11 =	vunpack.c.0.s8.s32 v5  }
0x1c: {  	s2 =	simm.s32 $0x7800;
	s8 =	simm.s32 $0xB400;
	[dreg:$0x18] =	wrdreg s29;
	v7 =	vor.u32 $0x40, v0;
	v5 =	vadd.s32 $0x10, v0;
	v10 =	vsel vm0, v10, v8  }
0x1d: {  	s6 =	simm.s32 $0x0;
	[dreg:$0x19] =	wrdreg s30;
	s9 =	simm.s32 $0xF000;
	v8 =	vsel vm9, $0x81A, v12;
	v12 =	vadd.s32 $0x850, v0;
	v9 =	vsel vm0, v9, v11  }
0x1e: {  	s13 =	simm.s32 $0x3;
	s21 =	simm.s32 $0x4;
	s22 =	simm.s32 $0x6;
	v11 =	vadd.s32 $0x20, v0;
	v9 =	vcombine.low v9, v10;
	v10 =	vadd.s32 $0x820, v0  }
.LBB2_1:
0x1f: {  	[dreg:$0x1a] =	wrdreg s6  }
0x20: {  	s5 =	rddreg [dreg:$0x3];
	s25 =	sand.u32 $0xFFFFF800, s4  }
0x21: {  	[tilespmem:s4], [sflag:$0x1] =	stream.linear.gather [hbm4b:s5+s4], $0x3C00, $0x38;
	[tilespmem:$0x11800] =	vst v63  }
0x22: {  	s23 =	rddreg [dreg:$0x4];
	s10 =	sadd.s32 $0x0, s25  }
0x23: {  	[tilespmem:s31], [sflag:$0x2] =	stream.linear.gather [hbm4b:s23+s4], $0x3C00, $0x38;
	[tilespmem:$0x11800] =	vst v63  }
0x24: {  	s24 =	rddreg [dreg:$0x5];
	s5 =	sadd.s32 $0x180, s10;
	s14 =	sadd.s32 $0x80, s10  }
0x25: {  	v14 =	vor.u32 s5, v0;
	[tilespmem:s2], [sflag:$0x3] =	stream.linear.gather [hbm4b:s24+s4], $0x3C00, $0x38;
	[tilespmem:$0x11800] =	vst v63  }
0x26: {  	s7 =	sadd.s32 $0x100, s10;
	v15 =	vor.u32 s14, v0;
	_ =	swait.ge [sflag:s0], $0x3C00  }
0x27: {  	v16 =	vor.u32 s7, v0;
	[sflag:s0] =	ssyncset.done $0x0  }
0x28: {  	s26 =	rddreg [dreg:$0x7];
	[sflag:s0] =	ssyncadd.s32 $0xFFFFC400  }
0x29: {  	v17 =	vor.u32 s10, v0;
	[tilespmem:s8], [sflag:$0x4] =	stream.linear.gather [hbm4b:s26+s4], $0x3C00, $0x38;
	[tilespmem:$0x11800] =	vst v63  }
0x2a: {  	v14 =	vld.idx.msk [tilespmem:v14+s4+$0x0], $0xffff  }
0x2b: {  	v18 =	vor.u32 s5, v1;
	v15 =	vld.idx.msk [tilespmem:v15+s4+$0x0], $0xffff  }
0x2c: {  	v19 =	vor.u32 s14, v1;
	v16 =	vld.idx.msk [tilespmem:v16+s4+$0x0], $0xffff  }
0x2d: {  	v20 =	vadd.s32 s10, v2;
	v21 =	vor.u32 s7, v1  }
0x2e: {  	v22 =	vor.u32 s10, v1;
	v25 =	vadd.s32 s10, v4;
	v28 =	vadd.s32 s10, v8;
	s24 =	simm.s32 $0xF100;
	v17 =	vld.idx.msk [tilespmem:v17+s4+$0x0], $0xffff  }
0x2f: {  	v23 =	vadd.s32 s14, v2;
	v20 =	vand.u32 $0xFE00, v20;
	[tilespmem:s24+$0x80] =	vst v14;
	v14 =	vadd.s32 s5, v2  }
0x30: {  	v24 =	vadd.s32 s7, v2;
	v25 =	vand.u32 $0xFE00, v25;
	[tilespmem:s24+$0xFFFFFF80] =	vst v15;
	v15 =	vld.idx.msk [tilespmem:v18+s4+$0x0], $0xffff;
	v14 =	vand.u32 $0x7FFFFF80, v14  }
0x31: {  	s28 =	simm.s32 $0x400;
	v26 =	vadd.s32 s14, v6;
	v23 =	vand.u32 $0x7FFFFF80, v23;
	[tilespmem:s24+$0x0] =	vst v16;
	v19 =	vld.idx.msk [tilespmem:v19+s4+$0x0], $0xffff;
	v14 =	vor.u32 v3, v14  }
0x32: {  	s6 =	sand.u32 $0xFFFFF800, s28;
	v27 =	vadd.s32 s7, v6;
	v23 =	vor.u32 v3, v23;
	v18 =	vand.u32 $0x7FFFFF80, v24;
	v21 =	vld.idx.msk [tilespmem:v21+s4+$0x0], $0xffff  }
0x33: {  	s6 =	sadd.s32 $0x200, s6;
	v28 =	vand.u32 $0xFE00, v28;
	v32 =	vadd.s32 s7, v12;
	[tilespmem:s24+$0xFFFFFF00] =	vst v17;
	v16 =	vor.u32 v3, v18  }
0x34: {  	s29 =	sadd.s32 $0x80, s6;
	v34 =	vadd.s32 s6, v2;
	v39 =	vadd.s32 s6, v4;
	v20 =	vor.u32 v3, v20;
	v22 =	vld.idx.msk [tilespmem:v22+s4+$0x0], $0xffff  }
0x35: {  	s30 =	sadd.s32 $0x100, s6;
	v30 =	vor.u32 v9, v28;
	v28 =	vadd.s32 s7, v10;
	v33 =	vor.u32 s29, v0;
	[tilespmem:s24+$0x90] =	vst v15  }
0x36: {  	v26 =	vand.u32 $0x7FFFFF80, v26;
	v52 =	vor.u32 s30, v0;
	v15 =	vadd.s32 s5, v4;
	[tilespmem:s24+$0xFFFFFF90] =	vst v19;
	v14 =	vld.idx.msk [tilespmem:v14+s4+$0x0], $0xffff  }
0x37: {  	v35 =	vor.u32 s29, v1;
	v24 =	vadd.s32 s14, v4;
	[tilespmem:s24+$0x10] =	vst v21;
	v15 =	vand.u32 $0x7FFFFF80, v15;
	v23 =	vld.idx.msk [tilespmem:v23+s4+$0x0], $0xffff  }
0x38: {  	v18 =	vadd.s32 s7, v4;
	v24 =	vand.u32 $0x7FFFFF80, v24;
	v16 =	vld.idx.msk [tilespmem:v16+s4+$0x0], $0xffff;
	v15 =	vor.u32 v5, v15  }
0x39: {  	v36 =	vadd.s32 s29, v2;
	v18 =	vand.u32 $0x7FFFFF80, v18;
	v24 =	vor.u32 v5, v24;
	[tilespmem:s24+$0xFFFFFF10] =	vst v22  }
0x3a: {  	v18 =	vor.u32 v5, v18;
	v21 =	vor.u32 v7, v26;
	v26 =	vadd.s32 s14, v8;
	v20 =	vld.idx.msk [tilespmem:v20+s4+$0x0], $0xffff  }
0x3b: {  	v37 =	vor.u32 s30, v1;
	v17 =	vor.u32 v5, v25;
	v26 =	vand.u32 $0x7FFFFF80, v26;
	[tilespmem:s24+$0xA0] =	vst v14  }
0x3c: {  	v34 =	vand.u32 $0xFE00, v34;
	v33 =	vld.idx.msk [tilespmem:v33+s4+$0x0], $0xffff;
	v22 =	vor.u32 v9, v26;
	v26 =	vadd.s32 s14, v10;
	[tilespmem:s24+$0xFFFFFFA0] =	vst v23  }
0x3d: {  	s25 =	sadd.s32 $0x180, s6;
	v25 =	vadd.s32 s10, v6;
	[tilespmem:s24+$0x20] =	vst v16;
	v16 =	vand.u32 $0x7FFFFF80, v26;
	v26 =	vand.u32 $0x7FFFFF80, v28;
	v15 =	vld.idx.msk [tilespmem:v15+s4+$0x0], $0xffff  }
0x3e: {  	v14 =	vadd.s32 s5, v6;
	v24 =	vld.idx.msk [tilespmem:v24+s4+$0x0], $0xffff;
	v29 =	vor.u32 v11, v26;
	v26 =	vor.u32 s25, v0  }
0x3f: {  	v38 =	vadd.s32 s30, v2;
	v19 =	vand.u32 $0xFE00, v25;
	[tilespmem:s24+$0xFFFFFF20] =	vst v20;
	v14 =	vand.u32 $0x7FFFFF80, v14;
	v18 =	vld.idx.msk [tilespmem:v18+s4+$0x0], $0xffff  }
0x40: {  	v25 =	vand.u32 $0x7FFFFF80, v27;
	v27 =	vadd.s32 s7, v8;
	s7 =	simm.s32 $0xF300;
	v17 =	vld.idx.msk [tilespmem:v17+s4+$0x0], $0xffff;
	v14 =	vor.u32 v7, v14  }
0x41: {  	v53 =	vadd.s32 s29, v4;
	v61 =	vadd.s32 s30, v12;
	v25 =	vor.u32 v7, v25;
	[tilespmem:s7+$0xFFFFFF80] =	vst v33  }
0x42: {  	v36 =	vand.u32 $0x7FFFFF80, v36;
	v34 =	vor.u32 v3, v34;
	v19 =	vor.u32 v7, v19;
	v33 =	vld.idx.msk [tilespmem:v35+s4+$0x0], $0xffff;
	[tilespmem:s24+$0xB0] =	vst v15  }
0x43: {  	v38 =	vand.u32 $0x7FFFFF80, v38;
	v62 =	vand.u32 $0x7FFFFF80, v61;
	v20 =	vor.u32 s6, v0;
	[tilespmem:s24+$0xFFFFFFB0] =	vst v24;
	v26 =	vld.idx.msk [tilespmem:v26+s4+$0x0], $0xffff  }
0x44: {  	v36 =	vor.u32 v3, v36;
	v38 =	vor.u32 v3, v38;
	v15 =	vadd.s32 s5, v8;
	[tilespmem:s24+$0x30] =	vst v18;
	v21 =	vld.idx.msk [tilespmem:v21+s4+$0x0], $0xffff  }
0x45: {  	v23 =	vadd.s32 s10, v10;
	[tilespmem:s24+$0xFFFFFF30] =	vst v17;
	v17 =	vor.u32 s25, v1;
	v24 =	vld.idx.msk [tilespmem:v14+s4+$0x0], $0xffff;
	v14 =	vand.u32 $0x7FFFFF80, v15  }
0x46: {  	v27 =	vand.u32 $0x7FFFFF80, v27;
	v23 =	vand.u32 $0xFE00, v23;
	v25 =	vld.idx.msk [tilespmem:v25+s4+$0x0], $0xffff;
	v18 =	vor.u32 v9, v14  }
0x47: {  	v27 =	vor.u32 v9, v27;
	[tilespmem:s7+$0xFFFFFF90] =	vst v33;
	v28 =	vor.u32 v11, v23;
	v23 =	vadd.s32 s10, v12;
	v19 =	vld.idx.msk [tilespmem:v19+s4+$0x0], $0xffff  }
0x48: {  	v31 =	vor.u32 v11, v16;
	v16 =	vadd.s32 s14, v12;
	v20 =	vld.idx.msk [tilespmem:v20+s4+$0x0], $0xffff;
	v15 =	vand.u32 $0xFE00, v23;
	[tilespmem:s7+$0x80] =	vst v26  }
0x49: {  	v16 =	vand.u32 $0x7FFFFF80, v16;
	v23 =	vand.u32 $0x7FFFFF80, v32;
	v14 =	vor.u32 v13, v15;
	[tilespmem:s24+$0xFFFFFFC0] =	vst v21;
	v21 =	vld.idx.msk [tilespmem:v52+s4+$0x0], $0xffff  }
0x4a: {  	v15 =	vor.u32 v13, v23;
	v23 =	vor.u32 s6, v1;
	[tilespmem:s24+$0xC0] =	vst v24;
	v24 =	vadd.s32 s5, v10;
	v17 =	vld.idx.msk [tilespmem:v17+s4+$0x0], $0xffff  }
0x4b: {  	v16 =	vor.u32 v13, v16;
	v32 =	vand.u32 $0x7FFFFF80, v53;
	[tilespmem:s24+$0x40] =	vst v25;
	v18 =	vld.idx.msk [tilespmem:v18+s4+$0x0], $0xffff;
	v24 =	vand.u32 $0x7FFFFF80, v24  }
0x4c: {  	v54 =	vor.u32 v5, v32;
	v25 =	vadd.s32 s30, v4;
	[tilespmem:s24+$0xFFFFFF40] =	vst v19;
	v22 =	vld.idx.msk [tilespmem:v22+s4+$0x0], $0xffff;
	v24 =	vor.u32 v11, v24  }
0x4d: {  	[tilespmem:s7+$0xFFFFFF00] =	vst v20;
	v20 =	vadd.s32 s30, v6;
	v26 =	vand.u32 $0xFE00, v39;
	v25 =	vand.u32 $0x7FFFFF80, v25;
	v30 =	vld.idx.msk [tilespmem:v30+s4+$0x0], $0xffff  }
0x4e: {  	v55 =	vld.idx.msk [tilespmem:v27+s4+$0x0], $0xffff;
	v27 =	vadd.s32 s6, v6;
	v40 =	vor.u32 v5, v25;
	v25 =	vadd.s32 s25, v2;
	[tilespmem:s7+$0x0] =	vst v21  }
0x4f: {  	v26 =	vor.u32 v5, v26;
	v19 =	vld.idx.msk [tilespmem:v23+s4+$0x0], $0xffff;
	v27 =	vand.u32 $0xFE00, v27;
	v25 =	vand.u32 $0x7FFFFF80, v25;
	[tilespmem:s7+$0x90] =	vst v17  }
0x50: {  	v21 =	vor.u32 v3, v25;
	v17 =	vadd.s32 s30, v8;
	[tilespmem:s24+$0xD0] =	vst v18;
	v18 =	vadd.s32 s29, v6;
	v37 =	vld.idx.msk [tilespmem:v37+s4+$0x0], $0xffff  }
0x51: {  	[tilespmem:s24+$0xFFFFFFD0] =	vst v22;
	v22 =	vadd.s32 s6, v8;
	v23 =	vand.u32 $0x7FFFFF80, v17;
	v56 =	vld.idx.msk [tilespmem:v24+s4+$0x0], $0xffff;
	v24 =	vadd.s32 s5, v12  }
0x52: {  	[tilespmem:s24+$0xFFFFFF50] =	vst v30;
	v30 =	vadd.s32 s29, v12;
	v18 =	vand.u32 $0x7FFFFF80, v18;
	v24 =	vand.u32 $0x7FFFFF80, v24  }
0x53: {  	v33 =	vld.idx.msk [tilespmem:v36+s4+$0x0], $0xffff;
	v25 =	vor.u32 v7, v18;
	v18 =	vand.u32 $0x7FFFFF80, v20;
	v41 =	vor.u32 v13, v24  }
0x54: {  	v20 =	vor.u32 v7, v27;
	v27 =	vld.idx.msk [tilespmem:v31+s4+$0x0], $0xffff;
	v24 =	vor.u32 v7, v18;
	v18 =	vadd.s32 s29, v8  }
0x55: {  	[tilespmem:s7+$0xFFFFFF10] =	vst v19;
	v17 =	vand.u32 $0xFE00, v22;
	v18 =	vand.u32 $0x7FFFFF80, v18;
	v31 =	vld.idx.msk [tilespmem:v21+s4+$0x0], $0xffff;
	v21 =	vadd.s32 s25, v4  }
0x56: {  	v23 =	vor.u32 v9, v23;
	v60 =	vld.idx.msk [tilespmem:v34+s4+$0x0], $0xffff;
	v22 =	vor.u32 v9, v18;
	v18 =	vand.u32 $0x7FFFFF80, v21;
	[tilespmem:s7+$0x10] =	vst v37  }
0x57: {  	v30 =	vand.u32 $0x7FFFFF80, v30;
	v17 =	vor.u32 v9, v17;
	[tilespmem:s24+$0xE0] =	vst v56;
	v57 =	vor.u32 v5, v18;
	v37 =	vld.idx.msk [tilespmem:v38+s4+$0x0], $0xffff  }
0x58: {  	[tilespmem:s24+$0x50] =	vst v55;
	v30 =	vor.u32 v13, v30;
	v21 =	vadd.s32 s29, v10;
	v18 =	vadd.s32 s6, v10;
	v58 =	vld.idx.msk [tilespmem:v41+s4+$0x0], $0xffff  }
0x59: {  	[tilespmem:s7+$0xFFFFFFA0] =	vst v33;
	v32 =	vld.idx.msk [tilespmem:v29+s4+$0x0], $0xffff;
	v19 =	vand.u32 $0x7FFFFF80, v21;
	v21 =	vadd.s32 s30, v10;
	v18 =	vand.u32 $0xFE00, v18  }
0x5a: {  	v29 =	vld.idx.msk [tilespmem:v28+s4+$0x0], $0xffff;
	v59 =	vand.u32 $0x7FFFFF80, v21;
	v21 =	vor.u32 v11, v19;
	[tilespmem:s7+$0xA0] =	vst v31;
	v31 =	vadd.s32 s6, v12  }
0x5b: {  	v34 =	vld.idx.msk [tilespmem:v54+s4+$0x0], $0xffff;
	[tilespmem:s7+$0xFFFFFF20] =	vst v60;
	v19 =	vor.u32 v11, v59;
	v28 =	vand.u32 $0xFE00, v31;
	v31 =	vadd.s32 s25, v6  }
0x5c: {  	v18 =	vor.u32 v11, v18;
	v33 =	vld.idx.msk [tilespmem:v57+s4+$0x0], $0xffff;
	v28 =	vor.u32 v13, v28;
	v63 =	vand.u32 $0x7FFFFF80, v31;
	[tilespmem:s7+$0x20] =	vst v37  }
0x5d: {  	s23 =	simm.s32 $0x200;
	s10 =	simm.s32 $0x4;
	s5 =	simm.s32 $0x800;
	v31 =	vor.u32 v13, v62;
	v36 =	vor.u32 v7, v63;
	v35 =	vld.idx.msk [tilespmem:v40+s4+$0x0], $0xffff;
	[tilespmem:s24+$0xF0] =	vst v58  }
.LBB2_2:
0x5e: {  	s6 =	sand.u32 $0xFFFFF800, s5;
	s23 =	sadd.s32 $0x200, s23  }
0x5f: {  	s10 =	sadd.s32 $0x4, s10;
	v26 =	vld.idx.msk [tilespmem:v26+s4+$0x0], $0xffff;
	[tilespmem:s24+$0xFFFFFFE0] =	vst v27;
	s6 =	sadd.s32 s6, s23  }
0x60: {  	p0 =	slt.u32 s10, $0x24;
	v27 =	vld.idx.msk [tilespmem:v16+s4+$0x0], $0xffff;
	[tilespmem:s24+$0x60] =	vst v32;
	v16 =	vmov v30;
	v30 =	vor.u32 s6, v0;
	s15 =	sadd.s32 $0x80, s6  }
0x61: {  	v32 =	vor.u32 s6, v1;
	v37 =	vadd.s32 s6, v2;
	s14 =	sadd.s32 $0x100, s6;
	s16 =	sadd.s32 $0x180, s6;
	[tilespmem:s7+$0xB0] =	vst v33;
	v33 =	vld.idx.msk [tilespmem:v15+s4+$0x0], $0xffff;
	v15 =	vmovc v31;
	v31 =	vor.u32 s15, v0  }
0x62: {  	v38 =	vor.u32 s16, v0;
	[tilespmem:s7+$0xFFFFFFB0] =	vst v34;
	v34 =	vld.idx.msk [tilespmem:v36+s4+$0x0], $0xffff;
	v36 =	vadd.s32 s25, v8  }
0x63: {  	v39 =	vor.u32 s15, v1;
	v40 =	vor.u32 s14, v0;
	v25 =	vld.idx.msk [tilespmem:v25+s4+$0x0], $0xffff;
	v36 =	vand.u32 $0x7FFFFF80, v36;
	[tilespmem:s24+$0xFFFFFF60] =	vst v29  }
0x64: {  	v41 =	vor.u32 s14, v1;
	v29 =	vadd.s32 s15, v2;
	[tilespmem:s7+$0x30] =	vst v35;
	v35 =	vor.u32 v9, v36;
	v36 =	vld.idx.msk [tilespmem:v14+s4+$0x0], $0xffff;
	v14 =	vmovc v28  }
0x65: {  	v28 =	vand.u32 $0xFE00, v37;
	v29 =	vand.u32 $0x7FFFFF80, v29;
	v37 =	vadd.s32 s14, v2;
	[tilespmem:s7+$0xFFFFFF30] =	vst v26;
	v24 =	vld.idx.msk [tilespmem:v24+s4+$0x0], $0xffff  }
0x66: {  	v28 =	vor.u32 v3, v28;
	v29 =	vor.u32 v3, v29;
	v26 =	vand.u32 $0x7FFFFF80, v37;
	v30 =	vld.idx.msk [tilespmem:v30+s4+$0x0], $0xffff;
	[tilespmem:s24+$0xFFFFFFF0] =	vst v27  }
0x67: {  	v27 =	vadd.s32 s15, v4;
	v37 =	vor.u32 v3, v26;
	v26 =	vadd.s32 s14, v4;
	v38 =	vld.idx.msk [tilespmem:v38+s4+$0x0], $0xffff;
	[tilespmem:s24+$0x70] =	vst v33  }
0x68: {  	v33 =	vadd.s32 s6, v4;
	v27 =	vand.u32 $0x7FFFFF80, v27;
	v26 =	vand.u32 $0x7FFFFF80, v26;
	v31 =	vld.idx.msk [tilespmem:v31+s4+$0x0], $0xffff;
	[tilespmem:s7+$0xC0] =	vst v34  }
0x69: {  	v33 =	vand.u32 $0xFE00, v33;
	v34 =	vor.u32 s16, v1;
	[tilespmem:s7+$0xFFFFFFC0] =	vst v25;
	v35 =	vld.idx.msk [tilespmem:v35+s4+$0x0], $0xffff;
	v25 =	vadd.s32 s25, v10  }
0x6a: {  	v42 =	vor.u32 v5, v27;
	v27 =	vld.idx.msk [tilespmem:v40+s4+$0x0], $0xffff;
	v40 =	vor.u32 v5, v26;
	v25 =	vand.u32 $0x7FFFFF80, v25;
	[tilespmem:s24+$0xFFFFFF70] =	vst v36;
	s24 =	smov.u32 s7  }
0x6b: {  	v26 =	vor.u32 v5, v33;
	v33 =	vadd.s32 s15, v6;
	v36 =	vld.idx.msk [tilespmem:v20+s4+$0x0], $0xffff;
	[tilespmem:s7+$0x40] =	vst v24;
	v43 =	vor.u32 v11, v25  }
0x6c: {  	v20 =	vadd.s32 s6, v6;
	v24 =	vand.u32 $0x7FFFFF80, v33;
	v33 =	vadd.s32 s14, v6;
	s7 =	sadd.s32 $0x200, s7;
	v44 =	vld.idx.msk [tilespmem:v22+s4+$0x0], $0xffff  }
0x6d: {  	v20 =	vand.u32 $0xFE00, v20;
	v25 =	vor.u32 v7, v24;
	v22 =	vand.u32 $0x7FFFFF80, v33;
	[tilespmem:s7+$0x80] =	vst v38;
	v33 =	vld.idx.msk [tilespmem:v23+s4+$0x0], $0xffff  }
0x6e: {  	v20 =	vor.u32 v7, v20;
	v24 =	vor.u32 v7, v22;
	v22 =	vadd.s32 s16, v2;
	[tilespmem:s7+$0xFFFFFF80] =	vst v31;
	v31 =	vld.idx.msk [tilespmem:v34+s4+$0x0], $0xffff  }
0x6f: {  	v23 =	vadd.s32 s15, v8;
	v38 =	vadd.s32 s14, v8;
	v22 =	vand.u32 $0x7FFFFF80, v22;
	v34 =	vld.idx.msk [tilespmem:v39+s4+$0x0], $0xffff;
	[tilespmem:s24+$0xD0] =	vst v35  }
0x70: {  	v35 =	vadd.s32 s6, v8;
	v39 =	vor.u32 v3, v22;
	v22 =	vadd.s32 s25, v12;
	s25 =	smov.u32 s16;
	[tilespmem:s7+$0x0] =	vst v27;
	v43 =	vld.idx.msk [tilespmem:v43+s4+$0x0], $0xffff  }
0x71: {  	v23 =	vand.u32 $0x7FFFFF80, v23;
	v27 =	vand.u32 $0x7FFFFF80, v38;
	v38 =	vand.u32 $0x7FFFFF80, v22;
	[tilespmem:s7+$0xFFFFFF00] =	vst v30;
	v30 =	vld.idx.msk [tilespmem:v41+s4+$0x0], $0xffff  }
0x72: {  	v35 =	vand.u32 $0xFE00, v35;
	v22 =	vor.u32 v9, v23;
	v32 =	vld.idx.msk [tilespmem:v32+s4+$0x0], $0xffff;
	[tilespmem:s24+$0xFFFFFF40] =	vst v36;
	v36 =	vor.u32 v13, v38  }
0x73: {  	v23 =	vor.u32 v9, v27;
	v38 =	vadd.s32 s15, v10;
	v41 =	vld.idx.msk [tilespmem:v17+s4+$0x0], $0xffff;
	v17 =	vor.u32 v9, v35;
	[tilespmem:s24+$0xFFFFFFD0] =	vst v44  }
0x74: {  	v35 =	vadd.s32 s6, v10;
	v38 =	vand.u32 $0x7FFFFF80, v38;
	v44 =	vadd.s32 s14, v10;
	[tilespmem:s7+$0x90] =	vst v31;
	v27 =	vld.idx.msk [tilespmem:v21+s4+$0x0], $0xffff  }
0x75: {  	v31 =	vand.u32 $0xFE00, v35;
	[tilespmem:s7+$0xFFFFFF90] =	vst v34;
	v34 =	vand.u32 $0x7FFFFF80, v44;
	v35 =	vld.idx.msk [tilespmem:v39+s4+$0x0], $0xffff;
	v39 =	vadd.s32 s25, v4  }
0x76: {  	v21 =	vor.u32 v11, v38;
	v44 =	vld.idx.msk [tilespmem:v29+s4+$0x0], $0xffff;
	v29 =	vor.u32 v11, v34;
	v34 =	vand.u32 $0x7FFFFF80, v39;
	[tilespmem:s24+$0xE0] =	vst v43  }
0x77: {  	v38 =	vor.u32 v11, v31;
	v31 =	vadd.s32 s15, v12;
	[tilespmem:s7+$0x10] =	vst v30;
	v34 =	vor.u32 v5, v34;
	v36 =	vld.idx.msk [tilespmem:v36+s4+$0x0], $0xffff  }
0x78: {  	v31 =	vand.u32 $0x7FFFFF80, v31;
	v30 =	vadd.s32 s6, v12;
	[tilespmem:s7+$0xFFFFFF10] =	vst v32;
	v37 =	vld.idx.msk [tilespmem:v37+s4+$0x0], $0xffff;
	v32 =	vadd.s32 s14, v12  }
0x79: {  	v39 =	vld.idx.msk [tilespmem:v28+s4+$0x0], $0xffff;
	v28 =	vand.u32 $0xFE00, v30;
	v30 =	vor.u32 v13, v31;
	v31 =	vand.u32 $0x7FFFFF80, v32;
	[tilespmem:s24+$0x50] =	vst v33  }
0x7a: {  	v28 =	vor.u32 v13, v28;
	v31 =	vor.u32 v13, v31;
	[tilespmem:s24+$0xFFFFFF50] =	vst v41;
	v32 =	vld.idx.msk [tilespmem:v19+s4+$0x0], $0xffff;
	v19 =	vmov v29  }
.Ltmp0:
0x7b: {  	[tilespmem:s7+$0xA0] =	vst v35;
	v29 =	vld.idx.msk [tilespmem:v18+s4+$0x0], $0xffff;
	v18 =	vmov v38;
	(pc) =	sbr.rel @p0 .LBB2_2-.Ltmp0, $4  }
0x7c: {  	v35 =	vadd.s32 s25, v6;
	[tilespmem:s7+$0xFFFFFFA0] =	vst v44;
	v33 =	vld.idx.msk [tilespmem:v34+s4+$0x0], $0xffff  }
0x7d: {  	v35 =	vand.u32 $0x7FFFFF80, v35;
	v34 =	vld.idx.msk [tilespmem:v42+s4+$0x0], $0xffff;
	[tilespmem:s24+$0xF0] =	vst v36  }
0x7e: {  	v36 =	vor.u32 v7, v35;
	[tilespmem:s7+$0x20] =	vst v37  }
0x7f: {  	s5 =	sadd.s32 $0x400, s5;
	[tilespmem:s7+$0xFFFFFF20] =	vst v39;
	v35 =	vld.idx.msk [tilespmem:v40+s4+$0x0], $0xffff  }
0x80: {  	_ =	sdelay $0x3  }
0x81: {  	v26 =	vld.idx.msk [tilespmem:v26+s4+$0x0], $0xffff;
	_ =	sdelay $0x1  }
0x82: {  	v45 =	vadd.s32 s25, v8;
	[tilespmem:s7+$0xB0] =	vst v33  }
0x83: {  	v33 =	vand.u32 $0x7FFFFF80, v45;
	[tilespmem:s7+$0xFFFFFFB0] =	vst v34;
	v46 =	vld.idx.msk [tilespmem:v36+s4+$0x0], $0xffff  }
0x84: {  	v33 =	vor.u32 v9, v33;
	v25 =	vld.idx.msk [tilespmem:v25+s4+$0x0], $0xffff;
	[tilespmem:s7+$0x30] =	vst v35  }
0x85: {  	[tilespmem:s7+$0xFFFFFF30] =	vst v26;
	v24 =	vld.idx.msk [tilespmem:v24+s4+$0x0], $0xffff  }
0x86: {  	v20 =	vld.idx.msk [tilespmem:v20+s4+$0x0], $0xffff;
	_ =	sdelay $0x1  }
0x87: {  	v26 =	vadd.s32 s25, v10;
	[tilespmem:s7+$0xC0] =	vst v46  }
0x88: {  	v26 =	vand.u32 $0x7FFFFF80, v26;
	[tilespmem:s7+$0xFFFFFFC0] =	vst v25;
	v25 =	vld.idx.msk [tilespmem:v33+s4+$0x0], $0xffff  }
0x89: {  	v22 =	vld.idx.msk [tilespmem:v22+s4+$0x0], $0xffff;
	[tilespmem:s7+$0x40] =	vst v24;
	v24 =	vor.u32 v11, v26  }
0x8a: {  	v23 =	vld.idx.msk [tilespmem:v23+s4+$0x0], $0xffff;
	[tilespmem:s7+$0xFFFFFF40] =	vst v20  }
0x8b: {  	[tilespmem:s24+$0xFFFFFFE0] =	vst v27;
	v17 =	vld.idx.msk [tilespmem:v17+s4+$0x0], $0xffff  }
0x8c: {  	[tilespmem:s24+$0x60] =	vst v32  }
0x8d: {  	v16 =	vld.idx.msk [tilespmem:v16+s4+$0x0], $0xffff;
	v20 =	vadd.s32 s25, v12;
	[tilespmem:s7+$0xD0] =	vst v25  }
0x8e: {  	v20 =	vand.u32 $0x7FFFFF80, v20;
	[tilespmem:s7+$0xFFFFFFD0] =	vst v22;
	v24 =	vld.idx.msk [tilespmem:v24+s4+$0x0], $0xffff  }
0x8f: {  	v20 =	vor.u32 v13, v20;
	v21 =	vld.idx.msk [tilespmem:v21+s4+$0x0], $0xffff;
	[tilespmem:s7+$0x50] =	vst v23  }
0x90: {  	[tilespmem:s7+$0xFFFFFF50] =	vst v17;
	v17 =	vld.idx.msk [tilespmem:v19+s4+$0x0], $0xffff  }
0x91: {  	[tilespmem:s24+$0xFFFFFF60] =	vst v29;
	v18 =	vld.idx.msk [tilespmem:v18+s4+$0x0], $0xffff  }
0x92: {  	v15 =	vld.idx.msk [tilespmem:v15+s4+$0x0], $0xffff;
	[tilespmem:s24+$0xFFFFFFF0] =	vst v16  }
0x93: {  	v14 =	vld.idx.msk [tilespmem:v14+s4+$0x0], $0xffff;
	[tilespmem:s7+$0xE0] =	vst v24  }
0x94: {  	[tilespmem:s7+$0xFFFFFFE0] =	vst v21;
	v16 =	vld.idx.msk [tilespmem:v20+s4+$0x0], $0xffff  }
0x95: {  	v19 =	vld.idx.msk [tilespmem:v30+s4+$0x0], $0xffff;
	[tilespmem:s7+$0x60] =	vst v17  }
0x96: {  	v17 =	vld.idx.msk [tilespmem:v31+s4+$0x0], $0xffff;
	[tilespmem:s7+$0xFFFFFF60] =	vst v18  }
0x97: {  	[tilespmem:s24+$0x70] =	vst v15;
	v15 =	vld.idx.msk [tilespmem:v28+s4+$0x0], $0xffff  }
0x98: {  	[tilespmem:s24+$0xFFFFFF70] =	vst v14  }
0x99: {  	[tilespmem:s7+$0xF0] =	vst v16  }
0x9a: {  	s6 =	simm.s32 $0x0;
	[tilespmem:s7+$0xFFFFFFF0] =	vst v19  }
0x9b: {  	s25 =	sand.u32 $0xFFFFF800, s6;
	[tilespmem:s7+$0x70] =	vst v17  }
0x9c: {  	s10 =	sadd.s32 $0x0, s25;
	[tilespmem:s7+$0xFFFFFF70] =	vst v15  }
0x9d: {  	s14 =	sadd.s32 $0x80, s10;
	s5 =	rddreg [dreg:$0x6]  }
0x9e: {  	v15 =	vor.u32 s14, v0;
	[hbm4b:s5+s6] =	stream.linear.scatter [tilespmem:s9], [sflag:$0x5], $0x1400, $0x38;
	[tilespmem:$0x11800] =	vst v63  }
0x9f: {  	v17 =	vor.u32 s10, v0;
	s5 =	sadd.s32 $0x180, s10;
	_ =	swait.ge [sflag:s11], $0x3C00  }
0xa0: {  	s26 =	sadd.s32 $0x100, s10;
	v14 =	vor.u32 s5, v0;
	[sflag:s11] =	ssyncset.done $0x0  }
0xa1: {  	v16 =	vor.u32 s26, v0;
	s15 =	rddreg [dreg:$0x8];
	[sflag:s11] =	ssyncadd.s32 $0xFFFFC400  }
0xa2: {  	[tilespmem:s6], [sflag:$0x1] =	stream.linear.gather [hbm4b:s15+s6], $0x3C00, $0x38;
	[tilespmem:$0x11800] =	vst v63  }
0xa3: {  	v15 =	vld.idx.msk [tilespmem:v15+s31+$0x0], $0xffff  }
0xa4: {  	v19 =	vor.u32 s14, v1;
	v17 =	vld.idx.msk [tilespmem:v17+s31+$0x0], $0xffff  }
0xa5: {  	v22 =	vor.u32 s10, v1;
	v14 =	vld.idx.msk [tilespmem:v14+s31+$0x0], $0xffff  }
0xa6: {  	v25 =	vadd.s32 s10, v4;
	v18 =	vor.u32 s5, v1;
	v16 =	vld.idx.msk [tilespmem:v16+s31+$0x0], $0xffff  }
0xa7: {  	s24 =	simm.s32 $0x10500;
	v25 =	vand.u32 $0xFE00, v25;
	v23 =	vadd.s32 s14, v2;
	v21 =	vor.u32 s26, v1  }
0xa8: {  	v26 =	vadd.s32 s14, v6;
	v27 =	vadd.s32 s26, v6;
	v23 =	vand.u32 $0x7FFFFF80, v23;
	[tilespmem:s24+$0xFFFFFF80] =	vst v15  }
0xa9: {  	v47 =	vadd.s32 s26, v12;
	v23 =	vor.u32 v3, v23;
	v20 =	vadd.s32 s10, v2;
	[tilespmem:s24+$0xFFFFFF00] =	vst v17;
	v19 =	vld.idx.msk [tilespmem:v19+s31+$0x0], $0xffff  }
0xaa: {  	s28 =	simm.s32 $0x400;
	v24 =	vadd.s32 s26, v2;
	v20 =	vand.u32 $0xFE00, v20;
	[tilespmem:s24+$0x80] =	vst v14;
	v14 =	vadd.s32 s5, v2;
	v22 =	vld.idx.msk [tilespmem:v22+s31+$0x0], $0xffff  }
0xab: {  	v20 =	vor.u32 v3, v20;
	v28 =	vadd.s32 s10, v8;
	s6 =	sand.u32 $0xFFFFF800, s28;
	[tilespmem:s24+$0x0] =	vst v16;
	v15 =	vld.idx.msk [tilespmem:v18+s31+$0x0], $0xffff;
	v14 =	vand.u32 $0x7FFFFF80, v14  }
0xac: {  	v28 =	vand.u32 $0xFE00, v28;
	s6 =	sadd.s32 $0x200, s6;
	v21 =	vld.idx.msk [tilespmem:v21+s31+$0x0], $0xffff;
	v18 =	vand.u32 $0x7FFFFF80, v24;
	v14 =	vor.u32 v3, v14  }
0xad: {  	v30 =	vor.u32 v9, v28;
	v28 =	vadd.s32 s26, v10;
	s29 =	sadd.s32 $0x80, s6;
	v16 =	vor.u32 v3, v18  }
0xae: {  	s30 =	sadd.s32 $0x100, s6;
	v50 =	vadd.s32 s6, v2;
	v39 =	vadd.s32 s6, v4;
	v48 =	vor.u32 s29, v0;
	[tilespmem:s24+$0xFFFFFF90] =	vst v19  }
0xaf: {  	v26 =	vand.u32 $0x7FFFFF80, v26;
	v49 =	vor.u32 s30, v0;
	v24 =	vadd.s32 s14, v4;
	[tilespmem:s24+$0xFFFFFF10] =	vst v22;
	v23 =	vld.idx.msk [tilespmem:v23+s31+$0x0], $0xffff  }
0xb0: {  	v51 =	vor.u32 s29, v1;
	v52 =	vadd.s32 s29, v2;
	v24 =	vand.u32 $0x7FFFFF80, v24;
	[tilespmem:s24+$0x90] =	vst v15;
	v20 =	vld.idx.msk [tilespmem:v20+s31+$0x0], $0xffff  }
0xb1: {  	v37 =	vor.u32 s30, v1;
	v24 =	vor.u32 v5, v24;
	[tilespmem:s24+$0x10] =	vst v21;
	v15 =	vadd.s32 s5, v4;
	v14 =	vld.idx.msk [tilespmem:v14+s31+$0x0], $0xffff  }
0xb2: {  	v34 =	vand.u32 $0xFE00, v50;
	v38 =	vadd.s32 s30, v2;
	v15 =	vand.u32 $0x7FFFFF80, v15;
	v16 =	vld.idx.msk [tilespmem:v16+s31+$0x0], $0xffff  }
0xb3: {  	v17 =	vor.u32 v5, v25;
	v18 =	vadd.s32 s26, v4;
	v15 =	vor.u32 v5, v15  }
0xb4: {  	v18 =	vand.u32 $0x7FFFFF80, v18;
	v21 =	vor.u32 v7, v26;
	v26 =	vadd.s32 s14, v8;
	[tilespmem:s24+$0xFFFFFFA0] =	vst v23  }
0xb5: {  	v25 =	vadd.s32 s10, v6;
	v18 =	vor.u32 v5, v18;
	v26 =	vand.u32 $0x7FFFFF80, v26;
	[tilespmem:s24+$0xFFFFFF20] =	vst v20  }
0xb6: {  	v22 =	vor.u32 v9, v26;
	v26 =	vadd.s32 s14, v10;
	v20 =	vor.u32 s6, v0;
	[tilespmem:s24+$0xA0] =	vst v14;
	v24 =	vld.idx.msk [tilespmem:v24+s31+$0x0], $0xffff  }
0xb7: {  	s25 =	sadd.s32 $0x180, s6;
	v33 =	vld.idx.msk [tilespmem:v48+s31+$0x0], $0xffff;
	v14 =	vadd.s32 s5, v6;
	[tilespmem:s24+$0x20] =	vst v16;
	v16 =	vand.u32 $0x7FFFFF80, v26;
	v26 =	vand.u32 $0x7FFFFF80, v28  }
0xb8: {  	v15 =	vld.idx.msk [tilespmem:v15+s31+$0x0], $0xffff;
	v14 =	vand.u32 $0x7FFFFF80, v14;
	v29 =	vor.u32 v11, v26;
	v26 =	vor.u32 s25, v0  }
0xb9: {  	v53 =	vadd.s32 s29, v4;
	v19 =	vand.u32 $0xFE00, v25;
	v17 =	vld.idx.msk [tilespmem:v17+s31+$0x0], $0xffff;
	v14 =	vor.u32 v7, v14  }
0xba: {  	v61 =	vadd.s32 s30, v12;
	v25 =	vand.u32 $0x7FFFFF80, v27;
	v19 =	vor.u32 v7, v19;
	v18 =	vld.idx.msk [tilespmem:v18+s31+$0x0], $0xffff  }
0xbb: {  	s7 =	simm.s32 $0x10700;
	v36 =	vand.u32 $0x7FFFFF80, v52;
	v34 =	vor.u32 v3, v34;
	v25 =	vor.u32 v7, v25;
	v20 =	vld.idx.msk [tilespmem:v20+s31+$0x0], $0xffff;
	[tilespmem:s24+$0xFFFFFFB0] =	vst v24  }
0xbc: {  	v38 =	vand.u32 $0x7FFFFF80, v38;
	v32 =	vand.u32 $0x7FFFFF80, v53;
	v62 =	vand.u32 $0x7FFFFF80, v61;
	[tilespmem:s7+$0xFFFFFF80] =	vst v33;
	v21 =	vld.idx.msk [tilespmem:v21+s31+$0x0], $0xffff  }
0xbd: {  	v36 =	vor.u32 v3, v36;
	v38 =	vor.u32 v3, v38;
	[tilespmem:s24+$0xB0] =	vst v15;
	v15 =	vadd.s32 s5, v8;
	v26 =	vld.idx.msk [tilespmem:v26+s31+$0x0], $0xffff  }
0xbe: {  	v23 =	vadd.s32 s10, v10;
	[tilespmem:s24+$0xFFFFFF30] =	vst v17;
	v17 =	vor.u32 s25, v1;
	v24 =	vld.idx.msk [tilespmem:v14+s31+$0x0], $0xffff;
	v14 =	vand.u32 $0x7FFFFF80, v15  }
0xbf: {  	v27 =	vadd.s32 s26, v8;
	v23 =	vand.u32 $0xFE00, v23;
	[tilespmem:s24+$0x30] =	vst v18;
	v19 =	vld.idx.msk [tilespmem:v19+s31+$0x0], $0xffff;
	v18 =	vor.u32 v9, v14  }
0xc0: {  	v27 =	vand.u32 $0x7FFFFF80, v27;
	v28 =	vor.u32 v11, v23;
	v23 =	vadd.s32 s10, v12;
	v25 =	vld.idx.msk [tilespmem:v25+s31+$0x0], $0xffff;
	[tilespmem:s7+$0xFFFFFF00] =	vst v20  }
0xc1: {  	v27 =	vor.u32 v9, v27;
	v31 =	vor.u32 v11, v16;
	v15 =	vand.u32 $0xFE00, v23;
	[tilespmem:s24+$0xFFFFFFC0] =	vst v21;
	v21 =	vld.idx.msk [tilespmem:v49+s31+$0x0], $0xffff  }
0xc2: {  	v16 =	vadd.s32 s14, v12;
	v23 =	vand.u32 $0x7FFFFF80, v47;
	v14 =	vor.u32 v13, v15;
	[tilespmem:s7+$0x80] =	vst v26;
	v22 =	vld.idx.msk [tilespmem:v22+s31+$0x0], $0xffff  }
0xc3: {  	v15 =	vor.u32 v13, v23;
	v23 =	vor.u32 s6, v1;
	[tilespmem:s24+$0xC0] =	vst v24;
	v24 =	vadd.s32 s5, v10;
	v17 =	vld.idx.msk [tilespmem:v17+s31+$0x0], $0xffff  }
0xc4: {  	v54 =	vor.u32 v5, v32;
	v16 =	vand.u32 $0x7FFFFF80, v16;
	[tilespmem:s24+$0xFFFFFF40] =	vst v19;
	v18 =	vld.idx.msk [tilespmem:v18+s31+$0x0], $0xffff;
	v24 =	vand.u32 $0x7FFFFF80, v24  }
0xc5: {  	v16 =	vor.u32 v13, v16;
	[tilespmem:s24+$0x40] =	vst v25;
	v25 =	vadd.s32 s30, v4;
	v30 =	vld.idx.msk [tilespmem:v30+s31+$0x0], $0xffff;
	v24 =	vor.u32 v11, v24  }
0xc6: {  	v33 =	vld.idx.msk [tilespmem:v51+s31+$0x0], $0xffff;
	v20 =	vadd.s32 s30, v6;
	v26 =	vand.u32 $0xFE00, v39;
	v25 =	vand.u32 $0x7FFFFF80, v25;
	[tilespmem:s7+$0x0] =	vst v21  }
0xc7: {  	v55 =	vld.idx.msk [tilespmem:v27+s31+$0x0], $0xffff;
	v27 =	vadd.s32 s6, v6;
	v40 =	vor.u32 v5, v25;
	v25 =	vadd.s32 s25, v2;
	[tilespmem:s24+$0xFFFFFFD0] =	vst v22  }
0xc8: {  	v26 =	vor.u32 v5, v26;
	v19 =	vld.idx.msk [tilespmem:v23+s31+$0x0], $0xffff;
	v27 =	vand.u32 $0xFE00, v27;
	v25 =	vand.u32 $0x7FFFFF80, v25;
	[tilespmem:s7+$0x90] =	vst v17  }
0xc9: {  	v21 =	vor.u32 v3, v25;
	v37 =	vld.idx.msk [tilespmem:v37+s31+$0x0], $0xffff;
	v17 =	vadd.s32 s30, v8;
	v22 =	vadd.s32 s6, v8;
	[tilespmem:s24+$0xD0] =	vst v18  }
0xca: {  	[tilespmem:s24+$0xFFFFFF50] =	vst v30;
	v30 =	vadd.s32 s29, v12;
	v18 =	vadd.s32 s29, v6;
	v56 =	vld.idx.msk [tilespmem:v24+s31+$0x0], $0xffff;
	v24 =	vadd.s32 s5, v12  }
0xcb: {  	[tilespmem:s7+$0xFFFFFF90] =	vst v33;
	v23 =	vand.u32 $0x7FFFFF80, v17;
	v18 =	vand.u32 $0x7FFFFF80, v18;
	v24 =	vand.u32 $0x7FFFFF80, v24  }
0xcc: {  	v33 =	vld.idx.msk [tilespmem:v36+s31+$0x0], $0xffff;
	v25 =	vor.u32 v7, v18;
	v18 =	vand.u32 $0x7FFFFF80, v20;
	v41 =	vor.u32 v13, v24  }
0xcd: {  	v20 =	vor.u32 v7, v27;
	v27 =	vld.idx.msk [tilespmem:v31+s31+$0x0], $0xffff;
	v24 =	vor.u32 v7, v18;
	v18 =	vadd.s32 s29, v8  }
0xce: {  	v17 =	vand.u32 $0xFE00, v22;
	[tilespmem:s7+$0xFFFFFF10] =	vst v19;
	v31 =	vld.idx.msk [tilespmem:v21+s31+$0x0], $0xffff;
	v21 =	vadd.s32 s25, v4;
	v18 =	vand.u32 $0x7FFFFF80, v18  }
0xcf: {  	v17 =	vor.u32 v9, v17;
	v60 =	vld.idx.msk [tilespmem:v34+s31+$0x0], $0xffff;
	[tilespmem:s7+$0x10] =	vst v37;
	v22 =	vor.u32 v9, v18;
	v18 =	vand.u32 $0x7FFFFF80, v21  }
0xd0: {  	v30 =	vand.u32 $0x7FFFFF80, v30;
	v23 =	vor.u32 v9, v23;
	v37 =	vld.idx.msk [tilespmem:v38+s31+$0x0], $0xffff;
	[tilespmem:s24+$0xE0] =	vst v56;
	v57 =	vor.u32 v5, v18  }
0xd1: {  	[tilespmem:s24+$0x50] =	vst v55;
	v30 =	vor.u32 v13, v30;
	v21 =	vadd.s32 s29, v10;
	v18 =	vadd.s32 s6, v10;
	v58 =	vld.idx.msk [tilespmem:v41+s31+$0x0], $0xffff  }
0xd2: {  	[tilespmem:s7+$0xFFFFFFA0] =	vst v33;
	v32 =	vld.idx.msk [tilespmem:v29+s31+$0x0], $0xffff;
	v19 =	vand.u32 $0x7FFFFF80, v21;
	v21 =	vadd.s32 s30, v10;
	v18 =	vand.u32 $0xFE00, v18  }
0xd3: {  	v29 =	vld.idx.msk [tilespmem:v28+s31+$0x0], $0xffff;
	v59 =	vand.u32 $0x7FFFFF80, v21;
	v21 =	vor.u32 v11, v19;
	[tilespmem:s7+$0xA0] =	vst v31;
	v31 =	vadd.s32 s6, v12  }
0xd4: {  	v34 =	vld.idx.msk [tilespmem:v54+s31+$0x0], $0xffff;
	[tilespmem:s7+$0xFFFFFF20] =	vst v60;
	v19 =	vor.u32 v11, v59;
	v28 =	vand.u32 $0xFE00, v31;
	v31 =	vadd.s32 s25, v6  }
0xd5: {  	v18 =	vor.u32 v11, v18;
	v28 =	vor.u32 v13, v28;
	v63 =	vand.u32 $0x7FFFFF80, v31;
	[tilespmem:s7+$0x20] =	vst v37;
	v33 =	vld.idx.msk [tilespmem:v57+s31+$0x0], $0xffff  }
0xd6: {  	s23 =	simm.s32 $0x200;
	s10 =	simm.s32 $0x4;
	s5 =	simm.s32 $0x800;
	v31 =	vor.u32 v13, v62;
	v36 =	vor.u32 v7, v63;
	v35 =	vld.idx.msk [tilespmem:v40+s31+$0x0], $0xffff;
	[tilespmem:s24+$0xF0] =	vst v58  }
.LBB2_4:
0xd7: {  	s6 =	sand.u32 $0xFFFFF800, s5;
	s23 =	sadd.s32 $0x200, s23  }
0xd8: {  	s10 =	sadd.s32 $0x4, s10;
	v26 =	vld.idx.msk [tilespmem:v26+s31+$0x0], $0xffff;
	[tilespmem:s24+$0xFFFFFFE0] =	vst v27;
	s6 =	sadd.s32 s6, s23  }
0xd9: {  	p0 =	slt.u32 s10, $0x24;
	v27 =	vld.idx.msk [tilespmem:v16+s31+$0x0], $0xffff;
	[tilespmem:s24+$0x60] =	vst v32;
	v16 =	vmov v30;
	v30 =	vor.u32 s6, v0;
	s15 =	sadd.s32 $0x80, s6  }
0xda: {  	v32 =	vor.u32 s6, v1;
	v37 =	vadd.s32 s6, v2;
	s14 =	sadd.s32 $0x100, s6;
	s16 =	sadd.s32 $0x180, s6;
	[tilespmem:s7+$0xB0] =	vst v33;
	v33 =	vld.idx.msk [tilespmem:v15+s31+$0x0], $0xffff;
	v15 =	vmovc v31;
	v31 =	vor.u32 s15, v0  }
0xdb: {  	v38 =	vor.u32 s16, v0;
	[tilespmem:s7+$0xFFFFFFB0] =	vst v34;
	v34 =	vld.idx.msk [tilespmem:v36+s31+$0x0], $0xffff;
	v36 =	vadd.s32 s25, v8  }
0xdc: {  	v39 =	vor.u32 s15, v1;
	v40 =	vor.u32 s14, v0;
	v25 =	vld.idx.msk [tilespmem:v25+s31+$0x0], $0xffff;
	v36 =	vand.u32 $0x7FFFFF80, v36;
	[tilespmem:s24+$0xFFFFFF60] =	vst v29  }
0xdd: {  	v41 =	vor.u32 s14, v1;
	v29 =	vadd.s32 s15, v2;
	[tilespmem:s7+$0x30] =	vst v35;
	v35 =	vor.u32 v9, v36;
	v36 =	vld.idx.msk [tilespmem:v14+s31+$0x0], $0xffff;
	v14 =	vmovc v28  }
0xde: {  	v28 =	vand.u32 $0xFE00, v37;
	v29 =	vand.u32 $0x7FFFFF80, v29;
	v37 =	vadd.s32 s14, v2;
	[tilespmem:s7+$0xFFFFFF30] =	vst v26;
	v24 =	vld.idx.msk [tilespmem:v24+s31+$0x0], $0xffff  }
0xdf: {  	v28 =	vor.u32 v3, v28;
	v29 =	vor.u32 v3, v29;
	v26 =	vand.u32 $0x7FFFFF80, v37;
	v30 =	vld.idx.msk [tilespmem:v30+s31+$0x0], $0xffff;
	[tilespmem:s24+$0xFFFFFFF0] =	vst v27  }
0xe0: {  	v27 =	vadd.s32 s15, v4;
	v37 =	vor.u32 v3, v26;
	v26 =	vadd.s32 s14, v4;
	v38 =	vld.idx.msk [tilespmem:v38+s31+$0x0], $0xffff;
	[tilespmem:s24+$0x70] =	vst v33  }
0xe1: {  	v33 =	vadd.s32 s6, v4;
	v27 =	vand.u32 $0x7FFFFF80, v27;
	v26 =	vand.u32 $0x7FFFFF80, v26;
	v31 =	vld.idx.msk [tilespmem:v31+s31+$0x0], $0xffff;
	[tilespmem:s7+$0xC0] =	vst v34  }
0xe2: {  	v33 =	vand.u32 $0xFE00, v33;
	v34 =	vor.u32 s16, v1;
	[tilespmem:s7+$0xFFFFFFC0] =	vst v25;
	v35 =	vld.idx.msk [tilespmem:v35+s31+$0x0], $0xffff;
	v25 =	vadd.s32 s25, v10  }
0xe3: {  	v42 =	vor.u32 v5, v27;
	v27 =	vld.idx.msk [tilespmem:v40+s31+$0x0], $0xffff;
	v40 =	vor.u32 v5, v26;
	v25 =	vand.u32 $0x7FFFFF80, v25;
	[tilespmem:s24+$0xFFFFFF70] =	vst v36;
	s24 =	smov.u32 s7  }
0xe4: {  	v26 =	vor.u32 v5, v33;
	v33 =	vadd.s32 s15, v6;
	v36 =	vld.idx.msk [tilespmem:v20+s31+$0x0], $0xffff;
	[tilespmem:s7+$0x40] =	vst v24;
	v43 =	vor.u32 v11, v25  }
0xe5: {  	v20 =	vadd.s32 s6, v6;
	v24 =	vand.u32 $0x7FFFFF80, v33;
	v33 =	vadd.s32 s14, v6;
	s7 =	sadd.s32 $0x200, s7;
	v44 =	vld.idx.msk [tilespmem:v22+s31+$0x0], $0xffff  }
0xe6: {  	v20 =	vand.u32 $0xFE00, v20;
	v25 =	vor.u32 v7, v24;
	v22 =	vand.u32 $0x7FFFFF80, v33;
	[tilespmem:s7+$0x80] =	vst v38;
	v33 =	vld.idx.msk [tilespmem:v23+s31+$0x0], $0xffff  }
0xe7: {  	v20 =	vor.u32 v7, v20;
	v24 =	vor.u32 v7, v22;
	v22 =	vadd.s32 s16, v2;
	[tilespmem:s7+$0xFFFFFF80] =	vst v31;
	v31 =	vld.idx.msk [tilespmem:v34+s31+$0x0], $0xffff  }
0xe8: {  	v23 =	vadd.s32 s15, v8;
	v38 =	vadd.s32 s14, v8;
	v22 =	vand.u32 $0x7FFFFF80, v22;
	v34 =	vld.idx.msk [tilespmem:v39+s31+$0x0], $0xffff;
	[tilespmem:s24+$0xD0] =	vst v35  }
0xe9: {  	v35 =	vadd.s32 s6, v8;
	v39 =	vor.u32 v3, v22;
	v22 =	vadd.s32 s25, v12;
	s25 =	smov.u32 s16;
	[tilespmem:s7+$0x0] =	vst v27;
	v43 =	vld.idx.msk [tilespmem:v43+s31+$0x0], $0xffff  }
0xea: {  	v23 =	vand.u32 $0x7FFFFF80, v23;
	v27 =	vand.u32 $0x7FFFFF80, v38;
	v38 =	vand.u32 $0x7FFFFF80, v22;
	[tilespmem:s7+$0xFFFFFF00] =	vst v30;
	v30 =	vld.idx.msk [tilespmem:v41+s31+$0x0], $0xffff  }
0xeb: {  	v35 =	vand.u32 $0xFE00, v35;
	v22 =	vor.u32 v9, v23;
	v32 =	vld.idx.msk [tilespmem:v32+s31+$0x0], $0xffff;
	[tilespmem:s24+$0xFFFFFF40] =	vst v36;
	v36 =	vor.u32 v13, v38  }
0xec: {  	v23 =	vor.u32 v9, v27;
	v38 =	vadd.s32 s15, v10;
	v41 =	vld.idx.msk [tilespmem:v17+s31+$0x0], $0xffff;
	v17 =	vor.u32 v9, v35;
	[tilespmem:s24+$0xFFFFFFD0] =	vst v44  }
0xed: {  	v35 =	vadd.s32 s6, v10;
	v38 =	vand.u32 $0x7FFFFF80, v38;
	v44 =	vadd.s32 s14, v10;
	[tilespmem:s7+$0x90] =	vst v31;
	v27 =	vld.idx.msk [tilespmem:v21+s31+$0x0], $0xffff  }
0xee: {  	v31 =	vand.u32 $0xFE00, v35;
	[tilespmem:s7+$0xFFFFFF90] =	vst v34;
	v34 =	vand.u32 $0x7FFFFF80, v44;
	v35 =	vld.idx.msk [tilespmem:v39+s31+$0x0], $0xffff;
	v39 =	vadd.s32 s25, v4  }
0xef: {  	v21 =	vor.u32 v11, v38;
	v44 =	vld.idx.msk [tilespmem:v29+s31+$0x0], $0xffff;
	v29 =	vor.u32 v11, v34;
	v34 =	vand.u32 $0x7FFFFF80, v39;
	[tilespmem:s24+$0xE0] =	vst v43  }
0xf0: {  	v38 =	vor.u32 v11, v31;
	v31 =	vadd.s32 s15, v12;
	[tilespmem:s7+$0x10] =	vst v30;
	v34 =	vor.u32 v5, v34;
	v36 =	vld.idx.msk [tilespmem:v36+s31+$0x0], $0xffff  }
0xf1: {  	v31 =	vand.u32 $0x7FFFFF80, v31;
	v30 =	vadd.s32 s6, v12;
	[tilespmem:s7+$0xFFFFFF10] =	vst v32;
	v37 =	vld.idx.msk [tilespmem:v37+s31+$0x0], $0xffff;
	v32 =	vadd.s32 s14, v12  }
0xf2: {  	v39 =	vld.idx.msk [tilespmem:v28+s31+$0x0], $0xffff;
	v28 =	vand.u32 $0xFE00, v30;
	v30 =	vor.u32 v13, v31;
	v31 =	vand.u32 $0x7FFFFF80, v32;
	[tilespmem:s24+$0x50] =	vst v33  }
0xf3: {  	v28 =	vor.u32 v13, v28;
	v31 =	vor.u32 v13, v31;
	[tilespmem:s24+$0xFFFFFF50] =	vst v41;
	v32 =	vld.idx.msk [tilespmem:v19+s31+$0x0], $0xffff;
	v19 =	vmov v29  }
.Ltmp1:
0xf4: {  	[tilespmem:s7+$0xA0] =	vst v35;
	v29 =	vld.idx.msk [tilespmem:v18+s31+$0x0], $0xffff;
	v18 =	vmov v38;
	(pc) =	sbr.rel @p0 .LBB2_4-.Ltmp1, $4  }
0xf5: {  	v35 =	vadd.s32 s25, v6;
	[tilespmem:s7+$0xFFFFFFA0] =	vst v44;
	v33 =	vld.idx.msk [tilespmem:v34+s31+$0x0], $0xffff  }
0xf6: {  	v35 =	vand.u32 $0x7FFFFF80, v35;
	v34 =	vld.idx.msk [tilespmem:v42+s31+$0x0], $0xffff;
	[tilespmem:s24+$0xF0] =	vst v36  }
0xf7: {  	v36 =	vor.u32 v7, v35;
	[tilespmem:s7+$0x20] =	vst v37  }
0xf8: {  	s5 =	sadd.s32 $0x400, s5;
	[tilespmem:s7+$0xFFFFFF20] =	vst v39;
	v35 =	vld.idx.msk [tilespmem:v40+s31+$0x0], $0xffff  }
0xf9: {  	_ =	sdelay $0x3  }
0xfa: {  	v26 =	vld.idx.msk [tilespmem:v26+s31+$0x0], $0xffff;
	_ =	sdelay $0x1  }
0xfb: {  	v55 =	vadd.s32 s25, v8;
	[tilespmem:s7+$0xB0] =	vst v33  }
0xfc: {  	v33 =	vand.u32 $0x7FFFFF80, v55;
	[tilespmem:s7+$0xFFFFFFB0] =	vst v34;
	v56 =	vld.idx.msk [tilespmem:v36+s31+$0x0], $0xffff  }
0xfd: {  	v33 =	vor.u32 v9, v33;
	v25 =	vld.idx.msk [tilespmem:v25+s31+$0x0], $0xffff;
	[tilespmem:s7+$0x30] =	vst v35  }
0xfe: {  	[tilespmem:s7+$0xFFFFFF30] =	vst v26;
	v24 =	vld.idx.msk [tilespmem:v24+s31+$0x0], $0xffff  }
0xff: {  	v20 =	vld.idx.msk [tilespmem:v20+s31+$0x0], $0xffff;
	_ =	sdelay $0x1  }
0x100: {  	v57 =	vadd.s32 s25, v10;
	[tilespmem:s7+$0xC0] =	vst v56  }
0x101: {  	v26 =	vand.u32 $0x7FFFFF80, v57;
	[tilespmem:s7+$0xFFFFFFC0] =	vst v25;
	v58 =	vld.idx.msk [tilespmem:v33+s31+$0x0], $0xffff  }
0x102: {  	v59 =	vor.u32 v11, v26;
	v22 =	vld.idx.msk [tilespmem:v22+s31+$0x0], $0xffff;
	[tilespmem:s7+$0x40] =	vst v24  }
0x103: {  	v23 =	vld.idx.msk [tilespmem:v23+s31+$0x0], $0xffff;
	[tilespmem:s7+$0xFFFFFF40] =	vst v20  }
0x104: {  	[tilespmem:s24+$0xFFFFFFE0] =	vst v27;
	v17 =	vld.idx.msk [tilespmem:v17+s31+$0x0], $0xffff  }
0x105: {  	[tilespmem:s24+$0x60] =	vst v32  }
0x106: {  	v60 =	vadd.s32 s25, v12;
	v16 =	vld.idx.msk [tilespmem:v16+s31+$0x0], $0xffff;
	[tilespmem:s7+$0xD0] =	vst v58  }
0x107: {  	v20 =	vand.u32 $0x7FFFFF80, v60;
	v24 =	vld.idx.msk [tilespmem:v59+s31+$0x0], $0xffff;
	[tilespmem:s7+$0xFFFFFFD0] =	vst v22  }
0x108: {  	v20 =	vor.u32 v13, v20;
	v21 =	vld.idx.msk [tilespmem:v21+s31+$0x0], $0xffff;
	[tilespmem:s7+$0x50] =	vst v23  }
0x109: {  	[tilespmem:s7+$0xFFFFFF50] =	vst v17;
	v61 =	vld.idx.msk [tilespmem:v19+s31+$0x0], $0xffff  }
0x10a: {  	[tilespmem:s24+$0xFFFFFF60] =	vst v29;
	v18 =	vld.idx.msk [tilespmem:v18+s31+$0x0], $0xffff  }
0x10b: {  	v15 =	vld.idx.msk [tilespmem:v15+s31+$0x0], $0xffff;
	[tilespmem:s24+$0xFFFFFFF0] =	vst v16  }
0x10c: {  	v14 =	vld.idx.msk [tilespmem:v14+s31+$0x0], $0xffff;
	[tilespmem:s7+$0xE0] =	vst v24  }
0x10d: {  	v62 =	vld.idx.msk [tilespmem:v20+s31+$0x0], $0xffff;
	[tilespmem:s7+$0xFFFFFFE0] =	vst v21  }
0x10e: {  	v63 =	vld.idx.msk [tilespmem:v30+s31+$0x0], $0xffff;
	[tilespmem:s7+$0x60] =	vst v61  }
0x10f: {  	v17 =	vld.idx.msk [tilespmem:v31+s31+$0x0], $0xffff;
	[tilespmem:s7+$0xFFFFFF60] =	vst v18  }
0x110: {  	[tilespmem:s24+$0x70] =	vst v15;
	v15 =	vld.idx.msk [tilespmem:v28+s31+$0x0], $0xffff  }
0x111: {  	[tilespmem:s24+$0xFFFFFF70] =	vst v14  }
0x112: {  	[tilespmem:s7+$0xF0] =	vst v62  }
0x113: {  	[tilespmem:s7+$0xFFFFFFF0] =	vst v63  }
0x114: {  	[tilespmem:s7+$0x70] =	vst v17  }
0x115: {  	[tilespmem:s7+$0xFFFFFF70] =	vst v15  }
0x116: {  	s25 =	simm.s32 $0x0;
	s24 =	simm.s32 $0x0;
	s5 =	rddreg [dreg:$0x9]  }
0x117: {  	[hbm4b:s5+s24] =	stream.linear.scatter [tilespmem:s12], [sflag:$0x6], $0x1400, $0x38;
	[tilespmem:$0x11800] =	vst v63  }
.LBB2_6:
0x118: {  	s5 =	sshll.u32 s25, $0x2;
	s6 =	sand.u32 $0xFFFFF800, s24  }
0x119: {  	_ =	swait.ge [sflag:s13], $0x3C00;
	s26 =	sadd.s32 $0x5, s5;
	s10 =	sadd.s32 $0x0, s6  }
0x11a: {  	[sflag:s13] =	ssyncset.done $0x0;
	s15 =	smul.u32 $0x3C00, s26;
	s16 =	sadd.s32 $0x180, s10  }
0x11b: {  	[sflag:s13] =	ssyncadd.s32 $0xFFFFC400;
	s14 =	sadd.s32 $0x80, s10;
	v14 =	vor.u32 s16, v0  }
0x11c: {  	s7 =	sadd.s32 $0x100, s10;
	_ =	swait.ge [sflag:s20], $0x1400;
	v15 =	vor.u32 s14, v0;
	s6 =	sadd.s32 s18, s15  }
0x11d: {  	v16 =	vor.u32 s7, v0;
	[sflag:s20] =	ssyncset.done $0x0;
	s6 =	sshrl.u32 s6, $0x3  }
0x11e: {  	[sflag:s20] =	ssyncadd.s32 $0xFFFFEC00;
	s6 =	sadd.s32 s1, s6  }
0x11f: {  	v17 =	vor.u32 s10, v0;
	[tilespmem:s31], [sflag:$0x2] =	stream.linear.gather [hbm4b:s6+s24], $0x3C00, $0x38;
	[tilespmem:$0x11800] =	vst v63  }
0x120: {  	v14 =	vld.idx.msk [tilespmem:v14+s2+$0x0], $0xffff  }
0x121: {  	v18 =	vor.u32 s16, v1;
	v15 =	vld.idx.msk [tilespmem:v15+s2+$0x0], $0xffff  }
0x122: {  	v19 =	vor.u32 s14, v1;
	v16 =	vld.idx.msk [tilespmem:v16+s2+$0x0], $0xffff  }
0x123: {  	v20 =	vadd.s32 s10, v2;
	v21 =	vor.u32 s7, v1  }
0x124: {  	s28 =	simm.s32 $0xF100;
	v22 =	vor.u32 s10, v1;
	v25 =	vadd.s32 s10, v4;
	v28 =	vadd.s32 s10, v8;
	v17 =	vld.idx.msk [tilespmem:v17+s2+$0x0], $0xffff  }
0x125: {  	v23 =	vadd.s32 s14, v2;
	v20 =	vand.u32 $0xFE00, v20;
	[tilespmem:s28+$0x80] =	vst v14;
	v14 =	vadd.s32 s16, v2  }
0x126: {  	v24 =	vadd.s32 s7, v2;
	v25 =	vand.u32 $0xFE00, v25;
	[tilespmem:s28+$0xFFFFFF80] =	vst v15;
	v15 =	vld.idx.msk [tilespmem:v18+s2+$0x0], $0xffff;
	v14 =	vand.u32 $0x7FFFFF80, v14  }
0x127: {  	s17 =	simm.s32 $0x400;
	v26 =	vadd.s32 s14, v6;
	v23 =	vand.u32 $0x7FFFFF80, v23;
	[tilespmem:s28+$0x0] =	vst v16;
	v19 =	vld.idx.msk [tilespmem:v19+s2+$0x0], $0xffff;
	v14 =	vor.u32 v3, v14  }
0x128: {  	v27 =	vadd.s32 s7, v6;
	v23 =	vor.u32 v3, v23;
	s6 =	sand.u32 $0xFFFFF800, s17;
	v18 =	vand.u32 $0x7FFFFF80, v24;
	v21 =	vld.idx.msk [tilespmem:v21+s2+$0x0], $0xffff  }
0x129: {  	v28 =	vand.u32 $0xFE00, v28;
	v32 =	vadd.s32 s7, v12;
	s6 =	sadd.s32 $0x200, s6;
	[tilespmem:s28+$0xFFFFFF00] =	vst v17;
	v16 =	vor.u32 v3, v18  }
0x12a: {  	v20 =	vor.u32 v3, v20;
	v30 =	vor.u32 v9, v28;
	v28 =	vadd.s32 s7, v10;
	s23 =	sadd.s32 $0x80, s6;
	v22 =	vld.idx.msk [tilespmem:v22+s2+$0x0], $0xffff  }
0x12b: {  	s30 =	sadd.s32 $0x100, s6;
	v34 =	vadd.s32 s6, v2;
	v39 =	vadd.s32 s6, v4;
	v33 =	vor.u32 s23, v0;
	[tilespmem:s28+$0x90] =	vst v15  }
0x12c: {  	v26 =	vand.u32 $0x7FFFFF80, v26;
	v52 =	vor.u32 s30, v0;
	v15 =	vadd.s32 s16, v4;
	[tilespmem:s28+$0xFFFFFF90] =	vst v19;
	v14 =	vld.idx.msk [tilespmem:v14+s2+$0x0], $0xffff  }
0x12d: {  	v35 =	vor.u32 s23, v1;
	v24 =	vadd.s32 s14, v4;
	[tilespmem:s28+$0x10] =	vst v21;
	v15 =	vand.u32 $0x7FFFFF80, v15;
	v23 =	vld.idx.msk [tilespmem:v23+s2+$0x0], $0xffff  }
0x12e: {  	v18 =	vadd.s32 s7, v4;
	v24 =	vand.u32 $0x7FFFFF80, v24;
	v16 =	vld.idx.msk [tilespmem:v16+s2+$0x0], $0xffff;
	v15 =	vor.u32 v5, v15  }
0x12f: {  	v36 =	vadd.s32 s23, v2;
	v18 =	vand.u32 $0x7FFFFF80, v18;
	v24 =	vor.u32 v5, v24;
	[tilespmem:s28+$0xFFFFFF10] =	vst v22  }
0x130: {  	v18 =	vor.u32 v5, v18;
	v21 =	vor.u32 v7, v26;
	v26 =	vadd.s32 s14, v8;
	v20 =	vld.idx.msk [tilespmem:v20+s2+$0x0], $0xffff  }
0x131: {  	v37 =	vor.u32 s30, v1;
	v17 =	vor.u32 v5, v25;
	v26 =	vand.u32 $0x7FFFFF80, v26;
	[tilespmem:s28+$0xA0] =	vst v14  }
0x132: {  	v34 =	vand.u32 $0xFE00, v34;
	v33 =	vld.idx.msk [tilespmem:v33+s2+$0x0], $0xffff;
	v22 =	vor.u32 v9, v26;
	v26 =	vadd.s32 s14, v10;
	[tilespmem:s28+$0xFFFFFFA0] =	vst v23  }
0x133: {  	s29 =	sadd.s32 $0x180, s6;
	v25 =	vadd.s32 s10, v6;
	[tilespmem:s28+$0x20] =	vst v16;
	v16 =	vand.u32 $0x7FFFFF80, v26;
	v26 =	vand.u32 $0x7FFFFF80, v28;
	v15 =	vld.idx.msk [tilespmem:v15+s2+$0x0], $0xffff  }
0x134: {  	v14 =	vadd.s32 s16, v6;
	v24 =	vld.idx.msk [tilespmem:v24+s2+$0x0], $0xffff;
	v29 =	vor.u32 v11, v26;
	v26 =	vor.u32 s29, v0  }
0x135: {  	v38 =	vadd.s32 s30, v2;
	v19 =	vand.u32 $0xFE00, v25;
	[tilespmem:s28+$0xFFFFFF20] =	vst v20;
	v14 =	vand.u32 $0x7FFFFF80, v14;
	v18 =	vld.idx.msk [tilespmem:v18+s2+$0x0], $0xffff  }
0x136: {  	v25 =	vand.u32 $0x7FFFFF80, v27;
	v27 =	vadd.s32 s7, v8;
	s7 =	simm.s32 $0xF300;
	v17 =	vld.idx.msk [tilespmem:v17+s2+$0x0], $0xffff;
	v14 =	vor.u32 v7, v14  }
0x137: {  	v53 =	vadd.s32 s23, v4;
	v61 =	vadd.s32 s30, v12;
	v25 =	vor.u32 v7, v25;
	[tilespmem:s7+$0xFFFFFF80] =	vst v33  }
0x138: {  	v36 =	vand.u32 $0x7FFFFF80, v36;
	v34 =	vor.u32 v3, v34;
	v19 =	vor.u32 v7, v19;
	v33 =	vld.idx.msk [tilespmem:v35+s2+$0x0], $0xffff;
	[tilespmem:s28+$0xB0] =	vst v15  }
0x139: {  	v38 =	vand.u32 $0x7FFFFF80, v38;
	v62 =	vand.u32 $0x7FFFFF80, v61;
	v20 =	vor.u32 s6, v0;
	[tilespmem:s28+$0xFFFFFFB0] =	vst v24;
	v26 =	vld.idx.msk [tilespmem:v26+s2+$0x0], $0xffff  }
0x13a: {  	v36 =	vor.u32 v3, v36;
	v38 =	vor.u32 v3, v38;
	v15 =	vadd.s32 s16, v8;
	[tilespmem:s28+$0x30] =	vst v18;
	v21 =	vld.idx.msk [tilespmem:v21+s2+$0x0], $0xffff  }
0x13b: {  	v23 =	vadd.s32 s10, v10;
	[tilespmem:s28+$0xFFFFFF30] =	vst v17;
	v17 =	vor.u32 s29, v1;
	v24 =	vld.idx.msk [tilespmem:v14+s2+$0x0], $0xffff;
	v14 =	vand.u32 $0x7FFFFF80, v15  }
0x13c: {  	v27 =	vand.u32 $0x7FFFFF80, v27;
	v23 =	vand.u32 $0xFE00, v23;
	v25 =	vld.idx.msk [tilespmem:v25+s2+$0x0], $0xffff;
	v18 =	vor.u32 v9, v14  }
0x13d: {  	v27 =	vor.u32 v9, v27;
	[tilespmem:s7+$0xFFFFFF90] =	vst v33;
	v28 =	vor.u32 v11, v23;
	v23 =	vadd.s32 s10, v12;
	v19 =	vld.idx.msk [tilespmem:v19+s2+$0x0], $0xffff  }
0x13e: {  	v31 =	vor.u32 v11, v16;
	v16 =	vadd.s32 s14, v12;
	v20 =	vld.idx.msk [tilespmem:v20+s2+$0x0], $0xffff;
	v15 =	vand.u32 $0xFE00, v23;
	[tilespmem:s7+$0x80] =	vst v26  }
0x13f: {  	v16 =	vand.u32 $0x7FFFFF80, v16;
	v23 =	vand.u32 $0x7FFFFF80, v32;
	v14 =	vor.u32 v13, v15;
	[tilespmem:s28+$0xFFFFFFC0] =	vst v21;
	v21 =	vld.idx.msk [tilespmem:v52+s2+$0x0], $0xffff  }
0x140: {  	v15 =	vor.u32 v13, v23;
	v23 =	vor.u32 s6, v1;
	[tilespmem:s28+$0xC0] =	vst v24;
	v24 =	vadd.s32 s16, v10;
	v17 =	vld.idx.msk [tilespmem:v17+s2+$0x0], $0xffff  }
0x141: {  	v16 =	vor.u32 v13, v16;
	v32 =	vand.u32 $0x7FFFFF80, v53;
	[tilespmem:s28+$0x40] =	vst v25;
	v18 =	vld.idx.msk [tilespmem:v18+s2+$0x0], $0xffff;
	v24 =	vand.u32 $0x7FFFFF80, v24  }
0x142: {  	v54 =	vor.u32 v5, v32;
	v25 =	vadd.s32 s30, v4;
	[tilespmem:s28+$0xFFFFFF40] =	vst v19;
	v22 =	vld.idx.msk [tilespmem:v22+s2+$0x0], $0xffff;
	v24 =	vor.u32 v11, v24  }
0x143: {  	[tilespmem:s7+$0xFFFFFF00] =	vst v20;
	v20 =	vadd.s32 s30, v6;
	v26 =	vand.u32 $0xFE00, v39;
	v25 =	vand.u32 $0x7FFFFF80, v25;
	v30 =	vld.idx.msk [tilespmem:v30+s2+$0x0], $0xffff  }
0x144: {  	v55 =	vld.idx.msk [tilespmem:v27+s2+$0x0], $0xffff;
	v27 =	vadd.s32 s6, v6;
	v40 =	vor.u32 v5, v25;
	v25 =	vadd.s32 s29, v2;
	[tilespmem:s7+$0x0] =	vst v21  }
0x145: {  	v26 =	vor.u32 v5, v26;
	v19 =	vld.idx.msk [tilespmem:v23+s2+$0x0], $0xffff;
	v27 =	vand.u32 $0xFE00, v27;
	v25 =	vand.u32 $0x7FFFFF80, v25;
	[tilespmem:s7+$0x90] =	vst v17  }
0x146: {  	v21 =	vor.u32 v3, v25;
	v17 =	vadd.s32 s30, v8;
	[tilespmem:s28+$0xD0] =	vst v18;
	v18 =	vadd.s32 s23, v6;
	v37 =	vld.idx.msk [tilespmem:v37+s2+$0x0], $0xffff  }
0x147: {  	[tilespmem:s28+$0xFFFFFFD0] =	vst v22;
	v22 =	vadd.s32 s6, v8;
	v23 =	vand.u32 $0x7FFFFF80, v17;
	v56 =	vld.idx.msk [tilespmem:v24+s2+$0x0], $0xffff;
	v24 =	vadd.s32 s16, v12  }
0x148: {  	[tilespmem:s28+$0xFFFFFF50] =	vst v30;
	v30 =	vadd.s32 s23, v12;
	v18 =	vand.u32 $0x7FFFFF80, v18;
	v24 =	vand.u32 $0x7FFFFF80, v24  }
0x149: {  	v33 =	vld.idx.msk [tilespmem:v36+s2+$0x0], $0xffff;
	v25 =	vor.u32 v7, v18;
	v18 =	vand.u32 $0x7FFFFF80, v20;
	v41 =	vor.u32 v13, v24  }
0x14a: {  	v20 =	vor.u32 v7, v27;
	v27 =	vld.idx.msk [tilespmem:v31+s2+$0x0], $0xffff;
	v24 =	vor.u32 v7, v18;
	v18 =	vadd.s32 s23, v8  }
0x14b: {  	[tilespmem:s7+$0xFFFFFF10] =	vst v19;
	v17 =	vand.u32 $0xFE00, v22;
	v18 =	vand.u32 $0x7FFFFF80, v18;
	v31 =	vld.idx.msk [tilespmem:v21+s2+$0x0], $0xffff;
	v21 =	vadd.s32 s29, v4  }
0x14c: {  	v23 =	vor.u32 v9, v23;
	v60 =	vld.idx.msk [tilespmem:v34+s2+$0x0], $0xffff;
	v22 =	vor.u32 v9, v18;
	v18 =	vand.u32 $0x7FFFFF80, v21;
	[tilespmem:s7+$0x10] =	vst v37  }
0x14d: {  	v30 =	vand.u32 $0x7FFFFF80, v30;
	v17 =	vor.u32 v9, v17;
	[tilespmem:s28+$0xE0] =	vst v56;
	v57 =	vor.u32 v5, v18;
	v37 =	vld.idx.msk [tilespmem:v38+s2+$0x0], $0xffff  }
0x14e: {  	[tilespmem:s28+$0x50] =	vst v55;
	v30 =	vor.u32 v13, v30;
	v21 =	vadd.s32 s23, v10;
	v18 =	vadd.s32 s6, v10;
	v58 =	vld.idx.msk [tilespmem:v41+s2+$0x0], $0xffff  }
0x14f: {  	[tilespmem:s7+$0xFFFFFFA0] =	vst v33;
	v32 =	vld.idx.msk [tilespmem:v29+s2+$0x0], $0xffff;
	v19 =	vand.u32 $0x7FFFFF80, v21;
	v21 =	vadd.s32 s30, v10;
	v18 =	vand.u32 $0xFE00, v18  }
0x150: {  	v29 =	vld.idx.msk [tilespmem:v28+s2+$0x0], $0xffff;
	v59 =	vand.u32 $0x7FFFFF80, v21;
	v21 =	vor.u32 v11, v19;
	[tilespmem:s7+$0xA0] =	vst v31;
	v31 =	vadd.s32 s6, v12  }
0x151: {  	v34 =	vld.idx.msk [tilespmem:v54+s2+$0x0], $0xffff;
	[tilespmem:s7+$0xFFFFFF20] =	vst v60;
	v19 =	vor.u32 v11, v59;
	v28 =	vand.u32 $0xFE00, v31;
	v31 =	vadd.s32 s29, v6  }
0x152: {  	v18 =	vor.u32 v11, v18;
	v33 =	vld.idx.msk [tilespmem:v57+s2+$0x0], $0xffff;
	v28 =	vor.u32 v13, v28;
	v63 =	vand.u32 $0x7FFFFF80, v31;
	[tilespmem:s7+$0x20] =	vst v37  }
0x153: {  	s5 =	simm.s32 $0x800;
	s10 =	simm.s32 $0x4;
	s23 =	simm.s32 $0x200;
	v31 =	vor.u32 v13, v62;
	v36 =	vor.u32 v7, v63;
	v35 =	vld.idx.msk [tilespmem:v40+s2+$0x0], $0xffff;
	[tilespmem:s28+$0xF0] =	vst v58  }
.LBB2_7:
0x154: {  	s6 =	sand.u32 $0xFFFFF800, s5;
	s23 =	sadd.s32 $0x200, s23  }
0x155: {  	s10 =	sadd.s32 $0x4, s10;
	v26 =	vld.idx.msk [tilespmem:v26+s2+$0x0], $0xffff;
	[tilespmem:s28+$0xFFFFFFE0] =	vst v27;
	s6 =	sadd.s32 s6, s23  }
0x156: {  	p0 =	slt.u32 s10, $0x24;
	v27 =	vld.idx.msk [tilespmem:v16+s2+$0x0], $0xffff;
	[tilespmem:s28+$0x60] =	vst v32;
	v16 =	vmov v30;
	v30 =	vor.u32 s6, v0;
	s15 =	sadd.s32 $0x80, s6  }
0x157: {  	v32 =	vor.u32 s6, v1;
	v37 =	vadd.s32 s6, v2;
	s14 =	sadd.s32 $0x100, s6;
	s16 =	sadd.s32 $0x180, s6;
	[tilespmem:s7+$0xB0] =	vst v33;
	v33 =	vld.idx.msk [tilespmem:v15+s2+$0x0], $0xffff;
	v15 =	vmovc v31;
	v31 =	vor.u32 s15, v0  }
0x158: {  	v38 =	vor.u32 s16, v0;
	[tilespmem:s7+$0xFFFFFFB0] =	vst v34;
	v34 =	vld.idx.msk [tilespmem:v36+s2+$0x0], $0xffff;
	v36 =	vadd.s32 s29, v8  }
0x159: {  	v39 =	vor.u32 s15, v1;
	v40 =	vor.u32 s14, v0;
	v25 =	vld.idx.msk [tilespmem:v25+s2+$0x0], $0xffff;
	v36 =	vand.u32 $0x7FFFFF80, v36;
	[tilespmem:s28+$0xFFFFFF60] =	vst v29  }
0x15a: {  	v41 =	vor.u32 s14, v1;
	v29 =	vadd.s32 s15, v2;
	[tilespmem:s7+$0x30] =	vst v35;
	v35 =	vor.u32 v9, v36;
	v36 =	vld.idx.msk [tilespmem:v14+s2+$0x0], $0xffff;
	v14 =	vmovc v28  }
0x15b: {  	v28 =	vand.u32 $0xFE00, v37;
	v29 =	vand.u32 $0x7FFFFF80, v29;
	v37 =	vadd.s32 s14, v2;
	[tilespmem:s7+$0xFFFFFF30] =	vst v26;
	v24 =	vld.idx.msk [tilespmem:v24+s2+$0x0], $0xffff  }
0x15c: {  	v28 =	vor.u32 v3, v28;
	v29 =	vor.u32 v3, v29;
	v26 =	vand.u32 $0x7FFFFF80, v37;
	v30 =	vld.idx.msk [tilespmem:v30+s2+$0x0], $0xffff;
	[tilespmem:s28+$0xFFFFFFF0] =	vst v27  }
0x15d: {  	v27 =	vadd.s32 s15, v4;
	v37 =	vor.u32 v3, v26;
	v26 =	vadd.s32 s14, v4;
	v38 =	vld.idx.msk [tilespmem:v38+s2+$0x0], $0xffff;
	[tilespmem:s28+$0x70] =	vst v33  }
0x15e: {  	v33 =	vadd.s32 s6, v4;
	v27 =	vand.u32 $0x7FFFFF80, v27;
	v26 =	vand.u32 $0x7FFFFF80, v26;
	v31 =	vld.idx.msk [tilespmem:v31+s2+$0x0], $0xffff;
	[tilespmem:s7+$0xC0] =	vst v34  }
0x15f: {  	v33 =	vand.u32 $0xFE00, v33;
	v34 =	vor.u32 s16, v1;
	[tilespmem:s7+$0xFFFFFFC0] =	vst v25;
	v35 =	vld.idx.msk [tilespmem:v35+s2+$0x0], $0xffff;
	v25 =	vadd.s32 s29, v10  }
0x160: {  	v42 =	vor.u32 v5, v27;
	v27 =	vld.idx.msk [tilespmem:v40+s2+$0x0], $0xffff;
	v40 =	vor.u32 v5, v26;
	v25 =	vand.u32 $0x7FFFFF80, v25;
	[tilespmem:s28+$0xFFFFFF70] =	vst v36;
	s28 =	smov.u32 s7  }
0x161: {  	v26 =	vor.u32 v5, v33;
	v33 =	vadd.s32 s15, v6;
	v36 =	vld.idx.msk [tilespmem:v20+s2+$0x0], $0xffff;
	[tilespmem:s7+$0x40] =	vst v24;
	v43 =	vor.u32 v11, v25  }
0x162: {  	v20 =	vadd.s32 s6, v6;
	v24 =	vand.u32 $0x7FFFFF80, v33;
	v33 =	vadd.s32 s14, v6;
	s7 =	sadd.s32 $0x200, s7;
	v44 =	vld.idx.msk [tilespmem:v22+s2+$0x0], $0xffff  }
0x163: {  	v20 =	vand.u32 $0xFE00, v20;
	v25 =	vor.u32 v7, v24;
	v22 =	vand.u32 $0x7FFFFF80, v33;
	[tilespmem:s7+$0x80] =	vst v38;
	v33 =	vld.idx.msk [tilespmem:v23+s2+$0x0], $0xffff  }
0x164: {  	v20 =	vor.u32 v7, v20;
	v24 =	vor.u32 v7, v22;
	v22 =	vadd.s32 s16, v2;
	[tilespmem:s7+$0xFFFFFF80] =	vst v31;
	v31 =	vld.idx.msk [tilespmem:v34+s2+$0x0], $0xffff  }
0x165: {  	v23 =	vadd.s32 s15, v8;
	v38 =	vadd.s32 s14, v8;
	v22 =	vand.u32 $0x7FFFFF80, v22;
	v34 =	vld.idx.msk [tilespmem:v39+s2+$0x0], $0xffff;
	[tilespmem:s28+$0xD0] =	vst v35  }
0x166: {  	v35 =	vadd.s32 s6, v8;
	v39 =	vor.u32 v3, v22;
	v22 =	vadd.s32 s29, v12;
	s29 =	smov.u32 s16;
	[tilespmem:s7+$0x0] =	vst v27;
	v43 =	vld.idx.msk [tilespmem:v43+s2+$0x0], $0xffff  }
0x167: {  	v23 =	vand.u32 $0x7FFFFF80, v23;
	v27 =	vand.u32 $0x7FFFFF80, v38;
	v38 =	vand.u32 $0x7FFFFF80, v22;
	[tilespmem:s7+$0xFFFFFF00] =	vst v30;
	v30 =	vld.idx.msk [tilespmem:v41+s2+$0x0], $0xffff  }
0x168: {  	v35 =	vand.u32 $0xFE00, v35;
	v22 =	vor.u32 v9, v23;
	v32 =	vld.idx.msk [tilespmem:v32+s2+$0x0], $0xffff;
	[tilespmem:s28+$0xFFFFFF40] =	vst v36;
	v36 =	vor.u32 v13, v38  }
0x169: {  	v23 =	vor.u32 v9, v27;
	v38 =	vadd.s32 s15, v10;
	v41 =	vld.idx.msk [tilespmem:v17+s2+$0x0], $0xffff;
	v17 =	vor.u32 v9, v35;
	[tilespmem:s28+$0xFFFFFFD0] =	vst v44  }
0x16a: {  	v35 =	vadd.s32 s6, v10;
	v38 =	vand.u32 $0x7FFFFF80, v38;
	v44 =	vadd.s32 s14, v10;
	[tilespmem:s7+$0x90] =	vst v31;
	v27 =	vld.idx.msk [tilespmem:v21+s2+$0x0], $0xffff  }
0x16b: {  	v31 =	vand.u32 $0xFE00, v35;
	[tilespmem:s7+$0xFFFFFF90] =	vst v34;
	v34 =	vand.u32 $0x7FFFFF80, v44;
	v35 =	vld.idx.msk [tilespmem:v39+s2+$0x0], $0xffff;
	v39 =	vadd.s32 s29, v4  }
0x16c: {  	v21 =	vor.u32 v11, v38;
	v44 =	vld.idx.msk [tilespmem:v29+s2+$0x0], $0xffff;
	v29 =	vor.u32 v11, v34;
	v34 =	vand.u32 $0x7FFFFF80, v39;
	[tilespmem:s28+$0xE0] =	vst v43  }
0x16d: {  	v38 =	vor.u32 v11, v31;
	v31 =	vadd.s32 s15, v12;
	[tilespmem:s7+$0x10] =	vst v30;
	v34 =	vor.u32 v5, v34;
	v36 =	vld.idx.msk [tilespmem:v36+s2+$0x0], $0xffff  }
0x16e: {  	v31 =	vand.u32 $0x7FFFFF80, v31;
	v30 =	vadd.s32 s6, v12;
	[tilespmem:s7+$0xFFFFFF10] =	vst v32;
	v37 =	vld.idx.msk [tilespmem:v37+s2+$0x0], $0xffff;
	v32 =	vadd.s32 s14, v12  }
0x16f: {  	v39 =	vld.idx.msk [tilespmem:v28+s2+$0x0], $0xffff;
	v28 =	vand.u32 $0xFE00, v30;
	v30 =	vor.u32 v13, v31;
	v31 =	vand.u32 $0x7FFFFF80, v32;
	[tilespmem:s28+$0x50] =	vst v33  }
0x170: {  	v28 =	vor.u32 v13, v28;
	v31 =	vor.u32 v13, v31;
	[tilespmem:s28+$0xFFFFFF50] =	vst v41;
	v32 =	vld.idx.msk [tilespmem:v19+s2+$0x0], $0xffff;
	v19 =	vmov v29  }
.Ltmp2:
0x171: {  	[tilespmem:s7+$0xA0] =	vst v35;
	v29 =	vld.idx.msk [tilespmem:v18+s2+$0x0], $0xffff;
	v18 =	vmov v38;
	(pc) =	sbr.rel @p0 .LBB2_7-.Ltmp2, $4  }
0x172: {  	v35 =	vadd.s32 s29, v6;
	[tilespmem:s7+$0xFFFFFFA0] =	vst v44;
	v33 =	vld.idx.msk [tilespmem:v34+s2+$0x0], $0xffff  }
0x173: {  	v35 =	vand.u32 $0x7FFFFF80, v35;
	v34 =	vld.idx.msk [tilespmem:v42+s2+$0x0], $0xffff;
	[tilespmem:s28+$0xF0] =	vst v36  }
0x174: {  	v36 =	vor.u32 v7, v35;
	[tilespmem:s7+$0x20] =	vst v37  }
0x175: {  	s5 =	sadd.s32 $0x400, s5;
	[tilespmem:s7+$0xFFFFFF20] =	vst v39;
	v35 =	vld.idx.msk [tilespmem:v40+s2+$0x0], $0xffff  }
0x176: {  	_ =	sdelay $0x3  }
0x177: {  	v26 =	vld.idx.msk [tilespmem:v26+s2+$0x0], $0xffff;
	v45 =	vadd.s32 s29, v8;
	[tilespmem:s7+$0xB0] =	vst v33  }
0x178: {  	v33 =	vand.u32 $0x7FFFFF80, v45;
	[tilespmem:s7+$0xFFFFFFB0] =	vst v34;
	v46 =	vld.idx.msk [tilespmem:v36+s2+$0x0], $0xffff  }
0x179: {  	v33 =	vor.u32 v9, v33;
	v25 =	vld.idx.msk [tilespmem:v25+s2+$0x0], $0xffff;
	[tilespmem:s7+$0x30] =	vst v35  }
0x17a: {  	v24 =	vld.idx.msk [tilespmem:v24+s2+$0x0], $0xffff;
	_ =	sdelay $0x1  }
0x17b: {  	[tilespmem:s7+$0xFFFFFF30] =	vst v26  }
0x17c: {  	v26 =	vadd.s32 s29, v10;
	v20 =	vld.idx.msk [tilespmem:v20+s2+$0x0], $0xffff;
	[tilespmem:s7+$0xC0] =	vst v46  }
0x17d: {  	v26 =	vand.u32 $0x7FFFFF80, v26;
	[tilespmem:s7+$0xFFFFFFC0] =	vst v25;
	v25 =	vld.idx.msk [tilespmem:v33+s2+$0x0], $0xffff  }
0x17e: {  	v22 =	vld.idx.msk [tilespmem:v22+s2+$0x0], $0xffff;
	[tilespmem:s7+$0x40] =	vst v24;
	v24 =	vor.u32 v11, v26  }
0x17f: {  	[tilespmem:s28+$0xFFFFFFE0] =	vst v27  }
0x180: {  	[tilespmem:s28+$0x60] =	vst v32;
	v16 =	vld.idx.msk [tilespmem:v16+s2+$0x0], $0xffff  }
0x181: {  	v23 =	vld.idx.msk [tilespmem:v23+s2+$0x0], $0xffff;
	[tilespmem:s7+$0xFFFFFF40] =	vst v20  }
0x182: {  	v20 =	vadd.s32 s29, v12;
	v17 =	vld.idx.msk [tilespmem:v17+s2+$0x0], $0xffff;
	[tilespmem:s7+$0xD0] =	vst v25  }
0x183: {  	v20 =	vand.u32 $0x7FFFFF80, v20;
	[tilespmem:s7+$0xFFFFFFD0] =	vst v22;
	v24 =	vld.idx.msk [tilespmem:v24+s2+$0x0], $0xffff  }
0x184: {  	[tilespmem:s28+$0xFFFFFF60] =	vst v29;
	v20 =	vor.u32 v13, v20;
	v21 =	vld.idx.msk [tilespmem:v21+s2+$0x0], $0xffff  }
0x185: {  	v15 =	vld.idx.msk [tilespmem:v15+s2+$0x0], $0xffff;
	[tilespmem:s28+$0xFFFFFFF0] =	vst v16  }
0x186: {  	v14 =	vld.idx.msk [tilespmem:v14+s2+$0x0], $0xffff;
	[tilespmem:s7+$0x50] =	vst v23  }
0x187: {  	[tilespmem:s7+$0xFFFFFF50] =	vst v17;
	v17 =	vld.idx.msk [tilespmem:v19+s2+$0x0], $0xffff  }
0x188: {  	v18 =	vld.idx.msk [tilespmem:v18+s2+$0x0], $0xffff;
	[tilespmem:s7+$0xE0] =	vst v24  }
0x189: {  	[tilespmem:s7+$0xFFFFFFE0] =	vst v21;
	v16 =	vld.idx.msk [tilespmem:v20+s2+$0x0], $0xffff  }
0x18a: {  	[tilespmem:s28+$0x70] =	vst v15;
	v19 =	vld.idx.msk [tilespmem:v30+s2+$0x0], $0xffff  }
0x18b: {  	[tilespmem:s28+$0xFFFFFF70] =	vst v14  }
0x18c: {  	[tilespmem:s7+$0x60] =	vst v17  }
0x18d: {  	v17 =	vld.idx.msk [tilespmem:v31+s2+$0x0], $0xffff;
	[tilespmem:s7+$0xFFFFFF60] =	vst v18  }
0x18e: {  	v15 =	vld.idx.msk [tilespmem:v28+s2+$0x0], $0xffff;
	[tilespmem:s7+$0xF0] =	vst v16  }
0x18f: {  	s29 =	smul.u32 $0x5000, s25;
	[tilespmem:s7+$0xFFFFFFF0] =	vst v19  }
0x190: {  	s5 =	rddreg [dreg:$0xa]  }
0x191: {  	s5 =	sadd.s32 s29, s5  }
0x192: {  	[tilespmem:s7+$0x70] =	vst v17;
	s5 =	sshrl.u32 s5, $0x3  }
0x193: {  	s6 =	simm.s32 $0x0;
	[tilespmem:s7+$0xFFFFFF70] =	vst v15;
	s5 =	sadd.s32 s3, s5  }
0x194: {  	[hbm4b:s5+s6] =	stream.linear.scatter [tilespmem:s9], [sflag:$0x5], $0x1400, $0x38;
	[tilespmem:$0x11800] =	vst v63  }
0x195: {  	_ =	swait.ge [sflag:s21], $0x3C00  }
0x196: {  	s16 =	sand.u32 $0xFFFFF800, s6;
	[sflag:s21] =	ssyncset.done $0x0  }
0x197: {  	s17 =	sadd.s32 $0x0, s16;
	[sflag:s21] =	ssyncadd.s32 $0xFFFFC400  }
0x198: {  	s28 =	smul.u32 $0xF000, s25;
	s5 =	sadd.s32 $0x180, s17;
	_ =	swait.ge [sflag:s22], $0x1400  }
0x199: {  	s14 =	sadd.s32 $0x80, s17;
	v14 =	vor.u32 s5, v0;
	s10 =	rddreg [dreg:$0xb]  }
0x19a: {  	s23 =	sadd.s32 $0x100, s17;
	v15 =	vor.u32 s14, v0;
	s15 =	sadd.s32 s28, s10  }
0x19b: {  	v16 =	vor.u32 s23, v0;
	[sflag:s22] =	ssyncset.done $0x0;
	s15 =	sshrl.u32 s15, $0x3  }
0x19c: {  	v17 =	vor.u32 s17, v0;
	[sflag:s22] =	ssyncadd.s32 $0xFFFFEC00;
	s15 =	sadd.s32 s1, s15  }
0x19d: {  	[tilespmem:s2], [sflag:$0x3] =	stream.linear.gather [hbm4b:s15+s6], $0x3C00, $0x38;
	[tilespmem:$0x11800] =	vst v63  }
0x19e: {  	v14 =	vld.idx.msk [tilespmem:v14+s8+$0x0], $0xffff  }
0x19f: {  	v18 =	vor.u32 s5, v1;
	v15 =	vld.idx.msk [tilespmem:v15+s8+$0x0], $0xffff  }
0x1a0: {  	v19 =	vor.u32 s14, v1;
	v16 =	vld.idx.msk [tilespmem:v16+s8+$0x0], $0xffff  }
0x1a1: {  	v21 =	vor.u32 s23, v1;
	v17 =	vld.idx.msk [tilespmem:v17+s8+$0x0], $0xffff  }
0x1a2: {  	s30 =	simm.s32 $0x10500;
	v22 =	vor.u32 s17, v1  }
0x1a3: {  	[tilespmem:s30+$0x80] =	vst v14;
	v14 =	vadd.s32 s5, v2  }
0x1a4: {  	v23 =	vadd.s32 s14, v2;
	[tilespmem:s30+$0xFFFFFF80] =	vst v15;
	v15 =	vld.idx.msk [tilespmem:v18+s8+$0x0], $0xffff;
	v14 =	vand.u32 $0x7FFFFF80, v14  }
0x1a5: {  	v23 =	vand.u32 $0x7FFFFF80, v23;
	v24 =	vadd.s32 s23, v2;
	[tilespmem:s30+$0x0] =	vst v16;
	v19 =	vld.idx.msk [tilespmem:v19+s8+$0x0], $0xffff;
	v14 =	vor.u32 v3, v14  }
0x1a6: {  	v23 =	vor.u32 v3, v23;
	v20 =	vadd.s32 s17, v2;
	[tilespmem:s30+$0xFFFFFF00] =	vst v17;
	v18 =	vand.u32 $0x7FFFFF80, v24;
	v21 =	vld.idx.msk [tilespmem:v21+s8+$0x0], $0xffff  }
0x1a7: {  	v27 =	vadd.s32 s23, v6;
	v20 =	vand.u32 $0xFE00, v20;
	v22 =	vld.idx.msk [tilespmem:v22+s8+$0x0], $0xffff;
	v16 =	vor.u32 v3, v18  }
0x1a8: {  	s16 =	simm.s32 $0x400;
	v26 =	vadd.s32 s14, v6;
	v20 =	vor.u32 v3, v20;
	v28 =	vadd.s32 s17, v8  }
0x1a9: {  	v47 =	vadd.s32 s23, v12;
	v26 =	vand.u32 $0x7FFFFF80, v26;
	v28 =	vand.u32 $0xFE00, v28;
	s6 =	sand.u32 $0xFFFFF800, s16;
	[tilespmem:s30+$0x90] =	vst v15  }
0x1aa: {  	v25 =	vadd.s32 s17, v4;
	v30 =	vor.u32 v9, v28;
	v28 =	vadd.s32 s23, v10;
	s6 =	sadd.s32 $0x200, s6;
	[tilespmem:s30+$0xFFFFFF90] =	vst v19;
	v14 =	vld.idx.msk [tilespmem:v14+s8+$0x0], $0xffff  }
0x1ab: {  	v25 =	vand.u32 $0xFE00, v25;
	v50 =	vadd.s32 s6, v2;
	v15 =	vadd.s32 s5, v4;
	[tilespmem:s30+$0x10] =	vst v21;
	v23 =	vld.idx.msk [tilespmem:v23+s8+$0x0], $0xffff  }
0x1ac: {  	v39 =	vadd.s32 s6, v4;
	v24 =	vadd.s32 s14, v4;
	[tilespmem:s30+$0xFFFFFF10] =	vst v22;
	v15 =	vand.u32 $0x7FFFFF80, v15;
	v16 =	vld.idx.msk [tilespmem:v16+s8+$0x0], $0xffff  }
0x1ad: {  	v18 =	vadd.s32 s23, v4;
	v24 =	vand.u32 $0x7FFFFF80, v24;
	v20 =	vld.idx.msk [tilespmem:v20+s8+$0x0], $0xffff;
	v15 =	vor.u32 v5, v15  }
0x1ae: {  	v34 =	vand.u32 $0xFE00, v50;
	v18 =	vand.u32 $0x7FFFFF80, v18;
	v24 =	vor.u32 v5, v24  }
0x1af: {  	v18 =	vor.u32 v5, v18;
	v21 =	vor.u32 v7, v26;
	v26 =	vadd.s32 s14, v8;
	[tilespmem:s30+$0xA0] =	vst v14  }
0x1b0: {  	v34 =	vor.u32 v3, v34;
	v17 =	vor.u32 v5, v25;
	v26 =	vand.u32 $0x7FFFFF80, v26;
	[tilespmem:s30+$0xFFFFFFA0] =	vst v23  }
0x1b1: {  	v25 =	vadd.s32 s17, v6;
	v22 =	vor.u32 v9, v26;
	v26 =	vadd.s32 s14, v10;
	[tilespmem:s30+$0x20] =	vst v16  }
0x1b2: {  	s7 =	sadd.s32 $0x180, s6;
	v16 =	vand.u32 $0x7FFFFF80, v26;
	v26 =	vand.u32 $0x7FFFFF80, v28;
	[tilespmem:s30+$0xFFFFFF20] =	vst v20;
	v20 =	vor.u32 s6, v0;
	v15 =	vld.idx.msk [tilespmem:v15+s8+$0x0], $0xffff  }
0x1b3: {  	v14 =	vadd.s32 s5, v6;
	v24 =	vld.idx.msk [tilespmem:v24+s8+$0x0], $0xffff;
	v29 =	vor.u32 v11, v26;
	v26 =	vor.u32 s7, v0  }
0x1b4: {  	v19 =	vand.u32 $0xFE00, v25;
	v25 =	vand.u32 $0x7FFFFF80, v27;
	v14 =	vand.u32 $0x7FFFFF80, v14;
	v18 =	vld.idx.msk [tilespmem:v18+s8+$0x0], $0xffff  }
0x1b5: {  	v27 =	vadd.s32 s23, v8;
	v23 =	vadd.s32 s17, v10;
	v17 =	vld.idx.msk [tilespmem:v17+s8+$0x0], $0xffff;
	v14 =	vor.u32 v7, v14  }
0x1b6: {  	v19 =	vor.u32 v7, v19;
	v25 =	vor.u32 v7, v25;
	v23 =	vand.u32 $0xFE00, v23  }
0x1b7: {  	s23 =	sadd.s32 $0x100, s6;
	v27 =	vand.u32 $0x7FFFFF80, v27;
	v28 =	vor.u32 v11, v23;
	v23 =	vadd.s32 s17, v12;
	s17 =	sadd.s32 $0x80, s6;
	v20 =	vld.idx.msk [tilespmem:v20+s8+$0x0], $0xffff;
	[tilespmem:s30+$0xB0] =	vst v15  }
0x1b8: {  	v49 =	vor.u32 s23, v0;
	v37 =	vor.u32 s23, v1;
	v48 =	vor.u32 s17, v0;
	[tilespmem:s30+$0xFFFFFFB0] =	vst v24;
	v26 =	vld.idx.msk [tilespmem:v26+s8+$0x0], $0xffff  }
0x1b9: {  	v38 =	vadd.s32 s23, v2;
	v61 =	vadd.s32 s23, v12;
	v15 =	vadd.s32 s5, v8;
	[tilespmem:s30+$0x30] =	vst v18;
	v21 =	vld.idx.msk [tilespmem:v21+s8+$0x0], $0xffff  }
0x1ba: {  	v27 =	vor.u32 v9, v27;
	[tilespmem:s30+$0xFFFFFF30] =	vst v17;
	v17 =	vor.u32 s7, v1;
	v24 =	vld.idx.msk [tilespmem:v14+s8+$0x0], $0xffff;
	v14 =	vand.u32 $0x7FFFFF80, v15  }
0x1bb: {  	v38 =	vand.u32 $0x7FFFFF80, v38;
	v62 =	vand.u32 $0x7FFFFF80, v61;
	v25 =	vld.idx.msk [tilespmem:v25+s8+$0x0], $0xffff;
	v18 =	vor.u32 v9, v14  }
0x1bc: {  	s10 =	simm.s32 $0x10700;
	v38 =	vor.u32 v3, v38;
	v31 =	vor.u32 v11, v16;
	v16 =	vadd.s32 s14, v12;
	v19 =	vld.idx.msk [tilespmem:v19+s8+$0x0], $0xffff  }
0x1bd: {  	v16 =	vand.u32 $0x7FFFFF80, v16;
	v15 =	vand.u32 $0xFE00, v23;
	v23 =	vand.u32 $0x7FFFFF80, v47;
	v33 =	vld.idx.msk [tilespmem:v48+s8+$0x0], $0xffff;
	[tilespmem:s10+$0x80] =	vst v26  }
0x1be: {  	v14 =	vor.u32 v13, v15;
	v15 =	vor.u32 v13, v23;
	v23 =	vor.u32 s6, v1;
	[tilespmem:s30+$0xFFFFFFC0] =	vst v21;
	v21 =	vld.idx.msk [tilespmem:v49+s8+$0x0], $0xffff  }
0x1bf: {  	v16 =	vor.u32 v13, v16;
	v51 =	vor.u32 s17, v1;
	v52 =	vadd.s32 s17, v2;
	[tilespmem:s30+$0xC0] =	vst v24;
	v17 =	vld.idx.msk [tilespmem:v17+s8+$0x0], $0xffff  }
0x1c0: {  	v53 =	vadd.s32 s17, v4;
	v36 =	vand.u32 $0x7FFFFF80, v52;
	[tilespmem:s10+$0xFFFFFF00] =	vst v20;
	v24 =	vadd.s32 s5, v10;
	v18 =	vld.idx.msk [tilespmem:v18+s8+$0x0], $0xffff  }
0x1c1: {  	v32 =	vand.u32 $0x7FFFFF80, v53;
	v36 =	vor.u32 v3, v36;
	[tilespmem:s30+$0x40] =	vst v25;
	v24 =	vand.u32 $0x7FFFFF80, v24;
	v22 =	vld.idx.msk [tilespmem:v22+s8+$0x0], $0xffff  }
0x1c2: {  	v54 =	vor.u32 v5, v32;
	v25 =	vadd.s32 s23, v4;
	[tilespmem:s30+$0xFFFFFF40] =	vst v19;
	v55 =	vld.idx.msk [tilespmem:v27+s8+$0x0], $0xffff;
	v24 =	vor.u32 v11, v24  }
0x1c3: {  	v20 =	vadd.s32 s23, v6;
	v26 =	vand.u32 $0xFE00, v39;
	v25 =	vand.u32 $0x7FFFFF80, v25;
	[tilespmem:s10+$0xFFFFFF80] =	vst v33;
	v19 =	vld.idx.msk [tilespmem:v23+s8+$0x0], $0xffff  }
0x1c4: {  	v27 =	vadd.s32 s6, v6;
	v40 =	vor.u32 v5, v25;
	v25 =	vadd.s32 s7, v2;
	v33 =	vld.idx.msk [tilespmem:v51+s8+$0x0], $0xffff;
	[tilespmem:s10+$0x0] =	vst v21  }
0x1c5: {  	v26 =	vor.u32 v5, v26;
	v30 =	vld.idx.msk [tilespmem:v30+s8+$0x0], $0xffff;
	v27 =	vand.u32 $0xFE00, v27;
	v25 =	vand.u32 $0x7FFFFF80, v25;
	[tilespmem:s10+$0x90] =	vst v17  }
0x1c6: {  	v21 =	vor.u32 v3, v25;
	v17 =	vadd.s32 s23, v8;
	[tilespmem:s30+$0xD0] =	vst v18;
	v18 =	vadd.s32 s17, v6;
	v37 =	vld.idx.msk [tilespmem:v37+s8+$0x0], $0xffff  }
0x1c7: {  	[tilespmem:s30+$0xFFFFFFD0] =	vst v22;
	v22 =	vadd.s32 s6, v8;
	v18 =	vand.u32 $0x7FFFFF80, v18;
	v56 =	vld.idx.msk [tilespmem:v24+s8+$0x0], $0xffff;
	v24 =	vadd.s32 s5, v12  }
0x1c8: {  	v23 =	vand.u32 $0x7FFFFF80, v17;
	v24 =	vand.u32 $0x7FFFFF80, v24;
	v25 =	vor.u32 v7, v18  }
0x1c9: {  	[tilespmem:s10+$0xFFFFFF90] =	vst v33;
	v18 =	vand.u32 $0x7FFFFF80, v20;
	v20 =	vor.u32 v7, v27;
	v27 =	vld.idx.msk [tilespmem:v31+s8+$0x0], $0xffff;
	v41 =	vor.u32 v13, v24  }
0x1ca: {  	[tilespmem:s30+$0xFFFFFF50] =	vst v30;
	v30 =	vadd.s32 s17, v12;
	v33 =	vld.idx.msk [tilespmem:v36+s8+$0x0], $0xffff;
	v24 =	vor.u32 v7, v18;
	v18 =	vadd.s32 s17, v8  }
0x1cb: {  	[tilespmem:s10+$0xFFFFFF10] =	vst v19;
	v17 =	vand.u32 $0xFE00, v22;
	v18 =	vand.u32 $0x7FFFFF80, v18;
	v31 =	vld.idx.msk [tilespmem:v21+s8+$0x0], $0xffff;
	v21 =	vadd.s32 s7, v4  }
0x1cc: {  	v23 =	vor.u32 v9, v23;
	v60 =	vld.idx.msk [tilespmem:v34+s8+$0x0], $0xffff;
	v22 =	vor.u32 v9, v18;
	v18 =	vand.u32 $0x7FFFFF80, v21;
	[tilespmem:s10+$0x10] =	vst v37  }
0x1cd: {  	v30 =	vand.u32 $0x7FFFFF80, v30;
	v17 =	vor.u32 v9, v17;
	[tilespmem:s30+$0xE0] =	vst v56;
	v57 =	vor.u32 v5, v18;
	v37 =	vld.idx.msk [tilespmem:v38+s8+$0x0], $0xffff  }
0x1ce: {  	[tilespmem:s30+$0x50] =	vst v55;
	v30 =	vor.u32 v13, v30;
	v21 =	vadd.s32 s17, v10;
	v18 =	vadd.s32 s6, v10;
	v58 =	vld.idx.msk [tilespmem:v41+s8+$0x0], $0xffff  }
0x1cf: {  	v32 =	vld.idx.msk [tilespmem:v29+s8+$0x0], $0xffff;
	v19 =	vand.u32 $0x7FFFFF80, v21;
	v21 =	vadd.s32 s23, v10;
	v18 =	vand.u32 $0xFE00, v18;
	[tilespmem:s10+$0xFFFFFFA0] =	vst v33  }
0x1d0: {  	v29 =	vld.idx.msk [tilespmem:v28+s8+$0x0], $0xffff;
	v59 =	vand.u32 $0x7FFFFF80, v21;
	v21 =	vor.u32 v11, v19;
	[tilespmem:s10+$0xA0] =	vst v31;
	v31 =	vadd.s32 s6, v12  }
0x1d1: {  	[tilespmem:s10+$0xFFFFFF20] =	vst v60;
	v19 =	vor.u32 v11, v59;
	v34 =	vld.idx.msk [tilespmem:v54+s8+$0x0], $0xffff;
	v28 =	vand.u32 $0xFE00, v31;
	v31 =	vadd.s32 s7, v6  }
0x1d2: {  	v18 =	vor.u32 v11, v18;
	v33 =	vld.idx.msk [tilespmem:v57+s8+$0x0], $0xffff;
	v28 =	vor.u32 v13, v28;
	v63 =	vand.u32 $0x7FFFFF80, v31;
	[tilespmem:s10+$0x20] =	vst v37  }
0x1d3: {  	s5 =	simm.s32 $0x200;
	s23 =	simm.s32 $0x4;
	s6 =	simm.s32 $0x800;
	v31 =	vor.u32 v13, v62;
	v36 =	vor.u32 v7, v63;
	v35 =	vld.idx.msk [tilespmem:v40+s8+$0x0], $0xffff;
	[tilespmem:s30+$0xF0] =	vst v58  }
.LBB2_9:
0x1d4: {  	s14 =	sand.u32 $0xFFFFF800, s6;
	s5 =	sadd.s32 $0x200, s5  }
0x1d5: {  	s23 =	sadd.s32 $0x4, s23;
	v26 =	vld.idx.msk [tilespmem:v26+s8+$0x0], $0xffff;
	[tilespmem:s30+$0xFFFFFFE0] =	vst v27;
	s14 =	sadd.s32 s14, s5  }
0x1d6: {  	p0 =	slt.u32 s23, $0x24;
	v27 =	vld.idx.msk [tilespmem:v16+s8+$0x0], $0xffff;
	[tilespmem:s30+$0x60] =	vst v32;
	v16 =	vmov v30;
	v30 =	vor.u32 s14, v0;
	s16 =	sadd.s32 $0x80, s14  }
0x1d7: {  	v32 =	vor.u32 s14, v1;
	v37 =	vadd.s32 s14, v2;
	s15 =	sadd.s32 $0x100, s14;
	s17 =	sadd.s32 $0x180, s14;
	[tilespmem:s10+$0xB0] =	vst v33;
	v33 =	vld.idx.msk [tilespmem:v15+s8+$0x0], $0xffff;
	v15 =	vmovc v31;
	v31 =	vor.u32 s16, v0  }
0x1d8: {  	v38 =	vor.u32 s17, v0;
	[tilespmem:s10+$0xFFFFFFB0] =	vst v34;
	v34 =	vld.idx.msk [tilespmem:v36+s8+$0x0], $0xffff;
	v36 =	vadd.s32 s7, v8  }
0x1d9: {  	v39 =	vor.u32 s16, v1;
	v40 =	vor.u32 s15, v0;
	v25 =	vld.idx.msk [tilespmem:v25+s8+$0x0], $0xffff;
	v36 =	vand.u32 $0x7FFFFF80, v36;
	[tilespmem:s30+$0xFFFFFF60] =	vst v29  }
0x1da: {  	v41 =	vor.u32 s15, v1;
	v29 =	vadd.s32 s16, v2;
	[tilespmem:s10+$0x30] =	vst v35;
	v35 =	vor.u32 v9, v36;
	v36 =	vld.idx.msk [tilespmem:v14+s8+$0x0], $0xffff;
	v14 =	vmovc v28  }
0x1db: {  	v28 =	vand.u32 $0xFE00, v37;
	v29 =	vand.u32 $0x7FFFFF80, v29;
	v37 =	vadd.s32 s15, v2;
	[tilespmem:s10+$0xFFFFFF30] =	vst v26;
	v24 =	vld.idx.msk [tilespmem:v24+s8+$0x0], $0xffff  }
0x1dc: {  	v28 =	vor.u32 v3, v28;
	v29 =	vor.u32 v3, v29;
	v26 =	vand.u32 $0x7FFFFF80, v37;
	v30 =	vld.idx.msk [tilespmem:v30+s8+$0x0], $0xffff;
	[tilespmem:s30+$0xFFFFFFF0] =	vst v27  }
0x1dd: {  	v27 =	vadd.s32 s16, v4;
	v37 =	vor.u32 v3, v26;
	v26 =	vadd.s32 s15, v4;
	v38 =	vld.idx.msk [tilespmem:v38+s8+$0x0], $0xffff;
	[tilespmem:s30+$0x70] =	vst v33  }
0x1de: {  	v33 =	vadd.s32 s14, v4;
	v27 =	vand.u32 $0x7FFFFF80, v27;
	v26 =	vand.u32 $0x7FFFFF80, v26;
	v31 =	vld.idx.msk [tilespmem:v31+s8+$0x0], $0xffff;
	[tilespmem:s10+$0xC0] =	vst v34  }
0x1df: {  	v33 =	vand.u32 $0xFE00, v33;
	v34 =	vor.u32 s17, v1;
	[tilespmem:s10+$0xFFFFFFC0] =	vst v25;
	v35 =	vld.idx.msk [tilespmem:v35+s8+$0x0], $0xffff;
	v25 =	vadd.s32 s7, v10  }
0x1e0: {  	v42 =	vor.u32 v5, v27;
	v27 =	vld.idx.msk [tilespmem:v40+s8+$0x0], $0xffff;
	v40 =	vor.u32 v5, v26;
	v25 =	vand.u32 $0x7FFFFF80, v25;
	[tilespmem:s30+$0xFFFFFF70] =	vst v36;
	s30 =	smov.u32 s10  }
0x1e1: {  	v26 =	vor.u32 v5, v33;
	v33 =	vadd.s32 s16, v6;
	v36 =	vld.idx.msk [tilespmem:v20+s8+$0x0], $0xffff;
	[tilespmem:s10+$0x40] =	vst v24;
	v43 =	vor.u32 v11, v25  }
0x1e2: {  	v20 =	vadd.s32 s14, v6;
	v24 =	vand.u32 $0x7FFFFF80, v33;
	v33 =	vadd.s32 s15, v6;
	s10 =	sadd.s32 $0x200, s10;
	v44 =	vld.idx.msk [tilespmem:v22+s8+$0x0], $0xffff  }
0x1e3: {  	v20 =	vand.u32 $0xFE00, v20;
	v25 =	vor.u32 v7, v24;
	v22 =	vand.u32 $0x7FFFFF80, v33;
	[tilespmem:s10+$0x80] =	vst v38;
	v33 =	vld.idx.msk [tilespmem:v23+s8+$0x0], $0xffff  }
0x1e4: {  	v20 =	vor.u32 v7, v20;
	v24 =	vor.u32 v7, v22;
	v22 =	vadd.s32 s17, v2;
	[tilespmem:s10+$0xFFFFFF80] =	vst v31;
	v31 =	vld.idx.msk [tilespmem:v34+s8+$0x0], $0xffff  }
0x1e5: {  	v23 =	vadd.s32 s16, v8;
	v38 =	vadd.s32 s15, v8;
	v22 =	vand.u32 $0x7FFFFF80, v22;
	v34 =	vld.idx.msk [tilespmem:v39+s8+$0x0], $0xffff;
	[tilespmem:s30+$0xD0] =	vst v35  }
0x1e6: {  	v35 =	vadd.s32 s14, v8;
	v39 =	vor.u32 v3, v22;
	v22 =	vadd.s32 s7, v12;
	s7 =	smov.u32 s17;
	[tilespmem:s10+$0x0] =	vst v27;
	v43 =	vld.idx.msk [tilespmem:v43+s8+$0x0], $0xffff  }
0x1e7: {  	v23 =	vand.u32 $0x7FFFFF80, v23;
	v27 =	vand.u32 $0x7FFFFF80, v38;
	v38 =	vand.u32 $0x7FFFFF80, v22;
	[tilespmem:s10+$0xFFFFFF00] =	vst v30;
	v30 =	vld.idx.msk [tilespmem:v41+s8+$0x0], $0xffff  }
0x1e8: {  	v35 =	vand.u32 $0xFE00, v35;
	v22 =	vor.u32 v9, v23;
	v32 =	vld.idx.msk [tilespmem:v32+s8+$0x0], $0xffff;
	[tilespmem:s30+$0xFFFFFF40] =	vst v36;
	v36 =	vor.u32 v13, v38  }
0x1e9: {  	v23 =	vor.u32 v9, v27;
	v38 =	vadd.s32 s16, v10;
	v41 =	vld.idx.msk [tilespmem:v17+s8+$0x0], $0xffff;
	v17 =	vor.u32 v9, v35;
	[tilespmem:s30+$0xFFFFFFD0] =	vst v44  }
0x1ea: {  	v35 =	vadd.s32 s14, v10;
	v38 =	vand.u32 $0x7FFFFF80, v38;
	v44 =	vadd.s32 s15, v10;
	[tilespmem:s10+$0x90] =	vst v31;
	v27 =	vld.idx.msk [tilespmem:v21+s8+$0x0], $0xffff  }
0x1eb: {  	v31 =	vand.u32 $0xFE00, v35;
	[tilespmem:s10+$0xFFFFFF90] =	vst v34;
	v34 =	vand.u32 $0x7FFFFF80, v44;
	v35 =	vld.idx.msk [tilespmem:v39+s8+$0x0], $0xffff;
	v39 =	vadd.s32 s7, v4  }
0x1ec: {  	v21 =	vor.u32 v11, v38;
	v44 =	vld.idx.msk [tilespmem:v29+s8+$0x0], $0xffff;
	v29 =	vor.u32 v11, v34;
	v34 =	vand.u32 $0x7FFFFF80, v39;
	[tilespmem:s30+$0xE0] =	vst v43  }
0x1ed: {  	v38 =	vor.u32 v11, v31;
	v31 =	vadd.s32 s16, v12;
	[tilespmem:s10+$0x10] =	vst v30;
	v34 =	vor.u32 v5, v34;
	v36 =	vld.idx.msk [tilespmem:v36+s8+$0x0], $0xffff  }
0x1ee: {  	v31 =	vand.u32 $0x7FFFFF80, v31;
	v30 =	vadd.s32 s14, v12;
	[tilespmem:s10+$0xFFFFFF10] =	vst v32;
	v37 =	vld.idx.msk [tilespmem:v37+s8+$0x0], $0xffff;
	v32 =	vadd.s32 s15, v12  }
0x1ef: {  	v39 =	vld.idx.msk [tilespmem:v28+s8+$0x0], $0xffff;
	v28 =	vand.u32 $0xFE00, v30;
	v30 =	vor.u32 v13, v31;
	v31 =	vand.u32 $0x7FFFFF80, v32;
	[tilespmem:s30+$0x50] =	vst v33  }
0x1f0: {  	v28 =	vor.u32 v13, v28;
	v31 =	vor.u32 v13, v31;
	[tilespmem:s30+$0xFFFFFF50] =	vst v41;
	v32 =	vld.idx.msk [tilespmem:v19+s8+$0x0], $0xffff;
	v19 =	vmov v29  }
.Ltmp3:
0x1f1: {  	[tilespmem:s10+$0xA0] =	vst v35;
	v29 =	vld.idx.msk [tilespmem:v18+s8+$0x0], $0xffff;
	v18 =	vmov v38;
	(pc) =	sbr.rel @p0 .LBB2_9-.Ltmp3, $4  }
0x1f2: {  	v35 =	vadd.s32 s7, v6;
	[tilespmem:s10+$0xFFFFFFA0] =	vst v44;
	v33 =	vld.idx.msk [tilespmem:v34+s8+$0x0], $0xffff  }
0x1f3: {  	v35 =	vand.u32 $0x7FFFFF80, v35;
	v34 =	vld.idx.msk [tilespmem:v42+s8+$0x0], $0xffff;
	[tilespmem:s30+$0xF0] =	vst v36  }
0x1f4: {  	v36 =	vor.u32 v7, v35;
	[tilespmem:s10+$0x20] =	vst v37  }
0x1f5: {  	s6 =	sadd.s32 $0x400, s6;
	[tilespmem:s10+$0xFFFFFF20] =	vst v39;
	v35 =	vld.idx.msk [tilespmem:v40+s8+$0x0], $0xffff  }
0x1f6: {  	_ =	sdelay $0x3  }
0x1f7: {  	v26 =	vld.idx.msk [tilespmem:v26+s8+$0x0], $0xffff;
	v45 =	vadd.s32 s7, v8;
	[tilespmem:s10+$0xB0] =	vst v33  }
0x1f8: {  	v33 =	vand.u32 $0x7FFFFF80, v45;
	[tilespmem:s10+$0xFFFFFFB0] =	vst v34;
	v46 =	vld.idx.msk [tilespmem:v36+s8+$0x0], $0xffff  }
0x1f9: {  	v33 =	vor.u32 v9, v33;
	v25 =	vld.idx.msk [tilespmem:v25+s8+$0x0], $0xffff;
	[tilespmem:s10+$0x30] =	vst v35  }
0x1fa: {  	v24 =	vld.idx.msk [tilespmem:v24+s8+$0x0], $0xffff;
	_ =	sdelay $0x1  }
0x1fb: {  	[tilespmem:s10+$0xFFFFFF30] =	vst v26  }
0x1fc: {  	v26 =	vadd.s32 s7, v10;
	v20 =	vld.idx.msk [tilespmem:v20+s8+$0x0], $0xffff;
	[tilespmem:s10+$0xC0] =	vst v46  }
0x1fd: {  	v26 =	vand.u32 $0x7FFFFF80, v26;
	[tilespmem:s10+$0xFFFFFFC0] =	vst v25;
	v25 =	vld.idx.msk [tilespmem:v33+s8+$0x0], $0xffff  }
0x1fe: {  	v22 =	vld.idx.msk [tilespmem:v22+s8+$0x0], $0xffff;
	[tilespmem:s10+$0x40] =	vst v24;
	v24 =	vor.u32 v11, v26  }
0x1ff: {  	[tilespmem:s30+$0xFFFFFFE0] =	vst v27  }
0x200: {  	[tilespmem:s30+$0x60] =	vst v32;
	v16 =	vld.idx.msk [tilespmem:v16+s8+$0x0], $0xffff  }
0x201: {  	v23 =	vld.idx.msk [tilespmem:v23+s8+$0x0], $0xffff;
	[tilespmem:s10+$0xFFFFFF40] =	vst v20  }
0x202: {  	v20 =	vadd.s32 s7, v12;
	v17 =	vld.idx.msk [tilespmem:v17+s8+$0x0], $0xffff;
	[tilespmem:s10+$0xD0] =	vst v25  }
0x203: {  	v20 =	vand.u32 $0x7FFFFF80, v20;
	[tilespmem:s10+$0xFFFFFFD0] =	vst v22;
	v24 =	vld.idx.msk [tilespmem:v24+s8+$0x0], $0xffff  }
0x204: {  	[tilespmem:s30+$0xFFFFFF60] =	vst v29;
	v20 =	vor.u32 v13, v20;
	v21 =	vld.idx.msk [tilespmem:v21+s8+$0x0], $0xffff  }
0x205: {  	v15 =	vld.idx.msk [tilespmem:v15+s8+$0x0], $0xffff;
	[tilespmem:s30+$0xFFFFFFF0] =	vst v16  }
0x206: {  	v14 =	vld.idx.msk [tilespmem:v14+s8+$0x0], $0xffff;
	[tilespmem:s10+$0x50] =	vst v23  }
0x207: {  	[tilespmem:s10+$0xFFFFFF50] =	vst v17;
	v17 =	vld.idx.msk [tilespmem:v19+s8+$0x0], $0xffff  }
0x208: {  	v18 =	vld.idx.msk [tilespmem:v18+s8+$0x0], $0xffff;
	[tilespmem:s10+$0xE0] =	vst v24  }
0x209: {  	[tilespmem:s10+$0xFFFFFFE0] =	vst v21;
	v16 =	vld.idx.msk [tilespmem:v20+s8+$0x0], $0xffff  }
0x20a: {  	[tilespmem:s30+$0x70] =	vst v15;
	v19 =	vld.idx.msk [tilespmem:v30+s8+$0x0], $0xffff  }
0x20b: {  	[tilespmem:s30+$0xFFFFFF70] =	vst v14  }
0x20c: {  	[tilespmem:s10+$0x60] =	vst v17  }
0x20d: {  	v17 =	vld.idx.msk [tilespmem:v31+s8+$0x0], $0xffff;
	[tilespmem:s10+$0xFFFFFF60] =	vst v18  }
0x20e: {  	v15 =	vld.idx.msk [tilespmem:v28+s8+$0x0], $0xffff;
	[tilespmem:s10+$0xF0] =	vst v16  }
0x20f: {  	[tilespmem:s10+$0xFFFFFFF0] =	vst v19  }
0x210: {  	s5 =	rddreg [dreg:$0xc]  }
0x211: {  	s5 =	sadd.s32 s29, s5  }
0x212: {  	[tilespmem:s10+$0x70] =	vst v17;
	s5 =	sshrl.u32 s5, $0x3  }
0x213: {  	s6 =	simm.s32 $0x0;
	[tilespmem:s10+$0xFFFFFF70] =	vst v15;
	s5 =	sadd.s32 s3, s5  }
0x214: {  	[hbm4b:s5+s6] =	stream.linear.scatter [tilespmem:s12], [sflag:$0x6], $0x1400, $0x38;
	[tilespmem:$0x11800] =	vst v63  }
0x215: {  	_ =	swait.ge [sflag:s0], $0x3C00  }
0x216: {  	s16 =	sand.u32 $0xFFFFF800, s6;
	[sflag:s0] =	ssyncset.done $0x0  }
0x217: {  	s7 =	sadd.s32 $0x0, s16;
	[sflag:s0] =	ssyncadd.s32 $0xFFFFC400  }
0x218: {  	s5 =	sadd.s32 $0x180, s7;
	_ =	swait.ge [sflag:s20], $0x1400  }
0x219: {  	s14 =	sadd.s32 $0x80, s7;
	v14 =	vor.u32 s5, v0;
	s17 =	rddreg [dreg:$0xd]  }
0x21a: {  	s23 =	sadd.s32 $0x100, s7;
	v15 =	vor.u32 s14, v0;
	s15 =	sadd.s32 s28, s17  }
0x21b: {  	v16 =	vor.u32 s23, v0;
	[sflag:s20] =	ssyncset.done $0x0;
	s15 =	sshrl.u32 s15, $0x3  }
0x21c: {  	v17 =	vor.u32 s7, v0;
	[sflag:s20] =	ssyncadd.s32 $0xFFFFEC00;
	s15 =	sadd.s32 s1, s15  }
0x21d: {  	[tilespmem:s8], [sflag:$0x4] =	stream.linear.gather [hbm4b:s15+s6], $0x3C00, $0x38;
	[tilespmem:$0x11800] =	vst v63  }
0x21e: {  	v14 =	vld.idx.msk [tilespmem:v14+s4+$0x0], $0xffff  }
0x21f: {  	v18 =	vor.u32 s5, v1;
	v15 =	vld.idx.msk [tilespmem:v15+s4+$0x0], $0xffff  }
0x220: {  	v19 =	vor.u32 s14, v1;
	v16 =	vld.idx.msk [tilespmem:v16+s4+$0x0], $0xffff  }
0x221: {  	v25 =	vadd.s32 s7, v4;
	v21 =	vor.u32 s23, v1;
	v17 =	vld.idx.msk [tilespmem:v17+s4+$0x0], $0xffff  }
0x222: {  	s30 =	simm.s32 $0xF100;
	v26 =	vadd.s32 s14, v6;
	v27 =	vadd.s32 s23, v6;
	v22 =	vor.u32 s7, v1  }
0x223: {  	v47 =	vadd.s32 s23, v12;
	v23 =	vadd.s32 s14, v2;
	[tilespmem:s30+$0x80] =	vst v14;
	v14 =	vadd.s32 s5, v2  }
0x224: {  	v25 =	vand.u32 $0xFE00, v25;
	v23 =	vand.u32 $0x7FFFFF80, v23;
	[tilespmem:s30+$0xFFFFFF80] =	vst v15;
	v15 =	vld.idx.msk [tilespmem:v18+s4+$0x0], $0xffff;
	v14 =	vand.u32 $0x7FFFFF80, v14  }
0x225: {  	v23 =	vor.u32 v3, v23;
	v24 =	vadd.s32 s23, v2;
	[tilespmem:s30+$0x0] =	vst v16;
	v19 =	vld.idx.msk [tilespmem:v19+s4+$0x0], $0xffff;
	v14 =	vor.u32 v3, v14  }
0x226: {  	s16 =	simm.s32 $0x400;
	v20 =	vadd.s32 s7, v2;
	v28 =	vadd.s32 s7, v8;
	[tilespmem:s30+$0xFFFFFF00] =	vst v17;
	v18 =	vand.u32 $0x7FFFFF80, v24;
	v21 =	vld.idx.msk [tilespmem:v21+s4+$0x0], $0xffff  }
0x227: {  	v20 =	vand.u32 $0xFE00, v20;
	v28 =	vand.u32 $0xFE00, v28;
	s6 =	sand.u32 $0xFFFFF800, s16;
	v22 =	vld.idx.msk [tilespmem:v22+s4+$0x0], $0xffff;
	v16 =	vor.u32 v3, v18  }
0x228: {  	v26 =	vand.u32 $0x7FFFFF80, v26;
	v20 =	vor.u32 v3, v20;
	v30 =	vor.u32 v9, v28;
	s6 =	sadd.s32 $0x200, s6  }
0x229: {  	v28 =	vadd.s32 s23, v10;
	v50 =	vadd.s32 s6, v2;
	[tilespmem:s30+$0x90] =	vst v15;
	v15 =	vadd.s32 s5, v4  }
0x22a: {  	v39 =	vadd.s32 s6, v4;
	v24 =	vadd.s32 s14, v4;
	[tilespmem:s30+$0xFFFFFF90] =	vst v19;
	v14 =	vld.idx.msk [tilespmem:v14+s4+$0x0], $0xffff;
	v15 =	vand.u32 $0x7FFFFF80, v15  }
0x22b: {  	s17 =	sadd.s32 $0x80, s6;
	v18 =	vadd.s32 s23, v4;
	v24 =	vand.u32 $0x7FFFFF80, v24;
	[tilespmem:s30+$0x10] =	vst v21;
	v23 =	vld.idx.msk [tilespmem:v23+s4+$0x0], $0xffff;
	v15 =	vor.u32 v5, v15  }
0x22c: {  	v48 =	vor.u32 s17, v0;
	v18 =	vand.u32 $0x7FFFFF80, v18;
	v24 =	vor.u32 v5, v24;
	[tilespmem:s30+$0xFFFFFF10] =	vst v22;
	v16 =	vld.idx.msk [tilespmem:v16+s4+$0x0], $0xffff  }
0x22d: {  	v51 =	vor.u32 s17, v1;
	v52 =	vadd.s32 s17, v2;
	v18 =	vor.u32 v5, v18;
	v20 =	vld.idx.msk [tilespmem:v20+s4+$0x0], $0xffff  }
0x22e: {  	v53 =	vadd.s32 s17, v4;
	v17 =	vor.u32 v5, v25;
	v25 =	vadd.s32 s7, v6  }
0x22f: {  	v19 =	vand.u32 $0xFE00, v25;
	v25 =	vand.u32 $0x7FFFFF80, v27;
	[tilespmem:s30+$0xA0] =	vst v14;
	v14 =	vadd.s32 s5, v6  }
0x230: {  	v21 =	vor.u32 v7, v26;
	v26 =	vadd.s32 s14, v8;
	[tilespmem:s30+$0xFFFFFFA0] =	vst v23;
	v15 =	vld.idx.msk [tilespmem:v15+s4+$0x0], $0xffff;
	v14 =	vand.u32 $0x7FFFFF80, v14  }
0x231: {  	v19 =	vor.u32 v7, v19;
	v26 =	vand.u32 $0x7FFFFF80, v26;
	[tilespmem:s30+$0x20] =	vst v16;
	v24 =	vld.idx.msk [tilespmem:v24+s4+$0x0], $0xffff;
	v14 =	vor.u32 v7, v14  }
0x232: {  	v22 =	vor.u32 v9, v26;
	v26 =	vadd.s32 s14, v10;
	v23 =	vadd.s32 s7, v10;
	[tilespmem:s30+$0xFFFFFF20] =	vst v20;
	v18 =	vld.idx.msk [tilespmem:v18+s4+$0x0], $0xffff  }
0x233: {  	v25 =	vor.u32 v7, v25;
	v16 =	vand.u32 $0x7FFFFF80, v26;
	v23 =	vand.u32 $0xFE00, v23;
	v17 =	vld.idx.msk [tilespmem:v17+s4+$0x0], $0xffff  }
0x234: {  	v26 =	vand.u32 $0x7FFFFF80, v28;
	v28 =	vor.u32 v11, v23;
	v23 =	vadd.s32 s7, v12;
	s7 =	sadd.s32 $0x180, s6  }
0x235: {  	v33 =	vld.idx.msk [tilespmem:v48+s4+$0x0], $0xffff;
	v27 =	vadd.s32 s23, v8;
	v29 =	vor.u32 v11, v26;
	v26 =	vor.u32 s7, v0;
	[tilespmem:s30+$0xB0] =	vst v15  }
0x236: {  	v34 =	vand.u32 $0xFE00, v50;
	s23 =	sadd.s32 $0x100, s6;
	v20 =	vor.u32 s6, v0;
	v15 =	vadd.s32 s5, v8;
	[tilespmem:s30+$0xFFFFFFB0] =	vst v24;
	v24 =	vld.idx.msk [tilespmem:v14+s4+$0x0], $0xffff  }
0x237: {  	v36 =	vand.u32 $0x7FFFFF80, v52;
	v49 =	vor.u32 s23, v0;
	[tilespmem:s30+$0x30] =	vst v18;
	v14 =	vand.u32 $0x7FFFFF80, v15;
	v21 =	vld.idx.msk [tilespmem:v21+s4+$0x0], $0xffff  }
0x238: {  	v34 =	vor.u32 v3, v34;
	v32 =	vand.u32 $0x7FFFFF80, v53;
	[tilespmem:s30+$0xFFFFFF30] =	vst v17;
	v25 =	vld.idx.msk [tilespmem:v25+s4+$0x0], $0xffff;
	v18 =	vor.u32 v9, v14  }
0x239: {  	s10 =	simm.s32 $0xF300;
	v36 =	vor.u32 v3, v36;
	v54 =	vor.u32 v5, v32;
	v27 =	vand.u32 $0x7FFFFF80, v27;
	v19 =	vld.idx.msk [tilespmem:v19+s4+$0x0], $0xffff  }
0x23a: {  	v37 =	vor.u32 s23, v1;
	v38 =	vadd.s32 s23, v2;
	[tilespmem:s10+$0xFFFFFF80] =	vst v33;
	v61 =	vadd.s32 s23, v12;
	v26 =	vld.idx.msk [tilespmem:v26+s4+$0x0], $0xffff  }
0x23b: {  	v27 =	vor.u32 v9, v27;
	v38 =	vand.u32 $0x7FFFFF80, v38;
	v20 =	vld.idx.msk [tilespmem:v20+s4+$0x0], $0xffff;
	v17 =	vor.u32 s7, v1;
	[tilespmem:s30+$0xC0] =	vst v24  }
0x23c: {  	v38 =	vor.u32 v3, v38;
	v31 =	vor.u32 v11, v16;
	v15 =	vand.u32 $0xFE00, v23;
	[tilespmem:s30+$0xFFFFFFC0] =	vst v21;
	v21 =	vld.idx.msk [tilespmem:v49+s4+$0x0], $0xffff  }
0x23d: {  	v16 =	vadd.s32 s14, v12;
	v23 =	vand.u32 $0x7FFFFF80, v47;
	v14 =	vor.u32 v13, v15;
	[tilespmem:s30+$0x40] =	vst v25;
	v18 =	vld.idx.msk [tilespmem:v18+s4+$0x0], $0xffff  }
0x23e: {  	v15 =	vor.u32 v13, v23;
	v23 =	vor.u32 s6, v1;
	v24 =	vadd.s32 s5, v10;
	[tilespmem:s30+$0xFFFFFF40] =	vst v19;
	v22 =	vld.idx.msk [tilespmem:v22+s4+$0x0], $0xffff  }
0x23f: {  	v16 =	vand.u32 $0x7FFFFF80, v16;
	v25 =	vadd.s32 s23, v4;
	v24 =	vand.u32 $0x7FFFFF80, v24;
	[tilespmem:s10+$0x80] =	vst v26;
	v30 =	vld.idx.msk [tilespmem:v30+s4+$0x0], $0xffff  }
0x240: {  	v16 =	vor.u32 v13, v16;
	[tilespmem:s10+$0xFFFFFF00] =	vst v20;
	v25 =	vand.u32 $0x7FFFFF80, v25;
	v24 =	vor.u32 v11, v24;
	v17 =	vld.idx.msk [tilespmem:v17+s4+$0x0], $0xffff  }
0x241: {  	v33 =	vld.idx.msk [tilespmem:v51+s4+$0x0], $0xffff;
	v20 =	vadd.s32 s23, v6;
	v40 =	vor.u32 v5, v25;
	v25 =	vadd.s32 s7, v2;
	[tilespmem:s10+$0x0] =	vst v21  }
0x242: {  	v26 =	vand.u32 $0xFE00, v39;
	v55 =	vld.idx.msk [tilespmem:v27+s4+$0x0], $0xffff;
	v27 =	vadd.s32 s6, v6;
	v25 =	vand.u32 $0x7FFFFF80, v25;
	[tilespmem:s30+$0xD0] =	vst v18  }
0x243: {  	v19 =	vld.idx.msk [tilespmem:v23+s4+$0x0], $0xffff;
	v26 =	vor.u32 v5, v26;
	v27 =	vand.u32 $0xFE00, v27;
	v21 =	vor.u32 v3, v25;
	[tilespmem:s30+$0xFFFFFFD0] =	vst v22  }
0x244: {  	v18 =	vadd.s32 s17, v6;
	v37 =	vld.idx.msk [tilespmem:v37+s4+$0x0], $0xffff;
	v22 =	vadd.s32 s6, v8;
	[tilespmem:s30+$0xFFFFFF50] =	vst v30;
	v30 =	vadd.s32 s17, v12  }
0x245: {  	v18 =	vand.u32 $0x7FFFFF80, v18;
	v56 =	vld.idx.msk [tilespmem:v24+s4+$0x0], $0xffff;
	v24 =	vadd.s32 s5, v12;
	[tilespmem:s10+$0x90] =	vst v17;
	v17 =	vadd.s32 s23, v8  }
0x246: {  	[tilespmem:s10+$0xFFFFFF90] =	vst v33;
	v30 =	vand.u32 $0x7FFFFF80, v30;
	v24 =	vand.u32 $0x7FFFFF80, v24;
	v25 =	vor.u32 v7, v18  }
0x247: {  	v33 =	vld.idx.msk [tilespmem:v36+s4+$0x0], $0xffff;
	v18 =	vand.u32 $0x7FFFFF80, v20;
	v20 =	vor.u32 v7, v27;
	v41 =	vor.u32 v13, v24  }
0x248: {  	v27 =	vld.idx.msk [tilespmem:v31+s4+$0x0], $0xffff;
	v23 =	vand.u32 $0x7FFFFF80, v17;
	v24 =	vor.u32 v7, v18;
	v18 =	vadd.s32 s17, v8  }
0x249: {  	[tilespmem:s10+$0xFFFFFF10] =	vst v19;
	v17 =	vand.u32 $0xFE00, v22;
	v18 =	vand.u32 $0x7FFFFF80, v18;
	v31 =	vld.idx.msk [tilespmem:v21+s4+$0x0], $0xffff;
	v21 =	vadd.s32 s7, v4  }
0x24a: {  	v60 =	vld.idx.msk [tilespmem:v34+s4+$0x0], $0xffff;
	v30 =	vor.u32 v13, v30;
	v22 =	vor.u32 v9, v18;
	v18 =	vand.u32 $0x7FFFFF80, v21;
	[tilespmem:s10+$0x10] =	vst v37  }
0x24b: {  	v62 =	vand.u32 $0x7FFFFF80, v61;
	v17 =	vor.u32 v9, v17;
	[tilespmem:s30+$0xE0] =	vst v56;
	v57 =	vor.u32 v5, v18;
	v37 =	vld.idx.msk [tilespmem:v38+s4+$0x0], $0xffff  }
0x24c: {  	[tilespmem:s30+$0x50] =	vst v55;
	v23 =	vor.u32 v9, v23;
	v21 =	vadd.s32 s17, v10;
	v18 =	vadd.s32 s6, v10;
	v58 =	vld.idx.msk [tilespmem:v41+s4+$0x0], $0xffff  }
0x24d: {  	[tilespmem:s10+$0xFFFFFFA0] =	vst v33;
	v32 =	vld.idx.msk [tilespmem:v29+s4+$0x0], $0xffff;
	v19 =	vand.u32 $0x7FFFFF80, v21;
	v21 =	vadd.s32 s23, v10;
	v18 =	vand.u32 $0xFE00, v18  }
0x24e: {  	v29 =	vld.idx.msk [tilespmem:v28+s4+$0x0], $0xffff;
	v59 =	vand.u32 $0x7FFFFF80, v21;
	v21 =	vor.u32 v11, v19;
	[tilespmem:s10+$0xA0] =	vst v31;
	v31 =	vadd.s32 s6, v12  }
0x24f: {  	v34 =	vld.idx.msk [tilespmem:v54+s4+$0x0], $0xffff;
	[tilespmem:s10+$0xFFFFFF20] =	vst v60;
	v19 =	vor.u32 v11, v59;
	v28 =	vand.u32 $0xFE00, v31;
	v31 =	vadd.s32 s7, v6  }
0x250: {  	v18 =	vor.u32 v11, v18;
	v33 =	vld.idx.msk [tilespmem:v57+s4+$0x0], $0xffff;
	v28 =	vor.u32 v13, v28;
	v63 =	vand.u32 $0x7FFFFF80, v31;
	[tilespmem:s10+$0x20] =	vst v37  }
0x251: {  	s5 =	simm.s32 $0x200;
	s23 =	simm.s32 $0x4;
	s6 =	simm.s32 $0x800;
	v31 =	vor.u32 v13, v62;
	v36 =	vor.u32 v7, v63;
	v35 =	vld.idx.msk [tilespmem:v40+s4+$0x0], $0xffff;
	[tilespmem:s30+$0xF0] =	vst v58  }
.LBB2_11:
0x252: {  	s14 =	sand.u32 $0xFFFFF800, s6;
	s5 =	sadd.s32 $0x200, s5  }
0x253: {  	s23 =	sadd.s32 $0x4, s23;
	v26 =	vld.idx.msk [tilespmem:v26+s4+$0x0], $0xffff;
	[tilespmem:s30+$0xFFFFFFE0] =	vst v27;
	s14 =	sadd.s32 s14, s5  }
0x254: {  	p0 =	slt.u32 s23, $0x24;
	v27 =	vld.idx.msk [tilespmem:v16+s4+$0x0], $0xffff;
	[tilespmem:s30+$0x60] =	vst v32;
	v16 =	vmov v30;
	v30 =	vor.u32 s14, v0;
	s16 =	sadd.s32 $0x80, s14  }
0x255: {  	v32 =	vor.u32 s14, v1;
	v37 =	vadd.s32 s14, v2;
	s15 =	sadd.s32 $0x100, s14;
	s17 =	sadd.s32 $0x180, s14;
	[tilespmem:s10+$0xB0] =	vst v33;
	v33 =	vld.idx.msk [tilespmem:v15+s4+$0x0], $0xffff;
	v15 =	vmovc v31;
	v31 =	vor.u32 s16, v0  }
0x256: {  	v38 =	vor.u32 s17, v0;
	[tilespmem:s10+$0xFFFFFFB0] =	vst v34;
	v34 =	vld.idx.msk [tilespmem:v36+s4+$0x0], $0xffff;
	v36 =	vadd.s32 s7, v8  }
0x257: {  	v39 =	vor.u32 s16, v1;
	v40 =	vor.u32 s15, v0;
	v25 =	vld.idx.msk [tilespmem:v25+s4+$0x0], $0xffff;
	v36 =	vand.u32 $0x7FFFFF80, v36;
	[tilespmem:s30+$0xFFFFFF60] =	vst v29  }
0x258: {  	v41 =	vor.u32 s15, v1;
	v29 =	vadd.s32 s16, v2;
	[tilespmem:s10+$0x30] =	vst v35;
	v35 =	vor.u32 v9, v36;
	v36 =	vld.idx.msk [tilespmem:v14+s4+$0x0], $0xffff;
	v14 =	vmovc v28  }
0x259: {  	v28 =	vand.u32 $0xFE00, v37;
	v29 =	vand.u32 $0x7FFFFF80, v29;
	v37 =	vadd.s32 s15, v2;
	[tilespmem:s10+$0xFFFFFF30] =	vst v26;
	v24 =	vld.idx.msk [tilespmem:v24+s4+$0x0], $0xffff  }
0x25a: {  	v28 =	vor.u32 v3, v28;
	v29 =	vor.u32 v3, v29;
	v26 =	vand.u32 $0x7FFFFF80, v37;
	v30 =	vld.idx.msk [tilespmem:v30+s4+$0x0], $0xffff;
	[tilespmem:s30+$0xFFFFFFF0] =	vst v27  }
0x25b: {  	v27 =	vadd.s32 s16, v4;
	v37 =	vor.u32 v3, v26;
	v26 =	vadd.s32 s15, v4;
	v38 =	vld.idx.msk [tilespmem:v38+s4+$0x0], $0xffff;
	[tilespmem:s30+$0x70] =	vst v33  }
0x25c: {  	v33 =	vadd.s32 s14, v4;
	v27 =	vand.u32 $0x7FFFFF80, v27;
	v26 =	vand.u32 $0x7FFFFF80, v26;
	v31 =	vld.idx.msk [tilespmem:v31+s4+$0x0], $0xffff;
	[tilespmem:s10+$0xC0] =	vst v34  }
0x25d: {  	v33 =	vand.u32 $0xFE00, v33;
	v34 =	vor.u32 s17, v1;
	[tilespmem:s10+$0xFFFFFFC0] =	vst v25;
	v35 =	vld.idx.msk [tilespmem:v35+s4+$0x0], $0xffff;
	v25 =	vadd.s32 s7, v10  }
0x25e: {  	v42 =	vor.u32 v5, v27;
	v27 =	vld.idx.msk [tilespmem:v40+s4+$0x0], $0xffff;
	v40 =	vor.u32 v5, v26;
	v25 =	vand.u32 $0x7FFFFF80, v25;
	[tilespmem:s30+$0xFFFFFF70] =	vst v36;
	s30 =	smov.u32 s10  }
0x25f: {  	v26 =	vor.u32 v5, v33;
	v33 =	vadd.s32 s16, v6;
	v36 =	vld.idx.msk [tilespmem:v20+s4+$0x0], $0xffff;
	[tilespmem:s10+$0x40] =	vst v24;
	v43 =	vor.u32 v11, v25  }
0x260: {  	v20 =	vadd.s32 s14, v6;
	v24 =	vand.u32 $0x7FFFFF80, v33;
	v33 =	vadd.s32 s15, v6;
	s10 =	sadd.s32 $0x200, s10;
	v44 =	vld.idx.msk [tilespmem:v22+s4+$0x0], $0xffff  }
0x261: {  	v20 =	vand.u32 $0xFE00, v20;
	v25 =	vor.u32 v7, v24;
	v22 =	vand.u32 $0x7FFFFF80, v33;
	[tilespmem:s10+$0x80] =	vst v38;
	v33 =	vld.idx.msk [tilespmem:v23+s4+$0x0], $0xffff  }
0x262: {  	v20 =	vor.u32 v7, v20;
	v24 =	vor.u32 v7, v22;
	v22 =	vadd.s32 s17, v2;
	[tilespmem:s10+$0xFFFFFF80] =	vst v31;
	v31 =	vld.idx.msk [tilespmem:v34+s4+$0x0], $0xffff  }
0x263: {  	v23 =	vadd.s32 s16, v8;
	v38 =	vadd.s32 s15, v8;
	v22 =	vand.u32 $0x7FFFFF80, v22;
	v34 =	vld.idx.msk [tilespmem:v39+s4+$0x0], $0xffff;
	[tilespmem:s30+$0xD0] =	vst v35  }
0x264: {  	v35 =	vadd.s32 s14, v8;
	v39 =	vor.u32 v3, v22;
	v22 =	vadd.s32 s7, v12;
	s7 =	smov.u32 s17;
	[tilespmem:s10+$0x0] =	vst v27;
	v43 =	vld.idx.msk [tilespmem:v43+s4+$0x0], $0xffff  }
0x265: {  	v23 =	vand.u32 $0x7FFFFF80, v23;
	v27 =	vand.u32 $0x7FFFFF80, v38;
	v38 =	vand.u32 $0x7FFFFF80, v22;
	[tilespmem:s10+$0xFFFFFF00] =	vst v30;
	v30 =	vld.idx.msk [tilespmem:v41+s4+$0x0], $0xffff  }
0x266: {  	v35 =	vand.u32 $0xFE00, v35;
	v22 =	vor.u32 v9, v23;
	v32 =	vld.idx.msk [tilespmem:v32+s4+$0x0], $0xffff;
	[tilespmem:s30+$0xFFFFFF40] =	vst v36;
	v36 =	vor.u32 v13, v38  }
0x267: {  	v23 =	vor.u32 v9, v27;
	v38 =	vadd.s32 s16, v10;
	v41 =	vld.idx.msk [tilespmem:v17+s4+$0x0], $0xffff;
	v17 =	vor.u32 v9, v35;
	[tilespmem:s30+$0xFFFFFFD0] =	vst v44  }
0x268: {  	v35 =	vadd.s32 s14, v10;
	v38 =	vand.u32 $0x7FFFFF80, v38;
	v44 =	vadd.s32 s15, v10;
	[tilespmem:s10+$0x90] =	vst v31;
	v27 =	vld.idx.msk [tilespmem:v21+s4+$0x0], $0xffff  }
0x269: {  	v31 =	vand.u32 $0xFE00, v35;
	[tilespmem:s10+$0xFFFFFF90] =	vst v34;
	v34 =	vand.u32 $0x7FFFFF80, v44;
	v35 =	vld.idx.msk [tilespmem:v39+s4+$0x0], $0xffff;
	v39 =	vadd.s32 s7, v4  }
0x26a: {  	v21 =	vor.u32 v11, v38;
	v44 =	vld.idx.msk [tilespmem:v29+s4+$0x0], $0xffff;
	v29 =	vor.u32 v11, v34;
	v34 =	vand.u32 $0x7FFFFF80, v39;
	[tilespmem:s30+$0xE0] =	vst v43  }
0x26b: {  	v38 =	vor.u32 v11, v31;
	v31 =	vadd.s32 s16, v12;
	[tilespmem:s10+$0x10] =	vst v30;
	v34 =	vor.u32 v5, v34;
	v36 =	vld.idx.msk [tilespmem:v36+s4+$0x0], $0xffff  }
0x26c: {  	v31 =	vand.u32 $0x7FFFFF80, v31;
	v30 =	vadd.s32 s14, v12;
	[tilespmem:s10+$0xFFFFFF10] =	vst v32;
	v37 =	vld.idx.msk [tilespmem:v37+s4+$0x0], $0xffff;
	v32 =	vadd.s32 s15, v12  }
0x26d: {  	v39 =	vld.idx.msk [tilespmem:v28+s4+$0x0], $0xffff;
	v28 =	vand.u32 $0xFE00, v30;
	v30 =	vor.u32 v13, v31;
	v31 =	vand.u32 $0x7FFFFF80, v32;
	[tilespmem:s30+$0x50] =	vst v33  }
0x26e: {  	v28 =	vor.u32 v13, v28;
	v31 =	vor.u32 v13, v31;
	[tilespmem:s30+$0xFFFFFF50] =	vst v41;
	v32 =	vld.idx.msk [tilespmem:v19+s4+$0x0], $0xffff;
	v19 =	vmov v29  }
.Ltmp4:
0x26f: {  	[tilespmem:s10+$0xA0] =	vst v35;
	v29 =	vld.idx.msk [tilespmem:v18+s4+$0x0], $0xffff;
	v18 =	vmov v38;
	(pc) =	sbr.rel @p0 .LBB2_11-.Ltmp4, $4  }
0x270: {  	v35 =	vadd.s32 s7, v6;
	[tilespmem:s10+$0xFFFFFFA0] =	vst v44;
	v33 =	vld.idx.msk [tilespmem:v34+s4+$0x0], $0xffff  }
0x271: {  	v35 =	vand.u32 $0x7FFFFF80, v35;
	v34 =	vld.idx.msk [tilespmem:v42+s4+$0x0], $0xffff;
	[tilespmem:s30+$0xF0] =	vst v36  }
0x272: {  	v36 =	vor.u32 v7, v35;
	[tilespmem:s10+$0x20] =	vst v37  }
0x273: {  	s6 =	sadd.s32 $0x400, s6;
	[tilespmem:s10+$0xFFFFFF20] =	vst v39;
	v35 =	vld.idx.msk [tilespmem:v40+s4+$0x0], $0xffff  }
0x274: {  	_ =	sdelay $0x3  }
0x275: {  	v26 =	vld.idx.msk [tilespmem:v26+s4+$0x0], $0xffff;
	v45 =	vadd.s32 s7, v8;
	[tilespmem:s10+$0xB0] =	vst v33  }
0x276: {  	v33 =	vand.u32 $0x7FFFFF80, v45;
	[tilespmem:s10+$0xFFFFFFB0] =	vst v34;
	v46 =	vld.idx.msk [tilespmem:v36+s4+$0x0], $0xffff  }
0x277: {  	v33 =	vor.u32 v9, v33;
	v25 =	vld.idx.msk [tilespmem:v25+s4+$0x0], $0xffff;
	[tilespmem:s10+$0x30] =	vst v35  }
0x278: {  	v24 =	vld.idx.msk [tilespmem:v24+s4+$0x0], $0xffff;
	_ =	sdelay $0x1  }
0x279: {  	[tilespmem:s10+$0xFFFFFF30] =	vst v26  }
0x27a: {  	v26 =	vadd.s32 s7, v10;
	v20 =	vld.idx.msk [tilespmem:v20+s4+$0x0], $0xffff;
	[tilespmem:s10+$0xC0] =	vst v46  }
0x27b: {  	v26 =	vand.u32 $0x7FFFFF80, v26;
	[tilespmem:s10+$0xFFFFFFC0] =	vst v25;
	v25 =	vld.idx.msk [tilespmem:v33+s4+$0x0], $0xffff  }
0x27c: {  	v22 =	vld.idx.msk [tilespmem:v22+s4+$0x0], $0xffff;
	[tilespmem:s10+$0x40] =	vst v24;
	v24 =	vor.u32 v11, v26  }
0x27d: {  	[tilespmem:s30+$0xFFFFFFE0] =	vst v27  }
0x27e: {  	[tilespmem:s30+$0x60] =	vst v32;
	v16 =	vld.idx.msk [tilespmem:v16+s4+$0x0], $0xffff  }
0x27f: {  	v23 =	vld.idx.msk [tilespmem:v23+s4+$0x0], $0xffff;
	[tilespmem:s10+$0xFFFFFF40] =	vst v20  }
0x280: {  	v20 =	vadd.s32 s7, v12;
	v17 =	vld.idx.msk [tilespmem:v17+s4+$0x0], $0xffff;
	[tilespmem:s10+$0xD0] =	vst v25  }
0x281: {  	v20 =	vand.u32 $0x7FFFFF80, v20;
	[tilespmem:s10+$0xFFFFFFD0] =	vst v22;
	v24 =	vld.idx.msk [tilespmem:v24+s4+$0x0], $0xffff  }
0x282: {  	[tilespmem:s30+$0xFFFFFF60] =	vst v29;
	v20 =	vor.u32 v13, v20;
	v21 =	vld.idx.msk [tilespmem:v21+s4+$0x0], $0xffff  }
0x283: {  	v15 =	vld.idx.msk [tilespmem:v15+s4+$0x0], $0xffff;
	[tilespmem:s30+$0xFFFFFFF0] =	vst v16  }
0x284: {  	v14 =	vld.idx.msk [tilespmem:v14+s4+$0x0], $0xffff;
	[tilespmem:s10+$0x50] =	vst v23  }
0x285: {  	[tilespmem:s10+$0xFFFFFF50] =	vst v17;
	v17 =	vld.idx.msk [tilespmem:v19+s4+$0x0], $0xffff  }
0x286: {  	v18 =	vld.idx.msk [tilespmem:v18+s4+$0x0], $0xffff;
	[tilespmem:s10+$0xE0] =	vst v24  }
0x287: {  	[tilespmem:s10+$0xFFFFFFE0] =	vst v21;
	v16 =	vld.idx.msk [tilespmem:v20+s4+$0x0], $0xffff  }
0x288: {  	[tilespmem:s30+$0x70] =	vst v15;
	v19 =	vld.idx.msk [tilespmem:v30+s4+$0x0], $0xffff  }
0x289: {  	[tilespmem:s30+$0xFFFFFF70] =	vst v14  }
0x28a: {  	[tilespmem:s10+$0x60] =	vst v17  }
0x28b: {  	v17 =	vld.idx.msk [tilespmem:v31+s4+$0x0], $0xffff;
	[tilespmem:s10+$0xFFFFFF60] =	vst v18  }
0x28c: {  	v15 =	vld.idx.msk [tilespmem:v28+s4+$0x0], $0xffff;
	[tilespmem:s10+$0xF0] =	vst v16  }
0x28d: {  	[tilespmem:s10+$0xFFFFFFF0] =	vst v19  }
0x28e: {  	s5 =	rddreg [dreg:$0xe]  }
0x28f: {  	s5 =	sadd.s32 s29, s5  }
0x290: {  	[tilespmem:s10+$0x70] =	vst v17;
	s5 =	sshrl.u32 s5, $0x3  }
0x291: {  	s6 =	simm.s32 $0x0;
	[tilespmem:s10+$0xFFFFFF70] =	vst v15;
	s5 =	sadd.s32 s3, s5  }
0x292: {  	[hbm4b:s5+s6] =	stream.linear.scatter [tilespmem:s9], [sflag:$0x5], $0x1400, $0x38;
	[tilespmem:$0x11800] =	vst v63  }
0x293: {  	_ =	swait.ge [sflag:s11], $0x3C00  }
0x294: {  	s17 =	sand.u32 $0xFFFFF800, s6;
	[sflag:s11] =	ssyncset.done $0x0  }
0x295: {  	s23 =	sadd.s32 $0x0, s17;
	[sflag:s11] =	ssyncadd.s32 $0xFFFFC400  }
0x296: {  	s5 =	sadd.s32 $0x180, s23;
	_ =	swait.ge [sflag:s22], $0x1400  }
0x297: {  	s30 =	sadd.s32 $0x80, s23;
	v14 =	vor.u32 s5, v0;
	s14 =	rddreg [dreg:$0xf]  }
0x298: {  	s16 =	sadd.s32 $0x100, s23;
	v15 =	vor.u32 s30, v0;
	s15 =	sadd.s32 s28, s14  }
0x299: {  	v16 =	vor.u32 s16, v0;
	[sflag:s22] =	ssyncset.done $0x0;
	s15 =	sshrl.u32 s15, $0x3  }
0x29a: {  	v17 =	vor.u32 s23, v0;
	[sflag:s22] =	ssyncadd.s32 $0xFFFFEC00;
	s15 =	sadd.s32 s1, s15  }
0x29b: {  	[tilespmem:s6], [sflag:$0x1] =	stream.linear.gather [hbm4b:s15+s6], $0x3C00, $0x38;
	[tilespmem:$0x11800] =	vst v63  }
0x29c: {  	v14 =	vld.idx.msk [tilespmem:v14+s31+$0x0], $0xffff  }
0x29d: {  	v18 =	vor.u32 s5, v1;
	v15 =	vld.idx.msk [tilespmem:v15+s31+$0x0], $0xffff  }
0x29e: {  	v19 =	vor.u32 s30, v1;
	v16 =	vld.idx.msk [tilespmem:v16+s31+$0x0], $0xffff  }
0x29f: {  	v21 =	vor.u32 s16, v1;
	v17 =	vld.idx.msk [tilespmem:v17+s31+$0x0], $0xffff  }
0x2a0: {  	v22 =	vor.u32 s23, v1;
	s28 =	simm.s32 $0x10500  }
0x2a1: {  	[tilespmem:s28+$0x80] =	vst v14;
	v14 =	vadd.s32 s5, v2  }
0x2a2: {  	v23 =	vadd.s32 s30, v2;
	[tilespmem:s28+$0xFFFFFF80] =	vst v15;
	v15 =	vld.idx.msk [tilespmem:v18+s31+$0x0], $0xffff;
	v14 =	vand.u32 $0x7FFFFF80, v14  }
0x2a3: {  	v23 =	vand.u32 $0x7FFFFF80, v23;
	v24 =	vadd.s32 s16, v2;
	[tilespmem:s28+$0x0] =	vst v16;
	v19 =	vld.idx.msk [tilespmem:v19+s31+$0x0], $0xffff;
	v14 =	vor.u32 v3, v14  }
0x2a4: {  	v23 =	vor.u32 v3, v23;
	v20 =	vadd.s32 s23, v2;
	[tilespmem:s28+$0xFFFFFF00] =	vst v17;
	v18 =	vand.u32 $0x7FFFFF80, v24;
	v21 =	vld.idx.msk [tilespmem:v21+s31+$0x0], $0xffff  }
0x2a5: {  	v27 =	vadd.s32 s16, v6;
	v20 =	vand.u32 $0xFE00, v20;
	v22 =	vld.idx.msk [tilespmem:v22+s31+$0x0], $0xffff;
	v16 =	vor.u32 v3, v18  }
0x2a6: {  	s17 =	simm.s32 $0x400;
	v26 =	vadd.s32 s30, v6;
	v20 =	vor.u32 v3, v20;
	v28 =	vadd.s32 s23, v8  }
0x2a7: {  	v47 =	vadd.s32 s16, v12;
	v26 =	vand.u32 $0x7FFFFF80, v26;
	v28 =	vand.u32 $0xFE00, v28;
	s6 =	sand.u32 $0xFFFFF800, s17;
	[tilespmem:s28+$0x90] =	vst v15  }
0x2a8: {  	v25 =	vadd.s32 s23, v4;
	v30 =	vor.u32 v9, v28;
	v28 =	vadd.s32 s16, v10;
	s6 =	sadd.s32 $0x200, s6;
	[tilespmem:s28+$0xFFFFFF90] =	vst v19;
	v14 =	vld.idx.msk [tilespmem:v14+s31+$0x0], $0xffff  }
0x2a9: {  	v25 =	vand.u32 $0xFE00, v25;
	v50 =	vadd.s32 s6, v2;
	v15 =	vadd.s32 s5, v4;
	[tilespmem:s28+$0x10] =	vst v21;
	v23 =	vld.idx.msk [tilespmem:v23+s31+$0x0], $0xffff  }
0x2aa: {  	v39 =	vadd.s32 s6, v4;
	v24 =	vadd.s32 s30, v4;
	[tilespmem:s28+$0xFFFFFF10] =	vst v22;
	v15 =	vand.u32 $0x7FFFFF80, v15;
	v16 =	vld.idx.msk [tilespmem:v16+s31+$0x0], $0xffff  }
0x2ab: {  	v18 =	vadd.s32 s16, v4;
	v24 =	vand.u32 $0x7FFFFF80, v24;
	v20 =	vld.idx.msk [tilespmem:v20+s31+$0x0], $0xffff;
	v15 =	vor.u32 v5, v15  }
0x2ac: {  	v34 =	vand.u32 $0xFE00, v50;
	v18 =	vand.u32 $0x7FFFFF80, v18;
	v24 =	vor.u32 v5, v24  }
0x2ad: {  	v18 =	vor.u32 v5, v18;
	v21 =	vor.u32 v7, v26;
	v26 =	vadd.s32 s30, v8;
	[tilespmem:s28+$0xA0] =	vst v14  }
0x2ae: {  	v34 =	vor.u32 v3, v34;
	v17 =	vor.u32 v5, v25;
	v26 =	vand.u32 $0x7FFFFF80, v26;
	[tilespmem:s28+$0xFFFFFFA0] =	vst v23  }
0x2af: {  	v25 =	vadd.s32 s23, v6;
	v22 =	vor.u32 v9, v26;
	v26 =	vadd.s32 s30, v10;
	[tilespmem:s28+$0x20] =	vst v16  }
0x2b0: {  	s7 =	sadd.s32 $0x180, s6;
	v16 =	vand.u32 $0x7FFFFF80, v26;
	v26 =	vand.u32 $0x7FFFFF80, v28;
	[tilespmem:s28+$0xFFFFFF20] =	vst v20;
	v20 =	vor.u32 s6, v0;
	v15 =	vld.idx.msk [tilespmem:v15+s31+$0x0], $0xffff  }
0x2b1: {  	v14 =	vadd.s32 s5, v6;
	v24 =	vld.idx.msk [tilespmem:v24+s31+$0x0], $0xffff;
	v29 =	vor.u32 v11, v26;
	v26 =	vor.u32 s7, v0  }
0x2b2: {  	v19 =	vand.u32 $0xFE00, v25;
	v25 =	vand.u32 $0x7FFFFF80, v27;
	v14 =	vand.u32 $0x7FFFFF80, v14;
	v18 =	vld.idx.msk [tilespmem:v18+s31+$0x0], $0xffff  }
0x2b3: {  	v27 =	vadd.s32 s16, v8;
	v23 =	vadd.s32 s23, v10;
	v17 =	vld.idx.msk [tilespmem:v17+s31+$0x0], $0xffff;
	v14 =	vor.u32 v7, v14  }
0x2b4: {  	v19 =	vor.u32 v7, v19;
	v25 =	vor.u32 v7, v25;
	v23 =	vand.u32 $0xFE00, v23  }
0x2b5: {  	v27 =	vand.u32 $0x7FFFFF80, v27;
	v28 =	vor.u32 v11, v23;
	v23 =	vadd.s32 s23, v12;
	s23 =	sadd.s32 $0x80, s6;
	v20 =	vld.idx.msk [tilespmem:v20+s31+$0x0], $0xffff;
	[tilespmem:s28+$0xB0] =	vst v15  }
0x2b6: {  	v31 =	vor.u32 v11, v16;
	v16 =	vadd.s32 s30, v12;
	s30 =	sadd.s32 $0x100, s6;
	v48 =	vor.u32 s23, v0;
	[tilespmem:s28+$0xFFFFFFB0] =	vst v24;
	v26 =	vld.idx.msk [tilespmem:v26+s31+$0x0], $0xffff  }
0x2b7: {  	v27 =	vor.u32 v9, v27;
	v49 =	vor.u32 s30, v0;
	v15 =	vadd.s32 s5, v8;
	[tilespmem:s28+$0x30] =	vst v18;
	v21 =	vld.idx.msk [tilespmem:v21+s31+$0x0], $0xffff  }
0x2b8: {  	v16 =	vand.u32 $0x7FFFFF80, v16;
	[tilespmem:s28+$0xFFFFFF30] =	vst v17;
	v17 =	vor.u32 s7, v1;
	v24 =	vld.idx.msk [tilespmem:v14+s31+$0x0], $0xffff;
	v14 =	vand.u32 $0x7FFFFF80, v15  }
0x2b9: {  	v37 =	vor.u32 s30, v1;
	v38 =	vadd.s32 s30, v2;
	v25 =	vld.idx.msk [tilespmem:v25+s31+$0x0], $0xffff;
	v18 =	vor.u32 v9, v14  }
0x2ba: {  	s29 =	simm.s32 $0x10700;
	v61 =	vadd.s32 s30, v12;
	v16 =	vor.u32 v13, v16;
	v51 =	vor.u32 s23, v1;
	v19 =	vld.idx.msk [tilespmem:v19+s31+$0x0], $0xffff  }
0x2bb: {  	v52 =	vadd.s32 s23, v2;
	v15 =	vand.u32 $0xFE00, v23;
	v23 =	vand.u32 $0x7FFFFF80, v47;
	v33 =	vld.idx.msk [tilespmem:v48+s31+$0x0], $0xffff;
	[tilespmem:s29+$0x80] =	vst v26  }
0x2bc: {  	v14 =	vor.u32 v13, v15;
	v15 =	vor.u32 v13, v23;
	v23 =	vor.u32 s6, v1;
	[tilespmem:s28+$0xFFFFFFC0] =	vst v21;
	v21 =	vld.idx.msk [tilespmem:v49+s31+$0x0], $0xffff  }
0x2bd: {  	v38 =	vand.u32 $0x7FFFFF80, v38;
	v53 =	vadd.s32 s23, v4;
	v62 =	vand.u32 $0x7FFFFF80, v61;
	[tilespmem:s28+$0xC0] =	vst v24;
	v17 =	vld.idx.msk [tilespmem:v17+s31+$0x0], $0xffff  }
0x2be: {  	v36 =	vand.u32 $0x7FFFFF80, v52;
	v38 =	vor.u32 v3, v38;
	[tilespmem:s29+$0xFFFFFF00] =	vst v20;
	v24 =	vadd.s32 s5, v10;
	v18 =	vld.idx.msk [tilespmem:v18+s31+$0x0], $0xffff  }
0x2bf: {  	v32 =	vand.u32 $0x7FFFFF80, v53;
	v36 =	vor.u32 v3, v36;
	[tilespmem:s28+$0x40] =	vst v25;
	v24 =	vand.u32 $0x7FFFFF80, v24;
	v22 =	vld.idx.msk [tilespmem:v22+s31+$0x0], $0xffff  }
0x2c0: {  	v54 =	vor.u32 v5, v32;
	v25 =	vadd.s32 s30, v4;
	[tilespmem:s28+$0xFFFFFF40] =	vst v19;
	v55 =	vld.idx.msk [tilespmem:v27+s31+$0x0], $0xffff;
	v24 =	vor.u32 v11, v24  }
0x2c1: {  	v20 =	vadd.s32 s30, v6;
	v26 =	vand.u32 $0xFE00, v39;
	v25 =	vand.u32 $0x7FFFFF80, v25;
	[tilespmem:s29+$0xFFFFFF80] =	vst v33;
	v19 =	vld.idx.msk [tilespmem:v23+s31+$0x0], $0xffff  }
0x2c2: {  	v27 =	vadd.s32 s6, v6;
	v40 =	vor.u32 v5, v25;
	v25 =	vadd.s32 s7, v2;
	v33 =	vld.idx.msk [tilespmem:v51+s31+$0x0], $0xffff;
	[tilespmem:s29+$0x0] =	vst v21  }
0x2c3: {  	v26 =	vor.u32 v5, v26;
	v30 =	vld.idx.msk [tilespmem:v30+s31+$0x0], $0xffff;
	v27 =	vand.u32 $0xFE00, v27;
	v25 =	vand.u32 $0x7FFFFF80, v25;
	[tilespmem:s29+$0x90] =	vst v17  }
0x2c4: {  	v21 =	vor.u32 v3, v25;
	v17 =	vadd.s32 s30, v8;
	[tilespmem:s28+$0xD0] =	vst v18;
	v18 =	vadd.s32 s23, v6;
	v37 =	vld.idx.msk [tilespmem:v37+s31+$0x0], $0xffff  }
0x2c5: {  	[tilespmem:s28+$0xFFFFFFD0] =	vst v22;
	v22 =	vadd.s32 s6, v8;
	v18 =	vand.u32 $0x7FFFFF80, v18;
	v56 =	vld.idx.msk [tilespmem:v24+s31+$0x0], $0xffff;
	v24 =	vadd.s32 s5, v12  }
0x2c6: {  	v23 =	vand.u32 $0x7FFFFF80, v17;
	v24 =	vand.u32 $0x7FFFFF80, v24;
	v25 =	vor.u32 v7, v18  }
0x2c7: {  	[tilespmem:s29+$0xFFFFFF90] =	vst v33;
	v18 =	vand.u32 $0x7FFFFF80, v20;
	v20 =	vor.u32 v7, v27;
	v27 =	vld.idx.msk [tilespmem:v31+s31+$0x0], $0xffff;
	v41 =	vor.u32 v13, v24  }
0x2c8: {  	[tilespmem:s28+$0xFFFFFF50] =	vst v30;
	v30 =	vadd.s32 s23, v12;
	v33 =	vld.idx.msk [tilespmem:v36+s31+$0x0], $0xffff;
	v24 =	vor.u32 v7, v18;
	v18 =	vadd.s32 s23, v8  }
0x2c9: {  	[tilespmem:s29+$0xFFFFFF10] =	vst v19;
	v17 =	vand.u32 $0xFE00, v22;
	v18 =	vand.u32 $0x7FFFFF80, v18;
	v31 =	vld.idx.msk [tilespmem:v21+s31+$0x0], $0xffff;
	v21 =	vadd.s32 s7, v4  }
0x2ca: {  	v23 =	vor.u32 v9, v23;
	v60 =	vld.idx.msk [tilespmem:v34+s31+$0x0], $0xffff;
	v22 =	vor.u32 v9, v18;
	v18 =	vand.u32 $0x7FFFFF80, v21;
	[tilespmem:s29+$0x10] =	vst v37  }
0x2cb: {  	v30 =	vand.u32 $0x7FFFFF80, v30;
	v17 =	vor.u32 v9, v17;
	[tilespmem:s28+$0xE0] =	vst v56;
	v57 =	vor.u32 v5, v18;
	v37 =	vld.idx.msk [tilespmem:v38+s31+$0x0], $0xffff  }
0x2cc: {  	[tilespmem:s28+$0x50] =	vst v55;
	v30 =	vor.u32 v13, v30;
	v21 =	vadd.s32 s23, v10;
	v18 =	vadd.s32 s6, v10;
	v58 =	vld.idx.msk [tilespmem:v41+s31+$0x0], $0xffff  }
0x2cd: {  	v32 =	vld.idx.msk [tilespmem:v29+s31+$0x0], $0xffff;
	v19 =	vand.u32 $0x7FFFFF80, v21;
	v21 =	vadd.s32 s30, v10;
	v18 =	vand.u32 $0xFE00, v18;
	[tilespmem:s29+$0xFFFFFFA0] =	vst v33  }
0x2ce: {  	v29 =	vld.idx.msk [tilespmem:v28+s31+$0x0], $0xffff;
	v59 =	vand.u32 $0x7FFFFF80, v21;
	v21 =	vor.u32 v11, v19;
	[tilespmem:s29+$0xA0] =	vst v31;
	v31 =	vadd.s32 s6, v12  }
0x2cf: {  	[tilespmem:s29+$0xFFFFFF20] =	vst v60;
	v19 =	vor.u32 v11, v59;
	v34 =	vld.idx.msk [tilespmem:v54+s31+$0x0], $0xffff;
	v28 =	vand.u32 $0xFE00, v31;
	v31 =	vadd.s32 s7, v6  }
0x2d0: {  	v18 =	vor.u32 v11, v18;
	v33 =	vld.idx.msk [tilespmem:v57+s31+$0x0], $0xffff;
	v28 =	vor.u32 v13, v28;
	v63 =	vand.u32 $0x7FFFFF80, v31;
	[tilespmem:s29+$0x20] =	vst v37  }
0x2d1: {  	s10 =	simm.s32 $0x4;
	s5 =	simm.s32 $0x200;
	s6 =	simm.s32 $0x800;
	v31 =	vor.u32 v13, v62;
	v36 =	vor.u32 v7, v63;
	v35 =	vld.idx.msk [tilespmem:v40+s31+$0x0], $0xffff;
	[tilespmem:s28+$0xF0] =	vst v58  }
.LBB2_13:
0x2d2: {  	s14 =	sand.u32 $0xFFFFF800, s6;
	s5 =	sadd.s32 $0x200, s5  }
0x2d3: {  	s10 =	sadd.s32 $0x4, s10;
	v26 =	vld.idx.msk [tilespmem:v26+s31+$0x0], $0xffff;
	[tilespmem:s28+$0xFFFFFFE0] =	vst v27;
	s14 =	sadd.s32 s14, s5  }
0x2d4: {  	p0 =	slt.u32 s10, $0x24;
	v27 =	vld.idx.msk [tilespmem:v16+s31+$0x0], $0xffff;
	[tilespmem:s28+$0x60] =	vst v32;
	v16 =	vmov v30;
	v30 =	vor.u32 s14, v0;
	s16 =	sadd.s32 $0x80, s14  }
0x2d5: {  	v32 =	vor.u32 s14, v1;
	v37 =	vadd.s32 s14, v2;
	s15 =	sadd.s32 $0x100, s14;
	s17 =	sadd.s32 $0x180, s14;
	[tilespmem:s29+$0xB0] =	vst v33;
	v33 =	vld.idx.msk [tilespmem:v15+s31+$0x0], $0xffff;
	v15 =	vmovc v31;
	v31 =	vor.u32 s16, v0  }
0x2d6: {  	v38 =	vor.u32 s17, v0;
	[tilespmem:s29+$0xFFFFFFB0] =	vst v34;
	v34 =	vld.idx.msk [tilespmem:v36+s31+$0x0], $0xffff;
	v36 =	vadd.s32 s7, v8  }
0x2d7: {  	v39 =	vor.u32 s16, v1;
	v40 =	vor.u32 s15, v0;
	v25 =	vld.idx.msk [tilespmem:v25+s31+$0x0], $0xffff;
	v36 =	vand.u32 $0x7FFFFF80, v36;
	[tilespmem:s28+$0xFFFFFF60] =	vst v29  }
0x2d8: {  	v41 =	vor.u32 s15, v1;
	v29 =	vadd.s32 s16, v2;
	[tilespmem:s29+$0x30] =	vst v35;
	v35 =	vor.u32 v9, v36;
	v36 =	vld.idx.msk [tilespmem:v14+s31+$0x0], $0xffff;
	v14 =	vmovc v28  }
0x2d9: {  	v28 =	vand.u32 $0xFE00, v37;
	v29 =	vand.u32 $0x7FFFFF80, v29;
	v37 =	vadd.s32 s15, v2;
	[tilespmem:s29+$0xFFFFFF30] =	vst v26;
	v24 =	vld.idx.msk [tilespmem:v24+s31+$0x0], $0xffff  }
0x2da: {  	v28 =	vor.u32 v3, v28;
	v29 =	vor.u32 v3, v29;
	v26 =	vand.u32 $0x7FFFFF80, v37;
	v30 =	vld.idx.msk [tilespmem:v30+s31+$0x0], $0xffff;
	[tilespmem:s28+$0xFFFFFFF0] =	vst v27  }
0x2db: {  	v27 =	vadd.s32 s16, v4;
	v37 =	vor.u32 v3, v26;
	v26 =	vadd.s32 s15, v4;
	v38 =	vld.idx.msk [tilespmem:v38+s31+$0x0], $0xffff;
	[tilespmem:s28+$0x70] =	vst v33  }
0x2dc: {  	v33 =	vadd.s32 s14, v4;
	v27 =	vand.u32 $0x7FFFFF80, v27;
	v26 =	vand.u32 $0x7FFFFF80, v26;
	v31 =	vld.idx.msk [tilespmem:v31+s31+$0x0], $0xffff;
	[tilespmem:s29+$0xC0] =	vst v34  }
0x2dd: {  	v33 =	vand.u32 $0xFE00, v33;
	v34 =	vor.u32 s17, v1;
	[tilespmem:s29+$0xFFFFFFC0] =	vst v25;
	v35 =	vld.idx.msk [tilespmem:v35+s31+$0x0], $0xffff;
	v25 =	vadd.s32 s7, v10  }
0x2de: {  	v42 =	vor.u32 v5, v27;
	v27 =	vld.idx.msk [tilespmem:v40+s31+$0x0], $0xffff;
	v40 =	vor.u32 v5, v26;
	v25 =	vand.u32 $0x7FFFFF80, v25;
	[tilespmem:s28+$0xFFFFFF70] =	vst v36;
	s28 =	smov.u32 s29  }
0x2df: {  	v26 =	vor.u32 v5, v33;
	v33 =	vadd.s32 s16, v6;
	v36 =	vld.idx.msk [tilespmem:v20+s31+$0x0], $0xffff;
	[tilespmem:s29+$0x40] =	vst v24;
	v43 =	vor.u32 v11, v25  }
0x2e0: {  	v20 =	vadd.s32 s14, v6;
	v24 =	vand.u32 $0x7FFFFF80, v33;
	v33 =	vadd.s32 s15, v6;
	s29 =	sadd.s32 $0x200, s29;
	v44 =	vld.idx.msk [tilespmem:v22+s31+$0x0], $0xffff  }
0x2e1: {  	v20 =	vand.u32 $0xFE00, v20;
	v25 =	vor.u32 v7, v24;
	v22 =	vand.u32 $0x7FFFFF80, v33;
	[tilespmem:s29+$0x80] =	vst v38;
	v33 =	vld.idx.msk [tilespmem:v23+s31+$0x0], $0xffff  }
0x2e2: {  	v20 =	vor.u32 v7, v20;
	v24 =	vor.u32 v7, v22;
	v22 =	vadd.s32 s17, v2;
	[tilespmem:s29+$0xFFFFFF80] =	vst v31;
	v31 =	vld.idx.msk [tilespmem:v34+s31+$0x0], $0xffff  }
0x2e3: {  	v23 =	vadd.s32 s16, v8;
	v38 =	vadd.s32 s15, v8;
	v22 =	vand.u32 $0x7FFFFF80, v22;
	v34 =	vld.idx.msk [tilespmem:v39+s31+$0x0], $0xffff;
	[tilespmem:s28+$0xD0] =	vst v35  }
0x2e4: {  	v35 =	vadd.s32 s14, v8;
	v39 =	vor.u32 v3, v22;
	v22 =	vadd.s32 s7, v12;
	s7 =	smov.u32 s17;
	[tilespmem:s29+$0x0] =	vst v27;
	v43 =	vld.idx.msk [tilespmem:v43+s31+$0x0], $0xffff  }
0x2e5: {  	v23 =	vand.u32 $0x7FFFFF80, v23;
	v27 =	vand.u32 $0x7FFFFF80, v38;
	v38 =	vand.u32 $0x7FFFFF80, v22;
	[tilespmem:s29+$0xFFFFFF00] =	vst v30;
	v30 =	vld.idx.msk [tilespmem:v41+s31+$0x0], $0xffff  }
0x2e6: {  	v35 =	vand.u32 $0xFE00, v35;
	v22 =	vor.u32 v9, v23;
	v32 =	vld.idx.msk [tilespmem:v32+s31+$0x0], $0xffff;
	[tilespmem:s28+$0xFFFFFF40] =	vst v36;
	v36 =	vor.u32 v13, v38  }
0x2e7: {  	v23 =	vor.u32 v9, v27;
	v38 =	vadd.s32 s16, v10;
	v41 =	vld.idx.msk [tilespmem:v17+s31+$0x0], $0xffff;
	v17 =	vor.u32 v9, v35;
	[tilespmem:s28+$0xFFFFFFD0] =	vst v44  }
0x2e8: {  	v35 =	vadd.s32 s14, v10;
	v38 =	vand.u32 $0x7FFFFF80, v38;
	v44 =	vadd.s32 s15, v10;
	[tilespmem:s29+$0x90] =	vst v31;
	v27 =	vld.idx.msk [tilespmem:v21+s31+$0x0], $0xffff  }
0x2e9: {  	v31 =	vand.u32 $0xFE00, v35;
	[tilespmem:s29+$0xFFFFFF90] =	vst v34;
	v34 =	vand.u32 $0x7FFFFF80, v44;
	v35 =	vld.idx.msk [tilespmem:v39+s31+$0x0], $0xffff;
	v39 =	vadd.s32 s7, v4  }
0x2ea: {  	v21 =	vor.u32 v11, v38;
	v44 =	vld.idx.msk [tilespmem:v29+s31+$0x0], $0xffff;
	v29 =	vor.u32 v11, v34;
	v34 =	vand.u32 $0x7FFFFF80, v39;
	[tilespmem:s28+$0xE0] =	vst v43  }
0x2eb: {  	v38 =	vor.u32 v11, v31;
	v31 =	vadd.s32 s16, v12;
	[tilespmem:s29+$0x10] =	vst v30;
	v34 =	vor.u32 v5, v34;
	v36 =	vld.idx.msk [tilespmem:v36+s31+$0x0], $0xffff  }
0x2ec: {  	v31 =	vand.u32 $0x7FFFFF80, v31;
	v30 =	vadd.s32 s14, v12;
	[tilespmem:s29+$0xFFFFFF10] =	vst v32;
	v37 =	vld.idx.msk [tilespmem:v37+s31+$0x0], $0xffff;
	v32 =	vadd.s32 s15, v12  }
0x2ed: {  	v39 =	vld.idx.msk [tilespmem:v28+s31+$0x0], $0xffff;
	v28 =	vand.u32 $0xFE00, v30;
	v30 =	vor.u32 v13, v31;
	v31 =	vand.u32 $0x7FFFFF80, v32;
	[tilespmem:s28+$0x50] =	vst v33  }
0x2ee: {  	v28 =	vor.u32 v13, v28;
	v31 =	vor.u32 v13, v31;
	[tilespmem:s28+$0xFFFFFF50] =	vst v41;
	v32 =	vld.idx.msk [tilespmem:v19+s31+$0x0], $0xffff;
	v19 =	vmov v29  }
.Ltmp5:
0x2ef: {  	[tilespmem:s29+$0xA0] =	vst v35;
	v29 =	vld.idx.msk [tilespmem:v18+s31+$0x0], $0xffff;
	v18 =	vmov v38;
	(pc) =	sbr.rel @p0 .LBB2_13-.Ltmp5, $4  }
0x2f0: {  	v35 =	vadd.s32 s7, v6;
	[tilespmem:s29+$0xFFFFFFA0] =	vst v44;
	v33 =	vld.idx.msk [tilespmem:v34+s31+$0x0], $0xffff  }
0x2f1: {  	v35 =	vand.u32 $0x7FFFFF80, v35;
	v34 =	vld.idx.msk [tilespmem:v42+s31+$0x0], $0xffff;
	[tilespmem:s28+$0xF0] =	vst v36  }
0x2f2: {  	v36 =	vor.u32 v7, v35;
	[tilespmem:s29+$0x20] =	vst v37  }
0x2f3: {  	s6 =	sadd.s32 $0x400, s6;
	[tilespmem:s29+$0xFFFFFF20] =	vst v39;
	v35 =	vld.idx.msk [tilespmem:v40+s31+$0x0], $0xffff  }
0x2f4: {  	_ =	sdelay $0x3  }
0x2f5: {  	v26 =	vld.idx.msk [tilespmem:v26+s31+$0x0], $0xffff;
	_ =	sdelay $0x1  }
0x2f6: {  	v55 =	vadd.s32 s7, v8;
	[tilespmem:s29+$0xB0] =	vst v33  }
0x2f7: {  	v33 =	vand.u32 $0x7FFFFF80, v55;
	[tilespmem:s29+$0xFFFFFFB0] =	vst v34;
	v56 =	vld.idx.msk [tilespmem:v36+s31+$0x0], $0xffff  }
0x2f8: {  	v33 =	vor.u32 v9, v33;
	v25 =	vld.idx.msk [tilespmem:v25+s31+$0x0], $0xffff;
	[tilespmem:s29+$0x30] =	vst v35  }
0x2f9: {  	[tilespmem:s29+$0xFFFFFF30] =	vst v26;
	v24 =	vld.idx.msk [tilespmem:v24+s31+$0x0], $0xffff  }
0x2fa: {  	v20 =	vld.idx.msk [tilespmem:v20+s31+$0x0], $0xffff;
	_ =	sdelay $0x1  }
0x2fb: {  	v57 =	vadd.s32 s7, v10;
	[tilespmem:s29+$0xC0] =	vst v56  }
0x2fc: {  	v26 =	vand.u32 $0x7FFFFF80, v57;
	[tilespmem:s29+$0xFFFFFFC0] =	vst v25;
	v58 =	vld.idx.msk [tilespmem:v33+s31+$0x0], $0xffff  }
0x2fd: {  	v59 =	vor.u32 v11, v26;
	v22 =	vld.idx.msk [tilespmem:v22+s31+$0x0], $0xffff;
	[tilespmem:s29+$0x40] =	vst v24  }
0x2fe: {  	v23 =	vld.idx.msk [tilespmem:v23+s31+$0x0], $0xffff;
	[tilespmem:s29+$0xFFFFFF40] =	vst v20  }
0x2ff: {  	[tilespmem:s28+$0xFFFFFFE0] =	vst v27;
	v17 =	vld.idx.msk [tilespmem:v17+s31+$0x0], $0xffff  }
0x300: {  	[tilespmem:s28+$0x60] =	vst v32  }
0x301: {  	v60 =	vadd.s32 s7, v12;
	v16 =	vld.idx.msk [tilespmem:v16+s31+$0x0], $0xffff;
	[tilespmem:s29+$0xD0] =	vst v58  }
0x302: {  	v20 =	vand.u32 $0x7FFFFF80, v60;
	v24 =	vld.idx.msk [tilespmem:v59+s31+$0x0], $0xffff;
	[tilespmem:s29+$0xFFFFFFD0] =	vst v22  }
0x303: {  	v20 =	vor.u32 v13, v20;
	v21 =	vld.idx.msk [tilespmem:v21+s31+$0x0], $0xffff;
	[tilespmem:s29+$0x50] =	vst v23  }
0x304: {  	[tilespmem:s29+$0xFFFFFF50] =	vst v17;
	v61 =	vld.idx.msk [tilespmem:v19+s31+$0x0], $0xffff  }
0x305: {  	[tilespmem:s28+$0xFFFFFF60] =	vst v29;
	v18 =	vld.idx.msk [tilespmem:v18+s31+$0x0], $0xffff  }
0x306: {  	v15 =	vld.idx.msk [tilespmem:v15+s31+$0x0], $0xffff;
	[tilespmem:s28+$0xFFFFFFF0] =	vst v16  }
0x307: {  	v14 =	vld.idx.msk [tilespmem:v14+s31+$0x0], $0xffff;
	[tilespmem:s29+$0xE0] =	vst v24  }
0x308: {  	v62 =	vld.idx.msk [tilespmem:v20+s31+$0x0], $0xffff;
	[tilespmem:s29+$0xFFFFFFE0] =	vst v21  }
0x309: {  	v63 =	vld.idx.msk [tilespmem:v30+s31+$0x0], $0xffff;
	[tilespmem:s29+$0x60] =	vst v61  }
0x30a: {  	v17 =	vld.idx.msk [tilespmem:v31+s31+$0x0], $0xffff;
	[tilespmem:s29+$0xFFFFFF60] =	vst v18  }
0x30b: {  	s25 =	sadd.s32 $0x1, s25;
	[tilespmem:s28+$0x70] =	vst v15;
	v15 =	vld.idx.msk [tilespmem:v28+s31+$0x0], $0xffff  }
0x30c: {  	s5 =	smul.u32 $0x1400, s26;
	p0 =	sne.s32 s25, $0x17;
	[tilespmem:s28+$0xFFFFFF70] =	vst v14  }
.Ltmp6:
0x30d: {  	[tilespmem:s29+$0xF0] =	vst v62;
	(pc) =	sbr.rel @p0 .LBB2_6-.Ltmp6, $4  }
0x30e: {  	s5 =	sadd.s32 s19, s5;
	[tilespmem:s29+$0xFFFFFFF0] =	vst v63  }
0x30f: {  	s5 =	sshrl.u32 s5, $0x3;
	[tilespmem:s29+$0x70] =	vst v17  }
0x310: {  	s5 =	sadd.s32 s3, s5;
	[tilespmem:s29+$0xFFFFFF70] =	vst v15  }
0x311: {  	[hbm4b:s5+s4] =	stream.linear.scatter [tilespmem:s12], [sflag:$0x6], $0x1400, $0x38;
	[tilespmem:$0x11800] =	vst v63  }
0x312: {  	s6 =	simm.s32 $0x0  }
0x313: {  	_ =	swait.ge [sflag:s13], $0x3C00;
	s5 =	sand.u32 $0xFFFFF800, s6  }
0x314: {  	[sflag:s13] =	ssyncset.done $0x0;
	s7 =	sadd.s32 $0x0, s5  }
0x315: {  	[sflag:s13] =	ssyncadd.s32 $0xFFFFC400;
	s14 =	sadd.s32 $0x80, s7;
	v17 =	vor.u32 s7, v0  }
0x316: {  	s5 =	sadd.s32 $0x180, s7;
	_ =	swait.ge [sflag:s20], $0x1400;
	v15 =	vor.u32 s14, v0  }
0x317: {  	v14 =	vor.u32 s5, v0;
	[sflag:s20] =	ssyncset.done $0x0  }
0x318: {  	s10 =	sadd.s32 $0x100, s7;
	s15 =	rddreg [dreg:$0x10];
	[sflag:s20] =	ssyncadd.s32 $0xFFFFEC00  }
0x319: {  	v16 =	vor.u32 s10, v0;
	[tilespmem:s31], [sflag:$0x2] =	stream.linear.gather [hbm4b:s15+s6], $0x3C00, $0x38;
	[tilespmem:$0x11800] =	vst v63  }
0x31a: {  	v17 =	vld.idx.msk [tilespmem:v17+s2+$0x0], $0xffff  }
0x31b: {  	v22 =	vor.u32 s7, v1;
	v15 =	vld.idx.msk [tilespmem:v15+s2+$0x0], $0xffff  }
0x31c: {  	v19 =	vor.u32 s14, v1;
	v14 =	vld.idx.msk [tilespmem:v14+s2+$0x0], $0xffff  }
0x31d: {  	v20 =	vadd.s32 s7, v2;
	v18 =	vor.u32 s5, v1  }
0x31e: {  	s24 =	simm.s32 $0xF100;
	v25 =	vadd.s32 s7, v4;
	v28 =	vadd.s32 s7, v8;
	v21 =	vor.u32 s10, v1;
	v16 =	vld.idx.msk [tilespmem:v16+s2+$0x0], $0xffff  }
0x31f: {  	v23 =	vadd.s32 s14, v2;
	v20 =	vand.u32 $0xFE00, v20;
	v24 =	vadd.s32 s10, v2;
	[tilespmem:s24+$0xFFFFFF00] =	vst v17  }
0x320: {  	v25 =	vand.u32 $0xFE00, v25;
	v26 =	vadd.s32 s14, v6;
	v27 =	vadd.s32 s10, v6;
	[tilespmem:s24+$0xFFFFFF80] =	vst v15;
	v22 =	vld.idx.msk [tilespmem:v22+s2+$0x0], $0xffff  }
0x321: {  	s28 =	simm.s32 $0x400;
	v23 =	vand.u32 $0x7FFFFF80, v23;
	v20 =	vor.u32 v3, v20;
	[tilespmem:s24+$0x80] =	vst v14;
	v14 =	vadd.s32 s5, v2;
	v19 =	vld.idx.msk [tilespmem:v19+s2+$0x0], $0xffff  }
0x322: {  	v28 =	vand.u32 $0xFE00, v28;
	v23 =	vor.u32 v3, v23;
	s6 =	sand.u32 $0xFFFFF800, s28;
	v15 =	vld.idx.msk [tilespmem:v18+s2+$0x0], $0xffff;
	v14 =	vand.u32 $0x7FFFFF80, v14  }
0x323: {  	v32 =	vadd.s32 s10, v12;
	v30 =	vor.u32 v9, v28;
	s6 =	sadd.s32 $0x200, s6;
	[tilespmem:s24+$0x0] =	vst v16;
	v14 =	vor.u32 v3, v14  }
0x324: {  	v28 =	vadd.s32 s10, v10;
	s29 =	sadd.s32 $0x80, s6;
	v34 =	vadd.s32 s6, v2;
	v18 =	vand.u32 $0x7FFFFF80, v24;
	v21 =	vld.idx.msk [tilespmem:v21+s2+$0x0], $0xffff  }
0x325: {  	s30 =	sadd.s32 $0x100, s6;
	v39 =	vadd.s32 s6, v4;
	v33 =	vor.u32 s29, v0;
	v16 =	vor.u32 v3, v18;
	[tilespmem:s24+$0xFFFFFF10] =	vst v22  }
0x326: {  	v26 =	vand.u32 $0x7FFFFF80, v26;
	v52 =	vor.u32 s30, v0;
	v24 =	vadd.s32 s14, v4;
	[tilespmem:s24+$0xFFFFFF90] =	vst v19;
	v20 =	vld.idx.msk [tilespmem:v20+s2+$0x0], $0xffff  }
0x327: {  	v17 =	vor.u32 v5, v25;
	v24 =	vand.u32 $0x7FFFFF80, v24;
	[tilespmem:s24+$0x90] =	vst v15;
	v15 =	vadd.s32 s5, v4;
	v23 =	vld.idx.msk [tilespmem:v23+s2+$0x0], $0xffff  }
0x328: {  	v35 =	vor.u32 s29, v1;
	v24 =	vor.u32 v5, v24;
	v14 =	vld.idx.msk [tilespmem:v14+s2+$0x0], $0xffff;
	v15 =	vand.u32 $0x7FFFFF80, v15  }
0x329: {  	v36 =	vadd.s32 s29, v2;
	v18 =	vadd.s32 s10, v4;
	[tilespmem:s24+$0x10] =	vst v21;
	v15 =	vor.u32 v5, v15  }
0x32a: {  	v37 =	vor.u32 s30, v1;
	v25 =	vadd.s32 s7, v6;
	v18 =	vand.u32 $0x7FFFFF80, v18;
	v16 =	vld.idx.msk [tilespmem:v16+s2+$0x0], $0xffff  }
0x32b: {  	v34 =	vand.u32 $0xFE00, v34;
	v18 =	vor.u32 v5, v18;
	v19 =	vand.u32 $0xFE00, v25;
	[tilespmem:s24+$0xFFFFFF20] =	vst v20  }
0x32c: {  	v25 =	vand.u32 $0x7FFFFF80, v27;
	v21 =	vor.u32 v7, v26;
	v26 =	vadd.s32 s14, v8;
	[tilespmem:s24+$0xFFFFFFA0] =	vst v23;
	v17 =	vld.idx.msk [tilespmem:v17+s2+$0x0], $0xffff  }
0x32d: {  	v19 =	vor.u32 v7, v19;
	v26 =	vand.u32 $0x7FFFFF80, v26;
	[tilespmem:s24+$0xA0] =	vst v14;
	v14 =	vadd.s32 s5, v6;
	v24 =	vld.idx.msk [tilespmem:v24+s2+$0x0], $0xffff  }
0x32e: {  	v25 =	vor.u32 v7, v25;
	v22 =	vor.u32 v9, v26;
	v15 =	vld.idx.msk [tilespmem:v15+s2+$0x0], $0xffff;
	v14 =	vand.u32 $0x7FFFFF80, v14  }
0x32f: {  	v26 =	vadd.s32 s14, v10;
	v23 =	vadd.s32 s7, v10;
	[tilespmem:s24+$0x20] =	vst v16;
	v14 =	vor.u32 v7, v14  }
0x330: {  	v20 =	vor.u32 s6, v0;
	v16 =	vand.u32 $0x7FFFFF80, v26;
	v23 =	vand.u32 $0xFE00, v23;
	v18 =	vld.idx.msk [tilespmem:v18+s2+$0x0], $0xffff  }
0x331: {  	v33 =	vld.idx.msk [tilespmem:v33+s2+$0x0], $0xffff;
	v26 =	vand.u32 $0x7FFFFF80, v28;
	v28 =	vor.u32 v11, v23;
	v23 =	vadd.s32 s7, v12;
	s7 =	sadd.s32 $0x180, s6;
	[tilespmem:s24+$0xFFFFFF30] =	vst v17  }
0x332: {  	v53 =	vadd.s32 s29, v4;
	v29 =	vor.u32 v11, v26;
	v26 =	vor.u32 s7, v0;
	[tilespmem:s24+$0xFFFFFFB0] =	vst v24;
	v19 =	vld.idx.msk [tilespmem:v19+s2+$0x0], $0xffff  }
0x333: {  	v38 =	vadd.s32 s30, v2;
	v61 =	vadd.s32 s30, v12;
	[tilespmem:s24+$0xB0] =	vst v15;
	v15 =	vadd.s32 s5, v8;
	v21 =	vld.idx.msk [tilespmem:v21+s2+$0x0], $0xffff  }
0x334: {  	v36 =	vand.u32 $0x7FFFFF80, v36;
	v34 =	vor.u32 v3, v34;
	v24 =	vld.idx.msk [tilespmem:v14+s2+$0x0], $0xffff;
	v14 =	vand.u32 $0x7FFFFF80, v15  }
0x335: {  	v38 =	vand.u32 $0x7FFFFF80, v38;
	v27 =	vadd.s32 s10, v8;
	s10 =	simm.s32 $0xF300;
	v20 =	vld.idx.msk [tilespmem:v20+s2+$0x0], $0xffff;
	[tilespmem:s24+$0x30] =	vst v18;
	v18 =	vor.u32 v9, v14  }
0x336: {  	v36 =	vor.u32 v3, v36;
	v38 =	vor.u32 v3, v38;
	v27 =	vand.u32 $0x7FFFFF80, v27;
	[tilespmem:s10+$0xFFFFFF80] =	vst v33;
	v25 =	vld.idx.msk [tilespmem:v25+s2+$0x0], $0xffff  }
0x337: {  	v27 =	vor.u32 v9, v27;
	v31 =	vor.u32 v11, v16;
	v16 =	vadd.s32 s14, v12;
	v26 =	vld.idx.msk [tilespmem:v26+s2+$0x0], $0xffff;
	[tilespmem:s24+$0xFFFFFF40] =	vst v19  }
0x338: {  	v16 =	vand.u32 $0x7FFFFF80, v16;
	v17 =	vor.u32 s7, v1;
	v15 =	vand.u32 $0xFE00, v23;
	[tilespmem:s24+$0xFFFFFFC0] =	vst v21;
	v21 =	vld.idx.msk [tilespmem:v52+s2+$0x0], $0xffff  }
0x339: {  	v16 =	vor.u32 v13, v16;
	v23 =	vand.u32 $0x7FFFFF80, v32;
	v14 =	vor.u32 v13, v15;
	[tilespmem:s24+$0xC0] =	vst v24;
	v30 =	vld.idx.msk [tilespmem:v30+s2+$0x0], $0xffff  }
0x33a: {  	v15 =	vor.u32 v13, v23;
	v23 =	vor.u32 s6, v1;
	[tilespmem:s10+$0xFFFFFF00] =	vst v20;
	v24 =	vadd.s32 s5, v10;
	v18 =	vld.idx.msk [tilespmem:v18+s2+$0x0], $0xffff  }
0x33b: {  	v32 =	vand.u32 $0x7FFFFF80, v53;
	[tilespmem:s24+$0x40] =	vst v25;
	v25 =	vadd.s32 s30, v4;
	v24 =	vand.u32 $0x7FFFFF80, v24;
	v22 =	vld.idx.msk [tilespmem:v22+s2+$0x0], $0xffff  }
0x33c: {  	v33 =	vld.idx.msk [tilespmem:v35+s2+$0x0], $0xffff;
	v54 =	vor.u32 v5, v32;
	[tilespmem:s10+$0x80] =	vst v26;
	v25 =	vand.u32 $0x7FFFFF80, v25;
	v24 =	vor.u32 v11, v24  }
0x33d: {  	v20 =	vadd.s32 s30, v6;
	v40 =	vor.u32 v5, v25;
	v17 =	vld.idx.msk [tilespmem:v17+s2+$0x0], $0xffff;
	v25 =	vadd.s32 s7, v2;
	[tilespmem:s10+$0x0] =	vst v21  }
0x33e: {  	v26 =	vand.u32 $0xFE00, v39;
	v55 =	vld.idx.msk [tilespmem:v27+s2+$0x0], $0xffff;
	v27 =	vadd.s32 s6, v6;
	v25 =	vand.u32 $0x7FFFFF80, v25;
	[tilespmem:s24+$0xFFFFFF50] =	vst v30  }
0x33f: {  	v19 =	vld.idx.msk [tilespmem:v23+s2+$0x0], $0xffff;
	v26 =	vor.u32 v5, v26;
	v27 =	vand.u32 $0xFE00, v27;
	v21 =	vor.u32 v3, v25;
	[tilespmem:s24+$0xD0] =	vst v18  }
0x340: {  	v30 =	vadd.s32 s29, v12;
	v18 =	vadd.s32 s29, v6;
	v37 =	vld.idx.msk [tilespmem:v37+s2+$0x0], $0xffff;
	[tilespmem:s24+$0xFFFFFFD0] =	vst v22;
	v22 =	vadd.s32 s6, v8  }
0x341: {  	[tilespmem:s10+$0xFFFFFF90] =	vst v33;
	v30 =	vand.u32 $0x7FFFFF80, v30;
	v18 =	vand.u32 $0x7FFFFF80, v18;
	v56 =	vld.idx.msk [tilespmem:v24+s2+$0x0], $0xffff;
	v24 =	vadd.s32 s5, v12  }
0x342: {  	[tilespmem:s10+$0x90] =	vst v17;
	v17 =	vadd.s32 s30, v8;
	v30 =	vor.u32 v13, v30;
	v24 =	vand.u32 $0x7FFFFF80, v24  }
0x343: {  	v33 =	vld.idx.msk [tilespmem:v36+s2+$0x0], $0xffff;
	v25 =	vor.u32 v7, v18;
	v18 =	vand.u32 $0x7FFFFF80, v20;
	v41 =	vor.u32 v13, v24  }
0x344: {  	v20 =	vor.u32 v7, v27;
	v27 =	vld.idx.msk [tilespmem:v31+s2+$0x0], $0xffff;
	v24 =	vor.u32 v7, v18;
	v18 =	vadd.s32 s29, v8  }
0x345: {  	[tilespmem:s10+$0xFFFFFF10] =	vst v19;
	v23 =	vand.u32 $0x7FFFFF80, v17;
	v18 =	vand.u32 $0x7FFFFF80, v18;
	v31 =	vld.idx.msk [tilespmem:v21+s2+$0x0], $0xffff;
	v21 =	vadd.s32 s7, v4  }
0x346: {  	v60 =	vld.idx.msk [tilespmem:v34+s2+$0x0], $0xffff;
	v17 =	vand.u32 $0xFE00, v22;
	v22 =	vor.u32 v9, v18;
	v18 =	vand.u32 $0x7FFFFF80, v21;
	[tilespmem:s10+$0x10] =	vst v37  }
0x347: {  	v62 =	vand.u32 $0x7FFFFF80, v61;
	v17 =	vor.u32 v9, v17;
	[tilespmem:s24+$0xE0] =	vst v56;
	v57 =	vor.u32 v5, v18;
	v37 =	vld.idx.msk [tilespmem:v38+s2+$0x0], $0xffff  }
0x348: {  	[tilespmem:s24+$0x50] =	vst v55;
	v23 =	vor.u32 v9, v23;
	v21 =	vadd.s32 s29, v10;
	v18 =	vadd.s32 s6, v10;
	v58 =	vld.idx.msk [tilespmem:v41+s2+$0x0], $0xffff  }
0x349: {  	[tilespmem:s10+$0xFFFFFFA0] =	vst v33;
	v32 =	vld.idx.msk [tilespmem:v29+s2+$0x0], $0xffff;
	v19 =	vand.u32 $0x7FFFFF80, v21;
	v21 =	vadd.s32 s30, v10;
	v18 =	vand.u32 $0xFE00, v18  }
0x34a: {  	v29 =	vld.idx.msk [tilespmem:v28+s2+$0x0], $0xffff;
	v59 =	vand.u32 $0x7FFFFF80, v21;
	v21 =	vor.u32 v11, v19;
	[tilespmem:s10+$0xA0] =	vst v31;
	v31 =	vadd.s32 s6, v12  }
0x34b: {  	v34 =	vld.idx.msk [tilespmem:v54+s2+$0x0], $0xffff;
	[tilespmem:s10+$0xFFFFFF20] =	vst v60;
	v19 =	vor.u32 v11, v59;
	v28 =	vand.u32 $0xFE00, v31;
	v31 =	vadd.s32 s7, v6  }
0x34c: {  	v18 =	vor.u32 v11, v18;
	v33 =	vld.idx.msk [tilespmem:v57+s2+$0x0], $0xffff;
	v28 =	vor.u32 v13, v28;
	v63 =	vand.u32 $0x7FFFFF80, v31;
	[tilespmem:s10+$0x20] =	vst v37  }
0x34d: {  	s23 =	simm.s32 $0x4;
	s5 =	simm.s32 $0x200;
	s6 =	simm.s32 $0x800;
	v31 =	vor.u32 v13, v62;
	v36 =	vor.u32 v7, v63;
	v35 =	vld.idx.msk [tilespmem:v40+s2+$0x0], $0xffff;
	[tilespmem:s24+$0xF0] =	vst v58  }
.LBB2_16:
0x34e: {  	s14 =	sand.u32 $0xFFFFF800, s6;
	s5 =	sadd.s32 $0x200, s5  }
0x34f: {  	s23 =	sadd.s32 $0x4, s23;
	v26 =	vld.idx.msk [tilespmem:v26+s2+$0x0], $0xffff;
	[tilespmem:s24+$0xFFFFFFE0] =	vst v27;
	s14 =	sadd.s32 s14, s5  }
0x350: {  	p0 =	slt.u32 s23, $0x24;
	v27 =	vld.idx.msk [tilespmem:v16+s2+$0x0], $0xffff;
	[tilespmem:s24+$0x60] =	vst v32;
	v16 =	vmov v30;
	v30 =	vor.u32 s14, v0;
	s16 =	sadd.s32 $0x80, s14  }
0x351: {  	v32 =	vor.u32 s14, v1;
	v37 =	vadd.s32 s14, v2;
	s15 =	sadd.s32 $0x100, s14;
	s17 =	sadd.s32 $0x180, s14;
	[tilespmem:s10+$0xB0] =	vst v33;
	v33 =	vld.idx.msk [tilespmem:v15+s2+$0x0], $0xffff;
	v15 =	vmovc v31;
	v31 =	vor.u32 s16, v0  }
0x352: {  	v38 =	vor.u32 s17, v0;
	[tilespmem:s10+$0xFFFFFFB0] =	vst v34;
	v34 =	vld.idx.msk [tilespmem:v36+s2+$0x0], $0xffff;
	v36 =	vadd.s32 s7, v8  }
0x353: {  	v39 =	vor.u32 s16, v1;
	v40 =	vor.u32 s15, v0;
	v25 =	vld.idx.msk [tilespmem:v25+s2+$0x0], $0xffff;
	v36 =	vand.u32 $0x7FFFFF80, v36;
	[tilespmem:s24+$0xFFFFFF60] =	vst v29  }
0x354: {  	v41 =	vor.u32 s15, v1;
	v29 =	vadd.s32 s16, v2;
	[tilespmem:s10+$0x30] =	vst v35;
	v35 =	vor.u32 v9, v36;
	v36 =	vld.idx.msk [tilespmem:v14+s2+$0x0], $0xffff;
	v14 =	vmovc v28  }
0x355: {  	v28 =	vand.u32 $0xFE00, v37;
	v29 =	vand.u32 $0x7FFFFF80, v29;
	v37 =	vadd.s32 s15, v2;
	[tilespmem:s10+$0xFFFFFF30] =	vst v26;
	v24 =	vld.idx.msk [tilespmem:v24+s2+$0x0], $0xffff  }
0x356: {  	v28 =	vor.u32 v3, v28;
	v29 =	vor.u32 v3, v29;
	v26 =	vand.u32 $0x7FFFFF80, v37;
	v30 =	vld.idx.msk [tilespmem:v30+s2+$0x0], $0xffff;
	[tilespmem:s24+$0xFFFFFFF0] =	vst v27  }
0x357: {  	v27 =	vadd.s32 s16, v4;
	v37 =	vor.u32 v3, v26;
	v26 =	vadd.s32 s15, v4;
	v38 =	vld.idx.msk [tilespmem:v38+s2+$0x0], $0xffff;
	[tilespmem:s24+$0x70] =	vst v33  }
0x358: {  	v33 =	vadd.s32 s14, v4;
	v27 =	vand.u32 $0x7FFFFF80, v27;
	v26 =	vand.u32 $0x7FFFFF80, v26;
	v31 =	vld.idx.msk [tilespmem:v31+s2+$0x0], $0xffff;
	[tilespmem:s10+$0xC0] =	vst v34  }
0x359: {  	v33 =	vand.u32 $0xFE00, v33;
	v34 =	vor.u32 s17, v1;
	[tilespmem:s10+$0xFFFFFFC0] =	vst v25;
	v35 =	vld.idx.msk [tilespmem:v35+s2+$0x0], $0xffff;
	v25 =	vadd.s32 s7, v10  }
0x35a: {  	v42 =	vor.u32 v5, v27;
	v27 =	vld.idx.msk [tilespmem:v40+s2+$0x0], $0xffff;
	v40 =	vor.u32 v5, v26;
	v25 =	vand.u32 $0x7FFFFF80, v25;
	[tilespmem:s24+$0xFFFFFF70] =	vst v36;
	s24 =	smov.u32 s10  }
0x35b: {  	v26 =	vor.u32 v5, v33;
	v33 =	vadd.s32 s16, v6;
	v36 =	vld.idx.msk [tilespmem:v20+s2+$0x0], $0xffff;
	[tilespmem:s10+$0x40] =	vst v24;
	v43 =	vor.u32 v11, v25  }
0x35c: {  	v20 =	vadd.s32 s14, v6;
	v24 =	vand.u32 $0x7FFFFF80, v33;
	v33 =	vadd.s32 s15, v6;
	s10 =	sadd.s32 $0x200, s10;
	v44 =	vld.idx.msk [tilespmem:v22+s2+$0x0], $0xffff  }
0x35d: {  	v20 =	vand.u32 $0xFE00, v20;
	v25 =	vor.u32 v7, v24;
	v22 =	vand.u32 $0x7FFFFF80, v33;
	[tilespmem:s10+$0x80] =	vst v38;
	v33 =	vld.idx.msk [tilespmem:v23+s2+$0x0], $0xffff  }
0x35e: {  	v20 =	vor.u32 v7, v20;
	v24 =	vor.u32 v7, v22;
	v22 =	vadd.s32 s17, v2;
	[tilespmem:s10+$0xFFFFFF80] =	vst v31;
	v31 =	vld.idx.msk [tilespmem:v34+s2+$0x0], $0xffff  }
0x35f: {  	v23 =	vadd.s32 s16, v8;
	v38 =	vadd.s32 s15, v8;
	v22 =	vand.u32 $0x7FFFFF80, v22;
	v34 =	vld.idx.msk [tilespmem:v39+s2+$0x0], $0xffff;
	[tilespmem:s24+$0xD0] =	vst v35  }
0x360: {  	v35 =	vadd.s32 s14, v8;
	v39 =	vor.u32 v3, v22;
	v22 =	vadd.s32 s7, v12;
	s7 =	smov.u32 s17;
	[tilespmem:s10+$0x0] =	vst v27;
	v43 =	vld.idx.msk [tilespmem:v43+s2+$0x0], $0xffff  }
0x361: {  	v23 =	vand.u32 $0x7FFFFF80, v23;
	v27 =	vand.u32 $0x7FFFFF80, v38;
	v38 =	vand.u32 $0x7FFFFF80, v22;
	[tilespmem:s10+$0xFFFFFF00] =	vst v30;
	v30 =	vld.idx.msk [tilespmem:v41+s2+$0x0], $0xffff  }
0x362: {  	v35 =	vand.u32 $0xFE00, v35;
	v22 =	vor.u32 v9, v23;
	v32 =	vld.idx.msk [tilespmem:v32+s2+$0x0], $0xffff;
	[tilespmem:s24+$0xFFFFFF40] =	vst v36;
	v36 =	vor.u32 v13, v38  }
0x363: {  	v23 =	vor.u32 v9, v27;
	v38 =	vadd.s32 s16, v10;
	v41 =	vld.idx.msk [tilespmem:v17+s2+$0x0], $0xffff;
	v17 =	vor.u32 v9, v35;
	[tilespmem:s24+$0xFFFFFFD0] =	vst v44  }
0x364: {  	v35 =	vadd.s32 s14, v10;
	v38 =	vand.u32 $0x7FFFFF80, v38;
	v44 =	vadd.s32 s15, v10;
	[tilespmem:s10+$0x90] =	vst v31;
	v27 =	vld.idx.msk [tilespmem:v21+s2+$0x0], $0xffff  }
0x365: {  	v31 =	vand.u32 $0xFE00, v35;
	[tilespmem:s10+$0xFFFFFF90] =	vst v34;
	v34 =	vand.u32 $0x7FFFFF80, v44;
	v35 =	vld.idx.msk [tilespmem:v39+s2+$0x0], $0xffff;
	v39 =	vadd.s32 s7, v4  }
0x366: {  	v21 =	vor.u32 v11, v38;
	v44 =	vld.idx.msk [tilespmem:v29+s2+$0x0], $0xffff;
	v29 =	vor.u32 v11, v34;
	v34 =	vand.u32 $0x7FFFFF80, v39;
	[tilespmem:s24+$0xE0] =	vst v43  }
0x367: {  	v38 =	vor.u32 v11, v31;
	v31 =	vadd.s32 s16, v12;
	[tilespmem:s10+$0x10] =	vst v30;
	v34 =	vor.u32 v5, v34;
	v36 =	vld.idx.msk [tilespmem:v36+s2+$0x0], $0xffff  }
0x368: {  	v31 =	vand.u32 $0x7FFFFF80, v31;
	v30 =	vadd.s32 s14, v12;
	[tilespmem:s10+$0xFFFFFF10] =	vst v32;
	v37 =	vld.idx.msk [tilespmem:v37+s2+$0x0], $0xffff;
	v32 =	vadd.s32 s15, v12  }
0x369: {  	v39 =	vld.idx.msk [tilespmem:v28+s2+$0x0], $0xffff;
	v28 =	vand.u32 $0xFE00, v30;
	v30 =	vor.u32 v13, v31;
	v31 =	vand.u32 $0x7FFFFF80, v32;
	[tilespmem:s24+$0x50] =	vst v33  }
0x36a: {  	v28 =	vor.u32 v13, v28;
	v31 =	vor.u32 v13, v31;
	[tilespmem:s24+$0xFFFFFF50] =	vst v41;
	v32 =	vld.idx.msk [tilespmem:v19+s2+$0x0], $0xffff;
	v19 =	vmov v29  }
.Ltmp7:
0x36b: {  	[tilespmem:s10+$0xA0] =	vst v35;
	v29 =	vld.idx.msk [tilespmem:v18+s2+$0x0], $0xffff;
	v18 =	vmov v38;
	(pc) =	sbr.rel @p0 .LBB2_16-.Ltmp7, $4  }
0x36c: {  	v35 =	vadd.s32 s7, v6;
	[tilespmem:s10+$0xFFFFFFA0] =	vst v44;
	v33 =	vld.idx.msk [tilespmem:v34+s2+$0x0], $0xffff  }
0x36d: {  	v35 =	vand.u32 $0x7FFFFF80, v35;
	v34 =	vld.idx.msk [tilespmem:v42+s2+$0x0], $0xffff;
	[tilespmem:s24+$0xF0] =	vst v36  }
0x36e: {  	v36 =	vor.u32 v7, v35;
	[tilespmem:s10+$0x20] =	vst v37  }
0x36f: {  	s6 =	sadd.s32 $0x400, s6;
	[tilespmem:s10+$0xFFFFFF20] =	vst v39;
	v35 =	vld.idx.msk [tilespmem:v40+s2+$0x0], $0xffff  }
0x370: {  	_ =	sdelay $0x3  }
0x371: {  	v26 =	vld.idx.msk [tilespmem:v26+s2+$0x0], $0xffff;
	_ =	sdelay $0x1  }
0x372: {  	v45 =	vadd.s32 s7, v8;
	[tilespmem:s10+$0xB0] =	vst v33  }
0x373: {  	v33 =	vand.u32 $0x7FFFFF80, v45;
	[tilespmem:s10+$0xFFFFFFB0] =	vst v34;
	v46 =	vld.idx.msk [tilespmem:v36+s2+$0x0], $0xffff  }
0x374: {  	v33 =	vor.u32 v9, v33;
	v25 =	vld.idx.msk [tilespmem:v25+s2+$0x0], $0xffff;
	[tilespmem:s10+$0x30] =	vst v35  }
0x375: {  	[tilespmem:s10+$0xFFFFFF30] =	vst v26;
	v24 =	vld.idx.msk [tilespmem:v24+s2+$0x0], $0xffff  }
0x376: {  	v20 =	vld.idx.msk [tilespmem:v20+s2+$0x0], $0xffff;
	_ =	sdelay $0x1  }
0x377: {  	v26 =	vadd.s32 s7, v10;
	[tilespmem:s10+$0xC0] =	vst v46  }
0x378: {  	v26 =	vand.u32 $0x7FFFFF80, v26;
	[tilespmem:s10+$0xFFFFFFC0] =	vst v25;
	v25 =	vld.idx.msk [tilespmem:v33+s2+$0x0], $0xffff  }
0x379: {  	v22 =	vld.idx.msk [tilespmem:v22+s2+$0x0], $0xffff;
	[tilespmem:s10+$0x40] =	vst v24;
	v24 =	vor.u32 v11, v26  }
0x37a: {  	v23 =	vld.idx.msk [tilespmem:v23+s2+$0x0], $0xffff;
	[tilespmem:s10+$0xFFFFFF40] =	vst v20  }
0x37b: {  	[tilespmem:s24+$0xFFFFFFE0] =	vst v27;
	v17 =	vld.idx.msk [tilespmem:v17+s2+$0x0], $0xffff  }
0x37c: {  	[tilespmem:s24+$0x60] =	vst v32  }
0x37d: {  	v16 =	vld.idx.msk [tilespmem:v16+s2+$0x0], $0xffff;
	v20 =	vadd.s32 s7, v12;
	[tilespmem:s10+$0xD0] =	vst v25  }
0x37e: {  	v20 =	vand.u32 $0x7FFFFF80, v20;
	[tilespmem:s10+$0xFFFFFFD0] =	vst v22;
	v24 =	vld.idx.msk [tilespmem:v24+s2+$0x0], $0xffff  }
0x37f: {  	v20 =	vor.u32 v13, v20;
	v21 =	vld.idx.msk [tilespmem:v21+s2+$0x0], $0xffff;
	[tilespmem:s10+$0x50] =	vst v23  }
0x380: {  	[tilespmem:s10+$0xFFFFFF50] =	vst v17;
	v17 =	vld.idx.msk [tilespmem:v19+s2+$0x0], $0xffff  }
0x381: {  	[tilespmem:s24+$0xFFFFFF60] =	vst v29;
	v18 =	vld.idx.msk [tilespmem:v18+s2+$0x0], $0xffff  }
0x382: {  	v15 =	vld.idx.msk [tilespmem:v15+s2+$0x0], $0xffff;
	[tilespmem:s24+$0xFFFFFFF0] =	vst v16  }
0x383: {  	v14 =	vld.idx.msk [tilespmem:v14+s2+$0x0], $0xffff;
	[tilespmem:s10+$0xE0] =	vst v24  }
0x384: {  	[tilespmem:s10+$0xFFFFFFE0] =	vst v21;
	v16 =	vld.idx.msk [tilespmem:v20+s2+$0x0], $0xffff  }
0x385: {  	v19 =	vld.idx.msk [tilespmem:v30+s2+$0x0], $0xffff;
	[tilespmem:s10+$0x60] =	vst v17  }
0x386: {  	v17 =	vld.idx.msk [tilespmem:v31+s2+$0x0], $0xffff;
	[tilespmem:s10+$0xFFFFFF60] =	vst v18  }
0x387: {  	[tilespmem:s24+$0x70] =	vst v15;
	v15 =	vld.idx.msk [tilespmem:v28+s2+$0x0], $0xffff  }
0x388: {  	[tilespmem:s24+$0xFFFFFF70] =	vst v14  }
0x389: {  	[tilespmem:s10+$0xF0] =	vst v16  }
0x38a: {  	[tilespmem:s10+$0xFFFFFFF0] =	vst v19  }
0x38b: {  	[tilespmem:s10+$0x70] =	vst v17  }
0x38c: {  	s6 =	simm.s32 $0x0;
	[tilespmem:s10+$0xFFFFFF70] =	vst v15  }
0x38d: {  	s24 =	sand.u32 $0xFFFFF800, s6;
	s5 =	rddreg [dreg:$0x11]  }
0x38e: {  	[hbm4b:s5+s6] =	stream.linear.scatter [tilespmem:s9], [sflag:$0x5], $0x1400, $0x38;
	[tilespmem:$0x11800] =	vst v63  }
0x38f: {  	s25 =	sadd.s32 $0x0, s24;
	_ =	swait.ge [sflag:s21], $0x3C00  }
0x390: {  	s5 =	sadd.s32 $0x180, s25;
	[sflag:s21] =	ssyncset.done $0x0  }
0x391: {  	s14 =	sadd.s32 $0x80, s25;
	v14 =	vor.u32 s5, v0;
	[sflag:s21] =	ssyncadd.s32 $0xFFFFC400  }
0x392: {  	s26 =	sadd.s32 $0x100, s25;
	v15 =	vor.u32 s14, v0;
	_ =	swait.ge [sflag:s22], $0x1400  }
0x393: {  	v16 =	vor.u32 s26, v0;
	[sflag:s22] =	ssyncset.done $0x0  }
0x394: {  	s15 =	rddreg [dreg:$0x12];
	[sflag:s22] =	ssyncadd.s32 $0xFFFFEC00  }
0x395: {  	v17 =	vor.u32 s25, v0;
	[tilespmem:s2], [sflag:$0x3] =	stream.linear.gather [hbm4b:s15+s6], $0x3C00, $0x38;
	[tilespmem:$0x11800] =	vst v63  }
0x396: {  	v14 =	vld.idx.msk [tilespmem:v14+s8+$0x0], $0xffff  }
0x397: {  	v18 =	vor.u32 s5, v1;
	v15 =	vld.idx.msk [tilespmem:v15+s8+$0x0], $0xffff  }
0x398: {  	v19 =	vor.u32 s14, v1;
	v16 =	vld.idx.msk [tilespmem:v16+s8+$0x0], $0xffff  }
0x399: {  	v26 =	vadd.s32 s14, v6;
	v21 =	vor.u32 s26, v1  }
0x39a: {  	s24 =	simm.s32 $0x10500;
	v27 =	vadd.s32 s26, v6;
	v47 =	vadd.s32 s26, v12;
	v26 =	vand.u32 $0x7FFFFF80, v26;
	v17 =	vld.idx.msk [tilespmem:v17+s8+$0x0], $0xffff  }
0x39b: {  	v22 =	vor.u32 s25, v1;
	v23 =	vadd.s32 s14, v2;
	[tilespmem:s24+$0x80] =	vst v14;
	v14 =	vadd.s32 s5, v2  }
0x39c: {  	v25 =	vadd.s32 s25, v4;
	v23 =	vand.u32 $0x7FFFFF80, v23;
	[tilespmem:s24+$0xFFFFFF80] =	vst v15;
	v15 =	vld.idx.msk [tilespmem:v18+s8+$0x0], $0xffff;
	v14 =	vand.u32 $0x7FFFFF80, v14  }
0x39d: {  	s28 =	simm.s32 $0x400;
	v23 =	vor.u32 v3, v23;
	v24 =	vadd.s32 s26, v2;
	[tilespmem:s24+$0x0] =	vst v16;
	v19 =	vld.idx.msk [tilespmem:v19+s8+$0x0], $0xffff;
	v14 =	vor.u32 v3, v14  }
0x39e: {  	v20 =	vadd.s32 s25, v2;
	v28 =	vadd.s32 s25, v8;
	s6 =	sand.u32 $0xFFFFF800, s28;
	v18 =	vand.u32 $0x7FFFFF80, v24;
	v21 =	vld.idx.msk [tilespmem:v21+s8+$0x0], $0xffff  }
0x39f: {  	v20 =	vand.u32 $0xFE00, v20;
	v28 =	vand.u32 $0xFE00, v28;
	s6 =	sadd.s32 $0x200, s6;
	[tilespmem:s24+$0xFFFFFF00] =	vst v17;
	v16 =	vor.u32 v3, v18  }
0x3a0: {  	v20 =	vor.u32 v3, v20;
	v30 =	vor.u32 v9, v28;
	v28 =	vadd.s32 s26, v10;
	s29 =	sadd.s32 $0x80, s6;
	v22 =	vld.idx.msk [tilespmem:v22+s8+$0x0], $0xffff  }
0x3a1: {  	s30 =	sadd.s32 $0x100, s6;
	v50 =	vadd.s32 s6, v2;
	v39 =	vadd.s32 s6, v4;
	v48 =	vor.u32 s29, v0;
	[tilespmem:s24+$0x90] =	vst v15  }
0x3a2: {  	v25 =	vand.u32 $0xFE00, v25;
	v49 =	vor.u32 s30, v0;
	v15 =	vadd.s32 s5, v4;
	[tilespmem:s24+$0xFFFFFF90] =	vst v19;
	v14 =	vld.idx.msk [tilespmem:v14+s8+$0x0], $0xffff  }
0x3a3: {  	v51 =	vor.u32 s29, v1;
	v24 =	vadd.s32 s14, v4;
	[tilespmem:s24+$0x10] =	vst v21;
	v15 =	vand.u32 $0x7FFFFF80, v15;
	v23 =	vld.idx.msk [tilespmem:v23+s8+$0x0], $0xffff  }
0x3a4: {  	v18 =	vadd.s32 s26, v4;
	v24 =	vand.u32 $0x7FFFFF80, v24;
	v16 =	vld.idx.msk [tilespmem:v16+s8+$0x0], $0xffff;
	v15 =	vor.u32 v5, v15  }
0x3a5: {  	v52 =	vadd.s32 s29, v2;
	v18 =	vand.u32 $0x7FFFFF80, v18;
	v24 =	vor.u32 v5, v24;
	[tilespmem:s24+$0xFFFFFF10] =	vst v22  }
0x3a6: {  	v18 =	vor.u32 v5, v18;
	v21 =	vor.u32 v7, v26;
	v26 =	vadd.s32 s14, v8;
	v20 =	vld.idx.msk [tilespmem:v20+s8+$0x0], $0xffff  }
0x3a7: {  	v37 =	vor.u32 s30, v1;
	v17 =	vor.u32 v5, v25;
	v26 =	vand.u32 $0x7FFFFF80, v26;
	[tilespmem:s24+$0xA0] =	vst v14  }
0x3a8: {  	v34 =	vand.u32 $0xFE00, v50;
	v33 =	vld.idx.msk [tilespmem:v48+s8+$0x0], $0xffff;
	v22 =	vor.u32 v9, v26;
	v26 =	vadd.s32 s14, v10;
	[tilespmem:s24+$0xFFFFFFA0] =	vst v23  }
0x3a9: {  	s7 =	sadd.s32 $0x180, s6;
	v38 =	vadd.s32 s30, v2;
	[tilespmem:s24+$0x20] =	vst v16;
	v16 =	vand.u32 $0x7FFFFF80, v26;
	v26 =	vand.u32 $0x7FFFFF80, v28;
	v15 =	vld.idx.msk [tilespmem:v15+s8+$0x0], $0xffff  }
0x3aa: {  	v14 =	vadd.s32 s5, v6;
	v24 =	vld.idx.msk [tilespmem:v24+s8+$0x0], $0xffff;
	v29 =	vor.u32 v11, v26;
	v26 =	vor.u32 s7, v0  }
0x3ab: {  	v53 =	vadd.s32 s29, v4;
	v25 =	vadd.s32 s25, v6;
	[tilespmem:s24+$0xFFFFFF20] =	vst v20;
	v14 =	vand.u32 $0x7FFFFF80, v14;
	v18 =	vld.idx.msk [tilespmem:v18+s8+$0x0], $0xffff  }
0x3ac: {  	s10 =	simm.s32 $0x10700;
	v19 =	vand.u32 $0xFE00, v25;
	v25 =	vand.u32 $0x7FFFFF80, v27;
	v17 =	vld.idx.msk [tilespmem:v17+s8+$0x0], $0xffff;
	v14 =	vor.u32 v7, v14  }
0x3ad: {  	v61 =	vadd.s32 s30, v12;
	v36 =	vand.u32 $0x7FFFFF80, v52;
	v25 =	vor.u32 v7, v25;
	[tilespmem:s10+$0xFFFFFF80] =	vst v33  }
0x3ae: {  	v34 =	vor.u32 v3, v34;
	v38 =	vand.u32 $0x7FFFFF80, v38;
	v19 =	vor.u32 v7, v19;
	v33 =	vld.idx.msk [tilespmem:v51+s8+$0x0], $0xffff;
	[tilespmem:s24+$0xB0] =	vst v15  }
0x3af: {  	v32 =	vand.u32 $0x7FFFFF80, v53;
	v62 =	vand.u32 $0x7FFFFF80, v61;
	v20 =	vor.u32 s6, v0;
	[tilespmem:s24+$0xFFFFFFB0] =	vst v24;
	v26 =	vld.idx.msk [tilespmem:v26+s8+$0x0], $0xffff  }
0x3b0: {  	v36 =	vor.u32 v3, v36;
	v38 =	vor.u32 v3, v38;
	v15 =	vadd.s32 s5, v8;
	[tilespmem:s24+$0x30] =	vst v18;
	v21 =	vld.idx.msk [tilespmem:v21+s8+$0x0], $0xffff  }
0x3b1: {  	v23 =	vadd.s32 s25, v10;
	[tilespmem:s24+$0xFFFFFF30] =	vst v17;
	v17 =	vor.u32 s7, v1;
	v24 =	vld.idx.msk [tilespmem:v14+s8+$0x0], $0xffff;
	v14 =	vand.u32 $0x7FFFFF80, v15  }
0x3b2: {  	v27 =	vadd.s32 s26, v8;
	v23 =	vand.u32 $0xFE00, v23;
	v25 =	vld.idx.msk [tilespmem:v25+s8+$0x0], $0xffff;
	v18 =	vor.u32 v9, v14  }
0x3b3: {  	v27 =	vand.u32 $0x7FFFFF80, v27;
	[tilespmem:s10+$0xFFFFFF90] =	vst v33;
	v28 =	vor.u32 v11, v23;
	v23 =	vadd.s32 s25, v12;
	v19 =	vld.idx.msk [tilespmem:v19+s8+$0x0], $0xffff  }
0x3b4: {  	v27 =	vor.u32 v9, v27;
	v31 =	vor.u32 v11, v16;
	v20 =	vld.idx.msk [tilespmem:v20+s8+$0x0], $0xffff;
	v15 =	vand.u32 $0xFE00, v23;
	[tilespmem:s10+$0x80] =	vst v26  }
0x3b5: {  	v16 =	vadd.s32 s14, v12;
	v23 =	vand.u32 $0x7FFFFF80, v47;
	v14 =	vor.u32 v13, v15;
	[tilespmem:s24+$0xFFFFFFC0] =	vst v21;
	v21 =	vld.idx.msk [tilespmem:v49+s8+$0x0], $0xffff  }
0x3b6: {  	v15 =	vor.u32 v13, v23;
	v23 =	vor.u32 s6, v1;
	[tilespmem:s24+$0xC0] =	vst v24;
	v24 =	vadd.s32 s5, v10;
	v17 =	vld.idx.msk [tilespmem:v17+s8+$0x0], $0xffff  }
0x3b7: {  	v54 =	vor.u32 v5, v32;
	v16 =	vand.u32 $0x7FFFFF80, v16;
	[tilespmem:s24+$0x40] =	vst v25;
	v18 =	vld.idx.msk [tilespmem:v18+s8+$0x0], $0xffff;
	v24 =	vand.u32 $0x7FFFFF80, v24  }
0x3b8: {  	v16 =	vor.u32 v13, v16;
	v25 =	vadd.s32 s30, v4;
	[tilespmem:s24+$0xFFFFFF40] =	vst v19;
	v22 =	vld.idx.msk [tilespmem:v22+s8+$0x0], $0xffff;
	v24 =	vor.u32 v11, v24  }
0x3b9: {  	[tilespmem:s10+$0xFFFFFF00] =	vst v20;
	v20 =	vadd.s32 s30, v6;
	v26 =	vand.u32 $0xFE00, v39;
	v25 =	vand.u32 $0x7FFFFF80, v25;
	v30 =	vld.idx.msk [tilespmem:v30+s8+$0x0], $0xffff  }
0x3ba: {  	v55 =	vld.idx.msk [tilespmem:v27+s8+$0x0], $0xffff;
	v27 =	vadd.s32 s6, v6;
	v40 =	vor.u32 v5, v25;
	v25 =	vadd.s32 s7, v2;
	[tilespmem:s10+$0x0] =	vst v21  }
0x3bb: {  	v26 =	vor.u32 v5, v26;
	v19 =	vld.idx.msk [tilespmem:v23+s8+$0x0], $0xffff;
	v27 =	vand.u32 $0xFE00, v27;
	v25 =	vand.u32 $0x7FFFFF80, v25;
	[tilespmem:s10+$0x90] =	vst v17  }
0x3bc: {  	v21 =	vor.u32 v3, v25;
	v17 =	vadd.s32 s30, v8;
	[tilespmem:s24+$0xD0] =	vst v18;
	v18 =	vadd.s32 s29, v6;
	v37 =	vld.idx.msk [tilespmem:v37+s8+$0x0], $0xffff  }
0x3bd: {  	[tilespmem:s24+$0xFFFFFFD0] =	vst v22;
	v22 =	vadd.s32 s6, v8;
	v23 =	vand.u32 $0x7FFFFF80, v17;
	v56 =	vld.idx.msk [tilespmem:v24+s8+$0x0], $0xffff;
	v24 =	vadd.s32 s5, v12  }
0x3be: {  	[tilespmem:s24+$0xFFFFFF50] =	vst v30;
	v30 =	vadd.s32 s29, v12;
	v18 =	vand.u32 $0x7FFFFF80, v18;
	v24 =	vand.u32 $0x7FFFFF80, v24  }
0x3bf: {  	v33 =	vld.idx.msk [tilespmem:v36+s8+$0x0], $0xffff;
	v25 =	vor.u32 v7, v18;
	v18 =	vand.u32 $0x7FFFFF80, v20;
	v41 =	vor.u32 v13, v24  }
0x3c0: {  	v20 =	vor.u32 v7, v27;
	v27 =	vld.idx.msk [tilespmem:v31+s8+$0x0], $0xffff;
	v24 =	vor.u32 v7, v18;
	v18 =	vadd.s32 s29, v8  }
0x3c1: {  	[tilespmem:s10+$0xFFFFFF10] =	vst v19;
	v17 =	vand.u32 $0xFE00, v22;
	v18 =	vand.u32 $0x7FFFFF80, v18;
	v31 =	vld.idx.msk [tilespmem:v21+s8+$0x0], $0xffff;
	v21 =	vadd.s32 s7, v4  }
0x3c2: {  	v23 =	vor.u32 v9, v23;
	v60 =	vld.idx.msk [tilespmem:v34+s8+$0x0], $0xffff;
	v22 =	vor.u32 v9, v18;
	v18 =	vand.u32 $0x7FFFFF80, v21;
	[tilespmem:s10+$0x10] =	vst v37  }
0x3c3: {  	v30 =	vand.u32 $0x7FFFFF80, v30;
	v17 =	vor.u32 v9, v17;
	[tilespmem:s24+$0xE0] =	vst v56;
	v57 =	vor.u32 v5, v18;
	v37 =	vld.idx.msk [tilespmem:v38+s8+$0x0], $0xffff  }
0x3c4: {  	[tilespmem:s24+$0x50] =	vst v55;
	v30 =	vor.u32 v13, v30;
	v21 =	vadd.s32 s29, v10;
	v18 =	vadd.s32 s6, v10;
	v58 =	vld.idx.msk [tilespmem:v41+s8+$0x0], $0xffff  }
0x3c5: {  	[tilespmem:s10+$0xFFFFFFA0] =	vst v33;
	v32 =	vld.idx.msk [tilespmem:v29+s8+$0x0], $0xffff;
	v19 =	vand.u32 $0x7FFFFF80, v21;
	v21 =	vadd.s32 s30, v10;
	v18 =	vand.u32 $0xFE00, v18  }
0x3c6: {  	v29 =	vld.idx.msk [tilespmem:v28+s8+$0x0], $0xffff;
	v59 =	vand.u32 $0x7FFFFF80, v21;
	v21 =	vor.u32 v11, v19;
	[tilespmem:s10+$0xA0] =	vst v31;
	v31 =	vadd.s32 s6, v12  }
0x3c7: {  	v34 =	vld.idx.msk [tilespmem:v54+s8+$0x0], $0xffff;
	[tilespmem:s10+$0xFFFFFF20] =	vst v60;
	v19 =	vor.u32 v11, v59;
	v28 =	vand.u32 $0xFE00, v31;
	v31 =	vadd.s32 s7, v6  }
0x3c8: {  	v18 =	vor.u32 v11, v18;
	v33 =	vld.idx.msk [tilespmem:v57+s8+$0x0], $0xffff;
	v28 =	vor.u32 v13, v28;
	v63 =	vand.u32 $0x7FFFFF80, v31;
	[tilespmem:s10+$0x20] =	vst v37  }
0x3c9: {  	s23 =	simm.s32 $0x4;
	s5 =	simm.s32 $0x200;
	s6 =	simm.s32 $0x800;
	v31 =	vor.u32 v13, v62;
	v36 =	vor.u32 v7, v63;
	v35 =	vld.idx.msk [tilespmem:v40+s8+$0x0], $0xffff;
	[tilespmem:s24+$0xF0] =	vst v58  }
.LBB2_18:
0x3ca: {  	s14 =	sand.u32 $0xFFFFF800, s6;
	s5 =	sadd.s32 $0x200, s5  }
0x3cb: {  	s23 =	sadd.s32 $0x4, s23;
	v26 =	vld.idx.msk [tilespmem:v26+s8+$0x0], $0xffff;
	[tilespmem:s24+$0xFFFFFFE0] =	vst v27;
	s14 =	sadd.s32 s14, s5  }
0x3cc: {  	p0 =	slt.u32 s23, $0x24;
	v27 =	vld.idx.msk [tilespmem:v16+s8+$0x0], $0xffff;
	[tilespmem:s24+$0x60] =	vst v32;
	v16 =	vmov v30;
	v30 =	vor.u32 s14, v0;
	s16 =	sadd.s32 $0x80, s14  }
0x3cd: {  	v32 =	vor.u32 s14, v1;
	v37 =	vadd.s32 s14, v2;
	s15 =	sadd.s32 $0x100, s14;
	s17 =	sadd.s32 $0x180, s14;
	[tilespmem:s10+$0xB0] =	vst v33;
	v33 =	vld.idx.msk [tilespmem:v15+s8+$0x0], $0xffff;
	v15 =	vmovc v31;
	v31 =	vor.u32 s16, v0  }
0x3ce: {  	v38 =	vor.u32 s17, v0;
	[tilespmem:s10+$0xFFFFFFB0] =	vst v34;
	v34 =	vld.idx.msk [tilespmem:v36+s8+$0x0], $0xffff;
	v36 =	vadd.s32 s7, v8  }
0x3cf: {  	v39 =	vor.u32 s16, v1;
	v40 =	vor.u32 s15, v0;
	v25 =	vld.idx.msk [tilespmem:v25+s8+$0x0], $0xffff;
	v36 =	vand.u32 $0x7FFFFF80, v36;
	[tilespmem:s24+$0xFFFFFF60] =	vst v29  }
0x3d0: {  	v41 =	vor.u32 s15, v1;
	v29 =	vadd.s32 s16, v2;
	[tilespmem:s10+$0x30] =	vst v35;
	v35 =	vor.u32 v9, v36;
	v36 =	vld.idx.msk [tilespmem:v14+s8+$0x0], $0xffff;
	v14 =	vmovc v28  }
0x3d1: {  	v28 =	vand.u32 $0xFE00, v37;
	v29 =	vand.u32 $0x7FFFFF80, v29;
	v37 =	vadd.s32 s15, v2;
	[tilespmem:s10+$0xFFFFFF30] =	vst v26;
	v24 =	vld.idx.msk [tilespmem:v24+s8+$0x0], $0xffff  }
0x3d2: {  	v28 =	vor.u32 v3, v28;
	v29 =	vor.u32 v3, v29;
	v26 =	vand.u32 $0x7FFFFF80, v37;
	v30 =	vld.idx.msk [tilespmem:v30+s8+$0x0], $0xffff;
	[tilespmem:s24+$0xFFFFFFF0] =	vst v27  }
0x3d3: {  	v27 =	vadd.s32 s16, v4;
	v37 =	vor.u32 v3, v26;
	v26 =	vadd.s32 s15, v4;
	v38 =	vld.idx.msk [tilespmem:v38+s8+$0x0], $0xffff;
	[tilespmem:s24+$0x70] =	vst v33  }
0x3d4: {  	v33 =	vadd.s32 s14, v4;
	v27 =	vand.u32 $0x7FFFFF80, v27;
	v26 =	vand.u32 $0x7FFFFF80, v26;
	v31 =	vld.idx.msk [tilespmem:v31+s8+$0x0], $0xffff;
	[tilespmem:s10+$0xC0] =	vst v34  }
0x3d5: {  	v33 =	vand.u32 $0xFE00, v33;
	v34 =	vor.u32 s17, v1;
	[tilespmem:s10+$0xFFFFFFC0] =	vst v25;
	v35 =	vld.idx.msk [tilespmem:v35+s8+$0x0], $0xffff;
	v25 =	vadd.s32 s7, v10  }
0x3d6: {  	v42 =	vor.u32 v5, v27;
	v27 =	vld.idx.msk [tilespmem:v40+s8+$0x0], $0xffff;
	v40 =	vor.u32 v5, v26;
	v25 =	vand.u32 $0x7FFFFF80, v25;
	[tilespmem:s24+$0xFFFFFF70] =	vst v36;
	s24 =	smov.u32 s10  }
0x3d7: {  	v26 =	vor.u32 v5, v33;
	v33 =	vadd.s32 s16, v6;
	v36 =	vld.idx.msk [tilespmem:v20+s8+$0x0], $0xffff;
	[tilespmem:s10+$0x40] =	vst v24;
	v43 =	vor.u32 v11, v25  }
0x3d8: {  	v20 =	vadd.s32 s14, v6;
	v24 =	vand.u32 $0x7FFFFF80, v33;
	v33 =	vadd.s32 s15, v6;
	s10 =	sadd.s32 $0x200, s10;
	v44 =	vld.idx.msk [tilespmem:v22+s8+$0x0], $0xffff  }
0x3d9: {  	v20 =	vand.u32 $0xFE00, v20;
	v25 =	vor.u32 v7, v24;
	v22 =	vand.u32 $0x7FFFFF80, v33;
	[tilespmem:s10+$0x80] =	vst v38;
	v33 =	vld.idx.msk [tilespmem:v23+s8+$0x0], $0xffff  }
0x3da: {  	v20 =	vor.u32 v7, v20;
	v24 =	vor.u32 v7, v22;
	v22 =	vadd.s32 s17, v2;
	[tilespmem:s10+$0xFFFFFF80] =	vst v31;
	v31 =	vld.idx.msk [tilespmem:v34+s8+$0x0], $0xffff  }
0x3db: {  	v23 =	vadd.s32 s16, v8;
	v38 =	vadd.s32 s15, v8;
	v22 =	vand.u32 $0x7FFFFF80, v22;
	v34 =	vld.idx.msk [tilespmem:v39+s8+$0x0], $0xffff;
	[tilespmem:s24+$0xD0] =	vst v35  }
0x3dc: {  	v35 =	vadd.s32 s14, v8;
	v39 =	vor.u32 v3, v22;
	v22 =	vadd.s32 s7, v12;
	s7 =	smov.u32 s17;
	[tilespmem:s10+$0x0] =	vst v27;
	v43 =	vld.idx.msk [tilespmem:v43+s8+$0x0], $0xffff  }
0x3dd: {  	v23 =	vand.u32 $0x7FFFFF80, v23;
	v27 =	vand.u32 $0x7FFFFF80, v38;
	v38 =	vand.u32 $0x7FFFFF80, v22;
	[tilespmem:s10+$0xFFFFFF00] =	vst v30;
	v30 =	vld.idx.msk [tilespmem:v41+s8+$0x0], $0xffff  }
0x3de: {  	v35 =	vand.u32 $0xFE00, v35;
	v22 =	vor.u32 v9, v23;
	v32 =	vld.idx.msk [tilespmem:v32+s8+$0x0], $0xffff;
	[tilespmem:s24+$0xFFFFFF40] =	vst v36;
	v36 =	vor.u32 v13, v38  }
0x3df: {  	v23 =	vor.u32 v9, v27;
	v38 =	vadd.s32 s16, v10;
	v41 =	vld.idx.msk [tilespmem:v17+s8+$0x0], $0xffff;
	v17 =	vor.u32 v9, v35;
	[tilespmem:s24+$0xFFFFFFD0] =	vst v44  }
0x3e0: {  	v35 =	vadd.s32 s14, v10;
	v38 =	vand.u32 $0x7FFFFF80, v38;
	v44 =	vadd.s32 s15, v10;
	[tilespmem:s10+$0x90] =	vst v31;
	v27 =	vld.idx.msk [tilespmem:v21+s8+$0x0], $0xffff  }
0x3e1: {  	v31 =	vand.u32 $0xFE00, v35;
	[tilespmem:s10+$0xFFFFFF90] =	vst v34;
	v34 =	vand.u32 $0x7FFFFF80, v44;
	v35 =	vld.idx.msk [tilespmem:v39+s8+$0x0], $0xffff;
	v39 =	vadd.s32 s7, v4  }
0x3e2: {  	v21 =	vor.u32 v11, v38;
	v44 =	vld.idx.msk [tilespmem:v29+s8+$0x0], $0xffff;
	v29 =	vor.u32 v11, v34;
	v34 =	vand.u32 $0x7FFFFF80, v39;
	[tilespmem:s24+$0xE0] =	vst v43  }
0x3e3: {  	v38 =	vor.u32 v11, v31;
	v31 =	vadd.s32 s16, v12;
	[tilespmem:s10+$0x10] =	vst v30;
	v34 =	vor.u32 v5, v34;
	v36 =	vld.idx.msk [tilespmem:v36+s8+$0x0], $0xffff  }
0x3e4: {  	v31 =	vand.u32 $0x7FFFFF80, v31;
	v30 =	vadd.s32 s14, v12;
	[tilespmem:s10+$0xFFFFFF10] =	vst v32;
	v37 =	vld.idx.msk [tilespmem:v37+s8+$0x0], $0xffff;
	v32 =	vadd.s32 s15, v12  }
0x3e5: {  	v39 =	vld.idx.msk [tilespmem:v28+s8+$0x0], $0xffff;
	v28 =	vand.u32 $0xFE00, v30;
	v30 =	vor.u32 v13, v31;
	v31 =	vand.u32 $0x7FFFFF80, v32;
	[tilespmem:s24+$0x50] =	vst v33  }
0x3e6: {  	v28 =	vor.u32 v13, v28;
	v31 =	vor.u32 v13, v31;
	[tilespmem:s24+$0xFFFFFF50] =	vst v41;
	v32 =	vld.idx.msk [tilespmem:v19+s8+$0x0], $0xffff;
	v19 =	vmov v29  }
.Ltmp8:
0x3e7: {  	[tilespmem:s10+$0xA0] =	vst v35;
	v29 =	vld.idx.msk [tilespmem:v18+s8+$0x0], $0xffff;
	v18 =	vmov v38;
	(pc) =	sbr.rel @p0 .LBB2_18-.Ltmp8, $4  }
0x3e8: {  	v35 =	vadd.s32 s7, v6;
	[tilespmem:s10+$0xFFFFFFA0] =	vst v44;
	v33 =	vld.idx.msk [tilespmem:v34+s8+$0x0], $0xffff  }
0x3e9: {  	v35 =	vand.u32 $0x7FFFFF80, v35;
	v34 =	vld.idx.msk [tilespmem:v42+s8+$0x0], $0xffff;
	[tilespmem:s24+$0xF0] =	vst v36  }
0x3ea: {  	v36 =	vor.u32 v7, v35;
	[tilespmem:s10+$0x20] =	vst v37  }
0x3eb: {  	s6 =	sadd.s32 $0x400, s6;
	[tilespmem:s10+$0xFFFFFF20] =	vst v39;
	v35 =	vld.idx.msk [tilespmem:v40+s8+$0x0], $0xffff  }
0x3ec: {  	_ =	sdelay $0x3  }
0x3ed: {  	v26 =	vld.idx.msk [tilespmem:v26+s8+$0x0], $0xffff;
	_ =	sdelay $0x1  }
0x3ee: {  	v45 =	vadd.s32 s7, v8;
	[tilespmem:s10+$0xB0] =	vst v33  }
0x3ef: {  	v33 =	vand.u32 $0x7FFFFF80, v45;
	[tilespmem:s10+$0xFFFFFFB0] =	vst v34;
	v46 =	vld.idx.msk [tilespmem:v36+s8+$0x0], $0xffff  }
0x3f0: {  	v33 =	vor.u32 v9, v33;
	v25 =	vld.idx.msk [tilespmem:v25+s8+$0x0], $0xffff;
	[tilespmem:s10+$0x30] =	vst v35  }
0x3f1: {  	[tilespmem:s10+$0xFFFFFF30] =	vst v26;
	v24 =	vld.idx.msk [tilespmem:v24+s8+$0x0], $0xffff  }
0x3f2: {  	v20 =	vld.idx.msk [tilespmem:v20+s8+$0x0], $0xffff;
	_ =	sdelay $0x1  }
0x3f3: {  	v26 =	vadd.s32 s7, v10;
	[tilespmem:s10+$0xC0] =	vst v46  }
0x3f4: {  	v26 =	vand.u32 $0x7FFFFF80, v26;
	[tilespmem:s10+$0xFFFFFFC0] =	vst v25;
	v25 =	vld.idx.msk [tilespmem:v33+s8+$0x0], $0xffff  }
0x3f5: {  	v22 =	vld.idx.msk [tilespmem:v22+s8+$0x0], $0xffff;
	[tilespmem:s10+$0x40] =	vst v24;
	v24 =	vor.u32 v11, v26  }
0x3f6: {  	v23 =	vld.idx.msk [tilespmem:v23+s8+$0x0], $0xffff;
	[tilespmem:s10+$0xFFFFFF40] =	vst v20  }
0x3f7: {  	[tilespmem:s24+$0xFFFFFFE0] =	vst v27;
	v17 =	vld.idx.msk [tilespmem:v17+s8+$0x0], $0xffff  }
0x3f8: {  	[tilespmem:s24+$0x60] =	vst v32  }
0x3f9: {  	v16 =	vld.idx.msk [tilespmem:v16+s8+$0x0], $0xffff;
	v20 =	vadd.s32 s7, v12;
	[tilespmem:s10+$0xD0] =	vst v25  }
0x3fa: {  	v20 =	vand.u32 $0x7FFFFF80, v20;
	[tilespmem:s10+$0xFFFFFFD0] =	vst v22;
	v24 =	vld.idx.msk [tilespmem:v24+s8+$0x0], $0xffff  }
0x3fb: {  	v20 =	vor.u32 v13, v20;
	v21 =	vld.idx.msk [tilespmem:v21+s8+$0x0], $0xffff;
	[tilespmem:s10+$0x50] =	vst v23  }
0x3fc: {  	[tilespmem:s10+$0xFFFFFF50] =	vst v17;
	v17 =	vld.idx.msk [tilespmem:v19+s8+$0x0], $0xffff  }
0x3fd: {  	[tilespmem:s24+$0xFFFFFF60] =	vst v29;
	v18 =	vld.idx.msk [tilespmem:v18+s8+$0x0], $0xffff  }
0x3fe: {  	v15 =	vld.idx.msk [tilespmem:v15+s8+$0x0], $0xffff;
	[tilespmem:s24+$0xFFFFFFF0] =	vst v16  }
0x3ff: {  	v14 =	vld.idx.msk [tilespmem:v14+s8+$0x0], $0xffff;
	[tilespmem:s10+$0xE0] =	vst v24  }
0x400: {  	[tilespmem:s10+$0xFFFFFFE0] =	vst v21;
	v16 =	vld.idx.msk [tilespmem:v20+s8+$0x0], $0xffff  }
0x401: {  	v19 =	vld.idx.msk [tilespmem:v30+s8+$0x0], $0xffff;
	[tilespmem:s10+$0x60] =	vst v17  }
0x402: {  	v17 =	vld.idx.msk [tilespmem:v31+s8+$0x0], $0xffff;
	[tilespmem:s10+$0xFFFFFF60] =	vst v18  }
0x403: {  	[tilespmem:s24+$0x70] =	vst v15;
	v15 =	vld.idx.msk [tilespmem:v28+s8+$0x0], $0xffff  }
0x404: {  	[tilespmem:s24+$0xFFFFFF70] =	vst v14  }
0x405: {  	[tilespmem:s10+$0xF0] =	vst v16  }
0x406: {  	[tilespmem:s10+$0xFFFFFFF0] =	vst v19  }
0x407: {  	[tilespmem:s10+$0x70] =	vst v17  }
0x408: {  	s6 =	simm.s32 $0x0;
	[tilespmem:s10+$0xFFFFFF70] =	vst v15  }
0x409: {  	s24 =	sand.u32 $0xFFFFF800, s6;
	s5 =	rddreg [dreg:$0x13]  }
0x40a: {  	[hbm4b:s5+s6] =	stream.linear.scatter [tilespmem:s12], [sflag:$0x6], $0x1400, $0x38;
	[tilespmem:$0x11800] =	vst v63  }
0x40b: {  	s25 =	sadd.s32 $0x0, s24;
	_ =	swait.ge [sflag:s0], $0x3C00  }
0x40c: {  	s5 =	sadd.s32 $0x180, s25;
	[sflag:s0] =	ssyncset.done $0x0  }
0x40d: {  	s14 =	sadd.s32 $0x80, s25;
	v14 =	vor.u32 s5, v0;
	[sflag:s0] =	ssyncadd.s32 $0xFFFFC400  }
0x40e: {  	s26 =	sadd.s32 $0x100, s25;
	v15 =	vor.u32 s14, v0;
	_ =	swait.ge [sflag:s20], $0x1400  }
0x40f: {  	v16 =	vor.u32 s26, v0;
	[sflag:s20] =	ssyncset.done $0x0  }
0x410: {  	s15 =	rddreg [dreg:$0x14];
	[sflag:s20] =	ssyncadd.s32 $0xFFFFEC00  }
0x411: {  	v17 =	vor.u32 s25, v0;
	[tilespmem:s8], [sflag:$0x4] =	stream.linear.gather [hbm4b:s15+s6], $0x3C00, $0x38;
	[tilespmem:$0x11800] =	vst v63  }
0x412: {  	v14 =	vld.idx.msk [tilespmem:v14+s4+$0x0], $0xffff  }
0x413: {  	v18 =	vor.u32 s5, v1;
	v15 =	vld.idx.msk [tilespmem:v15+s4+$0x0], $0xffff  }
0x414: {  	v19 =	vor.u32 s14, v1;
	v16 =	vld.idx.msk [tilespmem:v16+s4+$0x0], $0xffff  }
0x415: {  	v26 =	vadd.s32 s14, v6;
	v21 =	vor.u32 s26, v1  }
0x416: {  	s24 =	simm.s32 $0xF100;
	v27 =	vadd.s32 s26, v6;
	v47 =	vadd.s32 s26, v12;
	v26 =	vand.u32 $0x7FFFFF80, v26;
	v17 =	vld.idx.msk [tilespmem:v17+s4+$0x0], $0xffff  }
0x417: {  	v22 =	vor.u32 s25, v1;
	v23 =	vadd.s32 s14, v2;
	[tilespmem:s24+$0x80] =	vst v14;
	v14 =	vadd.s32 s5, v2  }
0x418: {  	v25 =	vadd.s32 s25, v4;
	v23 =	vand.u32 $0x7FFFFF80, v23;
	[tilespmem:s24+$0xFFFFFF80] =	vst v15;
	v15 =	vld.idx.msk [tilespmem:v18+s4+$0x0], $0xffff;
	v14 =	vand.u32 $0x7FFFFF80, v14  }
0x419: {  	s28 =	simm.s32 $0x400;
	v23 =	vor.u32 v3, v23;
	v24 =	vadd.s32 s26, v2;
	[tilespmem:s24+$0x0] =	vst v16;
	v19 =	vld.idx.msk [tilespmem:v19+s4+$0x0], $0xffff;
	v14 =	vor.u32 v3, v14  }
0x41a: {  	v20 =	vadd.s32 s25, v2;
	v28 =	vadd.s32 s25, v8;
	s6 =	sand.u32 $0xFFFFF800, s28;
	v18 =	vand.u32 $0x7FFFFF80, v24;
	v21 =	vld.idx.msk [tilespmem:v21+s4+$0x0], $0xffff  }
0x41b: {  	v20 =	vand.u32 $0xFE00, v20;
	v28 =	vand.u32 $0xFE00, v28;
	s6 =	sadd.s32 $0x200, s6;
	[tilespmem:s24+$0xFFFFFF00] =	vst v17;
	v16 =	vor.u32 v3, v18  }
0x41c: {  	v20 =	vor.u32 v3, v20;
	v30 =	vor.u32 v9, v28;
	v28 =	vadd.s32 s26, v10;
	s29 =	sadd.s32 $0x80, s6;
	v22 =	vld.idx.msk [tilespmem:v22+s4+$0x0], $0xffff  }
0x41d: {  	s30 =	sadd.s32 $0x100, s6;
	v50 =	vadd.s32 s6, v2;
	v39 =	vadd.s32 s6, v4;
	v48 =	vor.u32 s29, v0;
	[tilespmem:s24+$0x90] =	vst v15  }
0x41e: {  	v25 =	vand.u32 $0xFE00, v25;
	v49 =	vor.u32 s30, v0;
	v15 =	vadd.s32 s5, v4;
	[tilespmem:s24+$0xFFFFFF90] =	vst v19;
	v14 =	vld.idx.msk [tilespmem:v14+s4+$0x0], $0xffff  }
0x41f: {  	v51 =	vor.u32 s29, v1;
	v24 =	vadd.s32 s14, v4;
	[tilespmem:s24+$0x10] =	vst v21;
	v15 =	vand.u32 $0x7FFFFF80, v15;
	v23 =	vld.idx.msk [tilespmem:v23+s4+$0x0], $0xffff  }
0x420: {  	v18 =	vadd.s32 s26, v4;
	v24 =	vand.u32 $0x7FFFFF80, v24;
	v16 =	vld.idx.msk [tilespmem:v16+s4+$0x0], $0xffff;
	v15 =	vor.u32 v5, v15  }
0x421: {  	v52 =	vadd.s32 s29, v2;
	v18 =	vand.u32 $0x7FFFFF80, v18;
	v24 =	vor.u32 v5, v24;
	[tilespmem:s24+$0xFFFFFF10] =	vst v22  }
0x422: {  	v18 =	vor.u32 v5, v18;
	v21 =	vor.u32 v7, v26;
	v26 =	vadd.s32 s14, v8;
	v20 =	vld.idx.msk [tilespmem:v20+s4+$0x0], $0xffff  }
0x423: {  	v37 =	vor.u32 s30, v1;
	v17 =	vor.u32 v5, v25;
	v26 =	vand.u32 $0x7FFFFF80, v26;
	[tilespmem:s24+$0xA0] =	vst v14  }
0x424: {  	v34 =	vand.u32 $0xFE00, v50;
	v33 =	vld.idx.msk [tilespmem:v48+s4+$0x0], $0xffff;
	v22 =	vor.u32 v9, v26;
	v26 =	vadd.s32 s14, v10;
	[tilespmem:s24+$0xFFFFFFA0] =	vst v23  }
0x425: {  	s7 =	sadd.s32 $0x180, s6;
	v38 =	vadd.s32 s30, v2;
	[tilespmem:s24+$0x20] =	vst v16;
	v16 =	vand.u32 $0x7FFFFF80, v26;
	v26 =	vand.u32 $0x7FFFFF80, v28;
	v15 =	vld.idx.msk [tilespmem:v15+s4+$0x0], $0xffff  }
0x426: {  	v14 =	vadd.s32 s5, v6;
	v24 =	vld.idx.msk [tilespmem:v24+s4+$0x0], $0xffff;
	v29 =	vor.u32 v11, v26;
	v26 =	vor.u32 s7, v0  }
0x427: {  	v53 =	vadd.s32 s29, v4;
	v25 =	vadd.s32 s25, v6;
	[tilespmem:s24+$0xFFFFFF20] =	vst v20;
	v14 =	vand.u32 $0x7FFFFF80, v14;
	v18 =	vld.idx.msk [tilespmem:v18+s4+$0x0], $0xffff  }
0x428: {  	s10 =	simm.s32 $0xF300;
	v19 =	vand.u32 $0xFE00, v25;
	v25 =	vand.u32 $0x7FFFFF80, v27;
	v17 =	vld.idx.msk [tilespmem:v17+s4+$0x0], $0xffff;
	v14 =	vor.u32 v7, v14  }
0x429: {  	v61 =	vadd.s32 s30, v12;
	v36 =	vand.u32 $0x7FFFFF80, v52;
	v25 =	vor.u32 v7, v25;
	[tilespmem:s10+$0xFFFFFF80] =	vst v33  }
0x42a: {  	v34 =	vor.u32 v3, v34;
	v38 =	vand.u32 $0x7FFFFF80, v38;
	v19 =	vor.u32 v7, v19;
	v33 =	vld.idx.msk [tilespmem:v51+s4+$0x0], $0xffff;
	[tilespmem:s24+$0xB0] =	vst v15  }
0x42b: {  	v32 =	vand.u32 $0x7FFFFF80, v53;
	v62 =	vand.u32 $0x7FFFFF80, v61;
	v20 =	vor.u32 s6, v0;
	[tilespmem:s24+$0xFFFFFFB0] =	vst v24;
	v26 =	vld.idx.msk [tilespmem:v26+s4+$0x0], $0xffff  }
0x42c: {  	v36 =	vor.u32 v3, v36;
	v38 =	vor.u32 v3, v38;
	v15 =	vadd.s32 s5, v8;
	[tilespmem:s24+$0x30] =	vst v18;
	v21 =	vld.idx.msk [tilespmem:v21+s4+$0x0], $0xffff  }
0x42d: {  	v23 =	vadd.s32 s25, v10;
	[tilespmem:s24+$0xFFFFFF30] =	vst v17;
	v17 =	vor.u32 s7, v1;
	v24 =	vld.idx.msk [tilespmem:v14+s4+$0x0], $0xffff;
	v14 =	vand.u32 $0x7FFFFF80, v15  }
0x42e: {  	v27 =	vadd.s32 s26, v8;
	v23 =	vand.u32 $0xFE00, v23;
	v25 =	vld.idx.msk [tilespmem:v25+s4+$0x0], $0xffff;
	v18 =	vor.u32 v9, v14  }
0x42f: {  	v27 =	vand.u32 $0x7FFFFF80, v27;
	[tilespmem:s10+$0xFFFFFF90] =	vst v33;
	v28 =	vor.u32 v11, v23;
	v23 =	vadd.s32 s25, v12;
	v19 =	vld.idx.msk [tilespmem:v19+s4+$0x0], $0xffff  }
0x430: {  	v27 =	vor.u32 v9, v27;
	v31 =	vor.u32 v11, v16;
	v20 =	vld.idx.msk [tilespmem:v20+s4+$0x0], $0xffff;
	v15 =	vand.u32 $0xFE00, v23;
	[tilespmem:s10+$0x80] =	vst v26  }
0x431: {  	v16 =	vadd.s32 s14, v12;
	v23 =	vand.u32 $0x7FFFFF80, v47;
	v14 =	vor.u32 v13, v15;
	[tilespmem:s24+$0xFFFFFFC0] =	vst v21;
	v21 =	vld.idx.msk [tilespmem:v49+s4+$0x0], $0xffff  }
0x432: {  	v15 =	vor.u32 v13, v23;
	v23 =	vor.u32 s6, v1;
	[tilespmem:s24+$0xC0] =	vst v24;
	v24 =	vadd.s32 s5, v10;
	v17 =	vld.idx.msk [tilespmem:v17+s4+$0x0], $0xffff  }
0x433: {  	v54 =	vor.u32 v5, v32;
	v16 =	vand.u32 $0x7FFFFF80, v16;
	[tilespmem:s24+$0x40] =	vst v25;
	v18 =	vld.idx.msk [tilespmem:v18+s4+$0x0], $0xffff;
	v24 =	vand.u32 $0x7FFFFF80, v24  }
0x434: {  	v16 =	vor.u32 v13, v16;
	v25 =	vadd.s32 s30, v4;
	[tilespmem:s24+$0xFFFFFF40] =	vst v19;
	v22 =	vld.idx.msk [tilespmem:v22+s4+$0x0], $0xffff;
	v24 =	vor.u32 v11, v24  }
0x435: {  	[tilespmem:s10+$0xFFFFFF00] =	vst v20;
	v20 =	vadd.s32 s30, v6;
	v26 =	vand.u32 $0xFE00, v39;
	v25 =	vand.u32 $0x7FFFFF80, v25;
	v30 =	vld.idx.msk [tilespmem:v30+s4+$0x0], $0xffff  }
0x436: {  	v55 =	vld.idx.msk [tilespmem:v27+s4+$0x0], $0xffff;
	v27 =	vadd.s32 s6, v6;
	v40 =	vor.u32 v5, v25;
	v25 =	vadd.s32 s7, v2;
	[tilespmem:s10+$0x0] =	vst v21  }
0x437: {  	v26 =	vor.u32 v5, v26;
	v19 =	vld.idx.msk [tilespmem:v23+s4+$0x0], $0xffff;
	v27 =	vand.u32 $0xFE00, v27;
	v25 =	vand.u32 $0x7FFFFF80, v25;
	[tilespmem:s10+$0x90] =	vst v17  }
0x438: {  	v21 =	vor.u32 v3, v25;
	v17 =	vadd.s32 s30, v8;
	[tilespmem:s24+$0xD0] =	vst v18;
	v18 =	vadd.s32 s29, v6;
	v37 =	vld.idx.msk [tilespmem:v37+s4+$0x0], $0xffff  }
0x439: {  	[tilespmem:s24+$0xFFFFFFD0] =	vst v22;
	v22 =	vadd.s32 s6, v8;
	v23 =	vand.u32 $0x7FFFFF80, v17;
	v56 =	vld.idx.msk [tilespmem:v24+s4+$0x0], $0xffff;
	v24 =	vadd.s32 s5, v12  }
0x43a: {  	[tilespmem:s24+$0xFFFFFF50] =	vst v30;
	v30 =	vadd.s32 s29, v12;
	v18 =	vand.u32 $0x7FFFFF80, v18;
	v24 =	vand.u32 $0x7FFFFF80, v24  }
0x43b: {  	v33 =	vld.idx.msk [tilespmem:v36+s4+$0x0], $0xffff;
	v25 =	vor.u32 v7, v18;
	v18 =	vand.u32 $0x7FFFFF80, v20;
	v41 =	vor.u32 v13, v24  }
0x43c: {  	v20 =	vor.u32 v7, v27;
	v27 =	vld.idx.msk [tilespmem:v31+s4+$0x0], $0xffff;
	v24 =	vor.u32 v7, v18;
	v18 =	vadd.s32 s29, v8  }
0x43d: {  	[tilespmem:s10+$0xFFFFFF10] =	vst v19;
	v17 =	vand.u32 $0xFE00, v22;
	v18 =	vand.u32 $0x7FFFFF80, v18;
	v31 =	vld.idx.msk [tilespmem:v21+s4+$0x0], $0xffff;
	v21 =	vadd.s32 s7, v4  }
0x43e: {  	v23 =	vor.u32 v9, v23;
	v60 =	vld.idx.msk [tilespmem:v34+s4+$0x0], $0xffff;
	v22 =	vor.u32 v9, v18;
	v18 =	vand.u32 $0x7FFFFF80, v21;
	[tilespmem:s10+$0x10] =	vst v37  }
0x43f: {  	v30 =	vand.u32 $0x7FFFFF80, v30;
	v17 =	vor.u32 v9, v17;
	[tilespmem:s24+$0xE0] =	vst v56;
	v57 =	vor.u32 v5, v18;
	v37 =	vld.idx.msk [tilespmem:v38+s4+$0x0], $0xffff  }
0x440: {  	[tilespmem:s24+$0x50] =	vst v55;
	v30 =	vor.u32 v13, v30;
	v21 =	vadd.s32 s29, v10;
	v18 =	vadd.s32 s6, v10;
	v58 =	vld.idx.msk [tilespmem:v41+s4+$0x0], $0xffff  }
0x441: {  	[tilespmem:s10+$0xFFFFFFA0] =	vst v33;
	v32 =	vld.idx.msk [tilespmem:v29+s4+$0x0], $0xffff;
	v19 =	vand.u32 $0x7FFFFF80, v21;
	v21 =	vadd.s32 s30, v10;
	v18 =	vand.u32 $0xFE00, v18  }
0x442: {  	v29 =	vld.idx.msk [tilespmem:v28+s4+$0x0], $0xffff;
	v59 =	vand.u32 $0x7FFFFF80, v21;
	v21 =	vor.u32 v11, v19;
	[tilespmem:s10+$0xA0] =	vst v31;
	v31 =	vadd.s32 s6, v12  }
0x443: {  	v34 =	vld.idx.msk [tilespmem:v54+s4+$0x0], $0xffff;
	[tilespmem:s10+$0xFFFFFF20] =	vst v60;
	v19 =	vor.u32 v11, v59;
	v28 =	vand.u32 $0xFE00, v31;
	v31 =	vadd.s32 s7, v6  }
0x444: {  	v18 =	vor.u32 v11, v18;
	v33 =	vld.idx.msk [tilespmem:v57+s4+$0x0], $0xffff;
	v28 =	vor.u32 v13, v28;
	v63 =	vand.u32 $0x7FFFFF80, v31;
	[tilespmem:s10+$0x20] =	vst v37  }
0x445: {  	s23 =	simm.s32 $0x4;
	s5 =	simm.s32 $0x200;
	s6 =	simm.s32 $0x800;
	v31 =	vor.u32 v13, v62;
	v36 =	vor.u32 v7, v63;
	v35 =	vld.idx.msk [tilespmem:v40+s4+$0x0], $0xffff;
	[tilespmem:s24+$0xF0] =	vst v58  }
.LBB2_20:
0x446: {  	s14 =	sand.u32 $0xFFFFF800, s6;
	s5 =	sadd.s32 $0x200, s5  }
0x447: {  	s23 =	sadd.s32 $0x4, s23;
	v26 =	vld.idx.msk [tilespmem:v26+s4+$0x0], $0xffff;
	[tilespmem:s24+$0xFFFFFFE0] =	vst v27;
	s14 =	sadd.s32 s14, s5  }
0x448: {  	p0 =	slt.u32 s23, $0x24;
	v27 =	vld.idx.msk [tilespmem:v16+s4+$0x0], $0xffff;
	[tilespmem:s24+$0x60] =	vst v32;
	v16 =	vmov v30;
	v30 =	vor.u32 s14, v0;
	s16 =	sadd.s32 $0x80, s14  }
0x449: {  	v32 =	vor.u32 s14, v1;
	v37 =	vadd.s32 s14, v2;
	s15 =	sadd.s32 $0x100, s14;
	s17 =	sadd.s32 $0x180, s14;
	[tilespmem:s10+$0xB0] =	vst v33;
	v33 =	vld.idx.msk [tilespmem:v15+s4+$0x0], $0xffff;
	v15 =	vmovc v31;
	v31 =	vor.u32 s16, v0  }
0x44a: {  	v38 =	vor.u32 s17, v0;
	[tilespmem:s10+$0xFFFFFFB0] =	vst v34;
	v34 =	vld.idx.msk [tilespmem:v36+s4+$0x0], $0xffff;
	v36 =	vadd.s32 s7, v8  }
0x44b: {  	v39 =	vor.u32 s16, v1;
	v40 =	vor.u32 s15, v0;
	v25 =	vld.idx.msk [tilespmem:v25+s4+$0x0], $0xffff;
	v36 =	vand.u32 $0x7FFFFF80, v36;
	[tilespmem:s24+$0xFFFFFF60] =	vst v29  }
0x44c: {  	v41 =	vor.u32 s15, v1;
	v29 =	vadd.s32 s16, v2;
	[tilespmem:s10+$0x30] =	vst v35;
	v35 =	vor.u32 v9, v36;
	v36 =	vld.idx.msk [tilespmem:v14+s4+$0x0], $0xffff;
	v14 =	vmovc v28  }
0x44d: {  	v28 =	vand.u32 $0xFE00, v37;
	v29 =	vand.u32 $0x7FFFFF80, v29;
	v37 =	vadd.s32 s15, v2;
	[tilespmem:s10+$0xFFFFFF30] =	vst v26;
	v24 =	vld.idx.msk [tilespmem:v24+s4+$0x0], $0xffff  }
0x44e: {  	v28 =	vor.u32 v3, v28;
	v29 =	vor.u32 v3, v29;
	v26 =	vand.u32 $0x7FFFFF80, v37;
	v30 =	vld.idx.msk [tilespmem:v30+s4+$0x0], $0xffff;
	[tilespmem:s24+$0xFFFFFFF0] =	vst v27  }
0x44f: {  	v27 =	vadd.s32 s16, v4;
	v37 =	vor.u32 v3, v26;
	v26 =	vadd.s32 s15, v4;
	v38 =	vld.idx.msk [tilespmem:v38+s4+$0x0], $0xffff;
	[tilespmem:s24+$0x70] =	vst v33  }
0x450: {  	v33 =	vadd.s32 s14, v4;
	v27 =	vand.u32 $0x7FFFFF80, v27;
	v26 =	vand.u32 $0x7FFFFF80, v26;
	v31 =	vld.idx.msk [tilespmem:v31+s4+$0x0], $0xffff;
	[tilespmem:s10+$0xC0] =	vst v34  }
0x451: {  	v33 =	vand.u32 $0xFE00, v33;
	v34 =	vor.u32 s17, v1;
	[tilespmem:s10+$0xFFFFFFC0] =	vst v25;
	v35 =	vld.idx.msk [tilespmem:v35+s4+$0x0], $0xffff;
	v25 =	vadd.s32 s7, v10  }
0x452: {  	v42 =	vor.u32 v5, v27;
	v27 =	vld.idx.msk [tilespmem:v40+s4+$0x0], $0xffff;
	v40 =	vor.u32 v5, v26;
	v25 =	vand.u32 $0x7FFFFF80, v25;
	[tilespmem:s24+$0xFFFFFF70] =	vst v36;
	s24 =	smov.u32 s10  }
0x453: {  	v26 =	vor.u32 v5, v33;
	v33 =	vadd.s32 s16, v6;
	v36 =	vld.idx.msk [tilespmem:v20+s4+$0x0], $0xffff;
	[tilespmem:s10+$0x40] =	vst v24;
	v43 =	vor.u32 v11, v25  }
0x454: {  	v20 =	vadd.s32 s14, v6;
	v24 =	vand.u32 $0x7FFFFF80, v33;
	v33 =	vadd.s32 s15, v6;
	s10 =	sadd.s32 $0x200, s10;
	v44 =	vld.idx.msk [tilespmem:v22+s4+$0x0], $0xffff  }
0x455: {  	v20 =	vand.u32 $0xFE00, v20;
	v25 =	vor.u32 v7, v24;
	v22 =	vand.u32 $0x7FFFFF80, v33;
	[tilespmem:s10+$0x80] =	vst v38;
	v33 =	vld.idx.msk [tilespmem:v23+s4+$0x0], $0xffff  }
0x456: {  	v20 =	vor.u32 v7, v20;
	v24 =	vor.u32 v7, v22;
	v22 =	vadd.s32 s17, v2;
	[tilespmem:s10+$0xFFFFFF80] =	vst v31;
	v31 =	vld.idx.msk [tilespmem:v34+s4+$0x0], $0xffff  }
0x457: {  	v23 =	vadd.s32 s16, v8;
	v38 =	vadd.s32 s15, v8;
	v22 =	vand.u32 $0x7FFFFF80, v22;
	v34 =	vld.idx.msk [tilespmem:v39+s4+$0x0], $0xffff;
	[tilespmem:s24+$0xD0] =	vst v35  }
0x458: {  	v35 =	vadd.s32 s14, v8;
	v39 =	vor.u32 v3, v22;
	v22 =	vadd.s32 s7, v12;
	s7 =	smov.u32 s17;
	[tilespmem:s10+$0x0] =	vst v27;
	v43 =	vld.idx.msk [tilespmem:v43+s4+$0x0], $0xffff  }
0x459: {  	v23 =	vand.u32 $0x7FFFFF80, v23;
	v27 =	vand.u32 $0x7FFFFF80, v38;
	v38 =	vand.u32 $0x7FFFFF80, v22;
	[tilespmem:s10+$0xFFFFFF00] =	vst v30;
	v30 =	vld.idx.msk [tilespmem:v41+s4+$0x0], $0xffff  }
0x45a: {  	v35 =	vand.u32 $0xFE00, v35;
	v22 =	vor.u32 v9, v23;
	v32 =	vld.idx.msk [tilespmem:v32+s4+$0x0], $0xffff;
	[tilespmem:s24+$0xFFFFFF40] =	vst v36;
	v36 =	vor.u32 v13, v38  }
0x45b: {  	v23 =	vor.u32 v9, v27;
	v38 =	vadd.s32 s16, v10;
	v41 =	vld.idx.msk [tilespmem:v17+s4+$0x0], $0xffff;
	v17 =	vor.u32 v9, v35;
	[tilespmem:s24+$0xFFFFFFD0] =	vst v44  }
0x45c: {  	v35 =	vadd.s32 s14, v10;
	v38 =	vand.u32 $0x7FFFFF80, v38;
	v44 =	vadd.s32 s15, v10;
	[tilespmem:s10+$0x90] =	vst v31;
	v27 =	vld.idx.msk [tilespmem:v21+s4+$0x0], $0xffff  }
0x45d: {  	v31 =	vand.u32 $0xFE00, v35;
	[tilespmem:s10+$0xFFFFFF90] =	vst v34;
	v34 =	vand.u32 $0x7FFFFF80, v44;
	v35 =	vld.idx.msk [tilespmem:v39+s4+$0x0], $0xffff;
	v39 =	vadd.s32 s7, v4  }
0x45e: {  	v21 =	vor.u32 v11, v38;
	v44 =	vld.idx.msk [tilespmem:v29+s4+$0x0], $0xffff;
	v29 =	vor.u32 v11, v34;
	v34 =	vand.u32 $0x7FFFFF80, v39;
	[tilespmem:s24+$0xE0] =	vst v43  }
0x45f: {  	v38 =	vor.u32 v11, v31;
	v31 =	vadd.s32 s16, v12;
	[tilespmem:s10+$0x10] =	vst v30;
	v34 =	vor.u32 v5, v34;
	v36 =	vld.idx.msk [tilespmem:v36+s4+$0x0], $0xffff  }
0x460: {  	v31 =	vand.u32 $0x7FFFFF80, v31;
	v30 =	vadd.s32 s14, v12;
	[tilespmem:s10+$0xFFFFFF10] =	vst v32;
	v37 =	vld.idx.msk [tilespmem:v37+s4+$0x0], $0xffff;
	v32 =	vadd.s32 s15, v12  }
0x461: {  	v39 =	vld.idx.msk [tilespmem:v28+s4+$0x0], $0xffff;
	v28 =	vand.u32 $0xFE00, v30;
	v30 =	vor.u32 v13, v31;
	v31 =	vand.u32 $0x7FFFFF80, v32;
	[tilespmem:s24+$0x50] =	vst v33  }
0x462: {  	v28 =	vor.u32 v13, v28;
	v31 =	vor.u32 v13, v31;
	[tilespmem:s24+$0xFFFFFF50] =	vst v41;
	v32 =	vld.idx.msk [tilespmem:v19+s4+$0x0], $0xffff;
	v19 =	vmov v29  }
.Ltmp9:
0x463: {  	[tilespmem:s10+$0xA0] =	vst v35;
	v29 =	vld.idx.msk [tilespmem:v18+s4+$0x0], $0xffff;
	v18 =	vmov v38;
	(pc) =	sbr.rel @p0 .LBB2_20-.Ltmp9, $4  }
0x464: {  	v35 =	vadd.s32 s7, v6;
	[tilespmem:s10+$0xFFFFFFA0] =	vst v44;
	v33 =	vld.idx.msk [tilespmem:v34+s4+$0x0], $0xffff  }
0x465: {  	v35 =	vand.u32 $0x7FFFFF80, v35;
	v34 =	vld.idx.msk [tilespmem:v42+s4+$0x0], $0xffff;
	[tilespmem:s24+$0xF0] =	vst v36  }
0x466: {  	v36 =	vor.u32 v7, v35;
	[tilespmem:s10+$0x20] =	vst v37  }
0x467: {  	s6 =	sadd.s32 $0x400, s6;
	[tilespmem:s10+$0xFFFFFF20] =	vst v39;
	v35 =	vld.idx.msk [tilespmem:v40+s4+$0x0], $0xffff  }
0x468: {  	_ =	sdelay $0x3  }
0x469: {  	v26 =	vld.idx.msk [tilespmem:v26+s4+$0x0], $0xffff;
	_ =	sdelay $0x1  }
0x46a: {  	v45 =	vadd.s32 s7, v8;
	[tilespmem:s10+$0xB0] =	vst v33  }
0x46b: {  	v33 =	vand.u32 $0x7FFFFF80, v45;
	[tilespmem:s10+$0xFFFFFFB0] =	vst v34;
	v46 =	vld.idx.msk [tilespmem:v36+s4+$0x0], $0xffff  }
0x46c: {  	v33 =	vor.u32 v9, v33;
	v25 =	vld.idx.msk [tilespmem:v25+s4+$0x0], $0xffff;
	[tilespmem:s10+$0x30] =	vst v35  }
0x46d: {  	[tilespmem:s10+$0xFFFFFF30] =	vst v26;
	v24 =	vld.idx.msk [tilespmem:v24+s4+$0x0], $0xffff  }
0x46e: {  	v20 =	vld.idx.msk [tilespmem:v20+s4+$0x0], $0xffff;
	_ =	sdelay $0x1  }
0x46f: {  	v26 =	vadd.s32 s7, v10;
	[tilespmem:s10+$0xC0] =	vst v46  }
0x470: {  	v26 =	vand.u32 $0x7FFFFF80, v26;
	[tilespmem:s10+$0xFFFFFFC0] =	vst v25;
	v25 =	vld.idx.msk [tilespmem:v33+s4+$0x0], $0xffff  }
0x471: {  	v22 =	vld.idx.msk [tilespmem:v22+s4+$0x0], $0xffff;
	[tilespmem:s10+$0x40] =	vst v24;
	v24 =	vor.u32 v11, v26  }
0x472: {  	v23 =	vld.idx.msk [tilespmem:v23+s4+$0x0], $0xffff;
	[tilespmem:s10+$0xFFFFFF40] =	vst v20  }
0x473: {  	[tilespmem:s24+$0xFFFFFFE0] =	vst v27;
	v17 =	vld.idx.msk [tilespmem:v17+s4+$0x0], $0xffff  }
0x474: {  	[tilespmem:s24+$0x60] =	vst v32  }
0x475: {  	v16 =	vld.idx.msk [tilespmem:v16+s4+$0x0], $0xffff;
	v20 =	vadd.s32 s7, v12;
	[tilespmem:s10+$0xD0] =	vst v25  }
0x476: {  	v20 =	vand.u32 $0x7FFFFF80, v20;
	[tilespmem:s10+$0xFFFFFFD0] =	vst v22;
	v24 =	vld.idx.msk [tilespmem:v24+s4+$0x0], $0xffff  }
0x477: {  	v20 =	vor.u32 v13, v20;
	v21 =	vld.idx.msk [tilespmem:v21+s4+$0x0], $0xffff;
	[tilespmem:s10+$0x50] =	vst v23  }
0x478: {  	[tilespmem:s10+$0xFFFFFF50] =	vst v17;
	v17 =	vld.idx.msk [tilespmem:v19+s4+$0x0], $0xffff  }
0x479: {  	[tilespmem:s24+$0xFFFFFF60] =	vst v29;
	v18 =	vld.idx.msk [tilespmem:v18+s4+$0x0], $0xffff  }
0x47a: {  	v15 =	vld.idx.msk [tilespmem:v15+s4+$0x0], $0xffff;
	[tilespmem:s24+$0xFFFFFFF0] =	vst v16  }
0x47b: {  	v14 =	vld.idx.msk [tilespmem:v14+s4+$0x0], $0xffff;
	[tilespmem:s10+$0xE0] =	vst v24  }
0x47c: {  	[tilespmem:s10+$0xFFFFFFE0] =	vst v21;
	v16 =	vld.idx.msk [tilespmem:v20+s4+$0x0], $0xffff  }
0x47d: {  	v19 =	vld.idx.msk [tilespmem:v30+s4+$0x0], $0xffff;
	[tilespmem:s10+$0x60] =	vst v17  }
0x47e: {  	v17 =	vld.idx.msk [tilespmem:v31+s4+$0x0], $0xffff;
	[tilespmem:s10+$0xFFFFFF60] =	vst v18  }
0x47f: {  	[tilespmem:s24+$0x70] =	vst v15;
	v15 =	vld.idx.msk [tilespmem:v28+s4+$0x0], $0xffff  }
0x480: {  	[tilespmem:s24+$0xFFFFFF70] =	vst v14  }
0x481: {  	[tilespmem:s10+$0xF0] =	vst v16  }
0x482: {  	[tilespmem:s10+$0xFFFFFFF0] =	vst v19  }
0x483: {  	[tilespmem:s10+$0x70] =	vst v17  }
0x484: {  	[tilespmem:s10+$0xFFFFFF70] =	vst v15  }
0x485: {  	s5 =	simm.s32 $0x0;
	s6 =	rddreg [dreg:$0x16]  }
0x486: {  	[hbm4b:s6+s5] =	stream.linear.scatter [tilespmem:s9], [sflag:$0x5], $0x1400, $0x38;
	[tilespmem:$0x11800] =	vst v63  }
0x487: {  	s5 =	sand.u32 $0xFFFFF800, s5  }
0x488: {  	s26 =	sadd.s32 $0x0, s5  }
0x489: {  	_ =	swait.ge [sflag:s11], $0x3C00;
	s5 =	sadd.s32 $0x180, s26  }
0x48a: {  	[sflag:s11] =	ssyncset.done $0x0;
	s14 =	sadd.s32 $0x80, s26;
	v14 =	vor.u32 s5, v0  }
0x48b: {  	s28 =	sadd.s32 $0x100, s26;
	[sflag:s11] =	ssyncadd.s32 $0xFFFFC400;
	v15 =	vor.u32 s14, v0  }
0x48c: {  	v16 =	vor.u32 s28, v0;
	_ =	swait.ge [sflag:s22], $0x1400  }
0x48d: {  	v17 =	vor.u32 s26, v0;
	[sflag:s22] =	ssyncset.done $0x0  }
0x48e: {  	[sflag:s22] =	ssyncadd.s32 $0xFFFFEC00  }
0x48f: {  	v14 =	vld.idx.msk [tilespmem:v14+s31+$0x0], $0xffff  }
0x490: {  	v18 =	vor.u32 s5, v1;
	v15 =	vld.idx.msk [tilespmem:v15+s31+$0x0], $0xffff  }
0x491: {  	v19 =	vor.u32 s14, v1;
	v16 =	vld.idx.msk [tilespmem:v16+s31+$0x0], $0xffff  }
0x492: {  	s29 =	simm.s32 $0x400;
	v21 =	vor.u32 s28, v1;
	v17 =	vld.idx.msk [tilespmem:v17+s31+$0x0], $0xffff  }
0x493: {  	s24 =	simm.s32 $0x10500;
	s6 =	sand.u32 $0xFFFFF800, s29;
	v22 =	vor.u32 s26, v1  }
0x494: {  	s6 =	sadd.s32 $0x200, s6;
	v20 =	vadd.s32 s26, v2;
	v25 =	vadd.s32 s26, v4;
	v28 =	vadd.s32 s26, v8;
	[tilespmem:s24+$0x80] =	vst v14  }
0x495: {  	v50 =	vadd.s32 s6, v2;
	v39 =	vadd.s32 s6, v4;
	v23 =	vadd.s32 s14, v2;
	[tilespmem:s24+$0xFFFFFF80] =	vst v15;
	v15 =	vld.idx.msk [tilespmem:v18+s31+$0x0], $0xffff  }
0x496: {  	v20 =	vand.u32 $0xFE00, v20;
	v24 =	vadd.s32 s28, v2;
	v23 =	vand.u32 $0x7FFFFF80, v23;
	[tilespmem:s24+$0x0] =	vst v16;
	v19 =	vld.idx.msk [tilespmem:v19+s31+$0x0], $0xffff  }
0x497: {  	v25 =	vand.u32 $0xFE00, v25;
	v23 =	vor.u32 v3, v23;
	[tilespmem:s24+$0xFFFFFF00] =	vst v17;
	v18 =	vand.u32 $0x7FFFFF80, v24;
	v21 =	vld.idx.msk [tilespmem:v21+s31+$0x0], $0xffff  }
0x498: {  	v26 =	vadd.s32 s14, v6;
	v14 =	vadd.s32 s5, v2;
	v22 =	vld.idx.msk [tilespmem:v22+s31+$0x0], $0xffff;
	v16 =	vor.u32 v3, v18  }
0x499: {  	v27 =	vadd.s32 s28, v6;
	v20 =	vor.u32 v3, v20;
	v14 =	vand.u32 $0x7FFFFF80, v14  }
0x49a: {  	s30 =	sadd.s32 $0x80, s6;
	s15 =	sadd.s32 $0x100, s6;
	v28 =	vand.u32 $0xFE00, v28;
	v47 =	vadd.s32 s28, v12;
	v14 =	vor.u32 v3, v14  }
0x49b: {  	v48 =	vor.u32 s30, v0;
	v49 =	vor.u32 s15, v0;
	v51 =	vor.u32 s30, v1;
	[tilespmem:s24+$0xFFFFFF90] =	vst v19  }
0x49c: {  	v26 =	vand.u32 $0x7FFFFF80, v26;
	v30 =	vor.u32 v9, v28;
	v24 =	vadd.s32 s14, v4;
	[tilespmem:s24+$0x10] =	vst v21;
	v23 =	vld.idx.msk [tilespmem:v23+s31+$0x0], $0xffff  }
0x49d: {  	v28 =	vadd.s32 s28, v10;
	v17 =	vor.u32 v5, v25;
	v24 =	vand.u32 $0x7FFFFF80, v24;
	[tilespmem:s24+$0xFFFFFF10] =	vst v22;
	v16 =	vld.idx.msk [tilespmem:v16+s31+$0x0], $0xffff  }
0x49e: {  	v18 =	vadd.s32 s28, v4;
	v24 =	vor.u32 v5, v24;
	[tilespmem:s24+$0x90] =	vst v15;
	v15 =	vadd.s32 s5, v4;
	v20 =	vld.idx.msk [tilespmem:v20+s31+$0x0], $0xffff  }
0x49f: {  	v21 =	vor.u32 v7, v26;
	v26 =	vadd.s32 s14, v8;
	v14 =	vld.idx.msk [tilespmem:v14+s31+$0x0], $0xffff;
	v15 =	vand.u32 $0x7FFFFF80, v15  }
0x4a0: {  	v18 =	vand.u32 $0x7FFFFF80, v18;
	v26 =	vand.u32 $0x7FFFFF80, v26;
	v15 =	vor.u32 v5, v15  }
0x4a1: {  	v18 =	vor.u32 v5, v18;
	v22 =	vor.u32 v9, v26;
	v26 =	vadd.s32 s14, v10;
	[tilespmem:s24+$0xFFFFFFA0] =	vst v23  }
0x4a2: {  	s7 =	sadd.s32 $0x180, s6;
	v52 =	vadd.s32 s30, v2;
	[tilespmem:s24+$0x20] =	vst v16;
	v16 =	vand.u32 $0x7FFFFF80, v26;
	v26 =	vand.u32 $0x7FFFFF80, v28  }
0x4a3: {  	v25 =	vadd.s32 s26, v6;
	[tilespmem:s24+$0xFFFFFF20] =	vst v20;
	v24 =	vld.idx.msk [tilespmem:v24+s31+$0x0], $0xffff;
	v29 =	vor.u32 v11, v26;
	v26 =	vor.u32 s7, v0  }
0x4a4: {  	v37 =	vor.u32 s15, v1;
	v19 =	vand.u32 $0xFE00, v25;
	[tilespmem:s24+$0xA0] =	vst v14;
	v14 =	vadd.s32 s5, v6;
	v17 =	vld.idx.msk [tilespmem:v17+s31+$0x0], $0xffff  }
0x4a5: {  	v34 =	vand.u32 $0xFE00, v50;
	v19 =	vor.u32 v7, v19;
	v15 =	vld.idx.msk [tilespmem:v15+s31+$0x0], $0xffff;
	v14 =	vand.u32 $0x7FFFFF80, v14  }
0x4a6: {  	v38 =	vadd.s32 s15, v2;
	v25 =	vand.u32 $0x7FFFFF80, v27;
	v18 =	vld.idx.msk [tilespmem:v18+s31+$0x0], $0xffff;
	v14 =	vor.u32 v7, v14  }
0x4a7: {  	v53 =	vadd.s32 s30, v4;
	v61 =	vadd.s32 s15, v12;
	v33 =	vld.idx.msk [tilespmem:v48+s31+$0x0], $0xffff;
	v25 =	vor.u32 v7, v25  }
0x4a8: {  	v36 =	vand.u32 $0x7FFFFF80, v52;
	v34 =	vor.u32 v3, v34;
	v20 =	vor.u32 s6, v0;
	[tilespmem:s24+$0xFFFFFFB0] =	vst v24;
	v26 =	vld.idx.msk [tilespmem:v26+s31+$0x0], $0xffff  }
0x4a9: {  	v38 =	vand.u32 $0x7FFFFF80, v38;
	v32 =	vand.u32 $0x7FFFFF80, v53;
	v36 =	vor.u32 v3, v36;
	[tilespmem:s24+$0xFFFFFF30] =	vst v17;
	v21 =	vld.idx.msk [tilespmem:v21+s31+$0x0], $0xffff  }
0x4aa: {  	v38 =	vor.u32 v3, v38;
	v17 =	vor.u32 s7, v1;
	[tilespmem:s24+$0xB0] =	vst v15;
	v15 =	vadd.s32 s5, v8;
	v19 =	vld.idx.msk [tilespmem:v19+s31+$0x0], $0xffff  }
0x4ab: {  	s10 =	simm.s32 $0x10700;
	v54 =	vor.u32 v5, v32;
	v23 =	vadd.s32 s26, v10;
	[tilespmem:s24+$0x30] =	vst v18;
	v24 =	vld.idx.msk [tilespmem:v14+s31+$0x0], $0xffff;
	v14 =	vand.u32 $0x7FFFFF80, v15  }
0x4ac: {  	[tilespmem:s10+$0xFFFFFF80] =	vst v33;
	v27 =	vadd.s32 s28, v8;
	v23 =	vand.u32 $0xFE00, v23;
	v25 =	vld.idx.msk [tilespmem:v25+s31+$0x0], $0xffff;
	v18 =	vor.u32 v9, v14  }
0x4ad: {  	v27 =	vand.u32 $0x7FFFFF80, v27;
	v28 =	vor.u32 v11, v23;
	v23 =	vadd.s32 s26, v12;
	v20 =	vld.idx.msk [tilespmem:v20+s31+$0x0], $0xffff;
	[tilespmem:s10+$0x80] =	vst v26  }
0x4ae: {  	v27 =	vor.u32 v9, v27;
	v31 =	vor.u32 v11, v16;
	v15 =	vand.u32 $0xFE00, v23;
	[tilespmem:s24+$0xFFFFFFC0] =	vst v21;
	v21 =	vld.idx.msk [tilespmem:v49+s31+$0x0], $0xffff  }
0x4af: {  	v16 =	vadd.s32 s14, v12;
	v23 =	vand.u32 $0x7FFFFF80, v47;
	v14 =	vor.u32 v13, v15;
	[tilespmem:s24+$0xFFFFFF40] =	vst v19;
	v17 =	vld.idx.msk [tilespmem:v17+s31+$0x0], $0xffff  }
0x4b0: {  	v15 =	vor.u32 v13, v23;
	v23 =	vor.u32 s6, v1;
	[tilespmem:s24+$0xC0] =	vst v24;
	v24 =	vadd.s32 s5, v10;
	v30 =	vld.idx.msk [tilespmem:v30+s31+$0x0], $0xffff  }
0x4b1: {  	v16 =	vand.u32 $0x7FFFFF80, v16;
	[tilespmem:s24+$0x40] =	vst v25;
	v25 =	vadd.s32 s15, v4;
	v18 =	vld.idx.msk [tilespmem:v18+s31+$0x0], $0xffff;
	v24 =	vand.u32 $0x7FFFFF80, v24  }
0x4b2: {  	v16 =	vor.u32 v13, v16;
	[tilespmem:s10+$0xFFFFFF00] =	vst v20;
	v22 =	vld.idx.msk [tilespmem:v22+s31+$0x0], $0xffff;
	v25 =	vand.u32 $0x7FFFFF80, v25;
	v24 =	vor.u32 v11, v24  }
0x4b3: {  	v33 =	vld.idx.msk [tilespmem:v51+s31+$0x0], $0xffff;
	v20 =	vadd.s32 s15, v6;
	v40 =	vor.u32 v5, v25;
	v25 =	vadd.s32 s7, v2;
	[tilespmem:s10+$0x0] =	vst v21  }
0x4b4: {  	v26 =	vand.u32 $0xFE00, v39;
	v55 =	vld.idx.msk [tilespmem:v27+s31+$0x0], $0xffff;
	v27 =	vadd.s32 s6, v6;
	v25 =	vand.u32 $0x7FFFFF80, v25;
	[tilespmem:s10+$0x90] =	vst v17  }
0x4b5: {  	v26 =	vor.u32 v5, v26;
	v19 =	vld.idx.msk [tilespmem:v23+s31+$0x0], $0xffff;
	v27 =	vand.u32 $0xFE00, v27;
	v21 =	vor.u32 v3, v25;
	[tilespmem:s24+$0xFFFFFF50] =	vst v30  }
0x4b6: {  	v17 =	vadd.s32 s15, v8;
	v30 =	vadd.s32 s30, v12;
	[tilespmem:s24+$0xD0] =	vst v18;
	v18 =	vadd.s32 s30, v6;
	v37 =	vld.idx.msk [tilespmem:v37+s31+$0x0], $0xffff  }
0x4b7: {  	[tilespmem:s24+$0xFFFFFFD0] =	vst v22;
	v22 =	vadd.s32 s6, v8;
	v23 =	vand.u32 $0x7FFFFF80, v17;
	v56 =	vld.idx.msk [tilespmem:v24+s31+$0x0], $0xffff;
	v24 =	vadd.s32 s5, v12  }
0x4b8: {  	[tilespmem:s10+$0xFFFFFF90] =	vst v33;
	v30 =	vand.u32 $0x7FFFFF80, v30;
	v18 =	vand.u32 $0x7FFFFF80, v18;
	v24 =	vand.u32 $0x7FFFFF80, v24  }
0x4b9: {  	v33 =	vld.idx.msk [tilespmem:v36+s31+$0x0], $0xffff;
	v25 =	vor.u32 v7, v18;
	v18 =	vand.u32 $0x7FFFFF80, v20;
	v41 =	vor.u32 v13, v24  }
0x4ba: {  	v20 =	vor.u32 v7, v27;
	v27 =	vld.idx.msk [tilespmem:v31+s31+$0x0], $0xffff;
	v24 =	vor.u32 v7, v18;
	v18 =	vadd.s32 s30, v8  }
0x4bb: {  	[tilespmem:s10+$0xFFFFFF10] =	vst v19;
	v17 =	vand.u32 $0xFE00, v22;
	v18 =	vand.u32 $0x7FFFFF80, v18;
	v31 =	vld.idx.msk [tilespmem:v21+s31+$0x0], $0xffff;
	v21 =	vadd.s32 s7, v4  }
0x4bc: {  	v23 =	vor.u32 v9, v23;
	v60 =	vld.idx.msk [tilespmem:v34+s31+$0x0], $0xffff;
	v22 =	vor.u32 v9, v18;
	v18 =	vand.u32 $0x7FFFFF80, v21;
	[tilespmem:s10+$0x10] =	vst v37  }
0x4bd: {  	v62 =	vand.u32 $0x7FFFFF80, v61;
	v30 =	vor.u32 v13, v30;
	[tilespmem:s24+$0xE0] =	vst v56;
	v57 =	vor.u32 v5, v18;
	v37 =	vld.idx.msk [tilespmem:v38+s31+$0x0], $0xffff  }
0x4be: {  	[tilespmem:s24+$0x50] =	vst v55;
	v17 =	vor.u32 v9, v17;
	v21 =	vadd.s32 s30, v10;
	v18 =	vadd.s32 s6, v10;
	v58 =	vld.idx.msk [tilespmem:v41+s31+$0x0], $0xffff  }
0x4bf: {  	[tilespmem:s10+$0xFFFFFFA0] =	vst v33;
	v32 =	vld.idx.msk [tilespmem:v29+s31+$0x0], $0xffff;
	v19 =	vand.u32 $0x7FFFFF80, v21;
	v21 =	vadd.s32 s15, v10;
	v18 =	vand.u32 $0xFE00, v18  }
0x4c0: {  	v29 =	vld.idx.msk [tilespmem:v28+s31+$0x0], $0xffff;
	v59 =	vand.u32 $0x7FFFFF80, v21;
	v21 =	vor.u32 v11, v19;
	[tilespmem:s10+$0xA0] =	vst v31;
	v31 =	vadd.s32 s6, v12  }
0x4c1: {  	v34 =	vld.idx.msk [tilespmem:v54+s31+$0x0], $0xffff;
	[tilespmem:s10+$0xFFFFFF20] =	vst v60;
	v19 =	vor.u32 v11, v59;
	v28 =	vand.u32 $0xFE00, v31;
	v31 =	vadd.s32 s7, v6  }
0x4c2: {  	v18 =	vor.u32 v11, v18;
	v33 =	vld.idx.msk [tilespmem:v57+s31+$0x0], $0xffff;
	v28 =	vor.u32 v13, v28;
	v63 =	vand.u32 $0x7FFFFF80, v31;
	[tilespmem:s10+$0x20] =	vst v37  }
0x4c3: {  	s23 =	simm.s32 $0x4;
	s5 =	simm.s32 $0x200;
	s6 =	simm.s32 $0x800;
	v31 =	vor.u32 v13, v62;
	v36 =	vor.u32 v7, v63;
	v35 =	vld.idx.msk [tilespmem:v40+s31+$0x0], $0xffff;
	[tilespmem:s24+$0xF0] =	vst v58  }
.LBB2_22:
0x4c4: {  	s14 =	sand.u32 $0xFFFFF800, s6;
	s5 =	sadd.s32 $0x200, s5  }
0x4c5: {  	s23 =	sadd.s32 $0x4, s23;
	v26 =	vld.idx.msk [tilespmem:v26+s31+$0x0], $0xffff;
	[tilespmem:s24+$0xFFFFFFE0] =	vst v27;
	s14 =	sadd.s32 s14, s5  }
0x4c6: {  	p0 =	slt.u32 s23, $0x24;
	v27 =	vld.idx.msk [tilespmem:v16+s31+$0x0], $0xffff;
	[tilespmem:s24+$0x60] =	vst v32;
	v16 =	vmov v30;
	v30 =	vor.u32 s14, v0;
	s16 =	sadd.s32 $0x80, s14  }
0x4c7: {  	v32 =	vor.u32 s14, v1;
	v37 =	vadd.s32 s14, v2;
	s15 =	sadd.s32 $0x100, s14;
	s17 =	sadd.s32 $0x180, s14;
	[tilespmem:s10+$0xB0] =	vst v33;
	v33 =	vld.idx.msk [tilespmem:v15+s31+$0x0], $0xffff;
	v15 =	vmovc v31;
	v31 =	vor.u32 s16, v0  }
0x4c8: {  	v38 =	vor.u32 s17, v0;
	[tilespmem:s10+$0xFFFFFFB0] =	vst v34;
	v34 =	vld.idx.msk [tilespmem:v36+s31+$0x0], $0xffff;
	v36 =	vadd.s32 s7, v8  }
0x4c9: {  	v39 =	vor.u32 s16, v1;
	v40 =	vor.u32 s15, v0;
	v25 =	vld.idx.msk [tilespmem:v25+s31+$0x0], $0xffff;
	v36 =	vand.u32 $0x7FFFFF80, v36;
	[tilespmem:s24+$0xFFFFFF60] =	vst v29  }
0x4ca: {  	v41 =	vor.u32 s15, v1;
	v29 =	vadd.s32 s16, v2;
	[tilespmem:s10+$0x30] =	vst v35;
	v35 =	vor.u32 v9, v36;
	v36 =	vld.idx.msk [tilespmem:v14+s31+$0x0], $0xffff;
	v14 =	vmovc v28  }
0x4cb: {  	v28 =	vand.u32 $0xFE00, v37;
	v29 =	vand.u32 $0x7FFFFF80, v29;
	v37 =	vadd.s32 s15, v2;
	[tilespmem:s10+$0xFFFFFF30] =	vst v26;
	v24 =	vld.idx.msk [tilespmem:v24+s31+$0x0], $0xffff  }
0x4cc: {  	v28 =	vor.u32 v3, v28;
	v29 =	vor.u32 v3, v29;
	v26 =	vand.u32 $0x7FFFFF80, v37;
	v30 =	vld.idx.msk [tilespmem:v30+s31+$0x0], $0xffff;
	[tilespmem:s24+$0xFFFFFFF0] =	vst v27  }
0x4cd: {  	v27 =	vadd.s32 s16, v4;
	v37 =	vor.u32 v3, v26;
	v26 =	vadd.s32 s15, v4;
	v38 =	vld.idx.msk [tilespmem:v38+s31+$0x0], $0xffff;
	[tilespmem:s24+$0x70] =	vst v33  }
0x4ce: {  	v33 =	vadd.s32 s14, v4;
	v27 =	vand.u32 $0x7FFFFF80, v27;
	v26 =	vand.u32 $0x7FFFFF80, v26;
	v31 =	vld.idx.msk [tilespmem:v31+s31+$0x0], $0xffff;
	[tilespmem:s10+$0xC0] =	vst v34  }
0x4cf: {  	v33 =	vand.u32 $0xFE00, v33;
	v34 =	vor.u32 s17, v1;
	[tilespmem:s10+$0xFFFFFFC0] =	vst v25;
	v35 =	vld.idx.msk [tilespmem:v35+s31+$0x0], $0xffff;
	v25 =	vadd.s32 s7, v10  }
0x4d0: {  	v42 =	vor.u32 v5, v27;
	v27 =	vld.idx.msk [tilespmem:v40+s31+$0x0], $0xffff;
	v40 =	vor.u32 v5, v26;
	v25 =	vand.u32 $0x7FFFFF80, v25;
	[tilespmem:s24+$0xFFFFFF70] =	vst v36;
	s24 =	smov.u32 s10  }
0x4d1: {  	v26 =	vor.u32 v5, v33;
	v33 =	vadd.s32 s16, v6;
	v36 =	vld.idx.msk [tilespmem:v20+s31+$0x0], $0xffff;
	[tilespmem:s10+$0x40] =	vst v24;
	v43 =	vor.u32 v11, v25  }
0x4d2: {  	v20 =	vadd.s32 s14, v6;
	v24 =	vand.u32 $0x7FFFFF80, v33;
	v33 =	vadd.s32 s15, v6;
	s10 =	sadd.s32 $0x200, s10;
	v44 =	vld.idx.msk [tilespmem:v22+s31+$0x0], $0xffff  }
0x4d3: {  	v20 =	vand.u32 $0xFE00, v20;
	v25 =	vor.u32 v7, v24;
	v22 =	vand.u32 $0x7FFFFF80, v33;
	[tilespmem:s10+$0x80] =	vst v38;
	v33 =	vld.idx.msk [tilespmem:v23+s31+$0x0], $0xffff  }
0x4d4: {  	v20 =	vor.u32 v7, v20;
	v24 =	vor.u32 v7, v22;
	v22 =	vadd.s32 s17, v2;
	[tilespmem:s10+$0xFFFFFF80] =	vst v31;
	v31 =	vld.idx.msk [tilespmem:v34+s31+$0x0], $0xffff  }
0x4d5: {  	v23 =	vadd.s32 s16, v8;
	v38 =	vadd.s32 s15, v8;
	v22 =	vand.u32 $0x7FFFFF80, v22;
	v34 =	vld.idx.msk [tilespmem:v39+s31+$0x0], $0xffff;
	[tilespmem:s24+$0xD0] =	vst v35  }
0x4d6: {  	v35 =	vadd.s32 s14, v8;
	v39 =	vor.u32 v3, v22;
	v22 =	vadd.s32 s7, v12;
	s7 =	smov.u32 s17;
	[tilespmem:s10+$0x0] =	vst v27;
	v43 =	vld.idx.msk [tilespmem:v43+s31+$0x0], $0xffff  }
0x4d7: {  	v23 =	vand.u32 $0x7FFFFF80, v23;
	v27 =	vand.u32 $0x7FFFFF80, v38;
	v38 =	vand.u32 $0x7FFFFF80, v22;
	[tilespmem:s10+$0xFFFFFF00] =	vst v30;
	v30 =	vld.idx.msk [tilespmem:v41+s31+$0x0], $0xffff  }
0x4d8: {  	v35 =	vand.u32 $0xFE00, v35;
	v22 =	vor.u32 v9, v23;
	v32 =	vld.idx.msk [tilespmem:v32+s31+$0x0], $0xffff;
	[tilespmem:s24+$0xFFFFFF40] =	vst v36;
	v36 =	vor.u32 v13, v38  }
0x4d9: {  	v23 =	vor.u32 v9, v27;
	v38 =	vadd.s32 s16, v10;
	v41 =	vld.idx.msk [tilespmem:v17+s31+$0x0], $0xffff;
	v17 =	vor.u32 v9, v35;
	[tilespmem:s24+$0xFFFFFFD0] =	vst v44  }
0x4da: {  	v35 =	vadd.s32 s14, v10;
	v38 =	vand.u32 $0x7FFFFF80, v38;
	v44 =	vadd.s32 s15, v10;
	[tilespmem:s10+$0x90] =	vst v31;
	v27 =	vld.idx.msk [tilespmem:v21+s31+$0x0], $0xffff  }
0x4db: {  	v31 =	vand.u32 $0xFE00, v35;
	[tilespmem:s10+$0xFFFFFF90] =	vst v34;
	v34 =	vand.u32 $0x7FFFFF80, v44;
	v35 =	vld.idx.msk [tilespmem:v39+s31+$0x0], $0xffff;
	v39 =	vadd.s32 s7, v4  }
0x4dc: {  	v21 =	vor.u32 v11, v38;
	v44 =	vld.idx.msk [tilespmem:v29+s31+$0x0], $0xffff;
	v29 =	vor.u32 v11, v34;
	v34 =	vand.u32 $0x7FFFFF80, v39;
	[tilespmem:s24+$0xE0] =	vst v43  }
0x4dd: {  	v38 =	vor.u32 v11, v31;
	v31 =	vadd.s32 s16, v12;
	[tilespmem:s10+$0x10] =	vst v30;
	v34 =	vor.u32 v5, v34;
	v36 =	vld.idx.msk [tilespmem:v36+s31+$0x0], $0xffff  }
0x4de: {  	v31 =	vand.u32 $0x7FFFFF80, v31;
	v30 =	vadd.s32 s14, v12;
	[tilespmem:s10+$0xFFFFFF10] =	vst v32;
	v37 =	vld.idx.msk [tilespmem:v37+s31+$0x0], $0xffff;
	v32 =	vadd.s32 s15, v12  }
0x4df: {  	v39 =	vld.idx.msk [tilespmem:v28+s31+$0x0], $0xffff;
	v28 =	vand.u32 $0xFE00, v30;
	v30 =	vor.u32 v13, v31;
	v31 =	vand.u32 $0x7FFFFF80, v32;
	[tilespmem:s24+$0x50] =	vst v33  }
0x4e0: {  	v28 =	vor.u32 v13, v28;
	v31 =	vor.u32 v13, v31;
	[tilespmem:s24+$0xFFFFFF50] =	vst v41;
	v32 =	vld.idx.msk [tilespmem:v19+s31+$0x0], $0xffff;
	v19 =	vmov v29  }
.Ltmp10:
0x4e1: {  	[tilespmem:s10+$0xA0] =	vst v35;
	v29 =	vld.idx.msk [tilespmem:v18+s31+$0x0], $0xffff;
	v18 =	vmov v38;
	(pc) =	sbr.rel @p0 .LBB2_22-.Ltmp10, $4  }
0x4e2: {  	v35 =	vadd.s32 s7, v6;
	[tilespmem:s10+$0xFFFFFFA0] =	vst v44;
	v33 =	vld.idx.msk [tilespmem:v34+s31+$0x0], $0xffff  }
0x4e3: {  	v35 =	vand.u32 $0x7FFFFF80, v35;
	v34 =	vld.idx.msk [tilespmem:v42+s31+$0x0], $0xffff;
	[tilespmem:s24+$0xF0] =	vst v36  }
0x4e4: {  	v36 =	vor.u32 v7, v35;
	[tilespmem:s10+$0x20] =	vst v37  }
0x4e5: {  	s6 =	sadd.s32 $0x400, s6;
	[tilespmem:s10+$0xFFFFFF20] =	vst v39;
	v35 =	vld.idx.msk [tilespmem:v40+s31+$0x0], $0xffff  }
0x4e6: {  	_ =	sdelay $0x3  }
0x4e7: {  	v26 =	vld.idx.msk [tilespmem:v26+s31+$0x0], $0xffff;
	_ =	sdelay $0x1  }
0x4e8: {  	v45 =	vadd.s32 s7, v8;
	[tilespmem:s10+$0xB0] =	vst v33  }
0x4e9: {  	v33 =	vand.u32 $0x7FFFFF80, v45;
	[tilespmem:s10+$0xFFFFFFB0] =	vst v34;
	v46 =	vld.idx.msk [tilespmem:v36+s31+$0x0], $0xffff  }
0x4ea: {  	v33 =	vor.u32 v9, v33;
	v25 =	vld.idx.msk [tilespmem:v25+s31+$0x0], $0xffff;
	[tilespmem:s10+$0x30] =	vst v35  }
0x4eb: {  	[tilespmem:s10+$0xFFFFFF30] =	vst v26;
	v24 =	vld.idx.msk [tilespmem:v24+s31+$0x0], $0xffff  }
0x4ec: {  	v20 =	vld.idx.msk [tilespmem:v20+s31+$0x0], $0xffff;
	_ =	sdelay $0x1  }
0x4ed: {  	v26 =	vadd.s32 s7, v10;
	[tilespmem:s10+$0xC0] =	vst v46  }
0x4ee: {  	v26 =	vand.u32 $0x7FFFFF80, v26;
	[tilespmem:s10+$0xFFFFFFC0] =	vst v25;
	v25 =	vld.idx.msk [tilespmem:v33+s31+$0x0], $0xffff  }
0x4ef: {  	v22 =	vld.idx.msk [tilespmem:v22+s31+$0x0], $0xffff;
	[tilespmem:s10+$0x40] =	vst v24;
	v24 =	vor.u32 v11, v26  }
0x4f0: {  	v23 =	vld.idx.msk [tilespmem:v23+s31+$0x0], $0xffff;
	[tilespmem:s10+$0xFFFFFF40] =	vst v20  }
0x4f1: {  	[tilespmem:s24+$0xFFFFFFE0] =	vst v27;
	v17 =	vld.idx.msk [tilespmem:v17+s31+$0x0], $0xffff  }
0x4f2: {  	[tilespmem:s24+$0x60] =	vst v32  }
0x4f3: {  	v16 =	vld.idx.msk [tilespmem:v16+s31+$0x0], $0xffff;
	v20 =	vadd.s32 s7, v12;
	[tilespmem:s10+$0xD0] =	vst v25  }
0x4f4: {  	v20 =	vand.u32 $0x7FFFFF80, v20;
	[tilespmem:s10+$0xFFFFFFD0] =	vst v22;
	v24 =	vld.idx.msk [tilespmem:v24+s31+$0x0], $0xffff  }
0x4f5: {  	v20 =	vor.u32 v13, v20;
	v21 =	vld.idx.msk [tilespmem:v21+s31+$0x0], $0xffff;
	[tilespmem:s10+$0x50] =	vst v23  }
0x4f6: {  	[tilespmem:s10+$0xFFFFFF50] =	vst v17;
	v17 =	vld.idx.msk [tilespmem:v19+s31+$0x0], $0xffff  }
0x4f7: {  	[tilespmem:s24+$0xFFFFFF60] =	vst v29;
	v18 =	vld.idx.msk [tilespmem:v18+s31+$0x0], $0xffff  }
0x4f8: {  	v15 =	vld.idx.msk [tilespmem:v15+s31+$0x0], $0xffff;
	[tilespmem:s24+$0xFFFFFFF0] =	vst v16  }
0x4f9: {  	v14 =	vld.idx.msk [tilespmem:v14+s31+$0x0], $0xffff;
	[tilespmem:s10+$0xE0] =	vst v24  }
0x4fa: {  	[tilespmem:s10+$0xFFFFFFE0] =	vst v21;
	v16 =	vld.idx.msk [tilespmem:v20+s31+$0x0], $0xffff  }
0x4fb: {  	v19 =	vld.idx.msk [tilespmem:v30+s31+$0x0], $0xffff;
	[tilespmem:s10+$0x60] =	vst v17  }
0x4fc: {  	v17 =	vld.idx.msk [tilespmem:v31+s31+$0x0], $0xffff;
	[tilespmem:s10+$0xFFFFFF60] =	vst v18  }
0x4fd: {  	[tilespmem:s24+$0x70] =	vst v15;
	v15 =	vld.idx.msk [tilespmem:v28+s31+$0x0], $0xffff  }
0x4fe: {  	[tilespmem:s24+$0xFFFFFF70] =	vst v14  }
0x4ff: {  	[tilespmem:s10+$0xF0] =	vst v16  }
0x500: {  	[tilespmem:s10+$0xFFFFFFF0] =	vst v19  }
0x501: {  	[tilespmem:s10+$0x70] =	vst v17  }
0x502: {  	[tilespmem:s10+$0xFFFFFF70] =	vst v15  }
0x503: {  	s5 =	simm.s32 $0x0;
	s6 =	rddreg [dreg:$0x17]  }
0x504: {  	[hbm4b:s6+s5] =	stream.linear.scatter [tilespmem:s12], [sflag:$0x6], $0x1400, $0x38;
	[tilespmem:$0x11800] =	vst v63  }
0x505: {  	s5 =	sand.u32 $0xFFFFF800, s5  }
0x506: {  	s26 =	sadd.s32 $0x0, s5  }
0x507: {  	_ =	swait.ge [sflag:s13], $0x3C00;
	s5 =	sadd.s32 $0x180, s26  }
0x508: {  	[sflag:s13] =	ssyncset.done $0x0;
	s14 =	sadd.s32 $0x80, s26;
	v14 =	vor.u32 s5, v0  }
0x509: {  	s28 =	sadd.s32 $0x100, s26;
	[sflag:s13] =	ssyncadd.s32 $0xFFFFC400;
	v15 =	vor.u32 s14, v0  }
0x50a: {  	v16 =	vor.u32 s28, v0;
	_ =	swait.ge [sflag:s20], $0x1400  }
0x50b: {  	v17 =	vor.u32 s26, v0;
	[sflag:s20] =	ssyncset.done $0x0  }
0x50c: {  	[sflag:s20] =	ssyncadd.s32 $0xFFFFEC00  }
0x50d: {  	v14 =	vld.idx.msk [tilespmem:v14+s2+$0x0], $0xffff  }
0x50e: {  	v18 =	vor.u32 s5, v1;
	v15 =	vld.idx.msk [tilespmem:v15+s2+$0x0], $0xffff  }
0x50f: {  	v19 =	vor.u32 s14, v1;
	v16 =	vld.idx.msk [tilespmem:v16+s2+$0x0], $0xffff  }
0x510: {  	s29 =	simm.s32 $0x400;
	v21 =	vor.u32 s28, v1;
	v17 =	vld.idx.msk [tilespmem:v17+s2+$0x0], $0xffff  }
0x511: {  	s24 =	simm.s32 $0xF100;
	s6 =	sand.u32 $0xFFFFF800, s29;
	v22 =	vor.u32 s26, v1  }
0x512: {  	s6 =	sadd.s32 $0x200, s6;
	v20 =	vadd.s32 s26, v2;
	v25 =	vadd.s32 s26, v4;
	v28 =	vadd.s32 s26, v8;
	[tilespmem:s24+$0x80] =	vst v14  }
0x513: {  	v50 =	vadd.s32 s6, v2;
	v39 =	vadd.s32 s6, v4;
	v23 =	vadd.s32 s14, v2;
	[tilespmem:s24+$0xFFFFFF80] =	vst v15;
	v15 =	vld.idx.msk [tilespmem:v18+s2+$0x0], $0xffff  }
0x514: {  	v20 =	vand.u32 $0xFE00, v20;
	v24 =	vadd.s32 s28, v2;
	v23 =	vand.u32 $0x7FFFFF80, v23;
	[tilespmem:s24+$0x0] =	vst v16;
	v19 =	vld.idx.msk [tilespmem:v19+s2+$0x0], $0xffff  }
0x515: {  	v25 =	vand.u32 $0xFE00, v25;
	v23 =	vor.u32 v3, v23;
	[tilespmem:s24+$0xFFFFFF00] =	vst v17;
	v18 =	vand.u32 $0x7FFFFF80, v24;
	v21 =	vld.idx.msk [tilespmem:v21+s2+$0x0], $0xffff  }
0x516: {  	v26 =	vadd.s32 s14, v6;
	v14 =	vadd.s32 s5, v2;
	v22 =	vld.idx.msk [tilespmem:v22+s2+$0x0], $0xffff;
	v16 =	vor.u32 v3, v18  }
0x517: {  	v27 =	vadd.s32 s28, v6;
	v20 =	vor.u32 v3, v20;
	v14 =	vand.u32 $0x7FFFFF80, v14  }
0x518: {  	s30 =	sadd.s32 $0x80, s6;
	s15 =	sadd.s32 $0x100, s6;
	v28 =	vand.u32 $0xFE00, v28;
	v47 =	vadd.s32 s28, v12;
	v14 =	vor.u32 v3, v14  }
0x519: {  	v48 =	vor.u32 s30, v0;
	v49 =	vor.u32 s15, v0;
	v51 =	vor.u32 s30, v1;
	[tilespmem:s24+$0xFFFFFF90] =	vst v19  }
0x51a: {  	v26 =	vand.u32 $0x7FFFFF80, v26;
	v30 =	vor.u32 v9, v28;
	v24 =	vadd.s32 s14, v4;
	[tilespmem:s24+$0x10] =	vst v21;
	v23 =	vld.idx.msk [tilespmem:v23+s2+$0x0], $0xffff  }
0x51b: {  	v28 =	vadd.s32 s28, v10;
	v17 =	vor.u32 v5, v25;
	v24 =	vand.u32 $0x7FFFFF80, v24;
	[tilespmem:s24+$0xFFFFFF10] =	vst v22;
	v16 =	vld.idx.msk [tilespmem:v16+s2+$0x0], $0xffff  }
0x51c: {  	v18 =	vadd.s32 s28, v4;
	v24 =	vor.u32 v5, v24;
	[tilespmem:s24+$0x90] =	vst v15;
	v15 =	vadd.s32 s5, v4;
	v20 =	vld.idx.msk [tilespmem:v20+s2+$0x0], $0xffff  }
0x51d: {  	v21 =	vor.u32 v7, v26;
	v26 =	vadd.s32 s14, v8;
	v14 =	vld.idx.msk [tilespmem:v14+s2+$0x0], $0xffff;
	v15 =	vand.u32 $0x7FFFFF80, v15  }
0x51e: {  	v18 =	vand.u32 $0x7FFFFF80, v18;
	v26 =	vand.u32 $0x7FFFFF80, v26;
	v15 =	vor.u32 v5, v15  }
0x51f: {  	v18 =	vor.u32 v5, v18;
	v22 =	vor.u32 v9, v26;
	v26 =	vadd.s32 s14, v10;
	[tilespmem:s24+$0xFFFFFFA0] =	vst v23  }
0x520: {  	s7 =	sadd.s32 $0x180, s6;
	v52 =	vadd.s32 s30, v2;
	[tilespmem:s24+$0x20] =	vst v16;
	v16 =	vand.u32 $0x7FFFFF80, v26;
	v26 =	vand.u32 $0x7FFFFF80, v28  }
0x521: {  	v25 =	vadd.s32 s26, v6;
	[tilespmem:s24+$0xFFFFFF20] =	vst v20;
	v24 =	vld.idx.msk [tilespmem:v24+s2+$0x0], $0xffff;
	v29 =	vor.u32 v11, v26;
	v26 =	vor.u32 s7, v0  }
0x522: {  	v37 =	vor.u32 s15, v1;
	v19 =	vand.u32 $0xFE00, v25;
	[tilespmem:s24+$0xA0] =	vst v14;
	v14 =	vadd.s32 s5, v6;
	v17 =	vld.idx.msk [tilespmem:v17+s2+$0x0], $0xffff  }
0x523: {  	v34 =	vand.u32 $0xFE00, v50;
	v19 =	vor.u32 v7, v19;
	v15 =	vld.idx.msk [tilespmem:v15+s2+$0x0], $0xffff;
	v14 =	vand.u32 $0x7FFFFF80, v14  }
0x524: {  	v38 =	vadd.s32 s15, v2;
	v25 =	vand.u32 $0x7FFFFF80, v27;
	v18 =	vld.idx.msk [tilespmem:v18+s2+$0x0], $0xffff;
	v14 =	vor.u32 v7, v14  }
0x525: {  	v53 =	vadd.s32 s30, v4;
	v61 =	vadd.s32 s15, v12;
	v33 =	vld.idx.msk [tilespmem:v48+s2+$0x0], $0xffff;
	v25 =	vor.u32 v7, v25  }
0x526: {  	v36 =	vand.u32 $0x7FFFFF80, v52;
	v34 =	vor.u32 v3, v34;
	v20 =	vor.u32 s6, v0;
	[tilespmem:s24+$0xFFFFFFB0] =	vst v24;
	v26 =	vld.idx.msk [tilespmem:v26+s2+$0x0], $0xffff  }
0x527: {  	v38 =	vand.u32 $0x7FFFFF80, v38;
	v32 =	vand.u32 $0x7FFFFF80, v53;
	v36 =	vor.u32 v3, v36;
	[tilespmem:s24+$0xFFFFFF30] =	vst v17;
	v21 =	vld.idx.msk [tilespmem:v21+s2+$0x0], $0xffff  }
0x528: {  	v38 =	vor.u32 v3, v38;
	v17 =	vor.u32 s7, v1;
	[tilespmem:s24+$0xB0] =	vst v15;
	v15 =	vadd.s32 s5, v8;
	v19 =	vld.idx.msk [tilespmem:v19+s2+$0x0], $0xffff  }
0x529: {  	s10 =	simm.s32 $0xF300;
	v54 =	vor.u32 v5, v32;
	v23 =	vadd.s32 s26, v10;
	[tilespmem:s24+$0x30] =	vst v18;
	v24 =	vld.idx.msk [tilespmem:v14+s2+$0x0], $0xffff;
	v14 =	vand.u32 $0x7FFFFF80, v15  }
0x52a: {  	[tilespmem:s10+$0xFFFFFF80] =	vst v33;
	v27 =	vadd.s32 s28, v8;
	v23 =	vand.u32 $0xFE00, v23;
	v25 =	vld.idx.msk [tilespmem:v25+s2+$0x0], $0xffff;
	v18 =	vor.u32 v9, v14  }
0x52b: {  	v27 =	vand.u32 $0x7FFFFF80, v27;
	v28 =	vor.u32 v11, v23;
	v23 =	vadd.s32 s26, v12;
	v20 =	vld.idx.msk [tilespmem:v20+s2+$0x0], $0xffff;
	[tilespmem:s10+$0x80] =	vst v26  }
0x52c: {  	v27 =	vor.u32 v9, v27;
	v31 =	vor.u32 v11, v16;
	v15 =	vand.u32 $0xFE00, v23;
	[tilespmem:s24+$0xFFFFFFC0] =	vst v21;
	v21 =	vld.idx.msk [tilespmem:v49+s2+$0x0], $0xffff  }
0x52d: {  	v16 =	vadd.s32 s14, v12;
	v23 =	vand.u32 $0x7FFFFF80, v47;
	v14 =	vor.u32 v13, v15;
	[tilespmem:s24+$0xFFFFFF40] =	vst v19;
	v17 =	vld.idx.msk [tilespmem:v17+s2+$0x0], $0xffff  }
0x52e: {  	v15 =	vor.u32 v13, v23;
	v23 =	vor.u32 s6, v1;
	[tilespmem:s24+$0xC0] =	vst v24;
	v24 =	vadd.s32 s5, v10;
	v30 =	vld.idx.msk [tilespmem:v30+s2+$0x0], $0xffff  }
0x52f: {  	v16 =	vand.u32 $0x7FFFFF80, v16;
	[tilespmem:s24+$0x40] =	vst v25;
	v25 =	vadd.s32 s15, v4;
	v18 =	vld.idx.msk [tilespmem:v18+s2+$0x0], $0xffff;
	v24 =	vand.u32 $0x7FFFFF80, v24  }
0x530: {  	v16 =	vor.u32 v13, v16;
	[tilespmem:s10+$0xFFFFFF00] =	vst v20;
	v22 =	vld.idx.msk [tilespmem:v22+s2+$0x0], $0xffff;
	v25 =	vand.u32 $0x7FFFFF80, v25;
	v24 =	vor.u32 v11, v24  }
0x531: {  	v33 =	vld.idx.msk [tilespmem:v51+s2+$0x0], $0xffff;
	v20 =	vadd.s32 s15, v6;
	v40 =	vor.u32 v5, v25;
	v25 =	vadd.s32 s7, v2;
	[tilespmem:s10+$0x0] =	vst v21  }
0x532: {  	v26 =	vand.u32 $0xFE00, v39;
	v55 =	vld.idx.msk [tilespmem:v27+s2+$0x0], $0xffff;
	v27 =	vadd.s32 s6, v6;
	v25 =	vand.u32 $0x7FFFFF80, v25;
	[tilespmem:s10+$0x90] =	vst v17  }
0x533: {  	v26 =	vor.u32 v5, v26;
	v19 =	vld.idx.msk [tilespmem:v23+s2+$0x0], $0xffff;
	v27 =	vand.u32 $0xFE00, v27;
	v21 =	vor.u32 v3, v25;
	[tilespmem:s24+$0xFFFFFF50] =	vst v30  }
0x534: {  	v17 =	vadd.s32 s15, v8;
	v30 =	vadd.s32 s30, v12;
	[tilespmem:s24+$0xD0] =	vst v18;
	v18 =	vadd.s32 s30, v6;
	v37 =	vld.idx.msk [tilespmem:v37+s2+$0x0], $0xffff  }
0x535: {  	[tilespmem:s24+$0xFFFFFFD0] =	vst v22;
	v22 =	vadd.s32 s6, v8;
	v23 =	vand.u32 $0x7FFFFF80, v17;
	v56 =	vld.idx.msk [tilespmem:v24+s2+$0x0], $0xffff;
	v24 =	vadd.s32 s5, v12  }
0x536: {  	[tilespmem:s10+$0xFFFFFF90] =	vst v33;
	v30 =	vand.u32 $0x7FFFFF80, v30;
	v18 =	vand.u32 $0x7FFFFF80, v18;
	v24 =	vand.u32 $0x7FFFFF80, v24  }
0x537: {  	v33 =	vld.idx.msk [tilespmem:v36+s2+$0x0], $0xffff;
	v25 =	vor.u32 v7, v18;
	v18 =	vand.u32 $0x7FFFFF80, v20;
	v41 =	vor.u32 v13, v24  }
0x538: {  	v20 =	vor.u32 v7, v27;
	v27 =	vld.idx.msk [tilespmem:v31+s2+$0x0], $0xffff;
	v24 =	vor.u32 v7, v18;
	v18 =	vadd.s32 s30, v8  }
0x539: {  	[tilespmem:s10+$0xFFFFFF10] =	vst v19;
	v17 =	vand.u32 $0xFE00, v22;
	v18 =	vand.u32 $0x7FFFFF80, v18;
	v31 =	vld.idx.msk [tilespmem:v21+s2+$0x0], $0xffff;
	v21 =	vadd.s32 s7, v4  }
0x53a: {  	v23 =	vor.u32 v9, v23;
	v60 =	vld.idx.msk [tilespmem:v34+s2+$0x0], $0xffff;
	v22 =	vor.u32 v9, v18;
	v18 =	vand.u32 $0x7FFFFF80, v21;
	[tilespmem:s10+$0x10] =	vst v37  }
0x53b: {  	v62 =	vand.u32 $0x7FFFFF80, v61;
	v30 =	vor.u32 v13, v30;
	[tilespmem:s24+$0xE0] =	vst v56;
	v57 =	vor.u32 v5, v18;
	v37 =	vld.idx.msk [tilespmem:v38+s2+$0x0], $0xffff  }
0x53c: {  	[tilespmem:s24+$0x50] =	vst v55;
	v17 =	vor.u32 v9, v17;
	v21 =	vadd.s32 s30, v10;
	v18 =	vadd.s32 s6, v10;
	v58 =	vld.idx.msk [tilespmem:v41+s2+$0x0], $0xffff  }
0x53d: {  	[tilespmem:s10+$0xFFFFFFA0] =	vst v33;
	v32 =	vld.idx.msk [tilespmem:v29+s2+$0x0], $0xffff;
	v19 =	vand.u32 $0x7FFFFF80, v21;
	v21 =	vadd.s32 s15, v10;
	v18 =	vand.u32 $0xFE00, v18  }
0x53e: {  	v29 =	vld.idx.msk [tilespmem:v28+s2+$0x0], $0xffff;
	v59 =	vand.u32 $0x7FFFFF80, v21;
	v21 =	vor.u32 v11, v19;
	[tilespmem:s10+$0xA0] =	vst v31;
	v31 =	vadd.s32 s6, v12  }
0x53f: {  	v34 =	vld.idx.msk [tilespmem:v54+s2+$0x0], $0xffff;
	[tilespmem:s10+$0xFFFFFF20] =	vst v60;
	v19 =	vor.u32 v11, v59;
	v28 =	vand.u32 $0xFE00, v31;
	v31 =	vadd.s32 s7, v6  }
0x540: {  	v18 =	vor.u32 v11, v18;
	v33 =	vld.idx.msk [tilespmem:v57+s2+$0x0], $0xffff;
	v28 =	vor.u32 v13, v28;
	v63 =	vand.u32 $0x7FFFFF80, v31;
	[tilespmem:s10+$0x20] =	vst v37  }
0x541: {  	s23 =	simm.s32 $0x4;
	s5 =	simm.s32 $0x200;
	s6 =	simm.s32 $0x800;
	v31 =	vor.u32 v13, v62;
	v36 =	vor.u32 v7, v63;
	v35 =	vld.idx.msk [tilespmem:v40+s2+$0x0], $0xffff;
	[tilespmem:s24+$0xF0] =	vst v58  }
.LBB2_24:
0x542: {  	s14 =	sand.u32 $0xFFFFF800, s6;
	s5 =	sadd.s32 $0x200, s5  }
0x543: {  	s23 =	sadd.s32 $0x4, s23;
	v26 =	vld.idx.msk [tilespmem:v26+s2+$0x0], $0xffff;
	[tilespmem:s24+$0xFFFFFFE0] =	vst v27;
	s14 =	sadd.s32 s14, s5  }
0x544: {  	p0 =	slt.u32 s23, $0x24;
	v27 =	vld.idx.msk [tilespmem:v16+s2+$0x0], $0xffff;
	[tilespmem:s24+$0x60] =	vst v32;
	v16 =	vmov v30;
	v30 =	vor.u32 s14, v0;
	s16 =	sadd.s32 $0x80, s14  }
0x545: {  	v32 =	vor.u32 s14, v1;
	v37 =	vadd.s32 s14, v2;
	s15 =	sadd.s32 $0x100, s14;
	s17 =	sadd.s32 $0x180, s14;
	[tilespmem:s10+$0xB0] =	vst v33;
	v33 =	vld.idx.msk [tilespmem:v15+s2+$0x0], $0xffff;
	v15 =	vmovc v31;
	v31 =	vor.u32 s16, v0  }
0x546: {  	v38 =	vor.u32 s17, v0;
	[tilespmem:s10+$0xFFFFFFB0] =	vst v34;
	v34 =	vld.idx.msk [tilespmem:v36+s2+$0x0], $0xffff;
	v36 =	vadd.s32 s7, v8  }
0x547: {  	v39 =	vor.u32 s16, v1;
	v40 =	vor.u32 s15, v0;
	v25 =	vld.idx.msk [tilespmem:v25+s2+$0x0], $0xffff;
	v36 =	vand.u32 $0x7FFFFF80, v36;
	[tilespmem:s24+$0xFFFFFF60] =	vst v29  }
0x548: {  	v41 =	vor.u32 s15, v1;
	v29 =	vadd.s32 s16, v2;
	[tilespmem:s10+$0x30] =	vst v35;
	v35 =	vor.u32 v9, v36;
	v36 =	vld.idx.msk [tilespmem:v14+s2+$0x0], $0xffff;
	v14 =	vmovc v28  }
0x549: {  	v28 =	vand.u32 $0xFE00, v37;
	v29 =	vand.u32 $0x7FFFFF80, v29;
	v37 =	vadd.s32 s15, v2;
	[tilespmem:s10+$0xFFFFFF30] =	vst v26;
	v24 =	vld.idx.msk [tilespmem:v24+s2+$0x0], $0xffff  }
0x54a: {  	v28 =	vor.u32 v3, v28;
	v29 =	vor.u32 v3, v29;
	v26 =	vand.u32 $0x7FFFFF80, v37;
	v30 =	vld.idx.msk [tilespmem:v30+s2+$0x0], $0xffff;
	[tilespmem:s24+$0xFFFFFFF0] =	vst v27  }
0x54b: {  	v27 =	vadd.s32 s16, v4;
	v37 =	vor.u32 v3, v26;
	v26 =	vadd.s32 s15, v4;
	v38 =	vld.idx.msk [tilespmem:v38+s2+$0x0], $0xffff;
	[tilespmem:s24+$0x70] =	vst v33  }
0x54c: {  	v33 =	vadd.s32 s14, v4;
	v27 =	vand.u32 $0x7FFFFF80, v27;
	v26 =	vand.u32 $0x7FFFFF80, v26;
	v31 =	vld.idx.msk [tilespmem:v31+s2+$0x0], $0xffff;
	[tilespmem:s10+$0xC0] =	vst v34  }
0x54d: {  	v33 =	vand.u32 $0xFE00, v33;
	v34 =	vor.u32 s17, v1;
	[tilespmem:s10+$0xFFFFFFC0] =	vst v25;
	v35 =	vld.idx.msk [tilespmem:v35+s2+$0x0], $0xffff;
	v25 =	vadd.s32 s7, v10  }
0x54e: {  	v42 =	vor.u32 v5, v27;
	v27 =	vld.idx.msk [tilespmem:v40+s2+$0x0], $0xffff;
	v40 =	vor.u32 v5, v26;
	v25 =	vand.u32 $0x7FFFFF80, v25;
	[tilespmem:s24+$0xFFFFFF70] =	vst v36;
	s24 =	smov.u32 s10  }
0x54f: {  	v26 =	vor.u32 v5, v33;
	v33 =	vadd.s32 s16, v6;
	v36 =	vld.idx.msk [tilespmem:v20+s2+$0x0], $0xffff;
	[tilespmem:s10+$0x40] =	vst v24;
	v43 =	vor.u32 v11, v25  }
0x550: {  	v20 =	vadd.s32 s14, v6;
	v24 =	vand.u32 $0x7FFFFF80, v33;
	v33 =	vadd.s32 s15, v6;
	s10 =	sadd.s32 $0x200, s10;
	v44 =	vld.idx.msk [tilespmem:v22+s2+$0x0], $0xffff  }
0x551: {  	v20 =	vand.u32 $0xFE00, v20;
	v25 =	vor.u32 v7, v24;
	v22 =	vand.u32 $0x7FFFFF80, v33;
	[tilespmem:s10+$0x80] =	vst v38;
	v33 =	vld.idx.msk [tilespmem:v23+s2+$0x0], $0xffff  }
0x552: {  	v20 =	vor.u32 v7, v20;
	v24 =	vor.u32 v7, v22;
	v22 =	vadd.s32 s17, v2;
	[tilespmem:s10+$0xFFFFFF80] =	vst v31;
	v31 =	vld.idx.msk [tilespmem:v34+s2+$0x0], $0xffff  }
0x553: {  	v23 =	vadd.s32 s16, v8;
	v38 =	vadd.s32 s15, v8;
	v22 =	vand.u32 $0x7FFFFF80, v22;
	v34 =	vld.idx.msk [tilespmem:v39+s2+$0x0], $0xffff;
	[tilespmem:s24+$0xD0] =	vst v35  }
0x554: {  	v35 =	vadd.s32 s14, v8;
	v39 =	vor.u32 v3, v22;
	v22 =	vadd.s32 s7, v12;
	s7 =	smov.u32 s17;
	[tilespmem:s10+$0x0] =	vst v27;
	v43 =	vld.idx.msk [tilespmem:v43+s2+$0x0], $0xffff  }
0x555: {  	v23 =	vand.u32 $0x7FFFFF80, v23;
	v27 =	vand.u32 $0x7FFFFF80, v38;
	v38 =	vand.u32 $0x7FFFFF80, v22;
	[tilespmem:s10+$0xFFFFFF00] =	vst v30;
	v30 =	vld.idx.msk [tilespmem:v41+s2+$0x0], $0xffff  }
0x556: {  	v35 =	vand.u32 $0xFE00, v35;
	v22 =	vor.u32 v9, v23;
	v32 =	vld.idx.msk [tilespmem:v32+s2+$0x0], $0xffff;
	[tilespmem:s24+$0xFFFFFF40] =	vst v36;
	v36 =	vor.u32 v13, v38  }
0x557: {  	v23 =	vor.u32 v9, v27;
	v38 =	vadd.s32 s16, v10;
	v41 =	vld.idx.msk [tilespmem:v17+s2+$0x0], $0xffff;
	v17 =	vor.u32 v9, v35;
	[tilespmem:s24+$0xFFFFFFD0] =	vst v44  }
0x558: {  	v35 =	vadd.s32 s14, v10;
	v38 =	vand.u32 $0x7FFFFF80, v38;
	v44 =	vadd.s32 s15, v10;
	[tilespmem:s10+$0x90] =	vst v31;
	v27 =	vld.idx.msk [tilespmem:v21+s2+$0x0], $0xffff  }
0x559: {  	v31 =	vand.u32 $0xFE00, v35;
	[tilespmem:s10+$0xFFFFFF90] =	vst v34;
	v34 =	vand.u32 $0x7FFFFF80, v44;
	v35 =	vld.idx.msk [tilespmem:v39+s2+$0x0], $0xffff;
	v39 =	vadd.s32 s7, v4  }
0x55a: {  	v21 =	vor.u32 v11, v38;
	v44 =	vld.idx.msk [tilespmem:v29+s2+$0x0], $0xffff;
	v29 =	vor.u32 v11, v34;
	v34 =	vand.u32 $0x7FFFFF80, v39;
	[tilespmem:s24+$0xE0] =	vst v43  }
0x55b: {  	v38 =	vor.u32 v11, v31;
	v31 =	vadd.s32 s16, v12;
	[tilespmem:s10+$0x10] =	vst v30;
	v34 =	vor.u32 v5, v34;
	v36 =	vld.idx.msk [tilespmem:v36+s2+$0x0], $0xffff  }
0x55c: {  	v31 =	vand.u32 $0x7FFFFF80, v31;
	v30 =	vadd.s32 s14, v12;
	[tilespmem:s10+$0xFFFFFF10] =	vst v32;
	v37 =	vld.idx.msk [tilespmem:v37+s2+$0x0], $0xffff;
	v32 =	vadd.s32 s15, v12  }
0x55d: {  	v39 =	vld.idx.msk [tilespmem:v28+s2+$0x0], $0xffff;
	v28 =	vand.u32 $0xFE00, v30;
	v30 =	vor.u32 v13, v31;
	v31 =	vand.u32 $0x7FFFFF80, v32;
	[tilespmem:s24+$0x50] =	vst v33  }
0x55e: {  	v28 =	vor.u32 v13, v28;
	v31 =	vor.u32 v13, v31;
	[tilespmem:s24+$0xFFFFFF50] =	vst v41;
	v32 =	vld.idx.msk [tilespmem:v19+s2+$0x0], $0xffff;
	v19 =	vmov v29  }
.Ltmp11:
0x55f: {  	[tilespmem:s10+$0xA0] =	vst v35;
	v29 =	vld.idx.msk [tilespmem:v18+s2+$0x0], $0xffff;
	v18 =	vmov v38;
	(pc) =	sbr.rel @p0 .LBB2_24-.Ltmp11, $4  }
0x560: {  	v35 =	vadd.s32 s7, v6;
	[tilespmem:s10+$0xFFFFFFA0] =	vst v44;
	v33 =	vld.idx.msk [tilespmem:v34+s2+$0x0], $0xffff  }
0x561: {  	v35 =	vand.u32 $0x7FFFFF80, v35;
	v34 =	vld.idx.msk [tilespmem:v42+s2+$0x0], $0xffff;
	[tilespmem:s24+$0xF0] =	vst v36  }
0x562: {  	v36 =	vor.u32 v7, v35;
	[tilespmem:s10+$0x20] =	vst v37  }
0x563: {  	s6 =	sadd.s32 $0x400, s6;
	[tilespmem:s10+$0xFFFFFF20] =	vst v39;
	v35 =	vld.idx.msk [tilespmem:v40+s2+$0x0], $0xffff  }
0x564: {  	_ =	sdelay $0x3  }
0x565: {  	v26 =	vld.idx.msk [tilespmem:v26+s2+$0x0], $0xffff;
	_ =	sdelay $0x1  }
0x566: {  	v45 =	vadd.s32 s7, v8;
	[tilespmem:s10+$0xB0] =	vst v33  }
0x567: {  	v33 =	vand.u32 $0x7FFFFF80, v45;
	[tilespmem:s10+$0xFFFFFFB0] =	vst v34;
	v46 =	vld.idx.msk [tilespmem:v36+s2+$0x0], $0xffff  }
0x568: {  	v33 =	vor.u32 v9, v33;
	v25 =	vld.idx.msk [tilespmem:v25+s2+$0x0], $0xffff;
	[tilespmem:s10+$0x30] =	vst v35  }
0x569: {  	[tilespmem:s10+$0xFFFFFF30] =	vst v26;
	v24 =	vld.idx.msk [tilespmem:v24+s2+$0x0], $0xffff  }
0x56a: {  	v20 =	vld.idx.msk [tilespmem:v20+s2+$0x0], $0xffff;
	_ =	sdelay $0x1  }
0x56b: {  	v26 =	vadd.s32 s7, v10;
	[tilespmem:s10+$0xC0] =	vst v46  }
0x56c: {  	v26 =	vand.u32 $0x7FFFFF80, v26;
	[tilespmem:s10+$0xFFFFFFC0] =	vst v25;
	v25 =	vld.idx.msk [tilespmem:v33+s2+$0x0], $0xffff  }
0x56d: {  	v22 =	vld.idx.msk [tilespmem:v22+s2+$0x0], $0xffff;
	[tilespmem:s10+$0x40] =	vst v24;
	v24 =	vor.u32 v11, v26  }
0x56e: {  	v23 =	vld.idx.msk [tilespmem:v23+s2+$0x0], $0xffff;
	[tilespmem:s10+$0xFFFFFF40] =	vst v20  }
0x56f: {  	[tilespmem:s24+$0xFFFFFFE0] =	vst v27;
	v17 =	vld.idx.msk [tilespmem:v17+s2+$0x0], $0xffff  }
0x570: {  	[tilespmem:s24+$0x60] =	vst v32  }
0x571: {  	v16 =	vld.idx.msk [tilespmem:v16+s2+$0x0], $0xffff;
	v20 =	vadd.s32 s7, v12;
	[tilespmem:s10+$0xD0] =	vst v25  }
0x572: {  	v20 =	vand.u32 $0x7FFFFF80, v20;
	[tilespmem:s10+$0xFFFFFFD0] =	vst v22;
	v24 =	vld.idx.msk [tilespmem:v24+s2+$0x0], $0xffff  }
0x573: {  	v20 =	vor.u32 v13, v20;
	v21 =	vld.idx.msk [tilespmem:v21+s2+$0x0], $0xffff;
	[tilespmem:s10+$0x50] =	vst v23  }
0x574: {  	[tilespmem:s10+$0xFFFFFF50] =	vst v17;
	v17 =	vld.idx.msk [tilespmem:v19+s2+$0x0], $0xffff  }
0x575: {  	[tilespmem:s24+$0xFFFFFF60] =	vst v29;
	v18 =	vld.idx.msk [tilespmem:v18+s2+$0x0], $0xffff  }
0x576: {  	v15 =	vld.idx.msk [tilespmem:v15+s2+$0x0], $0xffff;
	[tilespmem:s24+$0xFFFFFFF0] =	vst v16  }
0x577: {  	v14 =	vld.idx.msk [tilespmem:v14+s2+$0x0], $0xffff;
	[tilespmem:s10+$0xE0] =	vst v24  }
0x578: {  	[tilespmem:s10+$0xFFFFFFE0] =	vst v21;
	v16 =	vld.idx.msk [tilespmem:v20+s2+$0x0], $0xffff  }
0x579: {  	v19 =	vld.idx.msk [tilespmem:v30+s2+$0x0], $0xffff;
	[tilespmem:s10+$0x60] =	vst v17  }
0x57a: {  	v17 =	vld.idx.msk [tilespmem:v31+s2+$0x0], $0xffff;
	[tilespmem:s10+$0xFFFFFF60] =	vst v18  }
0x57b: {  	[tilespmem:s24+$0x70] =	vst v15;
	v15 =	vld.idx.msk [tilespmem:v28+s2+$0x0], $0xffff  }
0x57c: {  	[tilespmem:s24+$0xFFFFFF70] =	vst v14  }
0x57d: {  	[tilespmem:s10+$0xF0] =	vst v16  }
0x57e: {  	[tilespmem:s10+$0xFFFFFFF0] =	vst v19  }
0x57f: {  	[tilespmem:s10+$0x70] =	vst v17  }
0x580: {  	[tilespmem:s10+$0xFFFFFF70] =	vst v15  }
0x581: {  	s5 =	simm.s32 $0x0;
	s6 =	rddreg [dreg:$0x18]  }
0x582: {  	[hbm4b:s6+s5] =	stream.linear.scatter [tilespmem:s9], [sflag:$0x5], $0x1400, $0x38;
	[tilespmem:$0x11800] =	vst v63  }
0x583: {  	s5 =	sand.u32 $0xFFFFF800, s5  }
0x584: {  	s26 =	sadd.s32 $0x0, s5  }
0x585: {  	_ =	swait.ge [sflag:s21], $0x3C00;
	s5 =	sadd.s32 $0x180, s26  }
0x586: {  	[sflag:s21] =	ssyncset.done $0x0;
	s14 =	sadd.s32 $0x80, s26;
	v14 =	vor.u32 s5, v0  }
0x587: {  	s28 =	sadd.s32 $0x100, s26;
	[sflag:s21] =	ssyncadd.s32 $0xFFFFC400;
	v15 =	vor.u32 s14, v0  }
0x588: {  	v16 =	vor.u32 s28, v0;
	_ =	swait.ge [sflag:s22], $0x1400  }
0x589: {  	v17 =	vor.u32 s26, v0;
	[sflag:s22] =	ssyncset.done $0x0  }
0x58a: {  	[sflag:s22] =	ssyncadd.s32 $0xFFFFEC00  }
0x58b: {  	v14 =	vld.idx.msk [tilespmem:v14+s8+$0x0], $0xffff  }
0x58c: {  	v18 =	vor.u32 s5, v1;
	v15 =	vld.idx.msk [tilespmem:v15+s8+$0x0], $0xffff  }
0x58d: {  	v19 =	vor.u32 s14, v1;
	v16 =	vld.idx.msk [tilespmem:v16+s8+$0x0], $0xffff  }
0x58e: {  	s29 =	simm.s32 $0x400;
	v21 =	vor.u32 s28, v1;
	v17 =	vld.idx.msk [tilespmem:v17+s8+$0x0], $0xffff  }
0x58f: {  	s24 =	simm.s32 $0x10500;
	s6 =	sand.u32 $0xFFFFF800, s29;
	v22 =	vor.u32 s26, v1  }
0x590: {  	s6 =	sadd.s32 $0x200, s6;
	v20 =	vadd.s32 s26, v2;
	v25 =	vadd.s32 s26, v4;
	v28 =	vadd.s32 s26, v8;
	[tilespmem:s24+$0x80] =	vst v14  }
0x591: {  	v50 =	vadd.s32 s6, v2;
	v39 =	vadd.s32 s6, v4;
	v23 =	vadd.s32 s14, v2;
	[tilespmem:s24+$0xFFFFFF80] =	vst v15;
	v15 =	vld.idx.msk [tilespmem:v18+s8+$0x0], $0xffff  }
0x592: {  	v20 =	vand.u32 $0xFE00, v20;
	v24 =	vadd.s32 s28, v2;
	v23 =	vand.u32 $0x7FFFFF80, v23;
	[tilespmem:s24+$0x0] =	vst v16;
	v19 =	vld.idx.msk [tilespmem:v19+s8+$0x0], $0xffff  }
0x593: {  	v25 =	vand.u32 $0xFE00, v25;
	v23 =	vor.u32 v3, v23;
	[tilespmem:s24+$0xFFFFFF00] =	vst v17;
	v18 =	vand.u32 $0x7FFFFF80, v24;
	v21 =	vld.idx.msk [tilespmem:v21+s8+$0x0], $0xffff  }
0x594: {  	v26 =	vadd.s32 s14, v6;
	v14 =	vadd.s32 s5, v2;
	v22 =	vld.idx.msk [tilespmem:v22+s8+$0x0], $0xffff;
	v16 =	vor.u32 v3, v18  }
0x595: {  	v27 =	vadd.s32 s28, v6;
	v20 =	vor.u32 v3, v20;
	v14 =	vand.u32 $0x7FFFFF80, v14  }
0x596: {  	s30 =	sadd.s32 $0x80, s6;
	s15 =	sadd.s32 $0x100, s6;
	v28 =	vand.u32 $0xFE00, v28;
	v47 =	vadd.s32 s28, v12;
	v14 =	vor.u32 v3, v14  }
0x597: {  	v48 =	vor.u32 s30, v0;
	v49 =	vor.u32 s15, v0;
	v51 =	vor.u32 s30, v1;
	[tilespmem:s24+$0xFFFFFF90] =	vst v19  }
0x598: {  	v26 =	vand.u32 $0x7FFFFF80, v26;
	v30 =	vor.u32 v9, v28;
	v24 =	vadd.s32 s14, v4;
	[tilespmem:s24+$0x10] =	vst v21;
	v23 =	vld.idx.msk [tilespmem:v23+s8+$0x0], $0xffff  }
0x599: {  	v28 =	vadd.s32 s28, v10;
	v17 =	vor.u32 v5, v25;
	v24 =	vand.u32 $0x7FFFFF80, v24;
	[tilespmem:s24+$0xFFFFFF10] =	vst v22;
	v16 =	vld.idx.msk [tilespmem:v16+s8+$0x0], $0xffff  }
0x59a: {  	v18 =	vadd.s32 s28, v4;
	v24 =	vor.u32 v5, v24;
	[tilespmem:s24+$0x90] =	vst v15;
	v15 =	vadd.s32 s5, v4;
	v20 =	vld.idx.msk [tilespmem:v20+s8+$0x0], $0xffff  }
0x59b: {  	v21 =	vor.u32 v7, v26;
	v26 =	vadd.s32 s14, v8;
	v14 =	vld.idx.msk [tilespmem:v14+s8+$0x0], $0xffff;
	v15 =	vand.u32 $0x7FFFFF80, v15  }
0x59c: {  	v18 =	vand.u32 $0x7FFFFF80, v18;
	v26 =	vand.u32 $0x7FFFFF80, v26;
	v15 =	vor.u32 v5, v15  }
0x59d: {  	v18 =	vor.u32 v5, v18;
	v22 =	vor.u32 v9, v26;
	v26 =	vadd.s32 s14, v10;
	[tilespmem:s24+$0xFFFFFFA0] =	vst v23  }
0x59e: {  	s7 =	sadd.s32 $0x180, s6;
	v52 =	vadd.s32 s30, v2;
	[tilespmem:s24+$0x20] =	vst v16;
	v16 =	vand.u32 $0x7FFFFF80, v26;
	v26 =	vand.u32 $0x7FFFFF80, v28  }
0x59f: {  	v25 =	vadd.s32 s26, v6;
	[tilespmem:s24+$0xFFFFFF20] =	vst v20;
	v24 =	vld.idx.msk [tilespmem:v24+s8+$0x0], $0xffff;
	v29 =	vor.u32 v11, v26;
	v26 =	vor.u32 s7, v0  }
0x5a0: {  	v37 =	vor.u32 s15, v1;
	v19 =	vand.u32 $0xFE00, v25;
	[tilespmem:s24+$0xA0] =	vst v14;
	v14 =	vadd.s32 s5, v6;
	v17 =	vld.idx.msk [tilespmem:v17+s8+$0x0], $0xffff  }
0x5a1: {  	v34 =	vand.u32 $0xFE00, v50;
	v19 =	vor.u32 v7, v19;
	v15 =	vld.idx.msk [tilespmem:v15+s8+$0x0], $0xffff;
	v14 =	vand.u32 $0x7FFFFF80, v14  }
0x5a2: {  	v38 =	vadd.s32 s15, v2;
	v25 =	vand.u32 $0x7FFFFF80, v27;
	v18 =	vld.idx.msk [tilespmem:v18+s8+$0x0], $0xffff;
	v14 =	vor.u32 v7, v14  }
0x5a3: {  	v53 =	vadd.s32 s30, v4;
	v61 =	vadd.s32 s15, v12;
	v33 =	vld.idx.msk [tilespmem:v48+s8+$0x0], $0xffff;
	v25 =	vor.u32 v7, v25  }
0x5a4: {  	v36 =	vand.u32 $0x7FFFFF80, v52;
	v34 =	vor.u32 v3, v34;
	v20 =	vor.u32 s6, v0;
	[tilespmem:s24+$0xFFFFFFB0] =	vst v24;
	v26 =	vld.idx.msk [tilespmem:v26+s8+$0x0], $0xffff  }
0x5a5: {  	v38 =	vand.u32 $0x7FFFFF80, v38;
	v32 =	vand.u32 $0x7FFFFF80, v53;
	v36 =	vor.u32 v3, v36;
	[tilespmem:s24+$0xFFFFFF30] =	vst v17;
	v21 =	vld.idx.msk [tilespmem:v21+s8+$0x0], $0xffff  }
0x5a6: {  	v38 =	vor.u32 v3, v38;
	v17 =	vor.u32 s7, v1;
	[tilespmem:s24+$0xB0] =	vst v15;
	v15 =	vadd.s32 s5, v8;
	v19 =	vld.idx.msk [tilespmem:v19+s8+$0x0], $0xffff  }
0x5a7: {  	s10 =	simm.s32 $0x10700;
	v54 =	vor.u32 v5, v32;
	v23 =	vadd.s32 s26, v10;
	[tilespmem:s24+$0x30] =	vst v18;
	v24 =	vld.idx.msk [tilespmem:v14+s8+$0x0], $0xffff;
	v14 =	vand.u32 $0x7FFFFF80, v15  }
0x5a8: {  	[tilespmem:s10+$0xFFFFFF80] =	vst v33;
	v27 =	vadd.s32 s28, v8;
	v23 =	vand.u32 $0xFE00, v23;
	v25 =	vld.idx.msk [tilespmem:v25+s8+$0x0], $0xffff;
	v18 =	vor.u32 v9, v14  }
0x5a9: {  	v27 =	vand.u32 $0x7FFFFF80, v27;
	v28 =	vor.u32 v11, v23;
	v23 =	vadd.s32 s26, v12;
	v20 =	vld.idx.msk [tilespmem:v20+s8+$0x0], $0xffff;
	[tilespmem:s10+$0x80] =	vst v26  }
0x5aa: {  	v27 =	vor.u32 v9, v27;
	v31 =	vor.u32 v11, v16;
	v15 =	vand.u32 $0xFE00, v23;
	[tilespmem:s24+$0xFFFFFFC0] =	vst v21;
	v21 =	vld.idx.msk [tilespmem:v49+s8+$0x0], $0xffff  }
0x5ab: {  	v16 =	vadd.s32 s14, v12;
	v23 =	vand.u32 $0x7FFFFF80, v47;
	v14 =	vor.u32 v13, v15;
	[tilespmem:s24+$0xFFFFFF40] =	vst v19;
	v17 =	vld.idx.msk [tilespmem:v17+s8+$0x0], $0xffff  }
0x5ac: {  	v15 =	vor.u32 v13, v23;
	v23 =	vor.u32 s6, v1;
	[tilespmem:s24+$0xC0] =	vst v24;
	v24 =	vadd.s32 s5, v10;
	v30 =	vld.idx.msk [tilespmem:v30+s8+$0x0], $0xffff  }
0x5ad: {  	v16 =	vand.u32 $0x7FFFFF80, v16;
	[tilespmem:s24+$0x40] =	vst v25;
	v25 =	vadd.s32 s15, v4;
	v18 =	vld.idx.msk [tilespmem:v18+s8+$0x0], $0xffff;
	v24 =	vand.u32 $0x7FFFFF80, v24  }
0x5ae: {  	v16 =	vor.u32 v13, v16;
	[tilespmem:s10+$0xFFFFFF00] =	vst v20;
	v22 =	vld.idx.msk [tilespmem:v22+s8+$0x0], $0xffff;
	v25 =	vand.u32 $0x7FFFFF80, v25;
	v24 =	vor.u32 v11, v24  }
0x5af: {  	v33 =	vld.idx.msk [tilespmem:v51+s8+$0x0], $0xffff;
	v20 =	vadd.s32 s15, v6;
	v40 =	vor.u32 v5, v25;
	v25 =	vadd.s32 s7, v2;
	[tilespmem:s10+$0x0] =	vst v21  }
0x5b0: {  	v26 =	vand.u32 $0xFE00, v39;
	v55 =	vld.idx.msk [tilespmem:v27+s8+$0x0], $0xffff;
	v27 =	vadd.s32 s6, v6;
	v25 =	vand.u32 $0x7FFFFF80, v25;
	[tilespmem:s10+$0x90] =	vst v17  }
0x5b1: {  	v26 =	vor.u32 v5, v26;
	v19 =	vld.idx.msk [tilespmem:v23+s8+$0x0], $0xffff;
	v27 =	vand.u32 $0xFE00, v27;
	v21 =	vor.u32 v3, v25;
	[tilespmem:s24+$0xFFFFFF50] =	vst v30  }
0x5b2: {  	v17 =	vadd.s32 s15, v8;
	v30 =	vadd.s32 s30, v12;
	[tilespmem:s24+$0xD0] =	vst v18;
	v18 =	vadd.s32 s30, v6;
	v37 =	vld.idx.msk [tilespmem:v37+s8+$0x0], $0xffff  }
0x5b3: {  	[tilespmem:s24+$0xFFFFFFD0] =	vst v22;
	v22 =	vadd.s32 s6, v8;
	v23 =	vand.u32 $0x7FFFFF80, v17;
	v56 =	vld.idx.msk [tilespmem:v24+s8+$0x0], $0xffff;
	v24 =	vadd.s32 s5, v12  }
0x5b4: {  	[tilespmem:s10+$0xFFFFFF90] =	vst v33;
	v30 =	vand.u32 $0x7FFFFF80, v30;
	v18 =	vand.u32 $0x7FFFFF80, v18;
	v24 =	vand.u32 $0x7FFFFF80, v24  }
0x5b5: {  	v33 =	vld.idx.msk [tilespmem:v36+s8+$0x0], $0xffff;
	v25 =	vor.u32 v7, v18;
	v18 =	vand.u32 $0x7FFFFF80, v20;
	v41 =	vor.u32 v13, v24  }
0x5b6: {  	v20 =	vor.u32 v7, v27;
	v27 =	vld.idx.msk [tilespmem:v31+s8+$0x0], $0xffff;
	v24 =	vor.u32 v7, v18;
	v18 =	vadd.s32 s30, v8  }
0x5b7: {  	[tilespmem:s10+$0xFFFFFF10] =	vst v19;
	v17 =	vand.u32 $0xFE00, v22;
	v18 =	vand.u32 $0x7FFFFF80, v18;
	v31 =	vld.idx.msk [tilespmem:v21+s8+$0x0], $0xffff;
	v21 =	vadd.s32 s7, v4  }
0x5b8: {  	v23 =	vor.u32 v9, v23;
	v60 =	vld.idx.msk [tilespmem:v34+s8+$0x0], $0xffff;
	v22 =	vor.u32 v9, v18;
	v18 =	vand.u32 $0x7FFFFF80, v21;
	[tilespmem:s10+$0x10] =	vst v37  }
0x5b9: {  	v62 =	vand.u32 $0x7FFFFF80, v61;
	v30 =	vor.u32 v13, v30;
	[tilespmem:s24+$0xE0] =	vst v56;
	v57 =	vor.u32 v5, v18;
	v37 =	vld.idx.msk [tilespmem:v38+s8+$0x0], $0xffff  }
0x5ba: {  	[tilespmem:s24+$0x50] =	vst v55;
	v17 =	vor.u32 v9, v17;
	v21 =	vadd.s32 s30, v10;
	v18 =	vadd.s32 s6, v10;
	v58 =	vld.idx.msk [tilespmem:v41+s8+$0x0], $0xffff  }
0x5bb: {  	[tilespmem:s10+$0xFFFFFFA0] =	vst v33;
	v32 =	vld.idx.msk [tilespmem:v29+s8+$0x0], $0xffff;
	v19 =	vand.u32 $0x7FFFFF80, v21;
	v21 =	vadd.s32 s15, v10;
	v18 =	vand.u32 $0xFE00, v18  }
0x5bc: {  	v29 =	vld.idx.msk [tilespmem:v28+s8+$0x0], $0xffff;
	v59 =	vand.u32 $0x7FFFFF80, v21;
	v21 =	vor.u32 v11, v19;
	[tilespmem:s10+$0xA0] =	vst v31;
	v31 =	vadd.s32 s6, v12  }
0x5bd: {  	v34 =	vld.idx.msk [tilespmem:v54+s8+$0x0], $0xffff;
	[tilespmem:s10+$0xFFFFFF20] =	vst v60;
	v19 =	vor.u32 v11, v59;
	v28 =	vand.u32 $0xFE00, v31;
	v31 =	vadd.s32 s7, v6  }
0x5be: {  	v18 =	vor.u32 v11, v18;
	v33 =	vld.idx.msk [tilespmem:v57+s8+$0x0], $0xffff;
	v28 =	vor.u32 v13, v28;
	v63 =	vand.u32 $0x7FFFFF80, v31;
	[tilespmem:s10+$0x20] =	vst v37  }
0x5bf: {  	s23 =	simm.s32 $0x4;
	s5 =	simm.s32 $0x200;
	s6 =	simm.s32 $0x800;
	v31 =	vor.u32 v13, v62;
	v36 =	vor.u32 v7, v63;
	v35 =	vld.idx.msk [tilespmem:v40+s8+$0x0], $0xffff;
	[tilespmem:s24+$0xF0] =	vst v58  }
.LBB2_26:
0x5c0: {  	s14 =	sand.u32 $0xFFFFF800, s6;
	s5 =	sadd.s32 $0x200, s5  }
0x5c1: {  	s23 =	sadd.s32 $0x4, s23;
	v26 =	vld.idx.msk [tilespmem:v26+s8+$0x0], $0xffff;
	[tilespmem:s24+$0xFFFFFFE0] =	vst v27;
	s14 =	sadd.s32 s14, s5  }
0x5c2: {  	p0 =	slt.u32 s23, $0x24;
	v27 =	vld.idx.msk [tilespmem:v16+s8+$0x0], $0xffff;
	[tilespmem:s24+$0x60] =	vst v32;
	v16 =	vmov v30;
	v30 =	vor.u32 s14, v0;
	s16 =	sadd.s32 $0x80, s14  }
0x5c3: {  	v32 =	vor.u32 s14, v1;
	v37 =	vadd.s32 s14, v2;
	s15 =	sadd.s32 $0x100, s14;
	s17 =	sadd.s32 $0x180, s14;
	[tilespmem:s10+$0xB0] =	vst v33;
	v33 =	vld.idx.msk [tilespmem:v15+s8+$0x0], $0xffff;
	v15 =	vmovc v31;
	v31 =	vor.u32 s16, v0  }
0x5c4: {  	v38 =	vor.u32 s17, v0;
	[tilespmem:s10+$0xFFFFFFB0] =	vst v34;
	v34 =	vld.idx.msk [tilespmem:v36+s8+$0x0], $0xffff;
	v36 =	vadd.s32 s7, v8  }
0x5c5: {  	v39 =	vor.u32 s16, v1;
	v40 =	vor.u32 s15, v0;
	v25 =	vld.idx.msk [tilespmem:v25+s8+$0x0], $0xffff;
	v36 =	vand.u32 $0x7FFFFF80, v36;
	[tilespmem:s24+$0xFFFFFF60] =	vst v29  }
0x5c6: {  	v41 =	vor.u32 s15, v1;
	v29 =	vadd.s32 s16, v2;
	[tilespmem:s10+$0x30] =	vst v35;
	v35 =	vor.u32 v9, v36;
	v36 =	vld.idx.msk [tilespmem:v14+s8+$0x0], $0xffff;
	v14 =	vmovc v28  }
0x5c7: {  	v28 =	vand.u32 $0xFE00, v37;
	v29 =	vand.u32 $0x7FFFFF80, v29;
	v37 =	vadd.s32 s15, v2;
	[tilespmem:s10+$0xFFFFFF30] =	vst v26;
	v24 =	vld.idx.msk [tilespmem:v24+s8+$0x0], $0xffff  }
0x5c8: {  	v28 =	vor.u32 v3, v28;
	v29 =	vor.u32 v3, v29;
	v26 =	vand.u32 $0x7FFFFF80, v37;
	v30 =	vld.idx.msk [tilespmem:v30+s8+$0x0], $0xffff;
	[tilespmem:s24+$0xFFFFFFF0] =	vst v27  }
0x5c9: {  	v27 =	vadd.s32 s16, v4;
	v37 =	vor.u32 v3, v26;
	v26 =	vadd.s32 s15, v4;
	v38 =	vld.idx.msk [tilespmem:v38+s8+$0x0], $0xffff;
	[tilespmem:s24+$0x70] =	vst v33  }
0x5ca: {  	v33 =	vadd.s32 s14, v4;
	v27 =	vand.u32 $0x7FFFFF80, v27;
	v26 =	vand.u32 $0x7FFFFF80, v26;
	v31 =	vld.idx.msk [tilespmem:v31+s8+$0x0], $0xffff;
	[tilespmem:s10+$0xC0] =	vst v34  }
0x5cb: {  	v33 =	vand.u32 $0xFE00, v33;
	v34 =	vor.u32 s17, v1;
	[tilespmem:s10+$0xFFFFFFC0] =	vst v25;
	v35 =	vld.idx.msk [tilespmem:v35+s8+$0x0], $0xffff;
	v25 =	vadd.s32 s7, v10  }
0x5cc: {  	v42 =	vor.u32 v5, v27;
	v27 =	vld.idx.msk [tilespmem:v40+s8+$0x0], $0xffff;
	v40 =	vor.u32 v5, v26;
	v25 =	vand.u32 $0x7FFFFF80, v25;
	[tilespmem:s24+$0xFFFFFF70] =	vst v36;
	s24 =	smov.u32 s10  }
0x5cd: {  	v26 =	vor.u32 v5, v33;
	v33 =	vadd.s32 s16, v6;
	v36 =	vld.idx.msk [tilespmem:v20+s8+$0x0], $0xffff;
	[tilespmem:s10+$0x40] =	vst v24;
	v43 =	vor.u32 v11, v25  }
0x5ce: {  	v20 =	vadd.s32 s14, v6;
	v24 =	vand.u32 $0x7FFFFF80, v33;
	v33 =	vadd.s32 s15, v6;
	s10 =	sadd.s32 $0x200, s10;
	v44 =	vld.idx.msk [tilespmem:v22+s8+$0x0], $0xffff  }
0x5cf: {  	v20 =	vand.u32 $0xFE00, v20;
	v25 =	vor.u32 v7, v24;
	v22 =	vand.u32 $0x7FFFFF80, v33;
	[tilespmem:s10+$0x80] =	vst v38;
	v33 =	vld.idx.msk [tilespmem:v23+s8+$0x0], $0xffff  }
0x5d0: {  	v20 =	vor.u32 v7, v20;
	v24 =	vor.u32 v7, v22;
	v22 =	vadd.s32 s17, v2;
	[tilespmem:s10+$0xFFFFFF80] =	vst v31;
	v31 =	vld.idx.msk [tilespmem:v34+s8+$0x0], $0xffff  }
0x5d1: {  	v23 =	vadd.s32 s16, v8;
	v38 =	vadd.s32 s15, v8;
	v22 =	vand.u32 $0x7FFFFF80, v22;
	v34 =	vld.idx.msk [tilespmem:v39+s8+$0x0], $0xffff;
	[tilespmem:s24+$0xD0] =	vst v35  }
0x5d2: {  	v35 =	vadd.s32 s14, v8;
	v39 =	vor.u32 v3, v22;
	v22 =	vadd.s32 s7, v12;
	s7 =	smov.u32 s17;
	[tilespmem:s10+$0x0] =	vst v27;
	v43 =	vld.idx.msk [tilespmem:v43+s8+$0x0], $0xffff  }
0x5d3: {  	v23 =	vand.u32 $0x7FFFFF80, v23;
	v27 =	vand.u32 $0x7FFFFF80, v38;
	v38 =	vand.u32 $0x7FFFFF80, v22;
	[tilespmem:s10+$0xFFFFFF00] =	vst v30;
	v30 =	vld.idx.msk [tilespmem:v41+s8+$0x0], $0xffff  }
0x5d4: {  	v35 =	vand.u32 $0xFE00, v35;
	v22 =	vor.u32 v9, v23;
	v32 =	vld.idx.msk [tilespmem:v32+s8+$0x0], $0xffff;
	[tilespmem:s24+$0xFFFFFF40] =	vst v36;
	v36 =	vor.u32 v13, v38  }
0x5d5: {  	v23 =	vor.u32 v9, v27;
	v38 =	vadd.s32 s16, v10;
	v41 =	vld.idx.msk [tilespmem:v17+s8+$0x0], $0xffff;
	v17 =	vor.u32 v9, v35;
	[tilespmem:s24+$0xFFFFFFD0] =	vst v44  }
0x5d6: {  	v35 =	vadd.s32 s14, v10;
	v38 =	vand.u32 $0x7FFFFF80, v38;
	v44 =	vadd.s32 s15, v10;
	[tilespmem:s10+$0x90] =	vst v31;
	v27 =	vld.idx.msk [tilespmem:v21+s8+$0x0], $0xffff  }
0x5d7: {  	v31 =	vand.u32 $0xFE00, v35;
	[tilespmem:s10+$0xFFFFFF90] =	vst v34;
	v34 =	vand.u32 $0x7FFFFF80, v44;
	v35 =	vld.idx.msk [tilespmem:v39+s8+$0x0], $0xffff;
	v39 =	vadd.s32 s7, v4  }
0x5d8: {  	v21 =	vor.u32 v11, v38;
	v44 =	vld.idx.msk [tilespmem:v29+s8+$0x0], $0xffff;
	v29 =	vor.u32 v11, v34;
	v34 =	vand.u32 $0x7FFFFF80, v39;
	[tilespmem:s24+$0xE0] =	vst v43  }
0x5d9: {  	v38 =	vor.u32 v11, v31;
	v31 =	vadd.s32 s16, v12;
	[tilespmem:s10+$0x10] =	vst v30;
	v34 =	vor.u32 v5, v34;
	v36 =	vld.idx.msk [tilespmem:v36+s8+$0x0], $0xffff  }
0x5da: {  	v31 =	vand.u32 $0x7FFFFF80, v31;
	v30 =	vadd.s32 s14, v12;
	[tilespmem:s10+$0xFFFFFF10] =	vst v32;
	v37 =	vld.idx.msk [tilespmem:v37+s8+$0x0], $0xffff;
	v32 =	vadd.s32 s15, v12  }
0x5db: {  	v39 =	vld.idx.msk [tilespmem:v28+s8+$0x0], $0xffff;
	v28 =	vand.u32 $0xFE00, v30;
	v30 =	vor.u32 v13, v31;
	v31 =	vand.u32 $0x7FFFFF80, v32;
	[tilespmem:s24+$0x50] =	vst v33  }
0x5dc: {  	v28 =	vor.u32 v13, v28;
	v31 =	vor.u32 v13, v31;
	[tilespmem:s24+$0xFFFFFF50] =	vst v41;
	v32 =	vld.idx.msk [tilespmem:v19+s8+$0x0], $0xffff;
	v19 =	vmov v29  }
.Ltmp12:
0x5dd: {  	[tilespmem:s10+$0xA0] =	vst v35;
	v29 =	vld.idx.msk [tilespmem:v18+s8+$0x0], $0xffff;
	v18 =	vmov v38;
	(pc) =	sbr.rel @p0 .LBB2_26-.Ltmp12, $4  }
0x5de: {  	v35 =	vadd.s32 s7, v6;
	[tilespmem:s10+$0xFFFFFFA0] =	vst v44;
	v33 =	vld.idx.msk [tilespmem:v34+s8+$0x0], $0xffff  }
0x5df: {  	v35 =	vand.u32 $0x7FFFFF80, v35;
	v34 =	vld.idx.msk [tilespmem:v42+s8+$0x0], $0xffff;
	[tilespmem:s24+$0xF0] =	vst v36  }
0x5e0: {  	v36 =	vor.u32 v7, v35;
	[tilespmem:s10+$0x20] =	vst v37  }
0x5e1: {  	s6 =	sadd.s32 $0x400, s6;
	[tilespmem:s10+$0xFFFFFF20] =	vst v39;
	v35 =	vld.idx.msk [tilespmem:v40+s8+$0x0], $0xffff  }
0x5e2: {  	_ =	sdelay $0x3  }
0x5e3: {  	v26 =	vld.idx.msk [tilespmem:v26+s8+$0x0], $0xffff;
	_ =	sdelay $0x1  }
0x5e4: {  	v55 =	vadd.s32 s7, v8;
	[tilespmem:s10+$0xB0] =	vst v33  }
0x5e5: {  	v33 =	vand.u32 $0x7FFFFF80, v55;
	[tilespmem:s10+$0xFFFFFFB0] =	vst v34;
	v56 =	vld.idx.msk [tilespmem:v36+s8+$0x0], $0xffff  }
0x5e6: {  	v33 =	vor.u32 v9, v33;
	v25 =	vld.idx.msk [tilespmem:v25+s8+$0x0], $0xffff;
	[tilespmem:s10+$0x30] =	vst v35  }
0x5e7: {  	[tilespmem:s10+$0xFFFFFF30] =	vst v26;
	v24 =	vld.idx.msk [tilespmem:v24+s8+$0x0], $0xffff  }
0x5e8: {  	v20 =	vld.idx.msk [tilespmem:v20+s8+$0x0], $0xffff;
	_ =	sdelay $0x1  }
0x5e9: {  	v57 =	vadd.s32 s7, v10;
	[tilespmem:s10+$0xC0] =	vst v56  }
0x5ea: {  	v26 =	vand.u32 $0x7FFFFF80, v57;
	[tilespmem:s10+$0xFFFFFFC0] =	vst v25;
	v58 =	vld.idx.msk [tilespmem:v33+s8+$0x0], $0xffff  }
0x5eb: {  	v59 =	vor.u32 v11, v26;
	v22 =	vld.idx.msk [tilespmem:v22+s8+$0x0], $0xffff;
	[tilespmem:s10+$0x40] =	vst v24  }
0x5ec: {  	v23 =	vld.idx.msk [tilespmem:v23+s8+$0x0], $0xffff;
	[tilespmem:s10+$0xFFFFFF40] =	vst v20  }
0x5ed: {  	[tilespmem:s24+$0xFFFFFFE0] =	vst v27;
	v17 =	vld.idx.msk [tilespmem:v17+s8+$0x0], $0xffff  }
0x5ee: {  	[tilespmem:s24+$0x60] =	vst v32  }
0x5ef: {  	v60 =	vadd.s32 s7, v12;
	v16 =	vld.idx.msk [tilespmem:v16+s8+$0x0], $0xffff;
	[tilespmem:s10+$0xD0] =	vst v58  }
0x5f0: {  	v20 =	vand.u32 $0x7FFFFF80, v60;
	v24 =	vld.idx.msk [tilespmem:v59+s8+$0x0], $0xffff;
	[tilespmem:s10+$0xFFFFFFD0] =	vst v22  }
0x5f1: {  	v20 =	vor.u32 v13, v20;
	v21 =	vld.idx.msk [tilespmem:v21+s8+$0x0], $0xffff;
	[tilespmem:s10+$0x50] =	vst v23  }
0x5f2: {  	[tilespmem:s10+$0xFFFFFF50] =	vst v17;
	v61 =	vld.idx.msk [tilespmem:v19+s8+$0x0], $0xffff  }
0x5f3: {  	[tilespmem:s24+$0xFFFFFF60] =	vst v29;
	v18 =	vld.idx.msk [tilespmem:v18+s8+$0x0], $0xffff  }
0x5f4: {  	v15 =	vld.idx.msk [tilespmem:v15+s8+$0x0], $0xffff;
	[tilespmem:s24+$0xFFFFFFF0] =	vst v16  }
0x5f5: {  	v14 =	vld.idx.msk [tilespmem:v14+s8+$0x0], $0xffff;
	[tilespmem:s10+$0xE0] =	vst v24  }
0x5f6: {  	v62 =	vld.idx.msk [tilespmem:v20+s8+$0x0], $0xffff;
	[tilespmem:s10+$0xFFFFFFE0] =	vst v21  }
0x5f7: {  	v63 =	vld.idx.msk [tilespmem:v30+s8+$0x0], $0xffff;
	[tilespmem:s10+$0x60] =	vst v61  }
0x5f8: {  	v17 =	vld.idx.msk [tilespmem:v31+s8+$0x0], $0xffff;
	[tilespmem:s10+$0xFFFFFF60] =	vst v18  }
0x5f9: {  	[tilespmem:s24+$0x70] =	vst v15;
	v15 =	vld.idx.msk [tilespmem:v28+s8+$0x0], $0xffff  }
0x5fa: {  	[tilespmem:s24+$0xFFFFFF70] =	vst v14  }
0x5fb: {  	[tilespmem:s10+$0xF0] =	vst v62  }
0x5fc: {  	[tilespmem:s10+$0xFFFFFFF0] =	vst v63  }
0x5fd: {  	[tilespmem:s10+$0x70] =	vst v17  }
0x5fe: {  	[tilespmem:s10+$0xFFFFFF70] =	vst v15  }
0x5ff: {  	s5 =	rddreg [dreg:$0x19]  }
0x600: {  	[hbm4b:s5+s4] =	stream.linear.scatter [tilespmem:s12], [sflag:$0x6], $0x1400, $0x38;
	[tilespmem:$0x11800] =	vst v63  }
0x601: {  	_ =	swait.ge [sflag:s20], $0x1400  }
0x602: {  	[sflag:s20] =	ssyncset.done $0x0  }
0x603: {  	[sflag:s20] =	ssyncadd.s32 $0xFFFFEC00  }
0x604: {  	_ =	swait.ge [sflag:s22], $0x1400  }
0x605: {  	s6 =	rddreg [dreg:$0x1a]  }
0x606: {  	s30 =	rddreg [dreg:$0x15];
	s6 =	sadd.s32 $0x1, s6  }
0x607: {  	p0 =	sne.s32 s6, s30  }
.Ltmp13:
0x608: {  	_ = 	snop;
	(pc) =	sbr.rel @p0 .LBB2_1-.Ltmp13, $3  }
0x609: {  	_ =	sdelay $0x1  }
0x60a: {  	[sflag:s22] =	ssyncset.done $0x0  }
0x60b: {  	[sflag:s22] =	ssyncadd.s32 $0xFFFFEC00  }
0x60c: {  	_ =	sfence.sel $0x180000  }
0x60d: {  	[bflag:$0x0] =	sbarrier.arrive $0xFFFF  }
0x60e: {  	_ =	strace $0x90000047  }
0x60f: {  	s0 =	stileid.u32;
	[bflag:$0x2] =	sbarrier.arrive $0xFFFF  }
0x610: {  	p0 =	sne.s32 s0, $0x0;
	s0 =	rddreg [dreg:$0x2]  }
0x611: {  	s0 =	sadd.s32 @!p0 $0x100000, s0  }
0x612: {  	[sflag:s0] =	ssyncadd.tile.s32 @!p0 $0x1;
	_ =	shalt  }
.Lfunc_end2:
_tile_overlayer_lowered:
.L_overlay_start_2:
0x613: {  	(tag) =	ssettag $0x2  }
0x614: {  	s0 =	rddreg [dreg:$0x0];
	s2 =	stileid.u32  }
0x615: {  	s1 =	rddreg [dreg:$0x1];
	p0 =	sne.s32 s2, $0x0  }
0x616: {  	s3 =	rddreg [dreg:$0x2];
	[bflag:$0x3] =	sbarrier.arrive $0xFFFF;
	s2 =	simm.s32 @!p0 $0x1C07  }
0x617: {  	[timem:s3], [sflag:s2] =	dma.local @!p0 [hbm:s0], s1  }
0x618: {  	s0 =	simm.s32 @!p0 $0x7  }
0x619: {  	_ =	swait.ge @!p0 [sflag:s0], s1  }
0x61a: {  	s1 =	ssub.s32 @!p0 $0x0, s1;
	[sflag:s0] =	ssyncset.done @!p0 $0x0  }
0x61b: {  	[sflag:s0] =	ssyncadd.s32 @!p0 s1  }
0x61c: {  	[bflag:$0x3] =	sbarrier.arrive $0xFFFF  }
0x61d: {  	_ =	shalt  }

</sc_bundles>
